<compile_context>
chip_gen: v7x
topology: tpu7x:2x2x1
jax: 0.10.2.dev20260603
libtpu: 0.0.44.dev20260713+nightly
codegen_flags: <defaults>
</compile_context>

<pallas_src>
import functools

import jax
import jax.numpy as jnp
from jax import lax
from jax.experimental import pallas as pl
from jax.experimental.pallas import tpu as pltpu
from jax.experimental.pallas import tpu_sc as plsc

B = 16384
D_USER = 16
D_TS = 15
N_BOUNDS_PAD = 1024
TS_FLAT_PAD = 15024

_info = plsc.get_sparse_core_info()
NC = _info.num_cores
NS = _info.num_subcores
NW = NC * NS
BPW = B // NW
NGRP = BPW // 16
NSLOT = 5


def _fire(utabT_hbm, tile_v, slot, uid16, lanes, sem):
    for r in lanes:
        uid = uid16[r]
        blk = (uid // 128) * 128
        pltpu.async_copy(utabT_hbm.at[pl.ds(0, 16), pl.ds(blk, 128)],
                         tile_v.at[slot, r % 8], sem)


def _drain(utabT_hbm, tile_v, sem):
    for r in range(8):
        pltpu.make_async_copy(utabT_hbm.at[pl.ds(0, 16), pl.ds(0, 128)],
                              tile_v.at[0, r], sem).wait()


def _body(uid_hbm, ts_hbm, utabT_hbm, tsflat_hbm, bounds_hbm, mean_hbm,
          istd_hbm, out_hbm,
          idx_v, ts_v, bounds_v, tsflat_v, tile_v, out_v, scal_v, sem):
    wid = lax.axis_index("s") * NC + lax.axis_index("c")
    base = wid * BPW

    pltpu.sync_copy(uid_hbm.at[pl.ds(base, BPW)], idx_v)

    iota16 = lax.iota(jnp.int32, 16)
    zeros16 = jnp.zeros((16,), jnp.int32)

    uid0 = idx_v[pl.ds(0, 16)]
    uid1 = idx_v[pl.ds(16, 16)]
    _fire(utabT_hbm, tile_v, 0, uid0, range(8), sem)
    _fire(utabT_hbm, tile_v, 1, uid0, range(8, 16), sem)
    _fire(utabT_hbm, tile_v, 2, uid1, range(8), sem)
    _fire(utabT_hbm, tile_v, 3, uid1, range(8, 16), sem)

    pltpu.sync_copy(ts_hbm.at[pl.ds(base, BPW)], ts_v)
    pltpu.sync_copy(bounds_hbm, bounds_v)
    pltpu.sync_copy(tsflat_hbm, tsflat_v)
    pltpu.sync_copy(mean_hbm, scal_v.at[0])
    pltpu.sync_copy(istd_hbm, scal_v.at[1])

    mean = scal_v[0, :]
    istd = scal_v[1, :]

    def group(g, carry):
        uid16 = idx_v[pl.ds(g * 16, 16)]
        s0 = lax.rem(2 * g, NSLOT)
        s1 = lax.rem(2 * g + 1, NSLOT)
        s4 = lax.rem(2 * g + 4, NSLOT)
        s5 = lax.rem(2 * g + 5, NSLOT)

        _drain(utabT_hbm, tile_v, sem)

        @pl.when(g + 2 < NGRP)
        def _():
            _fire(utabT_hbm, tile_v, s4, idx_v[pl.ds((g + 2) * 16, 16)],
                  range(8), sem)

        ts16 = ts_v[pl.ds(g * 16, 16)]
        pos = zeros16
        step = N_BOUNDS_PAD // 2
        while step >= 1:
            probe = plsc.load_gather(bounds_v, [pos + (step - 1)])
            pos = jnp.where(probe <= ts16, pos + step, pos)
            step //= 2
        flat_base = pos * D_TS
        for j in range(D_TS):
            vals = plsc.load_gather(tsflat_v, [flat_base + j])
            out_v[D_USER + j, pl.ds(g * 16, 16)] = vals
        norm = (ts16 - mean) * istd
        out_v[D_USER + D_TS, pl.ds(g * 16, 16)] = norm

        for r in range(8):
            col = (uid16[r] - (uid16[r] // 128) * 128) + zeros16
            vals = plsc.load_gather(tile_v,
                                    [zeros16 + s0, zeros16 + r, iota16, col])
            plsc.store_scatter(out_v, [iota16, zeros16 + (g * 16 + r)], vals)

        _drain(utabT_hbm, tile_v, sem)

        @pl.when(g + 2 < NGRP)
        def _():
            _fire(utabT_hbm, tile_v, s5, idx_v[pl.ds((g + 2) * 16, 16)],
                  range(8, 16), sem)

        for r in range(8, 16):
            col = (uid16[r] - (uid16[r] // 128) * 128) + zeros16
            vals = plsc.load_gather(tile_v,
                                    [zeros16 + s1, zeros16 + (r % 8), iota16,
                                     col])
            plsc.store_scatter(out_v, [iota16, zeros16 + (g * 16 + r)], vals)
        return carry

    lax.fori_loop(0, NGRP, group, 0)
    pltpu.sync_copy(out_v, out_hbm.at[pl.ds(0, 2 * D_USER), pl.ds(base, BPW)])


_sc_call = functools.partial(
    pl.kernel,
    out_type=jax.ShapeDtypeStruct((2 * D_USER, B), jnp.float32),
    mesh=plsc.VectorSubcoreMesh(core_axis_name="c", subcore_axis_name="s"),
    scratch_types=[
        pltpu.VMEM((BPW,), jnp.int32),
        pltpu.VMEM((BPW,), jnp.float32),
        pltpu.VMEM((N_BOUNDS_PAD,), jnp.float32),
        pltpu.VMEM((TS_FLAT_PAD,), jnp.float32),
        pltpu.VMEM((NSLOT, 8, 16, 128), jnp.float32),
        pltpu.VMEM((2 * D_USER, BPW), jnp.float32),
        pltpu.VMEM((2, 16), jnp.float32),
        pltpu.SemaphoreType.DMA,
    ],
    compiler_params=pltpu.CompilerParams(needs_layout_passes=False),
)(_body)


def kernel(user_id, timestamp, user_table, ts_table, bin_boundaries, ts_mean,
           ts_var):
    uid32 = user_id.astype(jnp.int32)
    utabT = user_table.T
    bounds_pad = jnp.concatenate(
        [bin_boundaries,
         jnp.full((N_BOUNDS_PAD - bin_boundaries.shape[0],), jnp.inf,
                  jnp.float32)])
    tsflat = jnp.pad(ts_table.reshape(-1),
                     (0, TS_FLAT_PAD - ts_table.size))
    mean16 = jnp.full((16,), ts_mean, jnp.float32)
    istd16 = jnp.full((16,), lax.rsqrt(ts_var), jnp.float32)
    outT = _sc_call(uid32, timestamp, utabT, tsflat, bounds_pad, mean16,
                    istd16)
    return outT.T

# --- scband reference (transcript-rebuilt; emitter-appended) ---
"""Pipeline reference for scband-user-model-32804960207418 (READ-ONLY COPY).

The authoritative reference and input builder live on the scoring server;
editing this copy changes nothing except your own understanding.
"""

import jax, jax.numpy as jnp
import numpy as np

VOCAB = 1_000_000
N_BUCKETS = 1000
B = 16384
TS_MIN = 8.0e8
TS_MAX = 1.7e9


def setup_inputs(seed: int = 0) -> dict:
    key = jax.random.key(seed)
    k1, k2, k3, k4, k5 = jax.random.split(key, 5)
    # StringLookup maps string ids to integer indices in [0, vocab] (0 = OOV).
    # We model the post-lookup integer indices directly.
    user_id = jax.random.randint(k1, (B,), 0, VOCAB + 1, dtype=jnp.int64)
    timestamp = jax.random.uniform(k2, (B,), dtype=jnp.float32, minval=TS_MIN, maxval=TS_MAX)
    # Embedding tables (input_dim = vocab+1 and n_buckets+1, matching Keras).
    user_table = jax.random.normal(k3, (VOCAB + 1, 16), dtype=jnp.float32) * 0.05
    ts_table = jax.random.normal(k4, (N_BUCKETS + 1, 15), dtype=jnp.float32) * 0.05
    bin_boundaries = jnp.sort(jax.random.uniform(k5, (N_BUCKETS,), dtype=jnp.float32, minval=TS_MIN, maxval=TS_MAX))
    # Normalization layer stats (adapted mean/variance of the timestamps dataset).
    ts_mean = jnp.float32(0.5 * (TS_MIN + TS_MAX))
    ts_var = jnp.float32(((TS_MAX - TS_MIN) ** 2) / 12.0)
    return {
        "user_id": user_id,
        "timestamp": timestamp,
        "user_table": user_table,
        "ts_table": ts_table,
        "bin_boundaries": bin_boundaries,
        "ts_mean": ts_mean,
        "ts_var": ts_var,
    }


def reference(user_id, timestamp, user_table, ts_table, bin_boundaries, ts_mean, ts_var):
    # StringLookup + Embedding -> integer gather from the user table.
    user_embed = jnp.take(user_table, user_id, axis=0)  # [B, 16]
    # Discretization: tf bucketize puts x == boundary into the upper bucket (side='right').
    bucket = jnp.searchsorted(bin_boundaries, timestamp, side="right")
    ts_embed = jnp.take(ts_table, bucket, axis=0)  # [B, 15]
    # Normalization: (x - mean) / sqrt(var)
    norm_ts = ((timestamp - ts_mean) / jnp.sqrt(ts_var)).reshape(-1, 1)  # [B, 1]
    return jnp.concatenate([user_embed, ts_embed, norm_ts], axis=1)  # [B, 32]

if __name__ == "__main__":
    import jax
    _d = setup_inputs()
    print(jax.jit(kernel)(*tuple(_d.values())))

</pallas_src>

<mosaic_0001>
#map = affine_map<(d0, d1) -> (0)>
#map1 = affine_map<(d0, d1) -> (0, 0)>
module attributes {stable_mosaic.version = 14 : i64} {
  func.func @_body(%arg0: i32, %arg1: i32, %arg2: memref<16384xi32, #tpu.memory_space<hbm>>, %arg3: memref<16384xf32, #tpu.memory_space<hbm>>, %arg4: memref<16x1000001xf32, #tpu.memory_space<hbm>>, %arg5: memref<15024xf32, #tpu.memory_space<hbm>>, %arg6: memref<1024xf32, #tpu.memory_space<hbm>>, %arg7: memref<16xf32, #tpu.memory_space<hbm>>, %arg8: memref<16xf32, #tpu.memory_space<hbm>>, %arg9: memref<32x16384xf32, #tpu.memory_space<hbm>>, %arg10: memref<512xi32, #tpu.memory_space<vmem>>, %arg11: memref<512xf32, #tpu.memory_space<vmem>>, %arg12: memref<1024xf32, #tpu.memory_space<vmem>>, %arg13: memref<15024xf32, #tpu.memory_space<vmem>>, %arg14: memref<5x8x16x128xf32, #tpu.memory_space<vmem>>, %arg15: memref<32x512xf32, #tpu.memory_space<vmem>>, %arg16: memref<2x16xf32, #tpu.memory_space<vmem>>, %arg17: memref<!tpu.dma_semaphore, #tpu.memory_space<semaphore_mem>>) attributes {dimension_semantics = [#tpu.dimension_semantics<core_parallel>, #tpu.dimension_semantics<subcore_parallel>], iteration_bounds = array<i64: 2, 16>, scalar_prefetch = 0 : i64, scratch_operands = 8 : i64, tpu.core_type = #tpu.core_type<sc_vector_subcore>, window_params = [{transform_indices = #map}, {transform_indices = #map}, {transform_indices = #map1}, {transform_indices = #map}, {transform_indices = #map}, {transform_indices = #map}, {transform_indices = #map}, {transform_indices = #map1}]} {
    %mul3A = arith.constant 2 : i32
    %mul3A_0 = arith.muli %arg1, %mul3A : i32
    %add3A = arith.addi %mul3A_0, %arg0 : i32
    %mul3A_1 = arith.constant 512 : i32
    %mul3A_2 = arith.muli %add3A, %mul3A_1 : i32
    "tpu.region"() ({
      %run_scoped3A_1354 = tpu.sem_alloc : memref<!tpu.dma_semaphore, #tpu.memory_space<semaphore_mem>>
      %dma_start3A_1355 = tpu.memref_slice %arg2[%mul3A_2] : memref<16384xi32, #tpu.memory_space<hbm>> -> memref<512xi32, #tpu.memory_space<hbm>>
      %dma_start3A_1356 = tpu.memref_slice %arg2[%mul3A_2] : memref<16384xi32, #tpu.memory_space<hbm>> -> memref<512xi32, #tpu.memory_space<hbm>>
      tpu.enqueue_dma source(%dma_start3A_1356 : memref<512xi32, #tpu.memory_space<hbm>>) target(%arg10 : memref<512xi32, #tpu.memory_space<vmem>>) target_semaphore(%run_scoped3A_1354 : memref<!tpu.dma_semaphore, #tpu.memory_space<semaphore_mem>>)
      %dma_wait3A = tpu.memref_slice %arg2[%mul3A_2] : memref<16384xi32, #tpu.memory_space<hbm>> -> memref<512xi32, #tpu.memory_space<hbm>>
      %dma_wait3A_1357 = tpu.memref_slice %arg2[%mul3A_2] : memref<16384xi32, #tpu.memory_space<hbm>> -> memref<512xi32, #tpu.memory_space<hbm>>
      tpu.wait_dma2 semaphore(%run_scoped3A_1354 : memref<!tpu.dma_semaphore, #tpu.memory_space<semaphore_mem>>) src(%dma_wait3A_1357 : memref<512xi32, #tpu.memory_space<hbm>>) dst(%arg10 : memref<512xi32, #tpu.memory_space<vmem>>)
      tpu.yield
    }) : () -> ()
    %iota3A = tpu.iota {dimensions = array<i32: 0>} : vector<16xi32>
    %broadcast_in_dim3A = arith.constant 0 : i32
    %broadcast_in_dim3A_3 = vector.broadcast %broadcast_in_dim3A : i32 to vector<16xi32>
    %get3A = arith.constant 0 : index
    %get3A_4 = tpu.vector_load %arg10[%get3A] {strides = array<i32>} : memref<512xi32, #tpu.memory_space<vmem>>, vector<16xi32>,
    %get3A_5 = arith.constant 16 : index
    %get3A_6 = tpu.vector_load %arg10[%get3A_5] {strides = array<i32>} : memref<512xi32, #tpu.memory_space<vmem>>, vector<16xi32>,
    %slice3A = vector.extract_strided_slice %get3A_4 {offsets = [0], sizes = [1], strides = [1]} : vector<16xi32> to vector<1xi32>
    %squeeze3A = vector.extract %slice3A[0] : i32 from vector<1xi32>
    %jit3A = arith.constant 128 : i32
    %div3A = arith.divsi %squeeze3A, %jit3A : i32
    %sign3A = arith.constant 0 : i32
    %sign3A_7 = arith.cmpi sgt, %squeeze3A, %sign3A : i32
    %sign3A_8 = arith.extui %sign3A_7 : i1 to i32
    %sign3A_9 = arith.constant 0 : i32
    %sign3A_10 = arith.cmpi slt, %squeeze3A, %sign3A_9 : i32
    %sign3A_11 = arith.extui %sign3A_10 : i1 to i32
    %sign3A_12 = arith.subi %sign3A_8, %sign3A_11 : i32
    %sign3A_13 = arith.constant 0 : i32
    %sign3A_14 = arith.cmpi sgt, %jit3A, %sign3A_13 : i32
    %sign3A_15 = arith.extui %sign3A_14 : i1 to i32
    %sign3A_16 = arith.constant 0 : i32
    %sign3A_17 = arith.cmpi slt, %jit3A, %sign3A_16 : i32
    %sign3A_18 = arith.extui %sign3A_17 : i1 to i32
    %sign3A_19 = arith.subi %sign3A_15, %sign3A_18 : i32
    %ne3A = arith.cmpi ne, %sign3A_12, %sign3A_19 : i32
    %rem3A = arith.remsi %squeeze3A, %jit3A : i32
    %ne3A_20 = arith.constant 0 : i32
    %ne3A_21 = arith.cmpi ne, %rem3A, %ne3A_20 : i32
    %and3A = arith.andi %ne3A, %ne3A_21 : i1
    %sub3A = arith.constant 1 : i32
    %sub3A_22 = arith.subi %div3A, %sub3A : i32
    %select_n3A = arith.select %and3A, %sub3A_22, %div3A : i32
    %mul3A_23 = arith.constant 128 : i32
    %mul3A_24 = arith.muli %select_n3A, %mul3A_23 : i32
    %dma_start3A = arith.constant 0 : i32
    %dma_start3A_25 = arith.constant 0 : i32
    %dma_start3A_26 = arith.constant 0 : i32
    %dma_start3A_27 = arith.constant 0 : i32
    %dma_start3A_28 = tpu.memref_slice %arg14[%dma_start3A, %dma_start3A_25, %dma_start3A_26, %dma_start3A_27] : memref<5x8x16x128xf32, #tpu.memory_space<vmem>> -> memref<1x1x16x128xf32, #tpu.memory_space<vmem>>
    %dma_start3A_29 = tpu.memref_squeeze %dma_start3A_28 : memref<1x1x16x128xf32, #tpu.memory_space<vmem>> -> memref<16x128xf32, #tpu.memory_space<vmem>>
    %dma_start3A_30 = arith.constant 0 : i32
    %dma_start3A_31 = tpu.memref_slice %arg4[%dma_start3A_30, %mul3A_24] : memref<16x1000001xf32, #tpu.memory_space<hbm>> -> memref<16x128xf32, #tpu.memory_space<hbm>>
    %dma_start3A_32 = arith.constant 0 : i32
    %dma_start3A_33 = arith.constant 0 : i32
    %dma_start3A_34 = tpu.memref_slice %arg14[%dma_start3A, %dma_start3A_25, %dma_start3A_32, %dma_start3A_33] : memref<5x8x16x128xf32, #tpu.memory_space<vmem>> -> memref<1x1x16x128xf32, #tpu.memory_space<vmem>>
    %dma_start3A_35 = tpu.memref_squeeze %dma_start3A_34 : memref<1x1x16x128xf32, #tpu.memory_space<vmem>> -> memref<16x128xf32, #tpu.memory_space<vmem>>
    %dma_start3A_36 = arith.constant 0 : i32
    %dma_start3A_37 = tpu.memref_slice %arg4[%dma_start3A_36, %mul3A_24] : memref<16x1000001xf32, #tpu.memory_space<hbm>> -> memref<16x128xf32, #tpu.memory_space<hbm>>
    tpu.enqueue_dma source(%dma_start3A_37 : memref<16x128xf32, #tpu.memory_space<hbm>>) target(%dma_start3A_35 : memref<16x128xf32, #tpu.memory_space<vmem>>) target_semaphore(%arg17 : memref<!tpu.dma_semaphore, #tpu.memory_space<semaphore_mem>>)
    %slice3A_38 = vector.extract_strided_slice %get3A_4 {offsets = [1], sizes = [1], strides = [1]} : vector<16xi32> to vector<1xi32>
    %squeeze3A_39 = vector.extract %slice3A_38[0] : i32 from vector<1xi32>
    %jit3A_40 = arith.constant 128 : i32
    %div3A_41 = arith.divsi %squeeze3A_39, %jit3A_40 : i32
    %sign3A_42 = arith.constant 0 : i32
    %sign3A_43 = arith.cmpi sgt, %squeeze3A_39, %sign3A_42 : i32
    %sign3A_44 = arith.extui %sign3A_43 : i1 to i32
    %sign3A_45 = arith.constant 0 : i32
    %sign3A_46 = arith.cmpi slt, %squeeze3A_39, %sign3A_45 : i32
    %sign3A_47 = arith.extui %sign3A_46 : i1 to i32
    %sign3A_48 = arith.subi %sign3A_44, %sign3A_47 : i32
    %sign3A_49 = arith.constant 0 : i32
    %sign3A_50 = arith.cmpi sgt, %jit3A_40, %sign3A_49 : i32
    %sign3A_51 = arith.extui %sign3A_50 : i1 to i32
    %sign3A_52 = arith.constant 0 : i32
    %sign3A_53 = arith.cmpi slt, %jit3A_40, %sign3A_52 : i32
    %sign3A_54 = arith.extui %sign3A_53 : i1 to i32
    %sign3A_55 = arith.subi %sign3A_51, %sign3A_54 : i32
    %ne3A_56 = arith.cmpi ne, %sign3A_48, %sign3A_55 : i32
    %rem3A_57 = arith.remsi %squeeze3A_39, %jit3A_40 : i32
    %ne3A_58 = arith.constant 0 : i32
    %ne3A_59 = arith.cmpi ne, %rem3A_57, %ne3A_58 : i32
    %and3A_60 = arith.andi %ne3A_56, %ne3A_59 : i1
    %sub3A_61 = arith.constant 1 : i32
    %sub3A_62 = arith.subi %div3A_41, %sub3A_61 : i32
    %select_n3A_63 = arith.select %and3A_60, %sub3A_62, %div3A_41 : i32
    %mul3A_64 = arith.constant 128 : i32
    %mul3A_65 = arith.muli %select_n3A_63, %mul3A_64 : i32
    %dma_start3A_66 = arith.constant 0 : i32
    %dma_start3A_67 = arith.constant 1 : i32
    %dma_start3A_68 = arith.constant 0 : i32
    %dma_start3A_69 = arith.constant 0 : i32
    %dma_start3A_70 = tpu.memref_slice %arg14[%dma_start3A_66, %dma_start3A_67, %dma_start3A_68, %dma_start3A_69] : memref<5x8x16x128xf32, #tpu.memory_space<vmem>> -> memref<1x1x16x128xf32, #tpu.memory_space<vmem>>
    %dma_start3A_71 = tpu.memref_squeeze %dma_start3A_70 : memref<1x1x16x128xf32, #tpu.memory_space<vmem>> -> memref<16x128xf32, #tpu.memory_space<vmem>>
    %dma_start3A_72 = arith.constant 0 : i32
    %dma_start3A_73 = tpu.memref_slice %arg4[%dma_start3A_72, %mul3A_65] : memref<16x1000001xf32, #tpu.memory_space<hbm>> -> memref<16x128xf32, #tpu.memory_space<hbm>>
    %dma_start3A_74 = arith.constant 0 : i32
    %dma_start3A_75 = arith.constant 0 : i32
    %dma_start3A_76 = tpu.memref_slice %arg14[%dma_start3A_66, %dma_start3A_67, %dma_start3A_74, %dma_start3A_75] : memref<5x8x16x128xf32, #tpu.memory_space<vmem>> -> memref<1x1x16x128xf32, #tpu.memory_space<vmem>>
    %dma_start3A_77 = tpu.memref_squeeze %dma_start3A_76 : memref<1x1x16x128xf32, #tpu.memory_space<vmem>> -> memref<16x128xf32, #tpu.memory_space<vmem>>
    %dma_start3A_78 = arith.constant 0 : i32
    %dma_start3A_79 = tpu.memref_slice %arg4[%dma_start3A_78, %mul3A_65] : memref<16x1000001xf32, #tpu.memory_space<hbm>> -> memref<16x128xf32, #tpu.memory_space<hbm>>
    tpu.enqueue_dma source(%dma_start3A_79 : memref<16x128xf32, #tpu.memory_space<hbm>>) target(%dma_start3A_77 : memref<16x128xf32, #tpu.memory_space<vmem>>) target_semaphore(%arg17 : memref<!tpu.dma_semaphore, #tpu.memory_space<semaphore_mem>>)
    %slice3A_80 = vector.extract_strided_slice %get3A_4 {offsets = [2], sizes = [1], strides = [1]} : vector<16xi32> to vector<1xi32>
    %squeeze3A_81 = vector.extract %slice3A_80[0] : i32 from vector<1xi32>
    %jit3A_82 = arith.constant 128 : i32
    %div3A_83 = arith.divsi %squeeze3A_81, %jit3A_82 : i32
    %sign3A_84 = arith.constant 0 : i32
    %sign3A_85 = arith.cmpi sgt, %squeeze3A_81, %sign3A_84 : i32
    %sign3A_86 = arith.extui %sign3A_85 : i1 to i32
    %sign3A_87 = arith.constant 0 : i32
    %sign3A_88 = arith.cmpi slt, %squeeze3A_81, %sign3A_87 : i32
    %sign3A_89 = arith.extui %sign3A_88 : i1 to i32
    %sign3A_90 = arith.subi %sign3A_86, %sign3A_89 : i32
    %sign3A_91 = arith.constant 0 : i32
    %sign3A_92 = arith.cmpi sgt, %jit3A_82, %sign3A_91 : i32
    %sign3A_93 = arith.extui %sign3A_92 : i1 to i32
    %sign3A_94 = arith.constant 0 : i32
    %sign3A_95 = arith.cmpi slt, %jit3A_82, %sign3A_94 : i32
    %sign3A_96 = arith.extui %sign3A_95 : i1 to i32
    %sign3A_97 = arith.subi %sign3A_93, %sign3A_96 : i32
    %ne3A_98 = arith.cmpi ne, %sign3A_90, %sign3A_97 : i32
    %rem3A_99 = arith.remsi %squeeze3A_81, %jit3A_82 : i32
    %ne3A_100 = arith.constant 0 : i32
    %ne3A_101 = arith.cmpi ne, %rem3A_99, %ne3A_100 : i32
    %and3A_102 = arith.andi %ne3A_98, %ne3A_101 : i1
    %sub3A_103 = arith.constant 1 : i32
    %sub3A_104 = arith.subi %div3A_83, %sub3A_103 : i32
    %select_n3A_105 = arith.select %and3A_102, %sub3A_104, %div3A_83 : i32
    %mul3A_106 = arith.constant 128 : i32
    %mul3A_107 = arith.muli %select_n3A_105, %mul3A_106 : i32
    %dma_start3A_108 = arith.constant 0 : i32
    %dma_start3A_109 = arith.constant 2 : i32
    %dma_start3A_110 = arith.constant 0 : i32
    %dma_start3A_111 = arith.constant 0 : i32
    %dma_start3A_112 = tpu.memref_slice %arg14[%dma_start3A_108, %dma_start3A_109, %dma_start3A_110, %dma_start3A_111] : memref<5x8x16x128xf32, #tpu.memory_space<vmem>> -> memref<1x1x16x128xf32, #tpu.memory_space<vmem>>
    %dma_start3A_113 = tpu.memref_squeeze %dma_start3A_112 : memref<1x1x16x128xf32, #tpu.memory_space<vmem>> -> memref<16x128xf32, #tpu.memory_space<vmem>>
    %dma_start3A_114 = arith.constant 0 : i32
    %dma_start3A_115 = tpu.memref_slice %arg4[%dma_start3A_114, %mul3A_107] : memref<16x1000001xf32, #tpu.memory_space<hbm>> -> memref<16x128xf32, #tpu.memory_space<hbm>>
    %dma_start3A_116 = arith.constant 0 : i32
    %dma_start3A_117 = arith.constant 0 : i32
    %dma_start3A_118 = tpu.memref_slice %arg14[%dma_start3A_108, %dma_start3A_109, %dma_start3A_116, %dma_start3A_117] : memref<5x8x16x128xf32, #tpu.memory_space<vmem>> -> memref<1x1x16x128xf32, #tpu.memory_space<vmem>>
    %dma_start3A_119 = tpu.memref_squeeze %dma_start3A_118 : memref<1x1x16x128xf32, #tpu.memory_space<vmem>> -> memref<16x128xf32, #tpu.memory_space<vmem>>
    %dma_start3A_120 = arith.constant 0 : i32
    %dma_start3A_121 = tpu.memref_slice %arg4[%dma_start3A_120, %mul3A_107] : memref<16x1000001xf32, #tpu.memory_space<hbm>> -> memref<16x128xf32, #tpu.memory_space<hbm>>
    tpu.enqueue_dma source(%dma_start3A_121 : memref<16x128xf32, #tpu.memory_space<hbm>>) target(%dma_start3A_119 : memref<16x128xf32, #tpu.memory_space<vmem>>) target_semaphore(%arg17 : memref<!tpu.dma_semaphore, #tpu.memory_space<semaphore_mem>>)
    %slice3A_122 = vector.extract_strided_slice %get3A_4 {offsets = [3], sizes = [1], strides = [1]} : vector<16xi32> to vector<1xi32>
    %squeeze3A_123 = vector.extract %slice3A_122[0] : i32 from vector<1xi32>
    %jit3A_124 = arith.constant 128 : i32
    %div3A_125 = arith.divsi %squeeze3A_123, %jit3A_124 : i32
    %sign3A_126 = arith.constant 0 : i32
    %sign3A_127 = arith.cmpi sgt, %squeeze3A_123, %sign3A_126 : i32
    %sign3A_128 = arith.extui %sign3A_127 : i1 to i32
    %sign3A_129 = arith.constant 0 : i32
    %sign3A_130 = arith.cmpi slt, %squeeze3A_123, %sign3A_129 : i32
    %sign3A_131 = arith.extui %sign3A_130 : i1 to i32
    %sign3A_132 = arith.subi %sign3A_128, %sign3A_131 : i32
    %sign3A_133 = arith.constant 0 : i32
    %sign3A_134 = arith.cmpi sgt, %jit3A_124, %sign3A_133 : i32
    %sign3A_135 = arith.extui %sign3A_134 : i1 to i32
    %sign3A_136 = arith.constant 0 : i32
    %sign3A_137 = arith.cmpi slt, %jit3A_124, %sign3A_136 : i32
    %sign3A_138 = arith.extui %sign3A_137 : i1 to i32
    %sign3A_139 = arith.subi %sign3A_135, %sign3A_138 : i32
    %ne3A_140 = arith.cmpi ne, %sign3A_132, %sign3A_139 : i32
    %rem3A_141 = arith.remsi %squeeze3A_123, %jit3A_124 : i32
    %ne3A_142 = arith.constant 0 : i32
    %ne3A_143 = arith.cmpi ne, %rem3A_141, %ne3A_142 : i32
    %and3A_144 = arith.andi %ne3A_140, %ne3A_143 : i1
    %sub3A_145 = arith.constant 1 : i32
    %sub3A_146 = arith.subi %div3A_125, %sub3A_145 : i32
    %select_n3A_147 = arith.select %and3A_144, %sub3A_146, %div3A_125 : i32
    %mul3A_148 = arith.constant 128 : i32
    %mul3A_149 = arith.muli %select_n3A_147, %mul3A_148 : i32
    %dma_start3A_150 = arith.constant 0 : i32
    %dma_start3A_151 = arith.constant 3 : i32
    %dma_start3A_152 = arith.constant 0 : i32
    %dma_start3A_153 = arith.constant 0 : i32
    %dma_start3A_154 = tpu.memref_slice %arg14[%dma_start3A_150, %dma_start3A_151, %dma_start3A_152, %dma_start3A_153] : memref<5x8x16x128xf32, #tpu.memory_space<vmem>> -> memref<1x1x16x128xf32, #tpu.memory_space<vmem>>
    %dma_start3A_155 = tpu.memref_squeeze %dma_start3A_154 : memref<1x1x16x128xf32, #tpu.memory_space<vmem>> -> memref<16x128xf32, #tpu.memory_space<vmem>>
    %dma_start3A_156 = arith.constant 0 : i32
    %dma_start3A_157 = tpu.memref_slice %arg4[%dma_start3A_156, %mul3A_149] : memref<16x1000001xf32, #tpu.memory_space<hbm>> -> memref<16x128xf32, #tpu.memory_space<hbm>>
    %dma_start3A_158 = arith.constant 0 : i32
    %dma_start3A_159 = arith.constant 0 : i32
    %dma_start3A_160 = tpu.memref_slice %arg14[%dma_start3A_150, %dma_start3A_151, %dma_start3A_158, %dma_start3A_159] : memref<5x8x16x128xf32, #tpu.memory_space<vmem>> -> memref<1x1x16x128xf32, #tpu.memory_space<vmem>>
    %dma_start3A_161 = tpu.memref_squeeze %dma_start3A_160 : memref<1x1x16x128xf32, #tpu.memory_space<vmem>> -> memref<16x128xf32, #tpu.memory_space<vmem>>
    %dma_start3A_162 = arith.constant 0 : i32
    %dma_start3A_163 = tpu.memref_slice %arg4[%dma_start3A_162, %mul3A_149] : memref<16x1000001xf32, #tpu.memory_space<hbm>> -> memref<16x128xf32, #tpu.memory_space<hbm>>
    tpu.enqueue_dma source(%dma_start3A_163 : memref<16x128xf32, #tpu.memory_space<hbm>>) target(%dma_start3A_161 : memref<16x128xf32, #tpu.memory_space<vmem>>) target_semaphore(%arg17 : memref<!tpu.dma_semaphore, #tpu.memory_space<semaphore_mem>>)
    %slice3A_164 = vector.extract_strided_slice %get3A_4 {offsets = [4], sizes = [1], strides = [1]} : vector<16xi32> to vector<1xi32>
    %squeeze3A_165 = vector.extract %slice3A_164[0] : i32 from vector<1xi32>
    %jit3A_166 = arith.constant 128 : i32
    %div3A_167 = arith.divsi %squeeze3A_165, %jit3A_166 : i32
    %sign3A_168 = arith.constant 0 : i32
    %sign3A_169 = arith.cmpi sgt, %squeeze3A_165, %sign3A_168 : i32
    %sign3A_170 = arith.extui %sign3A_169 : i1 to i32
    %sign3A_171 = arith.constant 0 : i32
    %sign3A_172 = arith.cmpi slt, %squeeze3A_165, %sign3A_171 : i32
    %sign3A_173 = arith.extui %sign3A_172 : i1 to i32
    %sign3A_174 = arith.subi %sign3A_170, %sign3A_173 : i32
    %sign3A_175 = arith.constant 0 : i32
    %sign3A_176 = arith.cmpi sgt, %jit3A_166, %sign3A_175 : i32
    %sign3A_177 = arith.extui %sign3A_176 : i1 to i32
    %sign3A_178 = arith.constant 0 : i32
    %sign3A_179 = arith.cmpi slt, %jit3A_166, %sign3A_178 : i32
    %sign3A_180 = arith.extui %sign3A_179 : i1 to i32
    %sign3A_181 = arith.subi %sign3A_177, %sign3A_180 : i32
    %ne3A_182 = arith.cmpi ne, %sign3A_174, %sign3A_181 : i32
    %rem3A_183 = arith.remsi %squeeze3A_165, %jit3A_166 : i32
    %ne3A_184 = arith.constant 0 : i32
    %ne3A_185 = arith.cmpi ne, %rem3A_183, %ne3A_184 : i32
    %and3A_186 = arith.andi %ne3A_182, %ne3A_185 : i1
    %sub3A_187 = arith.constant 1 : i32
    %sub3A_188 = arith.subi %div3A_167, %sub3A_187 : i32
    %select_n3A_189 = arith.select %and3A_186, %sub3A_188, %div3A_167 : i32
    %mul3A_190 = arith.constant 128 : i32
    %mul3A_191 = arith.muli %select_n3A_189, %mul3A_190 : i32
    %dma_start3A_192 = arith.constant 0 : i32
    %dma_start3A_193 = arith.constant 4 : i32
    %dma_start3A_194 = arith.constant 0 : i32
    %dma_start3A_195 = arith.constant 0 : i32
    %dma_start3A_196 = tpu.memref_slice %arg14[%dma_start3A_192, %dma_start3A_193, %dma_start3A_194, %dma_start3A_195] : memref<5x8x16x128xf32, #tpu.memory_space<vmem>> -> memref<1x1x16x128xf32, #tpu.memory_space<vmem>>
    %dma_start3A_197 = tpu.memref_squeeze %dma_start3A_196 : memref<1x1x16x128xf32, #tpu.memory_space<vmem>> -> memref<16x128xf32, #tpu.memory_space<vmem>>
    %dma_start3A_198 = arith.constant 0 : i32
    %dma_start3A_199 = tpu.memref_slice %arg4[%dma_start3A_198, %mul3A_191] : memref<16x1000001xf32, #tpu.memory_space<hbm>> -> memref<16x128xf32, #tpu.memory_space<hbm>>
    %dma_start3A_200 = arith.constant 0 : i32
    %dma_start3A_201 = arith.constant 0 : i32
    %dma_start3A_202 = tpu.memref_slice %arg14[%dma_start3A_192, %dma_start3A_193, %dma_start3A_200, %dma_start3A_201] : memref<5x8x16x128xf32, #tpu.memory_space<vmem>> -> memref<1x1x16x128xf32, #tpu.memory_space<vmem>>
    %dma_start3A_203 = tpu.memref_squeeze %dma_start3A_202 : memref<1x1x16x128xf32, #tpu.memory_space<vmem>> -> memref<16x128xf32, #tpu.memory_space<vmem>>
    %dma_start3A_204 = arith.constant 0 : i32
    %dma_start3A_205 = tpu.memref_slice %arg4[%dma_start3A_204, %mul3A_191] : memref<16x1000001xf32, #tpu.memory_space<hbm>> -> memref<16x128xf32, #tpu.memory_space<hbm>>
    tpu.enqueue_dma source(%dma_start3A_205 : memref<16x128xf32, #tpu.memory_space<hbm>>) target(%dma_start3A_203 : memref<16x128xf32, #tpu.memory_space<vmem>>) target_semaphore(%arg17 : memref<!tpu.dma_semaphore, #tpu.memory_space<semaphore_mem>>)
    %slice3A_206 = vector.extract_strided_slice %get3A_4 {offsets = [5], sizes = [1], strides = [1]} : vector<16xi32> to vector<1xi32>
    %squeeze3A_207 = vector.extract %slice3A_206[0] : i32 from vector<1xi32>
    %jit3A_208 = arith.constant 128 : i32
    %div3A_209 = arith.divsi %squeeze3A_207, %jit3A_208 : i32
    %sign3A_210 = arith.constant 0 : i32
    %sign3A_211 = arith.cmpi sgt, %squeeze3A_207, %sign3A_210 : i32
    %sign3A_212 = arith.extui %sign3A_211 : i1 to i32
    %sign3A_213 = arith.constant 0 : i32
    %sign3A_214 = arith.cmpi slt, %squeeze3A_207, %sign3A_213 : i32
    %sign3A_215 = arith.extui %sign3A_214 : i1 to i32
    %sign3A_216 = arith.subi %sign3A_212, %sign3A_215 : i32
    %sign3A_217 = arith.constant 0 : i32
    %sign3A_218 = arith.cmpi sgt, %jit3A_208, %sign3A_217 : i32
    %sign3A_219 = arith.extui %sign3A_218 : i1 to i32
    %sign3A_220 = arith.constant 0 : i32
    %sign3A_221 = arith.cmpi slt, %jit3A_208, %sign3A_220 : i32
    %sign3A_222 = arith.extui %sign3A_221 : i1 to i32
    %sign3A_223 = arith.subi %sign3A_219, %sign3A_222 : i32
    %ne3A_224 = arith.cmpi ne, %sign3A_216, %sign3A_223 : i32
    %rem3A_225 = arith.remsi %squeeze3A_207, %jit3A_208 : i32
    %ne3A_226 = arith.constant 0 : i32
    %ne3A_227 = arith.cmpi ne, %rem3A_225, %ne3A_226 : i32
    %and3A_228 = arith.andi %ne3A_224, %ne3A_227 : i1
    %sub3A_229 = arith.constant 1 : i32
    %sub3A_230 = arith.subi %div3A_209, %sub3A_229 : i32
    %select_n3A_231 = arith.select %and3A_228, %sub3A_230, %div3A_209 : i32
    %mul3A_232 = arith.constant 128 : i32
    %mul3A_233 = arith.muli %select_n3A_231, %mul3A_232 : i32
    %dma_start3A_234 = arith.constant 0 : i32
    %dma_start3A_235 = arith.constant 5 : i32
    %dma_start3A_236 = arith.constant 0 : i32
    %dma_start3A_237 = arith.constant 0 : i32
    %dma_start3A_238 = tpu.memref_slice %arg14[%dma_start3A_234, %dma_start3A_235, %dma_start3A_236, %dma_start3A_237] : memref<5x8x16x128xf32, #tpu.memory_space<vmem>> -> memref<1x1x16x128xf32, #tpu.memory_space<vmem>>
    %dma_start3A_239 = tpu.memref_squeeze %dma_start3A_238 : memref<1x1x16x128xf32, #tpu.memory_space<vmem>> -> memref<16x128xf32, #tpu.memory_space<vmem>>
    %dma_start3A_240 = arith.constant 0 : i32
    %dma_start3A_241 = tpu.memref_slice %arg4[%dma_start3A_240, %mul3A_233] : memref<16x1000001xf32, #tpu.memory_space<hbm>> -> memref<16x128xf32, #tpu.memory_space<hbm>>
    %dma_start3A_242 = arith.constant 0 : i32
    %dma_start3A_243 = arith.constant 0 : i32
    %dma_start3A_244 = tpu.memref_slice %arg14[%dma_start3A_234, %dma_start3A_235, %dma_start3A_242, %dma_start3A_243] : memref<5x8x16x128xf32, #tpu.memory_space<vmem>> -> memref<1x1x16x128xf32, #tpu.memory_space<vmem>>
    %dma_start3A_245 = tpu.memref_squeeze %dma_start3A_244 : memref<1x1x16x128xf32, #tpu.memory_space<vmem>> -> memref<16x128xf32, #tpu.memory_space<vmem>>
    %dma_start3A_246 = arith.constant 0 : i32
    %dma_start3A_247 = tpu.memref_slice %arg4[%dma_start3A_246, %mul3A_233] : memref<16x1000001xf32, #tpu.memory_space<hbm>> -> memref<16x128xf32, #tpu.memory_space<hbm>>
    tpu.enqueue_dma source(%dma_start3A_247 : memref<16x128xf32, #tpu.memory_space<hbm>>) target(%dma_start3A_245 : memref<16x128xf32, #tpu.memory_space<vmem>>) target_semaphore(%arg17 : memref<!tpu.dma_semaphore, #tpu.memory_space<semaphore_mem>>)
    %slice3A_248 = vector.extract_strided_slice %get3A_4 {offsets = [6], sizes = [1], strides = [1]} : vector<16xi32> to vector<1xi32>
    %squeeze3A_249 = vector.extract %slice3A_248[0] : i32 from vector<1xi32>
    %jit3A_250 = arith.constant 128 : i32
    %div3A_251 = arith.divsi %squeeze3A_249, %jit3A_250 : i32
    %sign3A_252 = arith.constant 0 : i32
    %sign3A_253 = arith.cmpi sgt, %squeeze3A_249, %sign3A_252 : i32
    %sign3A_254 = arith.extui %sign3A_253 : i1 to i32
    %sign3A_255 = arith.constant 0 : i32
    %sign3A_256 = arith.cmpi slt, %squeeze3A_249, %sign3A_255 : i32
    %sign3A_257 = arith.extui %sign3A_256 : i1 to i32
    %sign3A_258 = arith.subi %sign3A_254, %sign3A_257 : i32
    %sign3A_259 = arith.constant 0 : i32
    %sign3A_260 = arith.cmpi sgt, %jit3A_250, %sign3A_259 : i32
    %sign3A_261 = arith.extui %sign3A_260 : i1 to i32
    %sign3A_262 = arith.constant 0 : i32
    %sign3A_263 = arith.cmpi slt, %jit3A_250, %sign3A_262 : i32
    %sign3A_264 = arith.extui %sign3A_263 : i1 to i32
    %sign3A_265 = arith.subi %sign3A_261, %sign3A_264 : i32
    %ne3A_266 = arith.cmpi ne, %sign3A_258, %sign3A_265 : i32
    %rem3A_267 = arith.remsi %squeeze3A_249, %jit3A_250 : i32
    %ne3A_268 = arith.constant 0 : i32
    %ne3A_269 = arith.cmpi ne, %rem3A_267, %ne3A_268 : i32
    %and3A_270 = arith.andi %ne3A_266, %ne3A_269 : i1
    %sub3A_271 = arith.constant 1 : i32
    %sub3A_272 = arith.subi %div3A_251, %sub3A_271 : i32
    %select_n3A_273 = arith.select %and3A_270, %sub3A_272, %div3A_251 : i32
    %mul3A_274 = arith.constant 128 : i32
    %mul3A_275 = arith.muli %select_n3A_273, %mul3A_274 : i32
    %dma_start3A_276 = arith.constant 0 : i32
    %dma_start3A_277 = arith.constant 6 : i32
    %dma_start3A_278 = arith.constant 0 : i32
    %dma_start3A_279 = arith.constant 0 : i32
    %dma_start3A_280 = tpu.memref_slice %arg14[%dma_start3A_276, %dma_start3A_277, %dma_start3A_278, %dma_start3A_279] : memref<5x8x16x128xf32, #tpu.memory_space<vmem>> -> memref<1x1x16x128xf32, #tpu.memory_space<vmem>>
    %dma_start3A_281 = tpu.memref_squeeze %dma_start3A_280 : memref<1x1x16x128xf32, #tpu.memory_space<vmem>> -> memref<16x128xf32, #tpu.memory_space<vmem>>
    %dma_start3A_282 = arith.constant 0 : i32
    %dma_start3A_283 = tpu.memref_slice %arg4[%dma_start3A_282, %mul3A_275] : memref<16x1000001xf32, #tpu.memory_space<hbm>> -> memref<16x128xf32, #tpu.memory_space<hbm>>
    %dma_start3A_284 = arith.constant 0 : i32
    %dma_start3A_285 = arith.constant 0 : i32
    %dma_start3A_286 = tpu.memref_slice %arg14[%dma_start3A_276, %dma_start3A_277, %dma_start3A_284, %dma_start3A_285] : memref<5x8x16x128xf32, #tpu.memory_space<vmem>> -> memref<1x1x16x128xf32, #tpu.memory_space<vmem>>
    %dma_start3A_287 = tpu.memref_squeeze %dma_start3A_286 : memref<1x1x16x128xf32, #tpu.memory_space<vmem>> -> memref<16x128xf32, #tpu.memory_space<vmem>>
    %dma_start3A_288 = arith.constant 0 : i32
    %dma_start3A_289 = tpu.memref_slice %arg4[%dma_start3A_288, %mul3A_275] : memref<16x1000001xf32, #tpu.memory_space<hbm>> -> memref<16x128xf32, #tpu.memory_space<hbm>>
    tpu.enqueue_dma source(%dma_start3A_289 : memref<16x128xf32, #tpu.memory_space<hbm>>) target(%dma_start3A_287 : memref<16x128xf32, #tpu.memory_space<vmem>>) target_semaphore(%arg17 : memref<!tpu.dma_semaphore, #tpu.memory_space<semaphore_mem>>)
    %slice3A_290 = vector.extract_strided_slice %get3A_4 {offsets = [7], sizes = [1], strides = [1]} : vector<16xi32> to vector<1xi32>
    %squeeze3A_291 = vector.extract %slice3A_290[0] : i32 from vector<1xi32>
    %jit3A_292 = arith.constant 128 : i32
    %div3A_293 = arith.divsi %squeeze3A_291, %jit3A_292 : i32
    %sign3A_294 = arith.constant 0 : i32
    %sign3A_295 = arith.cmpi sgt, %squeeze3A_291, %sign3A_294 : i32
    %sign3A_296 = arith.extui %sign3A_295 : i1 to i32
    %sign3A_297 = arith.constant 0 : i32
    %sign3A_298 = arith.cmpi slt, %squeeze3A_291, %sign3A_297 : i32
    %sign3A_299 = arith.extui %sign3A_298 : i1 to i32
    %sign3A_300 = arith.subi %sign3A_296, %sign3A_299 : i32
    %sign3A_301 = arith.constant 0 : i32
    %sign3A_302 = arith.cmpi sgt, %jit3A_292, %sign3A_301 : i32
    %sign3A_303 = arith.extui %sign3A_302 : i1 to i32
    %sign3A_304 = arith.constant 0 : i32
    %sign3A_305 = arith.cmpi slt, %jit3A_292, %sign3A_304 : i32
    %sign3A_306 = arith.extui %sign3A_305 : i1 to i32
    %sign3A_307 = arith.subi %sign3A_303, %sign3A_306 : i32
    %ne3A_308 = arith.cmpi ne, %sign3A_300, %sign3A_307 : i32
    %rem3A_309 = arith.remsi %squeeze3A_291, %jit3A_292 : i32
    %ne3A_310 = arith.constant 0 : i32
    %ne3A_311 = arith.cmpi ne, %rem3A_309, %ne3A_310 : i32
    %and3A_312 = arith.andi %ne3A_308, %ne3A_311 : i1
    %sub3A_313 = arith.constant 1 : i32
    %sub3A_314 = arith.subi %div3A_293, %sub3A_313 : i32
    %select_n3A_315 = arith.select %and3A_312, %sub3A_314, %div3A_293 : i32
    %mul3A_316 = arith.constant 128 : i32
    %mul3A_317 = arith.muli %select_n3A_315, %mul3A_316 : i32
    %dma_start3A_318 = arith.constant 0 : i32
    %dma_start3A_319 = arith.constant 7 : i32
    %dma_start3A_320 = arith.constant 0 : i32
    %dma_start3A_321 = arith.constant 0 : i32
    %dma_start3A_322 = tpu.memref_slice %arg14[%dma_start3A_318, %dma_start3A_319, %dma_start3A_320, %dma_start3A_321] : memref<5x8x16x128xf32, #tpu.memory_space<vmem>> -> memref<1x1x16x128xf32, #tpu.memory_space<vmem>>
    %dma_start3A_323 = tpu.memref_squeeze %dma_start3A_322 : memref<1x1x16x128xf32, #tpu.memory_space<vmem>> -> memref<16x128xf32, #tpu.memory_space<vmem>>
    %dma_start3A_324 = arith.constant 0 : i32
    %dma_start3A_325 = tpu.memref_slice %arg4[%dma_start3A_324, %mul3A_317] : memref<16x1000001xf32, #tpu.memory_space<hbm>> -> memref<16x128xf32, #tpu.memory_space<hbm>>
    %dma_start3A_326 = arith.constant 0 : i32
    %dma_start3A_327 = arith.constant 0 : i32
    %dma_start3A_328 = tpu.memref_slice %arg14[%dma_start3A_318, %dma_start3A_319, %dma_start3A_326, %dma_start3A_327] : memref<5x8x16x128xf32, #tpu.memory_space<vmem>> -> memref<1x1x16x128xf32, #tpu.memory_space<vmem>>
    %dma_start3A_329 = tpu.memref_squeeze %dma_start3A_328 : memref<1x1x16x128xf32, #tpu.memory_space<vmem>> -> memref<16x128xf32, #tpu.memory_space<vmem>>
    %dma_start3A_330 = arith.constant 0 : i32
    %dma_start3A_331 = tpu.memref_slice %arg4[%dma_start3A_330, %mul3A_317] : memref<16x1000001xf32, #tpu.memory_space<hbm>> -> memref<16x128xf32, #tpu.memory_space<hbm>>
    tpu.enqueue_dma source(%dma_start3A_331 : memref<16x128xf32, #tpu.memory_space<hbm>>) target(%dma_start3A_329 : memref<16x128xf32, #tpu.memory_space<vmem>>) target_semaphore(%arg17 : memref<!tpu.dma_semaphore, #tpu.memory_space<semaphore_mem>>)
    %slice3A_332 = vector.extract_strided_slice %get3A_4 {offsets = [8], sizes = [1], strides = [1]} : vector<16xi32> to vector<1xi32>
    %squeeze3A_333 = vector.extract %slice3A_332[0] : i32 from vector<1xi32>
    %jit3A_334 = arith.constant 128 : i32
    %div3A_335 = arith.divsi %squeeze3A_333, %jit3A_334 : i32
    %sign3A_336 = arith.constant 0 : i32
    %sign3A_337 = arith.cmpi sgt, %squeeze3A_333, %sign3A_336 : i32
    %sign3A_338 = arith.extui %sign3A_337 : i1 to i32
    %sign3A_339 = arith.constant 0 : i32
    %sign3A_340 = arith.cmpi slt, %squeeze3A_333, %sign3A_339 : i32
    %sign3A_341 = arith.extui %sign3A_340 : i1 to i32
    %sign3A_342 = arith.subi %sign3A_338, %sign3A_341 : i32
    %sign3A_343 = arith.constant 0 : i32
    %sign3A_344 = arith.cmpi sgt, %jit3A_334, %sign3A_343 : i32
    %sign3A_345 = arith.extui %sign3A_344 : i1 to i32
    %sign3A_346 = arith.constant 0 : i32
    %sign3A_347 = arith.cmpi slt, %jit3A_334, %sign3A_346 : i32
    %sign3A_348 = arith.extui %sign3A_347 : i1 to i32
    %sign3A_349 = arith.subi %sign3A_345, %sign3A_348 : i32
    %ne3A_350 = arith.cmpi ne, %sign3A_342, %sign3A_349 : i32
    %rem3A_351 = arith.remsi %squeeze3A_333, %jit3A_334 : i32
    %ne3A_352 = arith.constant 0 : i32
    %ne3A_353 = arith.cmpi ne, %rem3A_351, %ne3A_352 : i32
    %and3A_354 = arith.andi %ne3A_350, %ne3A_353 : i1
    %sub3A_355 = arith.constant 1 : i32
    %sub3A_356 = arith.subi %div3A_335, %sub3A_355 : i32
    %select_n3A_357 = arith.select %and3A_354, %sub3A_356, %div3A_335 : i32
    %mul3A_358 = arith.constant 128 : i32
    %mul3A_359 = arith.muli %select_n3A_357, %mul3A_358 : i32
    %dma_start3A_360 = arith.constant 1 : i32
    %dma_start3A_361 = arith.constant 0 : i32
    %dma_start3A_362 = arith.constant 0 : i32
    %dma_start3A_363 = arith.constant 0 : i32
    %dma_start3A_364 = tpu.memref_slice %arg14[%dma_start3A_360, %dma_start3A_361, %dma_start3A_362, %dma_start3A_363] : memref<5x8x16x128xf32, #tpu.memory_space<vmem>> -> memref<1x1x16x128xf32, #tpu.memory_space<vmem>>
    %dma_start3A_365 = tpu.memref_squeeze %dma_start3A_364 : memref<1x1x16x128xf32, #tpu.memory_space<vmem>> -> memref<16x128xf32, #tpu.memory_space<vmem>>
    %dma_start3A_366 = arith.constant 0 : i32
    %dma_start3A_367 = tpu.memref_slice %arg4[%dma_start3A_366, %mul3A_359] : memref<16x1000001xf32, #tpu.memory_space<hbm>> -> memref<16x128xf32, #tpu.memory_space<hbm>>
    %dma_start3A_368 = arith.constant 0 : i32
    %dma_start3A_369 = arith.constant 0 : i32
    %dma_start3A_370 = tpu.memref_slice %arg14[%dma_start3A_360, %dma_start3A_361, %dma_start3A_368, %dma_start3A_369] : memref<5x8x16x128xf32, #tpu.memory_space<vmem>> -> memref<1x1x16x128xf32, #tpu.memory_space<vmem>>
    %dma_start3A_371 = tpu.memref_squeeze %dma_start3A_370 : memref<1x1x16x128xf32, #tpu.memory_space<vmem>> -> memref<16x128xf32, #tpu.memory_space<vmem>>
    %dma_start3A_372 = arith.constant 0 : i32
    %dma_start3A_373 = tpu.memref_slice %arg4[%dma_start3A_372, %mul3A_359] : memref<16x1000001xf32, #tpu.memory_space<hbm>> -> memref<16x128xf32, #tpu.memory_space<hbm>>
    tpu.enqueue_dma source(%dma_start3A_373 : memref<16x128xf32, #tpu.memory_space<hbm>>) target(%dma_start3A_371 : memref<16x128xf32, #tpu.memory_space<vmem>>) target_semaphore(%arg17 : memref<!tpu.dma_semaphore, #tpu.memory_space<semaphore_mem>>)
    %slice3A_374 = vector.extract_strided_slice %get3A_4 {offsets = [9], sizes = [1], strides = [1]} : vector<16xi32> to vector<1xi32>
    %squeeze3A_375 = vector.extract %slice3A_374[0] : i32 from vector<1xi32>
    %jit3A_376 = arith.constant 128 : i32
    %div3A_377 = arith.divsi %squeeze3A_375, %jit3A_376 : i32
    %sign3A_378 = arith.constant 0 : i32
    %sign3A_379 = arith.cmpi sgt, %squeeze3A_375, %sign3A_378 : i32
    %sign3A_380 = arith.extui %sign3A_379 : i1 to i32
    %sign3A_381 = arith.constant 0 : i32
    %sign3A_382 = arith.cmpi slt, %squeeze3A_375, %sign3A_381 : i32
    %sign3A_383 = arith.extui %sign3A_382 : i1 to i32
    %sign3A_384 = arith.subi %sign3A_380, %sign3A_383 : i32
    %sign3A_385 = arith.constant 0 : i32
    %sign3A_386 = arith.cmpi sgt, %jit3A_376, %sign3A_385 : i32
    %sign3A_387 = arith.extui %sign3A_386 : i1 to i32
    %sign3A_388 = arith.constant 0 : i32
    %sign3A_389 = arith.cmpi slt, %jit3A_376, %sign3A_388 : i32
    %sign3A_390 = arith.extui %sign3A_389 : i1 to i32
    %sign3A_391 = arith.subi %sign3A_387, %sign3A_390 : i32
    %ne3A_392 = arith.cmpi ne, %sign3A_384, %sign3A_391 : i32
    %rem3A_393 = arith.remsi %squeeze3A_375, %jit3A_376 : i32
    %ne3A_394 = arith.constant 0 : i32
    %ne3A_395 = arith.cmpi ne, %rem3A_393, %ne3A_394 : i32
    %and3A_396 = arith.andi %ne3A_392, %ne3A_395 : i1
    %sub3A_397 = arith.constant 1 : i32
    %sub3A_398 = arith.subi %div3A_377, %sub3A_397 : i32
    %select_n3A_399 = arith.select %and3A_396, %sub3A_398, %div3A_377 : i32
    %mul3A_400 = arith.constant 128 : i32
    %mul3A_401 = arith.muli %select_n3A_399, %mul3A_400 : i32
    %dma_start3A_402 = arith.constant 1 : i32
    %dma_start3A_403 = arith.constant 1 : i32
    %dma_start3A_404 = arith.constant 0 : i32
    %dma_start3A_405 = arith.constant 0 : i32
    %dma_start3A_406 = tpu.memref_slice %arg14[%dma_start3A_402, %dma_start3A_403, %dma_start3A_404, %dma_start3A_405] : memref<5x8x16x128xf32, #tpu.memory_space<vmem>> -> memref<1x1x16x128xf32, #tpu.memory_space<vmem>>
    %dma_start3A_407 = tpu.memref_squeeze %dma_start3A_406 : memref<1x1x16x128xf32, #tpu.memory_space<vmem>> -> memref<16x128xf32, #tpu.memory_space<vmem>>
    %dma_start3A_408 = arith.constant 0 : i32
    %dma_start3A_409 = tpu.memref_slice %arg4[%dma_start3A_408, %mul3A_401] : memref<16x1000001xf32, #tpu.memory_space<hbm>> -> memref<16x128xf32, #tpu.memory_space<hbm>>
    %dma_start3A_410 = arith.constant 0 : i32
    %dma_start3A_411 = arith.constant 0 : i32
    %dma_start3A_412 = tpu.memref_slice %arg14[%dma_start3A_402, %dma_start3A_403, %dma_start3A_410, %dma_start3A_411] : memref<5x8x16x128xf32, #tpu.memory_space<vmem>> -> memref<1x1x16x128xf32, #tpu.memory_space<vmem>>
    %dma_start3A_413 = tpu.memref_squeeze %dma_start3A_412 : memref<1x1x16x128xf32, #tpu.memory_space<vmem>> -> memref<16x128xf32, #tpu.memory_space<vmem>>
    %dma_start3A_414 = arith.constant 0 : i32
    %dma_start3A_415 = tpu.memref_slice %arg4[%dma_start3A_414, %mul3A_401] : memref<16x1000001xf32, #tpu.memory_space<hbm>> -> memref<16x128xf32, #tpu.memory_space<hbm>>
    tpu.enqueue_dma source(%dma_start3A_415 : memref<16x128xf32, #tpu.memory_space<hbm>>) target(%dma_start3A_413 : memref<16x128xf32, #tpu.memory_space<vmem>>) target_semaphore(%arg17 : memref<!tpu.dma_semaphore, #tpu.memory_space<semaphore_mem>>)
    %slice3A_416 = vector.extract_strided_slice %get3A_4 {offsets = [10], sizes = [1], strides = [1]} : vector<16xi32> to vector<1xi32>
    %squeeze3A_417 = vector.extract %slice3A_416[0] : i32 from vector<1xi32>
    %jit3A_418 = arith.constant 128 : i32
    %div3A_419 = arith.divsi %squeeze3A_417, %jit3A_418 : i32
    %sign3A_420 = arith.constant 0 : i32
    %sign3A_421 = arith.cmpi sgt, %squeeze3A_417, %sign3A_420 : i32
    %sign3A_422 = arith.extui %sign3A_421 : i1 to i32
    %sign3A_423 = arith.constant 0 : i32
    %sign3A_424 = arith.cmpi slt, %squeeze3A_417, %sign3A_423 : i32
    %sign3A_425 = arith.extui %sign3A_424 : i1 to i32
    %sign3A_426 = arith.subi %sign3A_422, %sign3A_425 : i32
    %sign3A_427 = arith.constant 0 : i32
    %sign3A_428 = arith.cmpi sgt, %jit3A_418, %sign3A_427 : i32
    %sign3A_429 = arith.extui %sign3A_428 : i1 to i32
    %sign3A_430 = arith.constant 0 : i32
    %sign3A_431 = arith.cmpi slt, %jit3A_418, %sign3A_430 : i32
    %sign3A_432 = arith.extui %sign3A_431 : i1 to i32
    %sign3A_433 = arith.subi %sign3A_429, %sign3A_432 : i32
    %ne3A_434 = arith.cmpi ne, %sign3A_426, %sign3A_433 : i32
    %rem3A_435 = arith.remsi %squeeze3A_417, %jit3A_418 : i32
    %ne3A_436 = arith.constant 0 : i32
    %ne3A_437 = arith.cmpi ne, %rem3A_435, %ne3A_436 : i32
    %and3A_438 = arith.andi %ne3A_434, %ne3A_437 : i1
    %sub3A_439 = arith.constant 1 : i32
    %sub3A_440 = arith.subi %div3A_419, %sub3A_439 : i32
    %select_n3A_441 = arith.select %and3A_438, %sub3A_440, %div3A_419 : i32
    %mul3A_442 = arith.constant 128 : i32
    %mul3A_443 = arith.muli %select_n3A_441, %mul3A_442 : i32
    %dma_start3A_444 = arith.constant 1 : i32
    %dma_start3A_445 = arith.constant 2 : i32
    %dma_start3A_446 = arith.constant 0 : i32
    %dma_start3A_447 = arith.constant 0 : i32
    %dma_start3A_448 = tpu.memref_slice %arg14[%dma_start3A_444, %dma_start3A_445, %dma_start3A_446, %dma_start3A_447] : memref<5x8x16x128xf32, #tpu.memory_space<vmem>> -> memref<1x1x16x128xf32, #tpu.memory_space<vmem>>
    %dma_start3A_449 = tpu.memref_squeeze %dma_start3A_448 : memref<1x1x16x128xf32, #tpu.memory_space<vmem>> -> memref<16x128xf32, #tpu.memory_space<vmem>>
    %dma_start3A_450 = arith.constant 0 : i32
    %dma_start3A_451 = tpu.memref_slice %arg4[%dma_start3A_450, %mul3A_443] : memref<16x1000001xf32, #tpu.memory_space<hbm>> -> memref<16x128xf32, #tpu.memory_space<hbm>>
    %dma_start3A_452 = arith.constant 0 : i32
    %dma_start3A_453 = arith.constant 0 : i32
    %dma_start3A_454 = tpu.memref_slice %arg14[%dma_start3A_444, %dma_start3A_445, %dma_start3A_452, %dma_start3A_453] : memref<5x8x16x128xf32, #tpu.memory_space<vmem>> -> memref<1x1x16x128xf32, #tpu.memory_space<vmem>>
    %dma_start3A_455 = tpu.memref_squeeze %dma_start3A_454 : memref<1x1x16x128xf32, #tpu.memory_space<vmem>> -> memref<16x128xf32, #tpu.memory_space<vmem>>
    %dma_start3A_456 = arith.constant 0 : i32
    %dma_start3A_457 = tpu.memref_slice %arg4[%dma_start3A_456, %mul3A_443] : memref<16x1000001xf32, #tpu.memory_space<hbm>> -> memref<16x128xf32, #tpu.memory_space<hbm>>
    tpu.enqueue_dma source(%dma_start3A_457 : memref<16x128xf32, #tpu.memory_space<hbm>>) target(%dma_start3A_455 : memref<16x128xf32, #tpu.memory_space<vmem>>) target_semaphore(%arg17 : memref<!tpu.dma_semaphore, #tpu.memory_space<semaphore_mem>>)
    %slice3A_458 = vector.extract_strided_slice %get3A_4 {offsets = [11], sizes = [1], strides = [1]} : vector<16xi32> to vector<1xi32>
    %squeeze3A_459 = vector.extract %slice3A_458[0] : i32 from vector<1xi32>
    %jit3A_460 = arith.constant 128 : i32
    %div3A_461 = arith.divsi %squeeze3A_459, %jit3A_460 : i32
    %sign3A_462 = arith.constant 0 : i32
    %sign3A_463 = arith.cmpi sgt, %squeeze3A_459, %sign3A_462 : i32
    %sign3A_464 = arith.extui %sign3A_463 : i1 to i32
    %sign3A_465 = arith.constant 0 : i32
    %sign3A_466 = arith.cmpi slt, %squeeze3A_459, %sign3A_465 : i32
    %sign3A_467 = arith.extui %sign3A_466 : i1 to i32
    %sign3A_468 = arith.subi %sign3A_464, %sign3A_467 : i32
    %sign3A_469 = arith.constant 0 : i32
    %sign3A_470 = arith.cmpi sgt, %jit3A_460, %sign3A_469 : i32
    %sign3A_471 = arith.extui %sign3A_470 : i1 to i32
    %sign3A_472 = arith.constant 0 : i32
    %sign3A_473 = arith.cmpi slt, %jit3A_460, %sign3A_472 : i32
    %sign3A_474 = arith.extui %sign3A_473 : i1 to i32
    %sign3A_475 = arith.subi %sign3A_471, %sign3A_474 : i32
    %ne3A_476 = arith.cmpi ne, %sign3A_468, %sign3A_475 : i32
    %rem3A_477 = arith.remsi %squeeze3A_459, %jit3A_460 : i32
    %ne3A_478 = arith.constant 0 : i32
    %ne3A_479 = arith.cmpi ne, %rem3A_477, %ne3A_478 : i32
    %and3A_480 = arith.andi %ne3A_476, %ne3A_479 : i1
    %sub3A_481 = arith.constant 1 : i32
    %sub3A_482 = arith.subi %div3A_461, %sub3A_481 : i32
    %select_n3A_483 = arith.select %and3A_480, %sub3A_482, %div3A_461 : i32
    %mul3A_484 = arith.constant 128 : i32
    %mul3A_485 = arith.muli %select_n3A_483, %mul3A_484 : i32
    %dma_start3A_486 = arith.constant 1 : i32
    %dma_start3A_487 = arith.constant 3 : i32
    %dma_start3A_488 = arith.constant 0 : i32
    %dma_start3A_489 = arith.constant 0 : i32
    %dma_start3A_490 = tpu.memref_slice %arg14[%dma_start3A_486, %dma_start3A_487, %dma_start3A_488, %dma_start3A_489] : memref<5x8x16x128xf32, #tpu.memory_space<vmem>> -> memref<1x1x16x128xf32, #tpu.memory_space<vmem>>
    %dma_start3A_491 = tpu.memref_squeeze %dma_start3A_490 : memref<1x1x16x128xf32, #tpu.memory_space<vmem>> -> memref<16x128xf32, #tpu.memory_space<vmem>>
    %dma_start3A_492 = arith.constant 0 : i32
    %dma_start3A_493 = tpu.memref_slice %arg4[%dma_start3A_492, %mul3A_485] : memref<16x1000001xf32, #tpu.memory_space<hbm>> -> memref<16x128xf32, #tpu.memory_space<hbm>>
    %dma_start3A_494 = arith.constant 0 : i32
    %dma_start3A_495 = arith.constant 0 : i32
    %dma_start3A_496 = tpu.memref_slice %arg14[%dma_start3A_486, %dma_start3A_487, %dma_start3A_494, %dma_start3A_495] : memref<5x8x16x128xf32, #tpu.memory_space<vmem>> -> memref<1x1x16x128xf32, #tpu.memory_space<vmem>>
    %dma_start3A_497 = tpu.memref_squeeze %dma_start3A_496 : memref<1x1x16x128xf32, #tpu.memory_space<vmem>> -> memref<16x128xf32, #tpu.memory_space<vmem>>
    %dma_start3A_498 = arith.constant 0 : i32
    %dma_start3A_499 = tpu.memref_slice %arg4[%dma_start3A_498, %mul3A_485] : memref<16x1000001xf32, #tpu.memory_space<hbm>> -> memref<16x128xf32, #tpu.memory_space<hbm>>
    tpu.enqueue_dma source(%dma_start3A_499 : memref<16x128xf32, #tpu.memory_space<hbm>>) target(%dma_start3A_497 : memref<16x128xf32, #tpu.memory_space<vmem>>) target_semaphore(%arg17 : memref<!tpu.dma_semaphore, #tpu.memory_space<semaphore_mem>>)
    %slice3A_500 = vector.extract_strided_slice %get3A_4 {offsets = [12], sizes = [1], strides = [1]} : vector<16xi32> to vector<1xi32>
    %squeeze3A_501 = vector.extract %slice3A_500[0] : i32 from vector<1xi32>
    %jit3A_502 = arith.constant 128 : i32
    %div3A_503 = arith.divsi %squeeze3A_501, %jit3A_502 : i32
    %sign3A_504 = arith.constant 0 : i32
    %sign3A_505 = arith.cmpi sgt, %squeeze3A_501, %sign3A_504 : i32
    %sign3A_506 = arith.extui %sign3A_505 : i1 to i32
    %sign3A_507 = arith.constant 0 : i32
    %sign3A_508 = arith.cmpi slt, %squeeze3A_501, %sign3A_507 : i32
    %sign3A_509 = arith.extui %sign3A_508 : i1 to i32
    %sign3A_510 = arith.subi %sign3A_506, %sign3A_509 : i32
    %sign3A_511 = arith.constant 0 : i32
    %sign3A_512 = arith.cmpi sgt, %jit3A_502, %sign3A_511 : i32
    %sign3A_513 = arith.extui %sign3A_512 : i1 to i32
    %sign3A_514 = arith.constant 0 : i32
    %sign3A_515 = arith.cmpi slt, %jit3A_502, %sign3A_514 : i32
    %sign3A_516 = arith.extui %sign3A_515 : i1 to i32
    %sign3A_517 = arith.subi %sign3A_513, %sign3A_516 : i32
    %ne3A_518 = arith.cmpi ne, %sign3A_510, %sign3A_517 : i32
    %rem3A_519 = arith.remsi %squeeze3A_501, %jit3A_502 : i32
    %ne3A_520 = arith.constant 0 : i32
    %ne3A_521 = arith.cmpi ne, %rem3A_519, %ne3A_520 : i32
    %and3A_522 = arith.andi %ne3A_518, %ne3A_521 : i1
    %sub3A_523 = arith.constant 1 : i32
    %sub3A_524 = arith.subi %div3A_503, %sub3A_523 : i32
    %select_n3A_525 = arith.select %and3A_522, %sub3A_524, %div3A_503 : i32
    %mul3A_526 = arith.constant 128 : i32
    %mul3A_527 = arith.muli %select_n3A_525, %mul3A_526 : i32
    %dma_start3A_528 = arith.constant 1 : i32
    %dma_start3A_529 = arith.constant 4 : i32
    %dma_start3A_530 = arith.constant 0 : i32
    %dma_start3A_531 = arith.constant 0 : i32
    %dma_start3A_532 = tpu.memref_slice %arg14[%dma_start3A_528, %dma_start3A_529, %dma_start3A_530, %dma_start3A_531] : memref<5x8x16x128xf32, #tpu.memory_space<vmem>> -> memref<1x1x16x128xf32, #tpu.memory_space<vmem>>
    %dma_start3A_533 = tpu.memref_squeeze %dma_start3A_532 : memref<1x1x16x128xf32, #tpu.memory_space<vmem>> -> memref<16x128xf32, #tpu.memory_space<vmem>>
    %dma_start3A_534 = arith.constant 0 : i32
    %dma_start3A_535 = tpu.memref_slice %arg4[%dma_start3A_534, %mul3A_527] : memref<16x1000001xf32, #tpu.memory_space<hbm>> -> memref<16x128xf32, #tpu.memory_space<hbm>>
    %dma_start3A_536 = arith.constant 0 : i32
    %dma_start3A_537 = arith.constant 0 : i32
    %dma_start3A_538 = tpu.memref_slice %arg14[%dma_start3A_528, %dma_start3A_529, %dma_start3A_536, %dma_start3A_537] : memref<5x8x16x128xf32, #tpu.memory_space<vmem>> -> memref<1x1x16x128xf32, #tpu.memory_space<vmem>>
    %dma_start3A_539 = tpu.memref_squeeze %dma_start3A_538 : memref<1x1x16x128xf32, #tpu.memory_space<vmem>> -> memref<16x128xf32, #tpu.memory_space<vmem>>
    %dma_start3A_540 = arith.constant 0 : i32
    %dma_start3A_541 = tpu.memref_slice %arg4[%dma_start3A_540, %mul3A_527] : memref<16x1000001xf32, #tpu.memory_space<hbm>> -> memref<16x128xf32, #tpu.memory_space<hbm>>
    tpu.enqueue_dma source(%dma_start3A_541 : memref<16x128xf32, #tpu.memory_space<hbm>>) target(%dma_start3A_539 : memref<16x128xf32, #tpu.memory_space<vmem>>) target_semaphore(%arg17 : memref<!tpu.dma_semaphore, #tpu.memory_space<semaphore_mem>>)
    %slice3A_542 = vector.extract_strided_slice %get3A_4 {offsets = [13], sizes = [1], strides = [1]} : vector<16xi32> to vector<1xi32>
    %squeeze3A_543 = vector.extract %slice3A_542[0] : i32 from vector<1xi32>
    %jit3A_544 = arith.constant 128 : i32
    %div3A_545 = arith.divsi %squeeze3A_543, %jit3A_544 : i32
    %sign3A_546 = arith.constant 0 : i32
    %sign3A_547 = arith.cmpi sgt, %squeeze3A_543, %sign3A_546 : i32
    %sign3A_548 = arith.extui %sign3A_547 : i1 to i32
    %sign3A_549 = arith.constant 0 : i32
    %sign3A_550 = arith.cmpi slt, %squeeze3A_543, %sign3A_549 : i32
    %sign3A_551 = arith.extui %sign3A_550 : i1 to i32
    %sign3A_552 = arith.subi %sign3A_548, %sign3A_551 : i32
    %sign3A_553 = arith.constant 0 : i32
    %sign3A_554 = arith.cmpi sgt, %jit3A_544, %sign3A_553 : i32
    %sign3A_555 = arith.extui %sign3A_554 : i1 to i32
    %sign3A_556 = arith.constant 0 : i32
    %sign3A_557 = arith.cmpi slt, %jit3A_544, %sign3A_556 : i32
    %sign3A_558 = arith.extui %sign3A_557 : i1 to i32
    %sign3A_559 = arith.subi %sign3A_555, %sign3A_558 : i32
    %ne3A_560 = arith.cmpi ne, %sign3A_552, %sign3A_559 : i32
    %rem3A_561 = arith.remsi %squeeze3A_543, %jit3A_544 : i32
    %ne3A_562 = arith.constant 0 : i32
    %ne3A_563 = arith.cmpi ne, %rem3A_561, %ne3A_562 : i32
    %and3A_564 = arith.andi %ne3A_560, %ne3A_563 : i1
    %sub3A_565 = arith.constant 1 : i32
    %sub3A_566 = arith.subi %div3A_545, %sub3A_565 : i32
    %select_n3A_567 = arith.select %and3A_564, %sub3A_566, %div3A_545 : i32
    %mul3A_568 = arith.constant 128 : i32
    %mul3A_569 = arith.muli %select_n3A_567, %mul3A_568 : i32
    %dma_start3A_570 = arith.constant 1 : i32
    %dma_start3A_571 = arith.constant 5 : i32
    %dma_start3A_572 = arith.constant 0 : i32
    %dma_start3A_573 = arith.constant 0 : i32
    %dma_start3A_574 = tpu.memref_slice %arg14[%dma_start3A_570, %dma_start3A_571, %dma_start3A_572, %dma_start3A_573] : memref<5x8x16x128xf32, #tpu.memory_space<vmem>> -> memref<1x1x16x128xf32, #tpu.memory_space<vmem>>
    %dma_start3A_575 = tpu.memref_squeeze %dma_start3A_574 : memref<1x1x16x128xf32, #tpu.memory_space<vmem>> -> memref<16x128xf32, #tpu.memory_space<vmem>>
    %dma_start3A_576 = arith.constant 0 : i32
    %dma_start3A_577 = tpu.memref_slice %arg4[%dma_start3A_576, %mul3A_569] : memref<16x1000001xf32, #tpu.memory_space<hbm>> -> memref<16x128xf32, #tpu.memory_space<hbm>>
    %dma_start3A_578 = arith.constant 0 : i32
    %dma_start3A_579 = arith.constant 0 : i32
    %dma_start3A_580 = tpu.memref_slice %arg14[%dma_start3A_570, %dma_start3A_571, %dma_start3A_578, %dma_start3A_579] : memref<5x8x16x128xf32, #tpu.memory_space<vmem>> -> memref<1x1x16x128xf32, #tpu.memory_space<vmem>>
    %dma_start3A_581 = tpu.memref_squeeze %dma_start3A_580 : memref<1x1x16x128xf32, #tpu.memory_space<vmem>> -> memref<16x128xf32, #tpu.memory_space<vmem>>
    %dma_start3A_582 = arith.constant 0 : i32
    %dma_start3A_583 = tpu.memref_slice %arg4[%dma_start3A_582, %mul3A_569] : memref<16x1000001xf32, #tpu.memory_space<hbm>> -> memref<16x128xf32, #tpu.memory_space<hbm>>
    tpu.enqueue_dma source(%dma_start3A_583 : memref<16x128xf32, #tpu.memory_space<hbm>>) target(%dma_start3A_581 : memref<16x128xf32, #tpu.memory_space<vmem>>) target_semaphore(%arg17 : memref<!tpu.dma_semaphore, #tpu.memory_space<semaphore_mem>>)
    %slice3A_584 = vector.extract_strided_slice %get3A_4 {offsets = [14], sizes = [1], strides = [1]} : vector<16xi32> to vector<1xi32>
    %squeeze3A_585 = vector.extract %slice3A_584[0] : i32 from vector<1xi32>
    %jit3A_586 = arith.constant 128 : i32
    %div3A_587 = arith.divsi %squeeze3A_585, %jit3A_586 : i32
    %sign3A_588 = arith.constant 0 : i32
    %sign3A_589 = arith.cmpi sgt, %squeeze3A_585, %sign3A_588 : i32
    %sign3A_590 = arith.extui %sign3A_589 : i1 to i32
    %sign3A_591 = arith.constant 0 : i32
    %sign3A_592 = arith.cmpi slt, %squeeze3A_585, %sign3A_591 : i32
    %sign3A_593 = arith.extui %sign3A_592 : i1 to i32
    %sign3A_594 = arith.subi %sign3A_590, %sign3A_593 : i32
    %sign3A_595 = arith.constant 0 : i32
    %sign3A_596 = arith.cmpi sgt, %jit3A_586, %sign3A_595 : i32
    %sign3A_597 = arith.extui %sign3A_596 : i1 to i32
    %sign3A_598 = arith.constant 0 : i32
    %sign3A_599 = arith.cmpi slt, %jit3A_586, %sign3A_598 : i32
    %sign3A_600 = arith.extui %sign3A_599 : i1 to i32
    %sign3A_601 = arith.subi %sign3A_597, %sign3A_600 : i32
    %ne3A_602 = arith.cmpi ne, %sign3A_594, %sign3A_601 : i32
    %rem3A_603 = arith.remsi %squeeze3A_585, %jit3A_586 : i32
    %ne3A_604 = arith.constant 0 : i32
    %ne3A_605 = arith.cmpi ne, %rem3A_603, %ne3A_604 : i32
    %and3A_606 = arith.andi %ne3A_602, %ne3A_605 : i1
    %sub3A_607 = arith.constant 1 : i32
    %sub3A_608 = arith.subi %div3A_587, %sub3A_607 : i32
    %select_n3A_609 = arith.select %and3A_606, %sub3A_608, %div3A_587 : i32
    %mul3A_610 = arith.constant 128 : i32
    %mul3A_611 = arith.muli %select_n3A_609, %mul3A_610 : i32
    %dma_start3A_612 = arith.constant 1 : i32
    %dma_start3A_613 = arith.constant 6 : i32
    %dma_start3A_614 = arith.constant 0 : i32
    %dma_start3A_615 = arith.constant 0 : i32
    %dma_start3A_616 = tpu.memref_slice %arg14[%dma_start3A_612, %dma_start3A_613, %dma_start3A_614, %dma_start3A_615] : memref<5x8x16x128xf32, #tpu.memory_space<vmem>> -> memref<1x1x16x128xf32, #tpu.memory_space<vmem>>
    %dma_start3A_617 = tpu.memref_squeeze %dma_start3A_616 : memref<1x1x16x128xf32, #tpu.memory_space<vmem>> -> memref<16x128xf32, #tpu.memory_space<vmem>>
    %dma_start3A_618 = arith.constant 0 : i32
    %dma_start3A_619 = tpu.memref_slice %arg4[%dma_start3A_618, %mul3A_611] : memref<16x1000001xf32, #tpu.memory_space<hbm>> -> memref<16x128xf32, #tpu.memory_space<hbm>>
    %dma_start3A_620 = arith.constant 0 : i32
    %dma_start3A_621 = arith.constant 0 : i32
    %dma_start3A_622 = tpu.memref_slice %arg14[%dma_start3A_612, %dma_start3A_613, %dma_start3A_620, %dma_start3A_621] : memref<5x8x16x128xf32, #tpu.memory_space<vmem>> -> memref<1x1x16x128xf32, #tpu.memory_space<vmem>>
    %dma_start3A_623 = tpu.memref_squeeze %dma_start3A_622 : memref<1x1x16x128xf32, #tpu.memory_space<vmem>> -> memref<16x128xf32, #tpu.memory_space<vmem>>
    %dma_start3A_624 = arith.constant 0 : i32
    %dma_start3A_625 = tpu.memref_slice %arg4[%dma_start3A_624, %mul3A_611] : memref<16x1000001xf32, #tpu.memory_space<hbm>> -> memref<16x128xf32, #tpu.memory_space<hbm>>
    tpu.enqueue_dma source(%dma_start3A_625 : memref<16x128xf32, #tpu.memory_space<hbm>>) target(%dma_start3A_623 : memref<16x128xf32, #tpu.memory_space<vmem>>) target_semaphore(%arg17 : memref<!tpu.dma_semaphore, #tpu.memory_space<semaphore_mem>>)
    %slice3A_626 = vector.extract_strided_slice %get3A_4 {offsets = [15], sizes = [1], strides = [1]} : vector<16xi32> to vector<1xi32>
    %squeeze3A_627 = vector.extract %slice3A_626[0] : i32 from vector<1xi32>
    %jit3A_628 = arith.constant 128 : i32
    %div3A_629 = arith.divsi %squeeze3A_627, %jit3A_628 : i32
    %sign3A_630 = arith.constant 0 : i32
    %sign3A_631 = arith.cmpi sgt, %squeeze3A_627, %sign3A_630 : i32
    %sign3A_632 = arith.extui %sign3A_631 : i1 to i32
    %sign3A_633 = arith.constant 0 : i32
    %sign3A_634 = arith.cmpi slt, %squeeze3A_627, %sign3A_633 : i32
    %sign3A_635 = arith.extui %sign3A_634 : i1 to i32
    %sign3A_636 = arith.subi %sign3A_632, %sign3A_635 : i32
    %sign3A_637 = arith.constant 0 : i32
    %sign3A_638 = arith.cmpi sgt, %jit3A_628, %sign3A_637 : i32
    %sign3A_639 = arith.extui %sign3A_638 : i1 to i32
    %sign3A_640 = arith.constant 0 : i32
    %sign3A_641 = arith.cmpi slt, %jit3A_628, %sign3A_640 : i32
    %sign3A_642 = arith.extui %sign3A_641 : i1 to i32
    %sign3A_643 = arith.subi %sign3A_639, %sign3A_642 : i32
    %ne3A_644 = arith.cmpi ne, %sign3A_636, %sign3A_643 : i32
    %rem3A_645 = arith.remsi %squeeze3A_627, %jit3A_628 : i32
    %ne3A_646 = arith.constant 0 : i32
    %ne3A_647 = arith.cmpi ne, %rem3A_645, %ne3A_646 : i32
    %and3A_648 = arith.andi %ne3A_644, %ne3A_647 : i1
    %sub3A_649 = arith.constant 1 : i32
    %sub3A_650 = arith.subi %div3A_629, %sub3A_649 : i32
    %select_n3A_651 = arith.select %and3A_648, %sub3A_650, %div3A_629 : i32
    %mul3A_652 = arith.constant 128 : i32
    %mul3A_653 = arith.muli %select_n3A_651, %mul3A_652 : i32
    %dma_start3A_654 = arith.constant 1 : i32
    %dma_start3A_655 = arith.constant 7 : i32
    %dma_start3A_656 = arith.constant 0 : i32
    %dma_start3A_657 = arith.constant 0 : i32
    %dma_start3A_658 = tpu.memref_slice %arg14[%dma_start3A_654, %dma_start3A_655, %dma_start3A_656, %dma_start3A_657] : memref<5x8x16x128xf32, #tpu.memory_space<vmem>> -> memref<1x1x16x128xf32, #tpu.memory_space<vmem>>
    %dma_start3A_659 = tpu.memref_squeeze %dma_start3A_658 : memref<1x1x16x128xf32, #tpu.memory_space<vmem>> -> memref<16x128xf32, #tpu.memory_space<vmem>>
    %dma_start3A_660 = arith.constant 0 : i32
    %dma_start3A_661 = tpu.memref_slice %arg4[%dma_start3A_660, %mul3A_653] : memref<16x1000001xf32, #tpu.memory_space<hbm>> -> memref<16x128xf32, #tpu.memory_space<hbm>>
    %dma_start3A_662 = arith.constant 0 : i32
    %dma_start3A_663 = arith.constant 0 : i32
    %dma_start3A_664 = tpu.memref_slice %arg14[%dma_start3A_654, %dma_start3A_655, %dma_start3A_662, %dma_start3A_663] : memref<5x8x16x128xf32, #tpu.memory_space<vmem>> -> memref<1x1x16x128xf32, #tpu.memory_space<vmem>>
    %dma_start3A_665 = tpu.memref_squeeze %dma_start3A_664 : memref<1x1x16x128xf32, #tpu.memory_space<vmem>> -> memref<16x128xf32, #tpu.memory_space<vmem>>
    %dma_start3A_666 = arith.constant 0 : i32
    %dma_start3A_667 = tpu.memref_slice %arg4[%dma_start3A_666, %mul3A_653] : memref<16x1000001xf32, #tpu.memory_space<hbm>> -> memref<16x128xf32, #tpu.memory_space<hbm>>
    tpu.enqueue_dma source(%dma_start3A_667 : memref<16x128xf32, #tpu.memory_space<hbm>>) target(%dma_start3A_665 : memref<16x128xf32, #tpu.memory_space<vmem>>) target_semaphore(%arg17 : memref<!tpu.dma_semaphore, #tpu.memory_space<semaphore_mem>>)
    %slice3A_668 = vector.extract_strided_slice %get3A_6 {offsets = [0], sizes = [1], strides = [1]} : vector<16xi32> to vector<1xi32>
    %squeeze3A_669 = vector.extract %slice3A_668[0] : i32 from vector<1xi32>
    %jit3A_670 = arith.constant 128 : i32
    %div3A_671 = arith.divsi %squeeze3A_669, %jit3A_670 : i32
    %sign3A_672 = arith.constant 0 : i32
    %sign3A_673 = arith.cmpi sgt, %squeeze3A_669, %sign3A_672 : i32
    %sign3A_674 = arith.extui %sign3A_673 : i1 to i32
    %sign3A_675 = arith.constant 0 : i32
    %sign3A_676 = arith.cmpi slt, %squeeze3A_669, %sign3A_675 : i32
    %sign3A_677 = arith.extui %sign3A_676 : i1 to i32
    %sign3A_678 = arith.subi %sign3A_674, %sign3A_677 : i32
    %sign3A_679 = arith.constant 0 : i32
    %sign3A_680 = arith.cmpi sgt, %jit3A_670, %sign3A_679 : i32
    %sign3A_681 = arith.extui %sign3A_680 : i1 to i32
    %sign3A_682 = arith.constant 0 : i32
    %sign3A_683 = arith.cmpi slt, %jit3A_670, %sign3A_682 : i32
    %sign3A_684 = arith.extui %sign3A_683 : i1 to i32
    %sign3A_685 = arith.subi %sign3A_681, %sign3A_684 : i32
    %ne3A_686 = arith.cmpi ne, %sign3A_678, %sign3A_685 : i32
    %rem3A_687 = arith.remsi %squeeze3A_669, %jit3A_670 : i32
    %ne3A_688 = arith.constant 0 : i32
    %ne3A_689 = arith.cmpi ne, %rem3A_687, %ne3A_688 : i32
    %and3A_690 = arith.andi %ne3A_686, %ne3A_689 : i1
    %sub3A_691 = arith.constant 1 : i32
    %sub3A_692 = arith.subi %div3A_671, %sub3A_691 : i32
    %select_n3A_693 = arith.select %and3A_690, %sub3A_692, %div3A_671 : i32
    %mul3A_694 = arith.constant 128 : i32
    %mul3A_695 = arith.muli %select_n3A_693, %mul3A_694 : i32
    %dma_start3A_696 = arith.constant 2 : i32
    %dma_start3A_697 = arith.constant 0 : i32
    %dma_start3A_698 = arith.constant 0 : i32
    %dma_start3A_699 = arith.constant 0 : i32
    %dma_start3A_700 = tpu.memref_slice %arg14[%dma_start3A_696, %dma_start3A_697, %dma_start3A_698, %dma_start3A_699] : memref<5x8x16x128xf32, #tpu.memory_space<vmem>> -> memref<1x1x16x128xf32, #tpu.memory_space<vmem>>
    %dma_start3A_701 = tpu.memref_squeeze %dma_start3A_700 : memref<1x1x16x128xf32, #tpu.memory_space<vmem>> -> memref<16x128xf32, #tpu.memory_space<vmem>>
    %dma_start3A_702 = arith.constant 0 : i32
    %dma_start3A_703 = tpu.memref_slice %arg4[%dma_start3A_702, %mul3A_695] : memref<16x1000001xf32, #tpu.memory_space<hbm>> -> memref<16x128xf32, #tpu.memory_space<hbm>>
    %dma_start3A_704 = arith.constant 0 : i32
    %dma_start3A_705 = arith.constant 0 : i32
    %dma_start3A_706 = tpu.memref_slice %arg14[%dma_start3A_696, %dma_start3A_697, %dma_start3A_704, %dma_start3A_705] : memref<5x8x16x128xf32, #tpu.memory_space<vmem>> -> memref<1x1x16x128xf32, #tpu.memory_space<vmem>>
    %dma_start3A_707 = tpu.memref_squeeze %dma_start3A_706 : memref<1x1x16x128xf32, #tpu.memory_space<vmem>> -> memref<16x128xf32, #tpu.memory_space<vmem>>
    %dma_start3A_708 = arith.constant 0 : i32
    %dma_start3A_709 = tpu.memref_slice %arg4[%dma_start3A_708, %mul3A_695] : memref<16x1000001xf32, #tpu.memory_space<hbm>> -> memref<16x128xf32, #tpu.memory_space<hbm>>
    tpu.enqueue_dma source(%dma_start3A_709 : memref<16x128xf32, #tpu.memory_space<hbm>>) target(%dma_start3A_707 : memref<16x128xf32, #tpu.memory_space<vmem>>) target_semaphore(%arg17 : memref<!tpu.dma_semaphore, #tpu.memory_space<semaphore_mem>>)
    %slice3A_710 = vector.extract_strided_slice %get3A_6 {offsets = [1], sizes = [1], strides = [1]} : vector<16xi32> to vector<1xi32>
    %squeeze3A_711 = vector.extract %slice3A_710[0] : i32 from vector<1xi32>
    %jit3A_712 = arith.constant 128 : i32
    %div3A_713 = arith.divsi %squeeze3A_711, %jit3A_712 : i32
    %sign3A_714 = arith.constant 0 : i32
    %sign3A_715 = arith.cmpi sgt, %squeeze3A_711, %sign3A_714 : i32
    %sign3A_716 = arith.extui %sign3A_715 : i1 to i32
    %sign3A_717 = arith.constant 0 : i32
    %sign3A_718 = arith.cmpi slt, %squeeze3A_711, %sign3A_717 : i32
    %sign3A_719 = arith.extui %sign3A_718 : i1 to i32
    %sign3A_720 = arith.subi %sign3A_716, %sign3A_719 : i32
    %sign3A_721 = arith.constant 0 : i32
    %sign3A_722 = arith.cmpi sgt, %jit3A_712, %sign3A_721 : i32
    %sign3A_723 = arith.extui %sign3A_722 : i1 to i32
    %sign3A_724 = arith.constant 0 : i32
    %sign3A_725 = arith.cmpi slt, %jit3A_712, %sign3A_724 : i32
    %sign3A_726 = arith.extui %sign3A_725 : i1 to i32
    %sign3A_727 = arith.subi %sign3A_723, %sign3A_726 : i32
    %ne3A_728 = arith.cmpi ne, %sign3A_720, %sign3A_727 : i32
    %rem3A_729 = arith.remsi %squeeze3A_711, %jit3A_712 : i32
    %ne3A_730 = arith.constant 0 : i32
    %ne3A_731 = arith.cmpi ne, %rem3A_729, %ne3A_730 : i32
    %and3A_732 = arith.andi %ne3A_728, %ne3A_731 : i1
    %sub3A_733 = arith.constant 1 : i32
    %sub3A_734 = arith.subi %div3A_713, %sub3A_733 : i32
    %select_n3A_735 = arith.select %and3A_732, %sub3A_734, %div3A_713 : i32
    %mul3A_736 = arith.constant 128 : i32
    %mul3A_737 = arith.muli %select_n3A_735, %mul3A_736 : i32
    %dma_start3A_738 = arith.constant 2 : i32
    %dma_start3A_739 = arith.constant 1 : i32
    %dma_start3A_740 = arith.constant 0 : i32
    %dma_start3A_741 = arith.constant 0 : i32
    %dma_start3A_742 = tpu.memref_slice %arg14[%dma_start3A_738, %dma_start3A_739, %dma_start3A_740, %dma_start3A_741] : memref<5x8x16x128xf32, #tpu.memory_space<vmem>> -> memref<1x1x16x128xf32, #tpu.memory_space<vmem>>
    %dma_start3A_743 = tpu.memref_squeeze %dma_start3A_742 : memref<1x1x16x128xf32, #tpu.memory_space<vmem>> -> memref<16x128xf32, #tpu.memory_space<vmem>>
    %dma_start3A_744 = arith.constant 0 : i32
    %dma_start3A_745 = tpu.memref_slice %arg4[%dma_start3A_744, %mul3A_737] : memref<16x1000001xf32, #tpu.memory_space<hbm>> -> memref<16x128xf32, #tpu.memory_space<hbm>>
    %dma_start3A_746 = arith.constant 0 : i32
    %dma_start3A_747 = arith.constant 0 : i32
    %dma_start3A_748 = tpu.memref_slice %arg14[%dma_start3A_738, %dma_start3A_739, %dma_start3A_746, %dma_start3A_747] : memref<5x8x16x128xf32, #tpu.memory_space<vmem>> -> memref<1x1x16x128xf32, #tpu.memory_space<vmem>>
    %dma_start3A_749 = tpu.memref_squeeze %dma_start3A_748 : memref<1x1x16x128xf32, #tpu.memory_space<vmem>> -> memref<16x128xf32, #tpu.memory_space<vmem>>
    %dma_start3A_750 = arith.constant 0 : i32
    %dma_start3A_751 = tpu.memref_slice %arg4[%dma_start3A_750, %mul3A_737] : memref<16x1000001xf32, #tpu.memory_space<hbm>> -> memref<16x128xf32, #tpu.memory_space<hbm>>
    tpu.enqueue_dma source(%dma_start3A_751 : memref<16x128xf32, #tpu.memory_space<hbm>>) target(%dma_start3A_749 : memref<16x128xf32, #tpu.memory_space<vmem>>) target_semaphore(%arg17 : memref<!tpu.dma_semaphore, #tpu.memory_space<semaphore_mem>>)
    %slice3A_752 = vector.extract_strided_slice %get3A_6 {offsets = [2], sizes = [1], strides = [1]} : vector<16xi32> to vector<1xi32>
    %squeeze3A_753 = vector.extract %slice3A_752[0] : i32 from vector<1xi32>
    %jit3A_754 = arith.constant 128 : i32
    %div3A_755 = arith.divsi %squeeze3A_753, %jit3A_754 : i32
    %sign3A_756 = arith.constant 0 : i32
    %sign3A_757 = arith.cmpi sgt, %squeeze3A_753, %sign3A_756 : i32
    %sign3A_758 = arith.extui %sign3A_757 : i1 to i32
    %sign3A_759 = arith.constant 0 : i32
    %sign3A_760 = arith.cmpi slt, %squeeze3A_753, %sign3A_759 : i32
    %sign3A_761 = arith.extui %sign3A_760 : i1 to i32
    %sign3A_762 = arith.subi %sign3A_758, %sign3A_761 : i32
    %sign3A_763 = arith.constant 0 : i32
    %sign3A_764 = arith.cmpi sgt, %jit3A_754, %sign3A_763 : i32
    %sign3A_765 = arith.extui %sign3A_764 : i1 to i32
    %sign3A_766 = arith.constant 0 : i32
    %sign3A_767 = arith.cmpi slt, %jit3A_754, %sign3A_766 : i32
    %sign3A_768 = arith.extui %sign3A_767 : i1 to i32
    %sign3A_769 = arith.subi %sign3A_765, %sign3A_768 : i32
    %ne3A_770 = arith.cmpi ne, %sign3A_762, %sign3A_769 : i32
    %rem3A_771 = arith.remsi %squeeze3A_753, %jit3A_754 : i32
    %ne3A_772 = arith.constant 0 : i32
    %ne3A_773 = arith.cmpi ne, %rem3A_771, %ne3A_772 : i32
    %and3A_774 = arith.andi %ne3A_770, %ne3A_773 : i1
    %sub3A_775 = arith.constant 1 : i32
    %sub3A_776 = arith.subi %div3A_755, %sub3A_775 : i32
    %select_n3A_777 = arith.select %and3A_774, %sub3A_776, %div3A_755 : i32
    %mul3A_778 = arith.constant 128 : i32
    %mul3A_779 = arith.muli %select_n3A_777, %mul3A_778 : i32
    %dma_start3A_780 = arith.constant 2 : i32
    %dma_start3A_781 = arith.constant 2 : i32
    %dma_start3A_782 = arith.constant 0 : i32
    %dma_start3A_783 = arith.constant 0 : i32
    %dma_start3A_784 = tpu.memref_slice %arg14[%dma_start3A_780, %dma_start3A_781, %dma_start3A_782, %dma_start3A_783] : memref<5x8x16x128xf32, #tpu.memory_space<vmem>> -> memref<1x1x16x128xf32, #tpu.memory_space<vmem>>
    %dma_start3A_785 = tpu.memref_squeeze %dma_start3A_784 : memref<1x1x16x128xf32, #tpu.memory_space<vmem>> -> memref<16x128xf32, #tpu.memory_space<vmem>>
    %dma_start3A_786 = arith.constant 0 : i32
    %dma_start3A_787 = tpu.memref_slice %arg4[%dma_start3A_786, %mul3A_779] : memref<16x1000001xf32, #tpu.memory_space<hbm>> -> memref<16x128xf32, #tpu.memory_space<hbm>>
    %dma_start3A_788 = arith.constant 0 : i32
    %dma_start3A_789 = arith.constant 0 : i32
    %dma_start3A_790 = tpu.memref_slice %arg14[%dma_start3A_780, %dma_start3A_781, %dma_start3A_788, %dma_start3A_789] : memref<5x8x16x128xf32, #tpu.memory_space<vmem>> -> memref<1x1x16x128xf32, #tpu.memory_space<vmem>>
    %dma_start3A_791 = tpu.memref_squeeze %dma_start3A_790 : memref<1x1x16x128xf32, #tpu.memory_space<vmem>> -> memref<16x128xf32, #tpu.memory_space<vmem>>
    %dma_start3A_792 = arith.constant 0 : i32
    %dma_start3A_793 = tpu.memref_slice %arg4[%dma_start3A_792, %mul3A_779] : memref<16x1000001xf32, #tpu.memory_space<hbm>> -> memref<16x128xf32, #tpu.memory_space<hbm>>
    tpu.enqueue_dma source(%dma_start3A_793 : memref<16x128xf32, #tpu.memory_space<hbm>>) target(%dma_start3A_791 : memref<16x128xf32, #tpu.memory_space<vmem>>) target_semaphore(%arg17 : memref<!tpu.dma_semaphore, #tpu.memory_space<semaphore_mem>>)
    %slice3A_794 = vector.extract_strided_slice %get3A_6 {offsets = [3], sizes = [1], strides = [1]} : vector<16xi32> to vector<1xi32>
    %squeeze3A_795 = vector.extract %slice3A_794[0] : i32 from vector<1xi32>
    %jit3A_796 = arith.constant 128 : i32
    %div3A_797 = arith.divsi %squeeze3A_795, %jit3A_796 : i32
    %sign3A_798 = arith.constant 0 : i32
    %sign3A_799 = arith.cmpi sgt, %squeeze3A_795, %sign3A_798 : i32
    %sign3A_800 = arith.extui %sign3A_799 : i1 to i32
    %sign3A_801 = arith.constant 0 : i32
    %sign3A_802 = arith.cmpi slt, %squeeze3A_795, %sign3A_801 : i32
    %sign3A_803 = arith.extui %sign3A_802 : i1 to i32
    %sign3A_804 = arith.subi %sign3A_800, %sign3A_803 : i32
    %sign3A_805 = arith.constant 0 : i32
    %sign3A_806 = arith.cmpi sgt, %jit3A_796, %sign3A_805 : i32
    %sign3A_807 = arith.extui %sign3A_806 : i1 to i32
    %sign3A_808 = arith.constant 0 : i32
    %sign3A_809 = arith.cmpi slt, %jit3A_796, %sign3A_808 : i32
    %sign3A_810 = arith.extui %sign3A_809 : i1 to i32
    %sign3A_811 = arith.subi %sign3A_807, %sign3A_810 : i32
    %ne3A_812 = arith.cmpi ne, %sign3A_804, %sign3A_811 : i32
    %rem3A_813 = arith.remsi %squeeze3A_795, %jit3A_796 : i32
    %ne3A_814 = arith.constant 0 : i32
    %ne3A_815 = arith.cmpi ne, %rem3A_813, %ne3A_814 : i32
    %and3A_816 = arith.andi %ne3A_812, %ne3A_815 : i1
    %sub3A_817 = arith.constant 1 : i32
    %sub3A_818 = arith.subi %div3A_797, %sub3A_817 : i32
    %select_n3A_819 = arith.select %and3A_816, %sub3A_818, %div3A_797 : i32
    %mul3A_820 = arith.constant 128 : i32
    %mul3A_821 = arith.muli %select_n3A_819, %mul3A_820 : i32
    %dma_start3A_822 = arith.constant 2 : i32
    %dma_start3A_823 = arith.constant 3 : i32
    %dma_start3A_824 = arith.constant 0 : i32
    %dma_start3A_825 = arith.constant 0 : i32
    %dma_start3A_826 = tpu.memref_slice %arg14[%dma_start3A_822, %dma_start3A_823, %dma_start3A_824, %dma_start3A_825] : memref<5x8x16x128xf32, #tpu.memory_space<vmem>> -> memref<1x1x16x128xf32, #tpu.memory_space<vmem>>
    %dma_start3A_827 = tpu.memref_squeeze %dma_start3A_826 : memref<1x1x16x128xf32, #tpu.memory_space<vmem>> -> memref<16x128xf32, #tpu.memory_space<vmem>>
    %dma_start3A_828 = arith.constant 0 : i32
    %dma_start3A_829 = tpu.memref_slice %arg4[%dma_start3A_828, %mul3A_821] : memref<16x1000001xf32, #tpu.memory_space<hbm>> -> memref<16x128xf32, #tpu.memory_space<hbm>>
    %dma_start3A_830 = arith.constant 0 : i32
    %dma_start3A_831 = arith.constant 0 : i32
    %dma_start3A_832 = tpu.memref_slice %arg14[%dma_start3A_822, %dma_start3A_823, %dma_start3A_830, %dma_start3A_831] : memref<5x8x16x128xf32, #tpu.memory_space<vmem>> -> memref<1x1x16x128xf32, #tpu.memory_space<vmem>>
    %dma_start3A_833 = tpu.memref_squeeze %dma_start3A_832 : memref<1x1x16x128xf32, #tpu.memory_space<vmem>> -> memref<16x128xf32, #tpu.memory_space<vmem>>
    %dma_start3A_834 = arith.constant 0 : i32
    %dma_start3A_835 = tpu.memref_slice %arg4[%dma_start3A_834, %mul3A_821] : memref<16x1000001xf32, #tpu.memory_space<hbm>> -> memref<16x128xf32, #tpu.memory_space<hbm>>
    tpu.enqueue_dma source(%dma_start3A_835 : memref<16x128xf32, #tpu.memory_space<hbm>>) target(%dma_start3A_833 : memref<16x128xf32, #tpu.memory_space<vmem>>) target_semaphore(%arg17 : memref<!tpu.dma_semaphore, #tpu.memory_space<semaphore_mem>>)
    %slice3A_836 = vector.extract_strided_slice %get3A_6 {offsets = [4], sizes = [1], strides = [1]} : vector<16xi32> to vector<1xi32>
    %squeeze3A_837 = vector.extract %slice3A_836[0] : i32 from vector<1xi32>
    %jit3A_838 = arith.constant 128 : i32
    %div3A_839 = arith.divsi %squeeze3A_837, %jit3A_838 : i32
    %sign3A_840 = arith.constant 0 : i32
    %sign3A_841 = arith.cmpi sgt, %squeeze3A_837, %sign3A_840 : i32
    %sign3A_842 = arith.extui %sign3A_841 : i1 to i32
    %sign3A_843 = arith.constant 0 : i32
    %sign3A_844 = arith.cmpi slt, %squeeze3A_837, %sign3A_843 : i32
    %sign3A_845 = arith.extui %sign3A_844 : i1 to i32
    %sign3A_846 = arith.subi %sign3A_842, %sign3A_845 : i32
    %sign3A_847 = arith.constant 0 : i32
    %sign3A_848 = arith.cmpi sgt, %jit3A_838, %sign3A_847 : i32
    %sign3A_849 = arith.extui %sign3A_848 : i1 to i32
    %sign3A_850 = arith.constant 0 : i32
    %sign3A_851 = arith.cmpi slt, %jit3A_838, %sign3A_850 : i32
    %sign3A_852 = arith.extui %sign3A_851 : i1 to i32
    %sign3A_853 = arith.subi %sign3A_849, %sign3A_852 : i32
    %ne3A_854 = arith.cmpi ne, %sign3A_846, %sign3A_853 : i32
    %rem3A_855 = arith.remsi %squeeze3A_837, %jit3A_838 : i32
    %ne3A_856 = arith.constant 0 : i32
    %ne3A_857 = arith.cmpi ne, %rem3A_855, %ne3A_856 : i32
    %and3A_858 = arith.andi %ne3A_854, %ne3A_857 : i1
    %sub3A_859 = arith.constant 1 : i32
    %sub3A_860 = arith.subi %div3A_839, %sub3A_859 : i32
    %select_n3A_861 = arith.select %and3A_858, %sub3A_860, %div3A_839 : i32
    %mul3A_862 = arith.constant 128 : i32
    %mul3A_863 = arith.muli %select_n3A_861, %mul3A_862 : i32
    %dma_start3A_864 = arith.constant 2 : i32
    %dma_start3A_865 = arith.constant 4 : i32
    %dma_start3A_866 = arith.constant 0 : i32
    %dma_start3A_867 = arith.constant 0 : i32
    %dma_start3A_868 = tpu.memref_slice %arg14[%dma_start3A_864, %dma_start3A_865, %dma_start3A_866, %dma_start3A_867] : memref<5x8x16x128xf32, #tpu.memory_space<vmem>> -> memref<1x1x16x128xf32, #tpu.memory_space<vmem>>
    %dma_start3A_869 = tpu.memref_squeeze %dma_start3A_868 : memref<1x1x16x128xf32, #tpu.memory_space<vmem>> -> memref<16x128xf32, #tpu.memory_space<vmem>>
    %dma_start3A_870 = arith.constant 0 : i32
    %dma_start3A_871 = tpu.memref_slice %arg4[%dma_start3A_870, %mul3A_863] : memref<16x1000001xf32, #tpu.memory_space<hbm>> -> memref<16x128xf32, #tpu.memory_space<hbm>>
    %dma_start3A_872 = arith.constant 0 : i32
    %dma_start3A_873 = arith.constant 0 : i32
    %dma_start3A_874 = tpu.memref_slice %arg14[%dma_start3A_864, %dma_start3A_865, %dma_start3A_872, %dma_start3A_873] : memref<5x8x16x128xf32, #tpu.memory_space<vmem>> -> memref<1x1x16x128xf32, #tpu.memory_space<vmem>>
    %dma_start3A_875 = tpu.memref_squeeze %dma_start3A_874 : memref<1x1x16x128xf32, #tpu.memory_space<vmem>> -> memref<16x128xf32, #tpu.memory_space<vmem>>
    %dma_start3A_876 = arith.constant 0 : i32
    %dma_start3A_877 = tpu.memref_slice %arg4[%dma_start3A_876, %mul3A_863] : memref<16x1000001xf32, #tpu.memory_space<hbm>> -> memref<16x128xf32, #tpu.memory_space<hbm>>
    tpu.enqueue_dma source(%dma_start3A_877 : memref<16x128xf32, #tpu.memory_space<hbm>>) target(%dma_start3A_875 : memref<16x128xf32, #tpu.memory_space<vmem>>) target_semaphore(%arg17 : memref<!tpu.dma_semaphore, #tpu.memory_space<semaphore_mem>>)
    %slice3A_878 = vector.extract_strided_slice %get3A_6 {offsets = [5], sizes = [1], strides = [1]} : vector<16xi32> to vector<1xi32>
    %squeeze3A_879 = vector.extract %slice3A_878[0] : i32 from vector<1xi32>
    %jit3A_880 = arith.constant 128 : i32
    %div3A_881 = arith.divsi %squeeze3A_879, %jit3A_880 : i32
    %sign3A_882 = arith.constant 0 : i32
    %sign3A_883 = arith.cmpi sgt, %squeeze3A_879, %sign3A_882 : i32
    %sign3A_884 = arith.extui %sign3A_883 : i1 to i32
    %sign3A_885 = arith.constant 0 : i32
    %sign3A_886 = arith.cmpi slt, %squeeze3A_879, %sign3A_885 : i32
    %sign3A_887 = arith.extui %sign3A_886 : i1 to i32
    %sign3A_888 = arith.subi %sign3A_884, %sign3A_887 : i32
    %sign3A_889 = arith.constant 0 : i32
    %sign3A_890 = arith.cmpi sgt, %jit3A_880, %sign3A_889 : i32
    %sign3A_891 = arith.extui %sign3A_890 : i1 to i32
    %sign3A_892 = arith.constant 0 : i32
    %sign3A_893 = arith.cmpi slt, %jit3A_880, %sign3A_892 : i32
    %sign3A_894 = arith.extui %sign3A_893 : i1 to i32
    %sign3A_895 = arith.subi %sign3A_891, %sign3A_894 : i32
    %ne3A_896 = arith.cmpi ne, %sign3A_888, %sign3A_895 : i32
    %rem3A_897 = arith.remsi %squeeze3A_879, %jit3A_880 : i32
    %ne3A_898 = arith.constant 0 : i32
    %ne3A_899 = arith.cmpi ne, %rem3A_897, %ne3A_898 : i32
    %and3A_900 = arith.andi %ne3A_896, %ne3A_899 : i1
    %sub3A_901 = arith.constant 1 : i32
    %sub3A_902 = arith.subi %div3A_881, %sub3A_901 : i32
    %select_n3A_903 = arith.select %and3A_900, %sub3A_902, %div3A_881 : i32
    %mul3A_904 = arith.constant 128 : i32
    %mul3A_905 = arith.muli %select_n3A_903, %mul3A_904 : i32
    %dma_start3A_906 = arith.constant 2 : i32
    %dma_start3A_907 = arith.constant 5 : i32
    %dma_start3A_908 = arith.constant 0 : i32
    %dma_start3A_909 = arith.constant 0 : i32
    %dma_start3A_910 = tpu.memref_slice %arg14[%dma_start3A_906, %dma_start3A_907, %dma_start3A_908, %dma_start3A_909] : memref<5x8x16x128xf32, #tpu.memory_space<vmem>> -> memref<1x1x16x128xf32, #tpu.memory_space<vmem>>
    %dma_start3A_911 = tpu.memref_squeeze %dma_start3A_910 : memref<1x1x16x128xf32, #tpu.memory_space<vmem>> -> memref<16x128xf32, #tpu.memory_space<vmem>>
    %dma_start3A_912 = arith.constant 0 : i32
    %dma_start3A_913 = tpu.memref_slice %arg4[%dma_start3A_912, %mul3A_905] : memref<16x1000001xf32, #tpu.memory_space<hbm>> -> memref<16x128xf32, #tpu.memory_space<hbm>>
    %dma_start3A_914 = arith.constant 0 : i32
    %dma_start3A_915 = arith.constant 0 : i32
    %dma_start3A_916 = tpu.memref_slice %arg14[%dma_start3A_906, %dma_start3A_907, %dma_start3A_914, %dma_start3A_915] : memref<5x8x16x128xf32, #tpu.memory_space<vmem>> -> memref<1x1x16x128xf32, #tpu.memory_space<vmem>>
    %dma_start3A_917 = tpu.memref_squeeze %dma_start3A_916 : memref<1x1x16x128xf32, #tpu.memory_space<vmem>> -> memref<16x128xf32, #tpu.memory_space<vmem>>
    %dma_start3A_918 = arith.constant 0 : i32
    %dma_start3A_919 = tpu.memref_slice %arg4[%dma_start3A_918, %mul3A_905] : memref<16x1000001xf32, #tpu.memory_space<hbm>> -> memref<16x128xf32, #tpu.memory_space<hbm>>
    tpu.enqueue_dma source(%dma_start3A_919 : memref<16x128xf32, #tpu.memory_space<hbm>>) target(%dma_start3A_917 : memref<16x128xf32, #tpu.memory_space<vmem>>) target_semaphore(%arg17 : memref<!tpu.dma_semaphore, #tpu.memory_space<semaphore_mem>>)
    %slice3A_920 = vector.extract_strided_slice %get3A_6 {offsets = [6], sizes = [1], strides = [1]} : vector<16xi32> to vector<1xi32>
    %squeeze3A_921 = vector.extract %slice3A_920[0] : i32 from vector<1xi32>
    %jit3A_922 = arith.constant 128 : i32
    %div3A_923 = arith.divsi %squeeze3A_921, %jit3A_922 : i32
    %sign3A_924 = arith.constant 0 : i32
    %sign3A_925 = arith.cmpi sgt, %squeeze3A_921, %sign3A_924 : i32
    %sign3A_926 = arith.extui %sign3A_925 : i1 to i32
    %sign3A_927 = arith.constant 0 : i32
    %sign3A_928 = arith.cmpi slt, %squeeze3A_921, %sign3A_927 : i32
    %sign3A_929 = arith.extui %sign3A_928 : i1 to i32
    %sign3A_930 = arith.subi %sign3A_926, %sign3A_929 : i32
    %sign3A_931 = arith.constant 0 : i32
    %sign3A_932 = arith.cmpi sgt, %jit3A_922, %sign3A_931 : i32
    %sign3A_933 = arith.extui %sign3A_932 : i1 to i32
    %sign3A_934 = arith.constant 0 : i32
    %sign3A_935 = arith.cmpi slt, %jit3A_922, %sign3A_934 : i32
    %sign3A_936 = arith.extui %sign3A_935 : i1 to i32
    %sign3A_937 = arith.subi %sign3A_933, %sign3A_936 : i32
    %ne3A_938 = arith.cmpi ne, %sign3A_930, %sign3A_937 : i32
    %rem3A_939 = arith.remsi %squeeze3A_921, %jit3A_922 : i32
    %ne3A_940 = arith.constant 0 : i32
    %ne3A_941 = arith.cmpi ne, %rem3A_939, %ne3A_940 : i32
    %and3A_942 = arith.andi %ne3A_938, %ne3A_941 : i1
    %sub3A_943 = arith.constant 1 : i32
    %sub3A_944 = arith.subi %div3A_923, %sub3A_943 : i32
    %select_n3A_945 = arith.select %and3A_942, %sub3A_944, %div3A_923 : i32
    %mul3A_946 = arith.constant 128 : i32
    %mul3A_947 = arith.muli %select_n3A_945, %mul3A_946 : i32
    %dma_start3A_948 = arith.constant 2 : i32
    %dma_start3A_949 = arith.constant 6 : i32
    %dma_start3A_950 = arith.constant 0 : i32
    %dma_start3A_951 = arith.constant 0 : i32
    %dma_start3A_952 = tpu.memref_slice %arg14[%dma_start3A_948, %dma_start3A_949, %dma_start3A_950, %dma_start3A_951] : memref<5x8x16x128xf32, #tpu.memory_space<vmem>> -> memref<1x1x16x128xf32, #tpu.memory_space<vmem>>
    %dma_start3A_953 = tpu.memref_squeeze %dma_start3A_952 : memref<1x1x16x128xf32, #tpu.memory_space<vmem>> -> memref<16x128xf32, #tpu.memory_space<vmem>>
    %dma_start3A_954 = arith.constant 0 : i32
    %dma_start3A_955 = tpu.memref_slice %arg4[%dma_start3A_954, %mul3A_947] : memref<16x1000001xf32, #tpu.memory_space<hbm>> -> memref<16x128xf32, #tpu.memory_space<hbm>>
    %dma_start3A_956 = arith.constant 0 : i32
    %dma_start3A_957 = arith.constant 0 : i32
    %dma_start3A_958 = tpu.memref_slice %arg14[%dma_start3A_948, %dma_start3A_949, %dma_start3A_956, %dma_start3A_957] : memref<5x8x16x128xf32, #tpu.memory_space<vmem>> -> memref<1x1x16x128xf32, #tpu.memory_space<vmem>>
    %dma_start3A_959 = tpu.memref_squeeze %dma_start3A_958 : memref<1x1x16x128xf32, #tpu.memory_space<vmem>> -> memref<16x128xf32, #tpu.memory_space<vmem>>
    %dma_start3A_960 = arith.constant 0 : i32
    %dma_start3A_961 = tpu.memref_slice %arg4[%dma_start3A_960, %mul3A_947] : memref<16x1000001xf32, #tpu.memory_space<hbm>> -> memref<16x128xf32, #tpu.memory_space<hbm>>
    tpu.enqueue_dma source(%dma_start3A_961 : memref<16x128xf32, #tpu.memory_space<hbm>>) target(%dma_start3A_959 : memref<16x128xf32, #tpu.memory_space<vmem>>) target_semaphore(%arg17 : memref<!tpu.dma_semaphore, #tpu.memory_space<semaphore_mem>>)
    %slice3A_962 = vector.extract_strided_slice %get3A_6 {offsets = [7], sizes = [1], strides = [1]} : vector<16xi32> to vector<1xi32>
    %squeeze3A_963 = vector.extract %slice3A_962[0] : i32 from vector<1xi32>
    %jit3A_964 = arith.constant 128 : i32
    %div3A_965 = arith.divsi %squeeze3A_963, %jit3A_964 : i32
    %sign3A_966 = arith.constant 0 : i32
    %sign3A_967 = arith.cmpi sgt, %squeeze3A_963, %sign3A_966 : i32
    %sign3A_968 = arith.extui %sign3A_967 : i1 to i32
    %sign3A_969 = arith.constant 0 : i32
    %sign3A_970 = arith.cmpi slt, %squeeze3A_963, %sign3A_969 : i32
    %sign3A_971 = arith.extui %sign3A_970 : i1 to i32
    %sign3A_972 = arith.subi %sign3A_968, %sign3A_971 : i32
    %sign3A_973 = arith.constant 0 : i32
    %sign3A_974 = arith.cmpi sgt, %jit3A_964, %sign3A_973 : i32
    %sign3A_975 = arith.extui %sign3A_974 : i1 to i32
    %sign3A_976 = arith.constant 0 : i32
    %sign3A_977 = arith.cmpi slt, %jit3A_964, %sign3A_976 : i32
    %sign3A_978 = arith.extui %sign3A_977 : i1 to i32
    %sign3A_979 = arith.subi %sign3A_975, %sign3A_978 : i32
    %ne3A_980 = arith.cmpi ne, %sign3A_972, %sign3A_979 : i32
    %rem3A_981 = arith.remsi %squeeze3A_963, %jit3A_964 : i32
    %ne3A_982 = arith.constant 0 : i32
    %ne3A_983 = arith.cmpi ne, %rem3A_981, %ne3A_982 : i32
    %and3A_984 = arith.andi %ne3A_980, %ne3A_983 : i1
    %sub3A_985 = arith.constant 1 : i32
    %sub3A_986 = arith.subi %div3A_965, %sub3A_985 : i32
    %select_n3A_987 = arith.select %and3A_984, %sub3A_986, %div3A_965 : i32
    %mul3A_988 = arith.constant 128 : i32
    %mul3A_989 = arith.muli %select_n3A_987, %mul3A_988 : i32
    %dma_start3A_990 = arith.constant 2 : i32
    %dma_start3A_991 = arith.constant 7 : i32
    %dma_start3A_992 = arith.constant 0 : i32
    %dma_start3A_993 = arith.constant 0 : i32
    %dma_start3A_994 = tpu.memref_slice %arg14[%dma_start3A_990, %dma_start3A_991, %dma_start3A_992, %dma_start3A_993] : memref<5x8x16x128xf32, #tpu.memory_space<vmem>> -> memref<1x1x16x128xf32, #tpu.memory_space<vmem>>
    %dma_start3A_995 = tpu.memref_squeeze %dma_start3A_994 : memref<1x1x16x128xf32, #tpu.memory_space<vmem>> -> memref<16x128xf32, #tpu.memory_space<vmem>>
    %dma_start3A_996 = arith.constant 0 : i32
    %dma_start3A_997 = tpu.memref_slice %arg4[%dma_start3A_996, %mul3A_989] : memref<16x1000001xf32, #tpu.memory_space<hbm>> -> memref<16x128xf32, #tpu.memory_space<hbm>>
    %dma_start3A_998 = arith.constant 0 : i32
    %dma_start3A_999 = arith.constant 0 : i32
    %dma_start3A_1000 = tpu.memref_slice %arg14[%dma_start3A_990, %dma_start3A_991, %dma_start3A_998, %dma_start3A_999] : memref<5x8x16x128xf32, #tpu.memory_space<vmem>> -> memref<1x1x16x128xf32, #tpu.memory_space<vmem>>
    %dma_start3A_1001 = tpu.memref_squeeze %dma_start3A_1000 : memref<1x1x16x128xf32, #tpu.memory_space<vmem>> -> memref<16x128xf32, #tpu.memory_space<vmem>>
    %dma_start3A_1002 = arith.constant 0 : i32
    %dma_start3A_1003 = tpu.memref_slice %arg4[%dma_start3A_1002, %mul3A_989] : memref<16x1000001xf32, #tpu.memory_space<hbm>> -> memref<16x128xf32, #tpu.memory_space<hbm>>
    tpu.enqueue_dma source(%dma_start3A_1003 : memref<16x128xf32, #tpu.memory_space<hbm>>) target(%dma_start3A_1001 : memref<16x128xf32, #tpu.memory_space<vmem>>) target_semaphore(%arg17 : memref<!tpu.dma_semaphore, #tpu.memory_space<semaphore_mem>>)
    %slice3A_1004 = vector.extract_strided_slice %get3A_6 {offsets = [8], sizes = [1], strides = [1]} : vector<16xi32> to vector<1xi32>
    %squeeze3A_1005 = vector.extract %slice3A_1004[0] : i32 from vector<1xi32>
    %jit3A_1006 = arith.constant 128 : i32
    %div3A_1007 = arith.divsi %squeeze3A_1005, %jit3A_1006 : i32
    %sign3A_1008 = arith.constant 0 : i32
    %sign3A_1009 = arith.cmpi sgt, %squeeze3A_1005, %sign3A_1008 : i32
    %sign3A_1010 = arith.extui %sign3A_1009 : i1 to i32
    %sign3A_1011 = arith.constant 0 : i32
    %sign3A_1012 = arith.cmpi slt, %squeeze3A_1005, %sign3A_1011 : i32
    %sign3A_1013 = arith.extui %sign3A_1012 : i1 to i32
    %sign3A_1014 = arith.subi %sign3A_1010, %sign3A_1013 : i32
    %sign3A_1015 = arith.constant 0 : i32
    %sign3A_1016 = arith.cmpi sgt, %jit3A_1006, %sign3A_1015 : i32
    %sign3A_1017 = arith.extui %sign3A_1016 : i1 to i32
    %sign3A_1018 = arith.constant 0 : i32
    %sign3A_1019 = arith.cmpi slt, %jit3A_1006, %sign3A_1018 : i32
    %sign3A_1020 = arith.extui %sign3A_1019 : i1 to i32
    %sign3A_1021 = arith.subi %sign3A_1017, %sign3A_1020 : i32
    %ne3A_1022 = arith.cmpi ne, %sign3A_1014, %sign3A_1021 : i32
    %rem3A_1023 = arith.remsi %squeeze3A_1005, %jit3A_1006 : i32
    %ne3A_1024 = arith.constant 0 : i32
    %ne3A_1025 = arith.cmpi ne, %rem3A_1023, %ne3A_1024 : i32
    %and3A_1026 = arith.andi %ne3A_1022, %ne3A_1025 : i1
    %sub3A_1027 = arith.constant 1 : i32
    %sub3A_1028 = arith.subi %div3A_1007, %sub3A_1027 : i32
    %select_n3A_1029 = arith.select %and3A_1026, %sub3A_1028, %div3A_1007 : i32
    %mul3A_1030 = arith.constant 128 : i32
    %mul3A_1031 = arith.muli %select_n3A_1029, %mul3A_1030 : i32
    %dma_start3A_1032 = arith.constant 3 : i32
    %dma_start3A_1033 = arith.constant 0 : i32
    %dma_start3A_1034 = arith.constant 0 : i32
    %dma_start3A_1035 = arith.constant 0 : i32
    %dma_start3A_1036 = tpu.memref_slice %arg14[%dma_start3A_1032, %dma_start3A_1033, %dma_start3A_1034, %dma_start3A_1035] : memref<5x8x16x128xf32, #tpu.memory_space<vmem>> -> memref<1x1x16x128xf32, #tpu.memory_space<vmem>>
    %dma_start3A_1037 = tpu.memref_squeeze %dma_start3A_1036 : memref<1x1x16x128xf32, #tpu.memory_space<vmem>> -> memref<16x128xf32, #tpu.memory_space<vmem>>
    %dma_start3A_1038 = arith.constant 0 : i32
    %dma_start3A_1039 = tpu.memref_slice %arg4[%dma_start3A_1038, %mul3A_1031] : memref<16x1000001xf32, #tpu.memory_space<hbm>> -> memref<16x128xf32, #tpu.memory_space<hbm>>
    %dma_start3A_1040 = arith.constant 0 : i32
    %dma_start3A_1041 = arith.constant 0 : i32
    %dma_start3A_1042 = tpu.memref_slice %arg14[%dma_start3A_1032, %dma_start3A_1033, %dma_start3A_1040, %dma_start3A_1041] : memref<5x8x16x128xf32, #tpu.memory_space<vmem>> -> memref<1x1x16x128xf32, #tpu.memory_space<vmem>>
    %dma_start3A_1043 = tpu.memref_squeeze %dma_start3A_1042 : memref<1x1x16x128xf32, #tpu.memory_space<vmem>> -> memref<16x128xf32, #tpu.memory_space<vmem>>
    %dma_start3A_1044 = arith.constant 0 : i32
    %dma_start3A_1045 = tpu.memref_slice %arg4[%dma_start3A_1044, %mul3A_1031] : memref<16x1000001xf32, #tpu.memory_space<hbm>> -> memref<16x128xf32, #tpu.memory_space<hbm>>
    tpu.enqueue_dma source(%dma_start3A_1045 : memref<16x128xf32, #tpu.memory_space<hbm>>) target(%dma_start3A_1043 : memref<16x128xf32, #tpu.memory_space<vmem>>) target_semaphore(%arg17 : memref<!tpu.dma_semaphore, #tpu.memory_space<semaphore_mem>>)
    %slice3A_1046 = vector.extract_strided_slice %get3A_6 {offsets = [9], sizes = [1], strides = [1]} : vector<16xi32> to vector<1xi32>
    %squeeze3A_1047 = vector.extract %slice3A_1046[0] : i32 from vector<1xi32>
    %jit3A_1048 = arith.constant 128 : i32
    %div3A_1049 = arith.divsi %squeeze3A_1047, %jit3A_1048 : i32
    %sign3A_1050 = arith.constant 0 : i32
    %sign3A_1051 = arith.cmpi sgt, %squeeze3A_1047, %sign3A_1050 : i32
    %sign3A_1052 = arith.extui %sign3A_1051 : i1 to i32
    %sign3A_1053 = arith.constant 0 : i32
    %sign3A_1054 = arith.cmpi slt, %squeeze3A_1047, %sign3A_1053 : i32
    %sign3A_1055 = arith.extui %sign3A_1054 : i1 to i32
    %sign3A_1056 = arith.subi %sign3A_1052, %sign3A_1055 : i32
    %sign3A_1057 = arith.constant 0 : i32
    %sign3A_1058 = arith.cmpi sgt, %jit3A_1048, %sign3A_1057 : i32
    %sign3A_1059 = arith.extui %sign3A_1058 : i1 to i32
    %sign3A_1060 = arith.constant 0 : i32
    %sign3A_1061 = arith.cmpi slt, %jit3A_1048, %sign3A_1060 : i32
    %sign3A_1062 = arith.extui %sign3A_1061 : i1 to i32
    %sign3A_1063 = arith.subi %sign3A_1059, %sign3A_1062 : i32
    %ne3A_1064 = arith.cmpi ne, %sign3A_1056, %sign3A_1063 : i32
    %rem3A_1065 = arith.remsi %squeeze3A_1047, %jit3A_1048 : i32
    %ne3A_1066 = arith.constant 0 : i32
    %ne3A_1067 = arith.cmpi ne, %rem3A_1065, %ne3A_1066 : i32
    %and3A_1068 = arith.andi %ne3A_1064, %ne3A_1067 : i1
    %sub3A_1069 = arith.constant 1 : i32
    %sub3A_1070 = arith.subi %div3A_1049, %sub3A_1069 : i32
    %select_n3A_1071 = arith.select %and3A_1068, %sub3A_1070, %div3A_1049 : i32
    %mul3A_1072 = arith.constant 128 : i32
    %mul3A_1073 = arith.muli %select_n3A_1071, %mul3A_1072 : i32
    %dma_start3A_1074 = arith.constant 3 : i32
    %dma_start3A_1075 = arith.constant 1 : i32
    %dma_start3A_1076 = arith.constant 0 : i32
    %dma_start3A_1077 = arith.constant 0 : i32
    %dma_start3A_1078 = tpu.memref_slice %arg14[%dma_start3A_1074, %dma_start3A_1075, %dma_start3A_1076, %dma_start3A_1077] : memref<5x8x16x128xf32, #tpu.memory_space<vmem>> -> memref<1x1x16x128xf32, #tpu.memory_space<vmem>>
    %dma_start3A_1079 = tpu.memref_squeeze %dma_start3A_1078 : memref<1x1x16x128xf32, #tpu.memory_space<vmem>> -> memref<16x128xf32, #tpu.memory_space<vmem>>
    %dma_start3A_1080 = arith.constant 0 : i32
    %dma_start3A_1081 = tpu.memref_slice %arg4[%dma_start3A_1080, %mul3A_1073] : memref<16x1000001xf32, #tpu.memory_space<hbm>> -> memref<16x128xf32, #tpu.memory_space<hbm>>
    %dma_start3A_1082 = arith.constant 0 : i32
    %dma_start3A_1083 = arith.constant 0 : i32
    %dma_start3A_1084 = tpu.memref_slice %arg14[%dma_start3A_1074, %dma_start3A_1075, %dma_start3A_1082, %dma_start3A_1083] : memref<5x8x16x128xf32, #tpu.memory_space<vmem>> -> memref<1x1x16x128xf32, #tpu.memory_space<vmem>>
    %dma_start3A_1085 = tpu.memref_squeeze %dma_start3A_1084 : memref<1x1x16x128xf32, #tpu.memory_space<vmem>> -> memref<16x128xf32, #tpu.memory_space<vmem>>
    %dma_start3A_1086 = arith.constant 0 : i32
    %dma_start3A_1087 = tpu.memref_slice %arg4[%dma_start3A_1086, %mul3A_1073] : memref<16x1000001xf32, #tpu.memory_space<hbm>> -> memref<16x128xf32, #tpu.memory_space<hbm>>
    tpu.enqueue_dma source(%dma_start3A_1087 : memref<16x128xf32, #tpu.memory_space<hbm>>) target(%dma_start3A_1085 : memref<16x128xf32, #tpu.memory_space<vmem>>) target_semaphore(%arg17 : memref<!tpu.dma_semaphore, #tpu.memory_space<semaphore_mem>>)
    %slice3A_1088 = vector.extract_strided_slice %get3A_6 {offsets = [10], sizes = [1], strides = [1]} : vector<16xi32> to vector<1xi32>
    %squeeze3A_1089 = vector.extract %slice3A_1088[0] : i32 from vector<1xi32>
    %jit3A_1090 = arith.constant 128 : i32
    %div3A_1091 = arith.divsi %squeeze3A_1089, %jit3A_1090 : i32
    %sign3A_1092 = arith.constant 0 : i32
    %sign3A_1093 = arith.cmpi sgt, %squeeze3A_1089, %sign3A_1092 : i32
    %sign3A_1094 = arith.extui %sign3A_1093 : i1 to i32
    %sign3A_1095 = arith.constant 0 : i32
    %sign3A_1096 = arith.cmpi slt, %squeeze3A_1089, %sign3A_1095 : i32
    %sign3A_1097 = arith.extui %sign3A_1096 : i1 to i32
    %sign3A_1098 = arith.subi %sign3A_1094, %sign3A_1097 : i32
    %sign3A_1099 = arith.constant 0 : i32
    %sign3A_1100 = arith.cmpi sgt, %jit3A_1090, %sign3A_1099 : i32
    %sign3A_1101 = arith.extui %sign3A_1100 : i1 to i32
    %sign3A_1102 = arith.constant 0 : i32
    %sign3A_1103 = arith.cmpi slt, %jit3A_1090, %sign3A_1102 : i32
    %sign3A_1104 = arith.extui %sign3A_1103 : i1 to i32
    %sign3A_1105 = arith.subi %sign3A_1101, %sign3A_1104 : i32
    %ne3A_1106 = arith.cmpi ne, %sign3A_1098, %sign3A_1105 : i32
    %rem3A_1107 = arith.remsi %squeeze3A_1089, %jit3A_1090 : i32
    %ne3A_1108 = arith.constant 0 : i32
    %ne3A_1109 = arith.cmpi ne, %rem3A_1107, %ne3A_1108 : i32
    %and3A_1110 = arith.andi %ne3A_1106, %ne3A_1109 : i1
    %sub3A_1111 = arith.constant 1 : i32
    %sub3A_1112 = arith.subi %div3A_1091, %sub3A_1111 : i32
    %select_n3A_1113 = arith.select %and3A_1110, %sub3A_1112, %div3A_1091 : i32
    %mul3A_1114 = arith.constant 128 : i32
    %mul3A_1115 = arith.muli %select_n3A_1113, %mul3A_1114 : i32
    %dma_start3A_1116 = arith.constant 3 : i32
    %dma_start3A_1117 = arith.constant 2 : i32
    %dma_start3A_1118 = arith.constant 0 : i32
    %dma_start3A_1119 = arith.constant 0 : i32
    %dma_start3A_1120 = tpu.memref_slice %arg14[%dma_start3A_1116, %dma_start3A_1117, %dma_start3A_1118, %dma_start3A_1119] : memref<5x8x16x128xf32, #tpu.memory_space<vmem>> -> memref<1x1x16x128xf32, #tpu.memory_space<vmem>>
    %dma_start3A_1121 = tpu.memref_squeeze %dma_start3A_1120 : memref<1x1x16x128xf32, #tpu.memory_space<vmem>> -> memref<16x128xf32, #tpu.memory_space<vmem>>
    %dma_start3A_1122 = arith.constant 0 : i32
    %dma_start3A_1123 = tpu.memref_slice %arg4[%dma_start3A_1122, %mul3A_1115] : memref<16x1000001xf32, #tpu.memory_space<hbm>> -> memref<16x128xf32, #tpu.memory_space<hbm>>
    %dma_start3A_1124 = arith.constant 0 : i32
    %dma_start3A_1125 = arith.constant 0 : i32
    %dma_start3A_1126 = tpu.memref_slice %arg14[%dma_start3A_1116, %dma_start3A_1117, %dma_start3A_1124, %dma_start3A_1125] : memref<5x8x16x128xf32, #tpu.memory_space<vmem>> -> memref<1x1x16x128xf32, #tpu.memory_space<vmem>>
    %dma_start3A_1127 = tpu.memref_squeeze %dma_start3A_1126 : memref<1x1x16x128xf32, #tpu.memory_space<vmem>> -> memref<16x128xf32, #tpu.memory_space<vmem>>
    %dma_start3A_1128 = arith.constant 0 : i32
    %dma_start3A_1129 = tpu.memref_slice %arg4[%dma_start3A_1128, %mul3A_1115] : memref<16x1000001xf32, #tpu.memory_space<hbm>> -> memref<16x128xf32, #tpu.memory_space<hbm>>
    tpu.enqueue_dma source(%dma_start3A_1129 : memref<16x128xf32, #tpu.memory_space<hbm>>) target(%dma_start3A_1127 : memref<16x128xf32, #tpu.memory_space<vmem>>) target_semaphore(%arg17 : memref<!tpu.dma_semaphore, #tpu.memory_space<semaphore_mem>>)
    %slice3A_1130 = vector.extract_strided_slice %get3A_6 {offsets = [11], sizes = [1], strides = [1]} : vector<16xi32> to vector<1xi32>
    %squeeze3A_1131 = vector.extract %slice3A_1130[0] : i32 from vector<1xi32>
    %jit3A_1132 = arith.constant 128 : i32
    %div3A_1133 = arith.divsi %squeeze3A_1131, %jit3A_1132 : i32
    %sign3A_1134 = arith.constant 0 : i32
    %sign3A_1135 = arith.cmpi sgt, %squeeze3A_1131, %sign3A_1134 : i32
    %sign3A_1136 = arith.extui %sign3A_1135 : i1 to i32
    %sign3A_1137 = arith.constant 0 : i32
    %sign3A_1138 = arith.cmpi slt, %squeeze3A_1131, %sign3A_1137 : i32
    %sign3A_1139 = arith.extui %sign3A_1138 : i1 to i32
    %sign3A_1140 = arith.subi %sign3A_1136, %sign3A_1139 : i32
    %sign3A_1141 = arith.constant 0 : i32
    %sign3A_1142 = arith.cmpi sgt, %jit3A_1132, %sign3A_1141 : i32
    %sign3A_1143 = arith.extui %sign3A_1142 : i1 to i32
    %sign3A_1144 = arith.constant 0 : i32
    %sign3A_1145 = arith.cmpi slt, %jit3A_1132, %sign3A_1144 : i32
    %sign3A_1146 = arith.extui %sign3A_1145 : i1 to i32
    %sign3A_1147 = arith.subi %sign3A_1143, %sign3A_1146 : i32
    %ne3A_1148 = arith.cmpi ne, %sign3A_1140, %sign3A_1147 : i32
    %rem3A_1149 = arith.remsi %squeeze3A_1131, %jit3A_1132 : i32
    %ne3A_1150 = arith.constant 0 : i32
    %ne3A_1151 = arith.cmpi ne, %rem3A_1149, %ne3A_1150 : i32
    %and3A_1152 = arith.andi %ne3A_1148, %ne3A_1151 : i1
    %sub3A_1153 = arith.constant 1 : i32
    %sub3A_1154 = arith.subi %div3A_1133, %sub3A_1153 : i32
    %select_n3A_1155 = arith.select %and3A_1152, %sub3A_1154, %div3A_1133 : i32
    %mul3A_1156 = arith.constant 128 : i32
    %mul3A_1157 = arith.muli %select_n3A_1155, %mul3A_1156 : i32
    %dma_start3A_1158 = arith.constant 3 : i32
    %dma_start3A_1159 = arith.constant 3 : i32
    %dma_start3A_1160 = arith.constant 0 : i32
    %dma_start3A_1161 = arith.constant 0 : i32
    %dma_start3A_1162 = tpu.memref_slice %arg14[%dma_start3A_1158, %dma_start3A_1159, %dma_start3A_1160, %dma_start3A_1161] : memref<5x8x16x128xf32, #tpu.memory_space<vmem>> -> memref<1x1x16x128xf32, #tpu.memory_space<vmem>>
    %dma_start3A_1163 = tpu.memref_squeeze %dma_start3A_1162 : memref<1x1x16x128xf32, #tpu.memory_space<vmem>> -> memref<16x128xf32, #tpu.memory_space<vmem>>
    %dma_start3A_1164 = arith.constant 0 : i32
    %dma_start3A_1165 = tpu.memref_slice %arg4[%dma_start3A_1164, %mul3A_1157] : memref<16x1000001xf32, #tpu.memory_space<hbm>> -> memref<16x128xf32, #tpu.memory_space<hbm>>
    %dma_start3A_1166 = arith.constant 0 : i32
    %dma_start3A_1167 = arith.constant 0 : i32
    %dma_start3A_1168 = tpu.memref_slice %arg14[%dma_start3A_1158, %dma_start3A_1159, %dma_start3A_1166, %dma_start3A_1167] : memref<5x8x16x128xf32, #tpu.memory_space<vmem>> -> memref<1x1x16x128xf32, #tpu.memory_space<vmem>>
    %dma_start3A_1169 = tpu.memref_squeeze %dma_start3A_1168 : memref<1x1x16x128xf32, #tpu.memory_space<vmem>> -> memref<16x128xf32, #tpu.memory_space<vmem>>
    %dma_start3A_1170 = arith.constant 0 : i32
    %dma_start3A_1171 = tpu.memref_slice %arg4[%dma_start3A_1170, %mul3A_1157] : memref<16x1000001xf32, #tpu.memory_space<hbm>> -> memref<16x128xf32, #tpu.memory_space<hbm>>
    tpu.enqueue_dma source(%dma_start3A_1171 : memref<16x128xf32, #tpu.memory_space<hbm>>) target(%dma_start3A_1169 : memref<16x128xf32, #tpu.memory_space<vmem>>) target_semaphore(%arg17 : memref<!tpu.dma_semaphore, #tpu.memory_space<semaphore_mem>>)
    %slice3A_1172 = vector.extract_strided_slice %get3A_6 {offsets = [12], sizes = [1], strides = [1]} : vector<16xi32> to vector<1xi32>
    %squeeze3A_1173 = vector.extract %slice3A_1172[0] : i32 from vector<1xi32>
    %jit3A_1174 = arith.constant 128 : i32
    %div3A_1175 = arith.divsi %squeeze3A_1173, %jit3A_1174 : i32
    %sign3A_1176 = arith.constant 0 : i32
    %sign3A_1177 = arith.cmpi sgt, %squeeze3A_1173, %sign3A_1176 : i32
    %sign3A_1178 = arith.extui %sign3A_1177 : i1 to i32
    %sign3A_1179 = arith.constant 0 : i32
    %sign3A_1180 = arith.cmpi slt, %squeeze3A_1173, %sign3A_1179 : i32
    %sign3A_1181 = arith.extui %sign3A_1180 : i1 to i32
    %sign3A_1182 = arith.subi %sign3A_1178, %sign3A_1181 : i32
    %sign3A_1183 = arith.constant 0 : i32
    %sign3A_1184 = arith.cmpi sgt, %jit3A_1174, %sign3A_1183 : i32
    %sign3A_1185 = arith.extui %sign3A_1184 : i1 to i32
    %sign3A_1186 = arith.constant 0 : i32
    %sign3A_1187 = arith.cmpi slt, %jit3A_1174, %sign3A_1186 : i32
    %sign3A_1188 = arith.extui %sign3A_1187 : i1 to i32
    %sign3A_1189 = arith.subi %sign3A_1185, %sign3A_1188 : i32
    %ne3A_1190 = arith.cmpi ne, %sign3A_1182, %sign3A_1189 : i32
    %rem3A_1191 = arith.remsi %squeeze3A_1173, %jit3A_1174 : i32
    %ne3A_1192 = arith.constant 0 : i32
    %ne3A_1193 = arith.cmpi ne, %rem3A_1191, %ne3A_1192 : i32
    %and3A_1194 = arith.andi %ne3A_1190, %ne3A_1193 : i1
    %sub3A_1195 = arith.constant 1 : i32
    %sub3A_1196 = arith.subi %div3A_1175, %sub3A_1195 : i32
    %select_n3A_1197 = arith.select %and3A_1194, %sub3A_1196, %div3A_1175 : i32
    %mul3A_1198 = arith.constant 128 : i32
    %mul3A_1199 = arith.muli %select_n3A_1197, %mul3A_1198 : i32
    %dma_start3A_1200 = arith.constant 3 : i32
    %dma_start3A_1201 = arith.constant 4 : i32
    %dma_start3A_1202 = arith.constant 0 : i32
    %dma_start3A_1203 = arith.constant 0 : i32
    %dma_start3A_1204 = tpu.memref_slice %arg14[%dma_start3A_1200, %dma_start3A_1201, %dma_start3A_1202, %dma_start3A_1203] : memref<5x8x16x128xf32, #tpu.memory_space<vmem>> -> memref<1x1x16x128xf32, #tpu.memory_space<vmem>>
    %dma_start3A_1205 = tpu.memref_squeeze %dma_start3A_1204 : memref<1x1x16x128xf32, #tpu.memory_space<vmem>> -> memref<16x128xf32, #tpu.memory_space<vmem>>
    %dma_start3A_1206 = arith.constant 0 : i32
    %dma_start3A_1207 = tpu.memref_slice %arg4[%dma_start3A_1206, %mul3A_1199] : memref<16x1000001xf32, #tpu.memory_space<hbm>> -> memref<16x128xf32, #tpu.memory_space<hbm>>
    %dma_start3A_1208 = arith.constant 0 : i32
    %dma_start3A_1209 = arith.constant 0 : i32
    %dma_start3A_1210 = tpu.memref_slice %arg14[%dma_start3A_1200, %dma_start3A_1201, %dma_start3A_1208, %dma_start3A_1209] : memref<5x8x16x128xf32, #tpu.memory_space<vmem>> -> memref<1x1x16x128xf32, #tpu.memory_space<vmem>>
    %dma_start3A_1211 = tpu.memref_squeeze %dma_start3A_1210 : memref<1x1x16x128xf32, #tpu.memory_space<vmem>> -> memref<16x128xf32, #tpu.memory_space<vmem>>
    %dma_start3A_1212 = arith.constant 0 : i32
    %dma_start3A_1213 = tpu.memref_slice %arg4[%dma_start3A_1212, %mul3A_1199] : memref<16x1000001xf32, #tpu.memory_space<hbm>> -> memref<16x128xf32, #tpu.memory_space<hbm>>
    tpu.enqueue_dma source(%dma_start3A_1213 : memref<16x128xf32, #tpu.memory_space<hbm>>) target(%dma_start3A_1211 : memref<16x128xf32, #tpu.memory_space<vmem>>) target_semaphore(%arg17 : memref<!tpu.dma_semaphore, #tpu.memory_space<semaphore_mem>>)
    %slice3A_1214 = vector.extract_strided_slice %get3A_6 {offsets = [13], sizes = [1], strides = [1]} : vector<16xi32> to vector<1xi32>
    %squeeze3A_1215 = vector.extract %slice3A_1214[0] : i32 from vector<1xi32>
    %jit3A_1216 = arith.constant 128 : i32
    %div3A_1217 = arith.divsi %squeeze3A_1215, %jit3A_1216 : i32
    %sign3A_1218 = arith.constant 0 : i32
    %sign3A_1219 = arith.cmpi sgt, %squeeze3A_1215, %sign3A_1218 : i32
    %sign3A_1220 = arith.extui %sign3A_1219 : i1 to i32
    %sign3A_1221 = arith.constant 0 : i32
    %sign3A_1222 = arith.cmpi slt, %squeeze3A_1215, %sign3A_1221 : i32
    %sign3A_1223 = arith.extui %sign3A_1222 : i1 to i32
    %sign3A_1224 = arith.subi %sign3A_1220, %sign3A_1223 : i32
    %sign3A_1225 = arith.constant 0 : i32
    %sign3A_1226 = arith.cmpi sgt, %jit3A_1216, %sign3A_1225 : i32
    %sign3A_1227 = arith.extui %sign3A_1226 : i1 to i32
    %sign3A_1228 = arith.constant 0 : i32
    %sign3A_1229 = arith.cmpi slt, %jit3A_1216, %sign3A_1228 : i32
    %sign3A_1230 = arith.extui %sign3A_1229 : i1 to i32
    %sign3A_1231 = arith.subi %sign3A_1227, %sign3A_1230 : i32
    %ne3A_1232 = arith.cmpi ne, %sign3A_1224, %sign3A_1231 : i32
    %rem3A_1233 = arith.remsi %squeeze3A_1215, %jit3A_1216 : i32
    %ne3A_1234 = arith.constant 0 : i32
    %ne3A_1235 = arith.cmpi ne, %rem3A_1233, %ne3A_1234 : i32
    %and3A_1236 = arith.andi %ne3A_1232, %ne3A_1235 : i1
    %sub3A_1237 = arith.constant 1 : i32
    %sub3A_1238 = arith.subi %div3A_1217, %sub3A_1237 : i32
    %select_n3A_1239 = arith.select %and3A_1236, %sub3A_1238, %div3A_1217 : i32
    %mul3A_1240 = arith.constant 128 : i32
    %mul3A_1241 = arith.muli %select_n3A_1239, %mul3A_1240 : i32
    %dma_start3A_1242 = arith.constant 3 : i32
    %dma_start3A_1243 = arith.constant 5 : i32
    %dma_start3A_1244 = arith.constant 0 : i32
    %dma_start3A_1245 = arith.constant 0 : i32
    %dma_start3A_1246 = tpu.memref_slice %arg14[%dma_start3A_1242, %dma_start3A_1243, %dma_start3A_1244, %dma_start3A_1245] : memref<5x8x16x128xf32, #tpu.memory_space<vmem>> -> memref<1x1x16x128xf32, #tpu.memory_space<vmem>>
    %dma_start3A_1247 = tpu.memref_squeeze %dma_start3A_1246 : memref<1x1x16x128xf32, #tpu.memory_space<vmem>> -> memref<16x128xf32, #tpu.memory_space<vmem>>
    %dma_start3A_1248 = arith.constant 0 : i32
    %dma_start3A_1249 = tpu.memref_slice %arg4[%dma_start3A_1248, %mul3A_1241] : memref<16x1000001xf32, #tpu.memory_space<hbm>> -> memref<16x128xf32, #tpu.memory_space<hbm>>
    %dma_start3A_1250 = arith.constant 0 : i32
    %dma_start3A_1251 = arith.constant 0 : i32
    %dma_start3A_1252 = tpu.memref_slice %arg14[%dma_start3A_1242, %dma_start3A_1243, %dma_start3A_1250, %dma_start3A_1251] : memref<5x8x16x128xf32, #tpu.memory_space<vmem>> -> memref<1x1x16x128xf32, #tpu.memory_space<vmem>>
    %dma_start3A_1253 = tpu.memref_squeeze %dma_start3A_1252 : memref<1x1x16x128xf32, #tpu.memory_space<vmem>> -> memref<16x128xf32, #tpu.memory_space<vmem>>
    %dma_start3A_1254 = arith.constant 0 : i32
    %dma_start3A_1255 = tpu.memref_slice %arg4[%dma_start3A_1254, %mul3A_1241] : memref<16x1000001xf32, #tpu.memory_space<hbm>> -> memref<16x128xf32, #tpu.memory_space<hbm>>
    tpu.enqueue_dma source(%dma_start3A_1255 : memref<16x128xf32, #tpu.memory_space<hbm>>) target(%dma_start3A_1253 : memref<16x128xf32, #tpu.memory_space<vmem>>) target_semaphore(%arg17 : memref<!tpu.dma_semaphore, #tpu.memory_space<semaphore_mem>>)
    %slice3A_1256 = vector.extract_strided_slice %get3A_6 {offsets = [14], sizes = [1], strides = [1]} : vector<16xi32> to vector<1xi32>
    %squeeze3A_1257 = vector.extract %slice3A_1256[0] : i32 from vector<1xi32>
    %jit3A_1258 = arith.constant 128 : i32
    %div3A_1259 = arith.divsi %squeeze3A_1257, %jit3A_1258 : i32
    %sign3A_1260 = arith.constant 0 : i32
    %sign3A_1261 = arith.cmpi sgt, %squeeze3A_1257, %sign3A_1260 : i32
    %sign3A_1262 = arith.extui %sign3A_1261 : i1 to i32
    %sign3A_1263 = arith.constant 0 : i32
    %sign3A_1264 = arith.cmpi slt, %squeeze3A_1257, %sign3A_1263 : i32
    %sign3A_1265 = arith.extui %sign3A_1264 : i1 to i32
    %sign3A_1266 = arith.subi %sign3A_1262, %sign3A_1265 : i32
    %sign3A_1267 = arith.constant 0 : i32
    %sign3A_1268 = arith.cmpi sgt, %jit3A_1258, %sign3A_1267 : i32
    %sign3A_1269 = arith.extui %sign3A_1268 : i1 to i32
    %sign3A_1270 = arith.constant 0 : i32
    %sign3A_1271 = arith.cmpi slt, %jit3A_1258, %sign3A_1270 : i32
    %sign3A_1272 = arith.extui %sign3A_1271 : i1 to i32
    %sign3A_1273 = arith.subi %sign3A_1269, %sign3A_1272 : i32
    %ne3A_1274 = arith.cmpi ne, %sign3A_1266, %sign3A_1273 : i32
    %rem3A_1275 = arith.remsi %squeeze3A_1257, %jit3A_1258 : i32
    %ne3A_1276 = arith.constant 0 : i32
    %ne3A_1277 = arith.cmpi ne, %rem3A_1275, %ne3A_1276 : i32
    %and3A_1278 = arith.andi %ne3A_1274, %ne3A_1277 : i1
    %sub3A_1279 = arith.constant 1 : i32
    %sub3A_1280 = arith.subi %div3A_1259, %sub3A_1279 : i32
    %select_n3A_1281 = arith.select %and3A_1278, %sub3A_1280, %div3A_1259 : i32
    %mul3A_1282 = arith.constant 128 : i32
    %mul3A_1283 = arith.muli %select_n3A_1281, %mul3A_1282 : i32
    %dma_start3A_1284 = arith.constant 3 : i32
    %dma_start3A_1285 = arith.constant 6 : i32
    %dma_start3A_1286 = arith.constant 0 : i32
    %dma_start3A_1287 = arith.constant 0 : i32
    %dma_start3A_1288 = tpu.memref_slice %arg14[%dma_start3A_1284, %dma_start3A_1285, %dma_start3A_1286, %dma_start3A_1287] : memref<5x8x16x128xf32, #tpu.memory_space<vmem>> -> memref<1x1x16x128xf32, #tpu.memory_space<vmem>>
    %dma_start3A_1289 = tpu.memref_squeeze %dma_start3A_1288 : memref<1x1x16x128xf32, #tpu.memory_space<vmem>> -> memref<16x128xf32, #tpu.memory_space<vmem>>
    %dma_start3A_1290 = arith.constant 0 : i32
    %dma_start3A_1291 = tpu.memref_slice %arg4[%dma_start3A_1290, %mul3A_1283] : memref<16x1000001xf32, #tpu.memory_space<hbm>> -> memref<16x128xf32, #tpu.memory_space<hbm>>
    %dma_start3A_1292 = arith.constant 0 : i32
    %dma_start3A_1293 = arith.constant 0 : i32
    %dma_start3A_1294 = tpu.memref_slice %arg14[%dma_start3A_1284, %dma_start3A_1285, %dma_start3A_1292, %dma_start3A_1293] : memref<5x8x16x128xf32, #tpu.memory_space<vmem>> -> memref<1x1x16x128xf32, #tpu.memory_space<vmem>>
    %dma_start3A_1295 = tpu.memref_squeeze %dma_start3A_1294 : memref<1x1x16x128xf32, #tpu.memory_space<vmem>> -> memref<16x128xf32, #tpu.memory_space<vmem>>
    %dma_start3A_1296 = arith.constant 0 : i32
    %dma_start3A_1297 = tpu.memref_slice %arg4[%dma_start3A_1296, %mul3A_1283] : memref<16x1000001xf32, #tpu.memory_space<hbm>> -> memref<16x128xf32, #tpu.memory_space<hbm>>
    tpu.enqueue_dma source(%dma_start3A_1297 : memref<16x128xf32, #tpu.memory_space<hbm>>) target(%dma_start3A_1295 : memref<16x128xf32, #tpu.memory_space<vmem>>) target_semaphore(%arg17 : memref<!tpu.dma_semaphore, #tpu.memory_space<semaphore_mem>>)
    %slice3A_1298 = vector.extract_strided_slice %get3A_6 {offsets = [15], sizes = [1], strides = [1]} : vector<16xi32> to vector<1xi32>
    %squeeze3A_1299 = vector.extract %slice3A_1298[0] : i32 from vector<1xi32>
    %jit3A_1300 = arith.constant 128 : i32
    %div3A_1301 = arith.divsi %squeeze3A_1299, %jit3A_1300 : i32
    %sign3A_1302 = arith.constant 0 : i32
    %sign3A_1303 = arith.cmpi sgt, %squeeze3A_1299, %sign3A_1302 : i32
    %sign3A_1304 = arith.extui %sign3A_1303 : i1 to i32
    %sign3A_1305 = arith.constant 0 : i32
    %sign3A_1306 = arith.cmpi slt, %squeeze3A_1299, %sign3A_1305 : i32
    %sign3A_1307 = arith.extui %sign3A_1306 : i1 to i32
    %sign3A_1308 = arith.subi %sign3A_1304, %sign3A_1307 : i32
    %sign3A_1309 = arith.constant 0 : i32
    %sign3A_1310 = arith.cmpi sgt, %jit3A_1300, %sign3A_1309 : i32
    %sign3A_1311 = arith.extui %sign3A_1310 : i1 to i32
    %sign3A_1312 = arith.constant 0 : i32
    %sign3A_1313 = arith.cmpi slt, %jit3A_1300, %sign3A_1312 : i32
    %sign3A_1314 = arith.extui %sign3A_1313 : i1 to i32
    %sign3A_1315 = arith.subi %sign3A_1311, %sign3A_1314 : i32
    %ne3A_1316 = arith.cmpi ne, %sign3A_1308, %sign3A_1315 : i32
    %rem3A_1317 = arith.remsi %squeeze3A_1299, %jit3A_1300 : i32
    %ne3A_1318 = arith.constant 0 : i32
    %ne3A_1319 = arith.cmpi ne, %rem3A_1317, %ne3A_1318 : i32
    %and3A_1320 = arith.andi %ne3A_1316, %ne3A_1319 : i1
    %sub3A_1321 = arith.constant 1 : i32
    %sub3A_1322 = arith.subi %div3A_1301, %sub3A_1321 : i32
    %select_n3A_1323 = arith.select %and3A_1320, %sub3A_1322, %div3A_1301 : i32
    %mul3A_1324 = arith.constant 128 : i32
    %mul3A_1325 = arith.muli %select_n3A_1323, %mul3A_1324 : i32
    %dma_start3A_1326 = arith.constant 3 : i32
    %dma_start3A_1327 = arith.constant 7 : i32
    %dma_start3A_1328 = arith.constant 0 : i32
    %dma_start3A_1329 = arith.constant 0 : i32
    %dma_start3A_1330 = tpu.memref_slice %arg14[%dma_start3A_1326, %dma_start3A_1327, %dma_start3A_1328, %dma_start3A_1329] : memref<5x8x16x128xf32, #tpu.memory_space<vmem>> -> memref<1x1x16x128xf32, #tpu.memory_space<vmem>>
    %dma_start3A_1331 = tpu.memref_squeeze %dma_start3A_1330 : memref<1x1x16x128xf32, #tpu.memory_space<vmem>> -> memref<16x128xf32, #tpu.memory_space<vmem>>
    %dma_start3A_1332 = arith.constant 0 : i32
    %dma_start3A_1333 = tpu.memref_slice %arg4[%dma_start3A_1332, %mul3A_1325] : memref<16x1000001xf32, #tpu.memory_space<hbm>> -> memref<16x128xf32, #tpu.memory_space<hbm>>
    %dma_start3A_1334 = arith.constant 0 : i32
    %dma_start3A_1335 = arith.constant 0 : i32
    %dma_start3A_1336 = tpu.memref_slice %arg14[%dma_start3A_1326, %dma_start3A_1327, %dma_start3A_1334, %dma_start3A_1335] : memref<5x8x16x128xf32, #tpu.memory_space<vmem>> -> memref<1x1x16x128xf32, #tpu.memory_space<vmem>>
    %dma_start3A_1337 = tpu.memref_squeeze %dma_start3A_1336 : memref<1x1x16x128xf32, #tpu.memory_space<vmem>> -> memref<16x128xf32, #tpu.memory_space<vmem>>
    %dma_start3A_1338 = arith.constant 0 : i32
    %dma_start3A_1339 = tpu.memref_slice %arg4[%dma_start3A_1338, %mul3A_1325] : memref<16x1000001xf32, #tpu.memory_space<hbm>> -> memref<16x128xf32, #tpu.memory_space<hbm>>
    tpu.enqueue_dma source(%dma_start3A_1339 : memref<16x128xf32, #tpu.memory_space<hbm>>) target(%dma_start3A_1337 : memref<16x128xf32, #tpu.memory_space<vmem>>) target_semaphore(%arg17 : memref<!tpu.dma_semaphore, #tpu.memory_space<semaphore_mem>>)
    "tpu.region"() ({
      %run_scoped3A_1354 = tpu.sem_alloc : memref<!tpu.dma_semaphore, #tpu.memory_space<semaphore_mem>>
      %dma_start3A_1355 = tpu.memref_slice %arg3[%mul3A_2] : memref<16384xf32, #tpu.memory_space<hbm>> -> memref<512xf32, #tpu.memory_space<hbm>>
      %dma_start3A_1356 = tpu.memref_slice %arg3[%mul3A_2] : memref<16384xf32, #tpu.memory_space<hbm>> -> memref<512xf32, #tpu.memory_space<hbm>>
      tpu.enqueue_dma source(%dma_start3A_1356 : memref<512xf32, #tpu.memory_space<hbm>>) target(%arg11 : memref<512xf32, #tpu.memory_space<vmem>>) target_semaphore(%run_scoped3A_1354 : memref<!tpu.dma_semaphore, #tpu.memory_space<semaphore_mem>>)
      %dma_wait3A = tpu.memref_slice %arg3[%mul3A_2] : memref<16384xf32, #tpu.memory_space<hbm>> -> memref<512xf32, #tpu.memory_space<hbm>>
      %dma_wait3A_1357 = tpu.memref_slice %arg3[%mul3A_2] : memref<16384xf32, #tpu.memory_space<hbm>> -> memref<512xf32, #tpu.memory_space<hbm>>
      tpu.wait_dma2 semaphore(%run_scoped3A_1354 : memref<!tpu.dma_semaphore, #tpu.memory_space<semaphore_mem>>) src(%dma_wait3A_1357 : memref<512xf32, #tpu.memory_space<hbm>>) dst(%arg11 : memref<512xf32, #tpu.memory_space<vmem>>)
      tpu.yield
    }) : () -> ()
    "tpu.region"() ({
      %run_scoped3A_1354 = tpu.sem_alloc : memref<!tpu.dma_semaphore, #tpu.memory_space<semaphore_mem>>
      tpu.enqueue_dma source(%arg6 : memref<1024xf32, #tpu.memory_space<hbm>>) target(%arg12 : memref<1024xf32, #tpu.memory_space<vmem>>) target_semaphore(%run_scoped3A_1354 : memref<!tpu.dma_semaphore, #tpu.memory_space<semaphore_mem>>)
      tpu.wait_dma2 semaphore(%run_scoped3A_1354 : memref<!tpu.dma_semaphore, #tpu.memory_space<semaphore_mem>>) src(%arg6 : memref<1024xf32, #tpu.memory_space<hbm>>) dst(%arg12 : memref<1024xf32, #tpu.memory_space<vmem>>)
      tpu.yield
    }) : () -> ()
    "tpu.region"() ({
      %run_scoped3A_1354 = tpu.sem_alloc : memref<!tpu.dma_semaphore, #tpu.memory_space<semaphore_mem>>
      tpu.enqueue_dma source(%arg5 : memref<15024xf32, #tpu.memory_space<hbm>>) target(%arg13 : memref<15024xf32, #tpu.memory_space<vmem>>) target_semaphore(%run_scoped3A_1354 : memref<!tpu.dma_semaphore, #tpu.memory_space<semaphore_mem>>)
      tpu.wait_dma2 semaphore(%run_scoped3A_1354 : memref<!tpu.dma_semaphore, #tpu.memory_space<semaphore_mem>>) src(%arg5 : memref<15024xf32, #tpu.memory_space<hbm>>) dst(%arg13 : memref<15024xf32, #tpu.memory_space<vmem>>)
      tpu.yield
    }) : () -> ()
    %run_scoped3A = arith.constant 0 : i32
    "tpu.region"() ({
      %run_scoped3A_1354 = tpu.sem_alloc : memref<!tpu.dma_semaphore, #tpu.memory_space<semaphore_mem>>
      %dma_start3A_1355 = arith.constant 0 : i32
      %dma_start3A_1356 = tpu.memref_slice %arg16[%run_scoped3A, %dma_start3A_1355] : memref<2x16xf32, #tpu.memory_space<vmem>> -> memref<1x16xf32, #tpu.memory_space<vmem>>
      %dma_start3A_1357 = tpu.memref_squeeze %dma_start3A_1356 : memref<1x16xf32, #tpu.memory_space<vmem>> -> memref<16xf32, #tpu.memory_space<vmem>>
      %dma_start3A_1358 = arith.constant 0 : i32
      %dma_start3A_1359 = tpu.memref_slice %arg16[%run_scoped3A, %dma_start3A_1358] : memref<2x16xf32, #tpu.memory_space<vmem>> -> memref<1x16xf32, #tpu.memory_space<vmem>>
      %dma_start3A_1360 = tpu.memref_squeeze %dma_start3A_1359 : memref<1x16xf32, #tpu.memory_space<vmem>> -> memref<16xf32, #tpu.memory_space<vmem>>
      tpu.enqueue_dma source(%arg7 : memref<16xf32, #tpu.memory_space<hbm>>) target(%dma_start3A_1360 : memref<16xf32, #tpu.memory_space<vmem>>) target_semaphore(%run_scoped3A_1354 : memref<!tpu.dma_semaphore, #tpu.memory_space<semaphore_mem>>)
      %dma_wait3A = arith.constant 0 : i32
      %dma_wait3A_1361 = tpu.memref_slice %arg16[%run_scoped3A, %dma_wait3A] : memref<2x16xf32, #tpu.memory_space<vmem>> -> memref<1x16xf32, #tpu.memory_space<vmem>>
      %dma_wait3A_1362 = tpu.memref_squeeze %dma_wait3A_1361 : memref<1x16xf32, #tpu.memory_space<vmem>> -> memref<16xf32, #tpu.memory_space<vmem>>
      %dma_wait3A_1363 = arith.constant 0 : i32
      %dma_wait3A_1364 = tpu.memref_slice %arg16[%run_scoped3A, %dma_wait3A_1363] : memref<2x16xf32, #tpu.memory_space<vmem>> -> memref<1x16xf32, #tpu.memory_space<vmem>>
      %dma_wait3A_1365 = tpu.memref_squeeze %dma_wait3A_1364 : memref<1x16xf32, #tpu.memory_space<vmem>> -> memref<16xf32, #tpu.memory_space<vmem>>
      tpu.wait_dma2 semaphore(%run_scoped3A_1354 : memref<!tpu.dma_semaphore, #tpu.memory_space<semaphore_mem>>) src(%arg7 : memref<16xf32, #tpu.memory_space<hbm>>) dst(%dma_wait3A_1365 : memref<16xf32, #tpu.memory_space<vmem>>)
      tpu.yield
    }) : () -> ()
    %run_scoped3A_1340 = arith.constant 1 : i32
    "tpu.region"() ({
      %run_scoped3A_1354 = tpu.sem_alloc : memref<!tpu.dma_semaphore, #tpu.memory_space<semaphore_mem>>
      %dma_start3A_1355 = arith.constant 0 : i32
      %dma_start3A_1356 = tpu.memref_slice %arg16[%run_scoped3A_1340, %dma_start3A_1355] : memref<2x16xf32, #tpu.memory_space<vmem>> -> memref<1x16xf32, #tpu.memory_space<vmem>>
      %dma_start3A_1357 = tpu.memref_squeeze %dma_start3A_1356 : memref<1x16xf32, #tpu.memory_space<vmem>> -> memref<16xf32, #tpu.memory_space<vmem>>
      %dma_start3A_1358 = arith.constant 0 : i32
      %dma_start3A_1359 = tpu.memref_slice %arg16[%run_scoped3A_1340, %dma_start3A_1358] : memref<2x16xf32, #tpu.memory_space<vmem>> -> memref<1x16xf32, #tpu.memory_space<vmem>>
      %dma_start3A_1360 = tpu.memref_squeeze %dma_start3A_1359 : memref<1x16xf32, #tpu.memory_space<vmem>> -> memref<16xf32, #tpu.memory_space<vmem>>
      tpu.enqueue_dma source(%arg8 : memref<16xf32, #tpu.memory_space<hbm>>) target(%dma_start3A_1360 : memref<16xf32, #tpu.memory_space<vmem>>) target_semaphore(%run_scoped3A_1354 : memref<!tpu.dma_semaphore, #tpu.memory_space<semaphore_mem>>)
      %dma_wait3A = arith.constant 0 : i32
      %dma_wait3A_1361 = tpu.memref_slice %arg16[%run_scoped3A_1340, %dma_wait3A] : memref<2x16xf32, #tpu.memory_space<vmem>> -> memref<1x16xf32, #tpu.memory_space<vmem>>
      %dma_wait3A_1362 = tpu.memref_squeeze %dma_wait3A_1361 : memref<1x16xf32, #tpu.memory_space<vmem>> -> memref<16xf32, #tpu.memory_space<vmem>>
      %dma_wait3A_1363 = arith.constant 0 : i32
      %dma_wait3A_1364 = tpu.memref_slice %arg16[%run_scoped3A_1340, %dma_wait3A_1363] : memref<2x16xf32, #tpu.memory_space<vmem>> -> memref<1x16xf32, #tpu.memory_space<vmem>>
      %dma_wait3A_1365 = tpu.memref_squeeze %dma_wait3A_1364 : memref<1x16xf32, #tpu.memory_space<vmem>> -> memref<16xf32, #tpu.memory_space<vmem>>
      tpu.wait_dma2 semaphore(%run_scoped3A_1354 : memref<!tpu.dma_semaphore, #tpu.memory_space<semaphore_mem>>) src(%arg8 : memref<16xf32, #tpu.memory_space<hbm>>) dst(%dma_wait3A_1365 : memref<16xf32, #tpu.memory_space<vmem>>)
      tpu.yield
    }) : () -> ()
    %get3A_1341 = arith.constant 0 : i32
    %get3A_1342 = arith.index_cast %get3A_1341 : i32 to index
    %get3A_1343 = arith.constant 0 : index
    %get3A_1344 = tpu.vector_load %arg16[%get3A_1342, %get3A_1343] {strides = array<i32>} : memref<2x16xf32, #tpu.memory_space<vmem>>, vector<16xf32>,
    %get3A_1345 = arith.constant 1 : i32
    %get3A_1346 = arith.index_cast %get3A_1345 : i32 to index
    %get3A_1347 = arith.constant 0 : index
    %get3A_1348 = tpu.vector_load %arg16[%get3A_1346, %get3A_1347] {strides = array<i32>} : memref<2x16xf32, #tpu.memory_space<vmem>>, vector<16xf32>,
    %scan3A = arith.constant 0 : i32
    %scan3A_1349 = arith.constant 0 : i32
    %scan3A_1350 = arith.constant 32 : i32
    %scan3A_1351 = arith.addi %scan3A_1349, %scan3A_1350 : i32
    %scan3A_1352 = arith.constant 1 : i32
    scf.for %scan3A_1354 = %scan3A_1349 to %scan3A_1351 step %scan3A_1352  : i32 {
      %mul3A_1355 = arith.constant 16 : i32
      %mul3A_1356 = arith.muli %scan3A_1354, %mul3A_1355 : i32
      %get3A_1357 = arith.index_cast %mul3A_1356 : i32 to index
      %get3A_1358 = tpu.vector_load %arg10[%get3A_1357] {strides = array<i32>} : memref<512xi32, #tpu.memory_space<vmem>>, vector<16xi32>,
      %mul3A_1359 = arith.constant 2 : i32
      %mul3A_1360 = arith.muli %mul3A_1359, %scan3A_1354 : i32
      %rem3A_1361 = arith.constant 5 : i32
      %rem3A_1362 = arith.remsi %mul3A_1360, %rem3A_1361 : i32
      %mul3A_1363 = arith.constant 2 : i32
      %mul3A_1364 = arith.muli %mul3A_1363, %scan3A_1354 : i32
      %add3A_1365 = arith.constant 1 : i32
      %add3A_1366 = arith.addi %mul3A_1364, %add3A_1365 : i32
      %rem3A_1367 = arith.constant 5 : i32
      %rem3A_1368 = arith.remsi %add3A_1366, %rem3A_1367 : i32
      %mul3A_1369 = arith.constant 2 : i32
      %mul3A_1370 = arith.muli %mul3A_1369, %scan3A_1354 : i32
      %add3A_1371 = arith.constant 4 : i32
      %add3A_1372 = arith.addi %mul3A_1370, %add3A_1371 : i32
      %rem3A_1373 = arith.constant 5 : i32
      %rem3A_1374 = arith.remsi %add3A_1372, %rem3A_1373 : i32
      %mul3A_1375 = arith.constant 2 : i32
      %mul3A_1376 = arith.muli %mul3A_1375, %scan3A_1354 : i32
      %add3A_1377 = arith.constant 5 : i32
      %add3A_1378 = arith.addi %mul3A_1376, %add3A_1377 : i32
      %rem3A_1379 = arith.constant 5 : i32
      %rem3A_1380 = arith.remsi %add3A_1378, %rem3A_1379 : i32
      %dma_wait3A = arith.constant 0 : i32
      %dma_wait3A_1381 = arith.constant 0 : i32
      %dma_wait3A_1382 = arith.constant 0 : i32
      %dma_wait3A_1383 = arith.constant 0 : i32
      %dma_wait3A_1384 = tpu.memref_slice %arg14[%dma_wait3A, %dma_wait3A_1381, %dma_wait3A_1382, %dma_wait3A_1383] : memref<5x8x16x128xf32, #tpu.memory_space<vmem>> -> memref<1x1x16x128xf32, #tpu.memory_space<vmem>>
      %dma_wait3A_1385 = tpu.memref_squeeze %dma_wait3A_1384 : memref<1x1x16x128xf32, #tpu.memory_space<vmem>> -> memref<16x128xf32, #tpu.memory_space<vmem>>
      %dma_wait3A_1386 = arith.constant 0 : i32
      %dma_wait3A_1387 = arith.constant 0 : i32
      %dma_wait3A_1388 = tpu.memref_slice %arg4[%dma_wait3A_1386, %dma_wait3A_1387] : memref<16x1000001xf32, #tpu.memory_space<hbm>> -> memref<16x128xf32, #tpu.memory_space<hbm>>
      %dma_wait3A_1389 = arith.constant 0 : i32
      %dma_wait3A_1390 = arith.constant 0 : i32
      %dma_wait3A_1391 = tpu.memref_slice %arg14[%dma_wait3A, %dma_wait3A_1381, %dma_wait3A_1389, %dma_wait3A_1390] : memref<5x8x16x128xf32, #tpu.memory_space<vmem>> -> memref<1x1x16x128xf32, #tpu.memory_space<vmem>>
      %dma_wait3A_1392 = tpu.memref_squeeze %dma_wait3A_1391 : memref<1x1x16x128xf32, #tpu.memory_space<vmem>> -> memref<16x128xf32, #tpu.memory_space<vmem>>
      %dma_wait3A_1393 = arith.constant 0 : i32
      %dma_wait3A_1394 = arith.constant 0 : i32
      %dma_wait3A_1395 = tpu.memref_slice %arg4[%dma_wait3A_1393, %dma_wait3A_1394] : memref<16x1000001xf32, #tpu.memory_space<hbm>> -> memref<16x128xf32, #tpu.memory_space<hbm>>
      tpu.wait_dma2 semaphore(%arg17 : memref<!tpu.dma_semaphore, #tpu.memory_space<semaphore_mem>>) src(%dma_wait3A_1395 : memref<16x128xf32, #tpu.memory_space<hbm>>) dst(%dma_wait3A_1392 : memref<16x128xf32, #tpu.memory_space<vmem>>)
      %dma_wait3A_1396 = arith.constant 0 : i32
      %dma_wait3A_1397 = arith.constant 1 : i32
      %dma_wait3A_1398 = arith.constant 0 : i32
      %dma_wait3A_1399 = arith.constant 0 : i32
      %dma_wait3A_1400 = tpu.memref_slice %arg14[%dma_wait3A_1396, %dma_wait3A_1397, %dma_wait3A_1398, %dma_wait3A_1399] : memref<5x8x16x128xf32, #tpu.memory_space<vmem>> -> memref<1x1x16x128xf32, #tpu.memory_space<vmem>>
      %dma_wait3A_1401 = tpu.memref_squeeze %dma_wait3A_1400 : memref<1x1x16x128xf32, #tpu.memory_space<vmem>> -> memref<16x128xf32, #tpu.memory_space<vmem>>
      %dma_wait3A_1402 = arith.constant 0 : i32
      %dma_wait3A_1403 = arith.constant 0 : i32
      %dma_wait3A_1404 = tpu.memref_slice %arg4[%dma_wait3A_1402, %dma_wait3A_1403] : memref<16x1000001xf32, #tpu.memory_space<hbm>> -> memref<16x128xf32, #tpu.memory_space<hbm>>
      %dma_wait3A_1405 = arith.constant 0 : i32
      %dma_wait3A_1406 = arith.constant 0 : i32
      %dma_wait3A_1407 = tpu.memref_slice %arg14[%dma_wait3A_1396, %dma_wait3A_1397, %dma_wait3A_1405, %dma_wait3A_1406] : memref<5x8x16x128xf32, #tpu.memory_space<vmem>> -> memref<1x1x16x128xf32, #tpu.memory_space<vmem>>
      %dma_wait3A_1408 = tpu.memref_squeeze %dma_wait3A_1407 : memref<1x1x16x128xf32, #tpu.memory_space<vmem>> -> memref<16x128xf32, #tpu.memory_space<vmem>>
      %dma_wait3A_1409 = arith.constant 0 : i32
      %dma_wait3A_1410 = arith.constant 0 : i32
      %dma_wait3A_1411 = tpu.memref_slice %arg4[%dma_wait3A_1409, %dma_wait3A_1410] : memref<16x1000001xf32, #tpu.memory_space<hbm>> -> memref<16x128xf32, #tpu.memory_space<hbm>>
      tpu.wait_dma2 semaphore(%arg17 : memref<!tpu.dma_semaphore, #tpu.memory_space<semaphore_mem>>) src(%dma_wait3A_1411 : memref<16x128xf32, #tpu.memory_space<hbm>>) dst(%dma_wait3A_1408 : memref<16x128xf32, #tpu.memory_space<vmem>>)
      %dma_wait3A_1412 = arith.constant 0 : i32
      %dma_wait3A_1413 = arith.constant 2 : i32
      %dma_wait3A_1414 = arith.constant 0 : i32
      %dma_wait3A_1415 = arith.constant 0 : i32
      %dma_wait3A_1416 = tpu.memref_slice %arg14[%dma_wait3A_1412, %dma_wait3A_1413, %dma_wait3A_1414, %dma_wait3A_1415] : memref<5x8x16x128xf32, #tpu.memory_space<vmem>> -> memref<1x1x16x128xf32, #tpu.memory_space<vmem>>
      %dma_wait3A_1417 = tpu.memref_squeeze %dma_wait3A_1416 : memref<1x1x16x128xf32, #tpu.memory_space<vmem>> -> memref<16x128xf32, #tpu.memory_space<vmem>>
      %dma_wait3A_1418 = arith.constant 0 : i32
      %dma_wait3A_1419 = arith.constant 0 : i32
      %dma_wait3A_1420 = tpu.memref_slice %arg4[%dma_wait3A_1418, %dma_wait3A_1419] : memref<16x1000001xf32, #tpu.memory_space<hbm>> -> memref<16x128xf32, #tpu.memory_space<hbm>>
      %dma_wait3A_1421 = arith.constant 0 : i32
      %dma_wait3A_1422 = arith.constant 0 : i32
      %dma_wait3A_1423 = tpu.memref_slice %arg14[%dma_wait3A_1412, %dma_wait3A_1413, %dma_wait3A_1421, %dma_wait3A_1422] : memref<5x8x16x128xf32, #tpu.memory_space<vmem>> -> memref<1x1x16x128xf32, #tpu.memory_space<vmem>>
      %dma_wait3A_1424 = tpu.memref_squeeze %dma_wait3A_1423 : memref<1x1x16x128xf32, #tpu.memory_space<vmem>> -> memref<16x128xf32, #tpu.memory_space<vmem>>
      %dma_wait3A_1425 = arith.constant 0 : i32
      %dma_wait3A_1426 = arith.constant 0 : i32
      %dma_wait3A_1427 = tpu.memref_slice %arg4[%dma_wait3A_1425, %dma_wait3A_1426] : memref<16x1000001xf32, #tpu.memory_space<hbm>> -> memref<16x128xf32, #tpu.memory_space<hbm>>
      tpu.wait_dma2 semaphore(%arg17 : memref<!tpu.dma_semaphore, #tpu.memory_space<semaphore_mem>>) src(%dma_wait3A_1427 : memref<16x128xf32, #tpu.memory_space<hbm>>) dst(%dma_wait3A_1424 : memref<16x128xf32, #tpu.memory_space<vmem>>)
      %dma_wait3A_1428 = arith.constant 0 : i32
      %dma_wait3A_1429 = arith.constant 3 : i32
      %dma_wait3A_1430 = arith.constant 0 : i32
      %dma_wait3A_1431 = arith.constant 0 : i32
      %dma_wait3A_1432 = tpu.memref_slice %arg14[%dma_wait3A_1428, %dma_wait3A_1429, %dma_wait3A_1430, %dma_wait3A_1431] : memref<5x8x16x128xf32, #tpu.memory_space<vmem>> -> memref<1x1x16x128xf32, #tpu.memory_space<vmem>>
      %dma_wait3A_1433 = tpu.memref_squeeze %dma_wait3A_1432 : memref<1x1x16x128xf32, #tpu.memory_space<vmem>> -> memref<16x128xf32, #tpu.memory_space<vmem>>
      %dma_wait3A_1434 = arith.constant 0 : i32
      %dma_wait3A_1435 = arith.constant 0 : i32
      %dma_wait3A_1436 = tpu.memref_slice %arg4[%dma_wait3A_1434, %dma_wait3A_1435] : memref<16x1000001xf32, #tpu.memory_space<hbm>> -> memref<16x128xf32, #tpu.memory_space<hbm>>
      %dma_wait3A_1437 = arith.constant 0 : i32
      %dma_wait3A_1438 = arith.constant 0 : i32
      %dma_wait3A_1439 = tpu.memref_slice %arg14[%dma_wait3A_1428, %dma_wait3A_1429, %dma_wait3A_1437, %dma_wait3A_1438] : memref<5x8x16x128xf32, #tpu.memory_space<vmem>> -> memref<1x1x16x128xf32, #tpu.memory_space<vmem>>
      %dma_wait3A_1440 = tpu.memref_squeeze %dma_wait3A_1439 : memref<1x1x16x128xf32, #tpu.memory_space<vmem>> -> memref<16x128xf32, #tpu.memory_space<vmem>>
      %dma_wait3A_1441 = arith.constant 0 : i32
      %dma_wait3A_1442 = arith.constant 0 : i32
      %dma_wait3A_1443 = tpu.memref_slice %arg4[%dma_wait3A_1441, %dma_wait3A_1442] : memref<16x1000001xf32, #tpu.memory_space<hbm>> -> memref<16x128xf32, #tpu.memory_space<hbm>>
      tpu.wait_dma2 semaphore(%arg17 : memref<!tpu.dma_semaphore, #tpu.memory_space<semaphore_mem>>) src(%dma_wait3A_1443 : memref<16x128xf32, #tpu.memory_space<hbm>>) dst(%dma_wait3A_1440 : memref<16x128xf32, #tpu.memory_space<vmem>>)
      %dma_wait3A_1444 = arith.constant 0 : i32
      %dma_wait3A_1445 = arith.constant 4 : i32
      %dma_wait3A_1446 = arith.constant 0 : i32
      %dma_wait3A_1447 = arith.constant 0 : i32
      %dma_wait3A_1448 = tpu.memref_slice %arg14[%dma_wait3A_1444, %dma_wait3A_1445, %dma_wait3A_1446, %dma_wait3A_1447] : memref<5x8x16x128xf32, #tpu.memory_space<vmem>> -> memref<1x1x16x128xf32, #tpu.memory_space<vmem>>
      %dma_wait3A_1449 = tpu.memref_squeeze %dma_wait3A_1448 : memref<1x1x16x128xf32, #tpu.memory_space<vmem>> -> memref<16x128xf32, #tpu.memory_space<vmem>>
      %dma_wait3A_1450 = arith.constant 0 : i32
      %dma_wait3A_1451 = arith.constant 0 : i32
      %dma_wait3A_1452 = tpu.memref_slice %arg4[%dma_wait3A_1450, %dma_wait3A_1451] : memref<16x1000001xf32, #tpu.memory_space<hbm>> -> memref<16x128xf32, #tpu.memory_space<hbm>>
      %dma_wait3A_1453 = arith.constant 0 : i32
      %dma_wait3A_1454 = arith.constant 0 : i32
      %dma_wait3A_1455 = tpu.memref_slice %arg14[%dma_wait3A_1444, %dma_wait3A_1445, %dma_wait3A_1453, %dma_wait3A_1454] : memref<5x8x16x128xf32, #tpu.memory_space<vmem>> -> memref<1x1x16x128xf32, #tpu.memory_space<vmem>>
      %dma_wait3A_1456 = tpu.memref_squeeze %dma_wait3A_1455 : memref<1x1x16x128xf32, #tpu.memory_space<vmem>> -> memref<16x128xf32, #tpu.memory_space<vmem>>
      %dma_wait3A_1457 = arith.constant 0 : i32
      %dma_wait3A_1458 = arith.constant 0 : i32
      %dma_wait3A_1459 = tpu.memref_slice %arg4[%dma_wait3A_1457, %dma_wait3A_1458] : memref<16x1000001xf32, #tpu.memory_space<hbm>> -> memref<16x128xf32, #tpu.memory_space<hbm>>
      tpu.wait_dma2 semaphore(%arg17 : memref<!tpu.dma_semaphore, #tpu.memory_space<semaphore_mem>>) src(%dma_wait3A_1459 : memref<16x128xf32, #tpu.memory_space<hbm>>) dst(%dma_wait3A_1456 : memref<16x128xf32, #tpu.memory_space<vmem>>)
      %dma_wait3A_1460 = arith.constant 0 : i32
      %dma_wait3A_1461 = arith.constant 5 : i32
      %dma_wait3A_1462 = arith.constant 0 : i32
      %dma_wait3A_1463 = arith.constant 0 : i32
      %dma_wait3A_1464 = tpu.memref_slice %arg14[%dma_wait3A_1460, %dma_wait3A_1461, %dma_wait3A_1462, %dma_wait3A_1463] : memref<5x8x16x128xf32, #tpu.memory_space<vmem>> -> memref<1x1x16x128xf32, #tpu.memory_space<vmem>>
      %dma_wait3A_1465 = tpu.memref_squeeze %dma_wait3A_1464 : memref<1x1x16x128xf32, #tpu.memory_space<vmem>> -> memref<16x128xf32, #tpu.memory_space<vmem>>
      %dma_wait3A_1466 = arith.constant 0 : i32
      %dma_wait3A_1467 = arith.constant 0 : i32
      %dma_wait3A_1468 = tpu.memref_slice %arg4[%dma_wait3A_1466, %dma_wait3A_1467] : memref<16x1000001xf32, #tpu.memory_space<hbm>> -> memref<16x128xf32, #tpu.memory_space<hbm>>
      %dma_wait3A_1469 = arith.constant 0 : i32
      %dma_wait3A_1470 = arith.constant 0 : i32
      %dma_wait3A_1471 = tpu.memref_slice %arg14[%dma_wait3A_1460, %dma_wait3A_1461, %dma_wait3A_1469, %dma_wait3A_1470] : memref<5x8x16x128xf32, #tpu.memory_space<vmem>> -> memref<1x1x16x128xf32, #tpu.memory_space<vmem>>
      %dma_wait3A_1472 = tpu.memref_squeeze %dma_wait3A_1471 : memref<1x1x16x128xf32, #tpu.memory_space<vmem>> -> memref<16x128xf32, #tpu.memory_space<vmem>>
      %dma_wait3A_1473 = arith.constant 0 : i32
      %dma_wait3A_1474 = arith.constant 0 : i32
      %dma_wait3A_1475 = tpu.memref_slice %arg4[%dma_wait3A_1473, %dma_wait3A_1474] : memref<16x1000001xf32, #tpu.memory_space<hbm>> -> memref<16x128xf32, #tpu.memory_space<hbm>>
      tpu.wait_dma2 semaphore(%arg17 : memref<!tpu.dma_semaphore, #tpu.memory_space<semaphore_mem>>) src(%dma_wait3A_1475 : memref<16x128xf32, #tpu.memory_space<hbm>>) dst(%dma_wait3A_1472 : memref<16x128xf32, #tpu.memory_space<vmem>>)
      %dma_wait3A_1476 = arith.constant 0 : i32
      %dma_wait3A_1477 = arith.constant 6 : i32
      %dma_wait3A_1478 = arith.constant 0 : i32
      %dma_wait3A_1479 = arith.constant 0 : i32
      %dma_wait3A_1480 = tpu.memref_slice %arg14[%dma_wait3A_1476, %dma_wait3A_1477, %dma_wait3A_1478, %dma_wait3A_1479] : memref<5x8x16x128xf32, #tpu.memory_space<vmem>> -> memref<1x1x16x128xf32, #tpu.memory_space<vmem>>
      %dma_wait3A_1481 = tpu.memref_squeeze %dma_wait3A_1480 : memref<1x1x16x128xf32, #tpu.memory_space<vmem>> -> memref<16x128xf32, #tpu.memory_space<vmem>>
      %dma_wait3A_1482 = arith.constant 0 : i32
      %dma_wait3A_1483 = arith.constant 0 : i32
      %dma_wait3A_1484 = tpu.memref_slice %arg4[%dma_wait3A_1482, %dma_wait3A_1483] : memref<16x1000001xf32, #tpu.memory_space<hbm>> -> memref<16x128xf32, #tpu.memory_space<hbm>>
      %dma_wait3A_1485 = arith.constant 0 : i32
      %dma_wait3A_1486 = arith.constant 0 : i32
      %dma_wait3A_1487 = tpu.memref_slice %arg14[%dma_wait3A_1476, %dma_wait3A_1477, %dma_wait3A_1485, %dma_wait3A_1486] : memref<5x8x16x128xf32, #tpu.memory_space<vmem>> -> memref<1x1x16x128xf32, #tpu.memory_space<vmem>>
      %dma_wait3A_1488 = tpu.memref_squeeze %dma_wait3A_1487 : memref<1x1x16x128xf32, #tpu.memory_space<vmem>> -> memref<16x128xf32, #tpu.memory_space<vmem>>
      %dma_wait3A_1489 = arith.constant 0 : i32
      %dma_wait3A_1490 = arith.constant 0 : i32
      %dma_wait3A_1491 = tpu.memref_slice %arg4[%dma_wait3A_1489, %dma_wait3A_1490] : memref<16x1000001xf32, #tpu.memory_space<hbm>> -> memref<16x128xf32, #tpu.memory_space<hbm>>
      tpu.wait_dma2 semaphore(%arg17 : memref<!tpu.dma_semaphore, #tpu.memory_space<semaphore_mem>>) src(%dma_wait3A_1491 : memref<16x128xf32, #tpu.memory_space<hbm>>) dst(%dma_wait3A_1488 : memref<16x128xf32, #tpu.memory_space<vmem>>)
      %dma_wait3A_1492 = arith.constant 0 : i32
      %dma_wait3A_1493 = arith.constant 7 : i32
      %dma_wait3A_1494 = arith.constant 0 : i32
      %dma_wait3A_1495 = arith.constant 0 : i32
      %dma_wait3A_1496 = tpu.memref_slice %arg14[%dma_wait3A_1492, %dma_wait3A_1493, %dma_wait3A_1494, %dma_wait3A_1495] : memref<5x8x16x128xf32, #tpu.memory_space<vmem>> -> memref<1x1x16x128xf32, #tpu.memory_space<vmem>>
      %dma_wait3A_1497 = tpu.memref_squeeze %dma_wait3A_1496 : memref<1x1x16x128xf32, #tpu.memory_space<vmem>> -> memref<16x128xf32, #tpu.memory_space<vmem>>
      %dma_wait3A_1498 = arith.constant 0 : i32
      %dma_wait3A_1499 = arith.constant 0 : i32
      %dma_wait3A_1500 = tpu.memref_slice %arg4[%dma_wait3A_1498, %dma_wait3A_1499] : memref<16x1000001xf32, #tpu.memory_space<hbm>> -> memref<16x128xf32, #tpu.memory_space<hbm>>
      %dma_wait3A_1501 = arith.constant 0 : i32
      %dma_wait3A_1502 = arith.constant 0 : i32
      %dma_wait3A_1503 = tpu.memref_slice %arg14[%dma_wait3A_1492, %dma_wait3A_1493, %dma_wait3A_1501, %dma_wait3A_1502] : memref<5x8x16x128xf32, #tpu.memory_space<vmem>> -> memref<1x1x16x128xf32, #tpu.memory_space<vmem>>
      %dma_wait3A_1504 = tpu.memref_squeeze %dma_wait3A_1503 : memref<1x1x16x128xf32, #tpu.memory_space<vmem>> -> memref<16x128xf32, #tpu.memory_space<vmem>>
      %dma_wait3A_1505 = arith.constant 0 : i32
      %dma_wait3A_1506 = arith.constant 0 : i32
      %dma_wait3A_1507 = tpu.memref_slice %arg4[%dma_wait3A_1505, %dma_wait3A_1506] : memref<16x1000001xf32, #tpu.memory_space<hbm>> -> memref<16x128xf32, #tpu.memory_space<hbm>>
      tpu.wait_dma2 semaphore(%arg17 : memref<!tpu.dma_semaphore, #tpu.memory_space<semaphore_mem>>) src(%dma_wait3A_1507 : memref<16x128xf32, #tpu.memory_space<hbm>>) dst(%dma_wait3A_1504 : memref<16x128xf32, #tpu.memory_space<vmem>>)
      %add3A_1508 = arith.constant 2 : i32
      %add3A_1509 = arith.addi %scan3A_1354, %add3A_1508 : i32
      %lt3A = arith.constant 32 : i32
      %lt3A_1510 = arith.cmpi slt, %add3A_1509, %lt3A : i32
      %convert_element_type3A = arith.extui %lt3A_1510 : i1 to i32
      %cond3A = arith.constant 0 : i32
      %cond3A_1511 = arith.cmpi ne, %convert_element_type3A, %cond3A : i32
      scf.if %cond3A_1511 {
        %add3A_2619 = arith.constant 2 : i32
        %add3A_2620 = arith.addi %scan3A_1354, %add3A_2619 : i32
        %mul3A_2621 = arith.constant 16 : i32
        %mul3A_2622 = arith.muli %add3A_2620, %mul3A_2621 : i32
        %get3A_2623 = arith.index_cast %mul3A_2622 : i32 to index
        %get3A_2624 = tpu.vector_load %arg10[%get3A_2623] {strides = array<i32>} : memref<512xi32, #tpu.memory_space<vmem>>, vector<16xi32>,
        %slice3A_2625 = vector.extract_strided_slice %get3A_2624 {offsets = [0], sizes = [1], strides = [1]} : vector<16xi32> to vector<1xi32>
        %squeeze3A_2626 = vector.extract %slice3A_2625[0] : i32 from vector<1xi32>
        %jit3A_2627 = arith.constant 128 : i32
        %div3A_2628 = arith.divsi %squeeze3A_2626, %jit3A_2627 : i32
        %sign3A_2629 = arith.constant 0 : i32
        %sign3A_2630 = arith.cmpi sgt, %squeeze3A_2626, %sign3A_2629 : i32
        %sign3A_2631 = arith.extui %sign3A_2630 : i1 to i32
        %sign3A_2632 = arith.constant 0 : i32
        %sign3A_2633 = arith.cmpi slt, %squeeze3A_2626, %sign3A_2632 : i32
        %sign3A_2634 = arith.extui %sign3A_2633 : i1 to i32
        %sign3A_2635 = arith.subi %sign3A_2631, %sign3A_2634 : i32
        %sign3A_2636 = arith.constant 0 : i32
        %sign3A_2637 = arith.cmpi sgt, %jit3A_2627, %sign3A_2636 : i32
        %sign3A_2638 = arith.extui %sign3A_2637 : i1 to i32
        %sign3A_2639 = arith.constant 0 : i32
        %sign3A_2640 = arith.cmpi slt, %jit3A_2627, %sign3A_2639 : i32
        %sign3A_2641 = arith.extui %sign3A_2640 : i1 to i32
        %sign3A_2642 = arith.subi %sign3A_2638, %sign3A_2641 : i32
        %ne3A_2643 = arith.cmpi ne, %sign3A_2635, %sign3A_2642 : i32
        %rem3A_2644 = arith.remsi %squeeze3A_2626, %jit3A_2627 : i32
        %ne3A_2645 = arith.constant 0 : i32
        %ne3A_2646 = arith.cmpi ne, %rem3A_2644, %ne3A_2645 : i32
        %and3A_2647 = arith.andi %ne3A_2643, %ne3A_2646 : i1
        %sub3A_2648 = arith.constant 1 : i32
        %sub3A_2649 = arith.subi %div3A_2628, %sub3A_2648 : i32
        %select_n3A_2650 = arith.select %and3A_2647, %sub3A_2649, %div3A_2628 : i32
        %mul3A_2651 = arith.constant 128 : i32
        %mul3A_2652 = arith.muli %select_n3A_2650, %mul3A_2651 : i32
        %dma_start3A_2653 = arith.constant 0 : i32
        %dma_start3A_2654 = arith.constant 0 : i32
        %dma_start3A_2655 = arith.constant 0 : i32
        %dma_start3A_2656 = tpu.memref_slice %arg14[%rem3A_1374, %dma_start3A_2653, %dma_start3A_2654, %dma_start3A_2655] : memref<5x8x16x128xf32, #tpu.memory_space<vmem>> -> memref<1x1x16x128xf32, #tpu.memory_space<vmem>>
        %dma_start3A_2657 = tpu.memref_squeeze %dma_start3A_2656 : memref<1x1x16x128xf32, #tpu.memory_space<vmem>> -> memref<16x128xf32, #tpu.memory_space<vmem>>
        %dma_start3A_2658 = arith.constant 0 : i32
        %dma_start3A_2659 = tpu.memref_slice %arg4[%dma_start3A_2658, %mul3A_2652] : memref<16x1000001xf32, #tpu.memory_space<hbm>> -> memref<16x128xf32, #tpu.memory_space<hbm>>
        %dma_start3A_2660 = arith.constant 0 : i32
        %dma_start3A_2661 = arith.constant 0 : i32
        %dma_start3A_2662 = tpu.memref_slice %arg14[%rem3A_1374, %dma_start3A_2653, %dma_start3A_2660, %dma_start3A_2661] : memref<5x8x16x128xf32, #tpu.memory_space<vmem>> -> memref<1x1x16x128xf32, #tpu.memory_space<vmem>>
        %dma_start3A_2663 = tpu.memref_squeeze %dma_start3A_2662 : memref<1x1x16x128xf32, #tpu.memory_space<vmem>> -> memref<16x128xf32, #tpu.memory_space<vmem>>
        %dma_start3A_2664 = arith.constant 0 : i32
        %dma_start3A_2665 = tpu.memref_slice %arg4[%dma_start3A_2664, %mul3A_2652] : memref<16x1000001xf32, #tpu.memory_space<hbm>> -> memref<16x128xf32, #tpu.memory_space<hbm>>
        tpu.enqueue_dma source(%dma_start3A_2665 : memref<16x128xf32, #tpu.memory_space<hbm>>) target(%dma_start3A_2663 : memref<16x128xf32, #tpu.memory_space<vmem>>) target_semaphore(%arg17 : memref<!tpu.dma_semaphore, #tpu.memory_space<semaphore_mem>>)
        %slice3A_2666 = vector.extract_strided_slice %get3A_2624 {offsets = [1], sizes = [1], strides = [1]} : vector<16xi32> to vector<1xi32>
        %squeeze3A_2667 = vector.extract %slice3A_2666[0] : i32 from vector<1xi32>
        %jit3A_2668 = arith.constant 128 : i32
        %div3A_2669 = arith.divsi %squeeze3A_2667, %jit3A_2668 : i32
        %sign3A_2670 = arith.constant 0 : i32
        %sign3A_2671 = arith.cmpi sgt, %squeeze3A_2667, %sign3A_2670 : i32
        %sign3A_2672 = arith.extui %sign3A_2671 : i1 to i32
        %sign3A_2673 = arith.constant 0 : i32
        %sign3A_2674 = arith.cmpi slt, %squeeze3A_2667, %sign3A_2673 : i32
        %sign3A_2675 = arith.extui %sign3A_2674 : i1 to i32
        %sign3A_2676 = arith.subi %sign3A_2672, %sign3A_2675 : i32
        %sign3A_2677 = arith.constant 0 : i32
        %sign3A_2678 = arith.cmpi sgt, %jit3A_2668, %sign3A_2677 : i32
        %sign3A_2679 = arith.extui %sign3A_2678 : i1 to i32
        %sign3A_2680 = arith.constant 0 : i32
        %sign3A_2681 = arith.cmpi slt, %jit3A_2668, %sign3A_2680 : i32
        %sign3A_2682 = arith.extui %sign3A_2681 : i1 to i32
        %sign3A_2683 = arith.subi %sign3A_2679, %sign3A_2682 : i32
        %ne3A_2684 = arith.cmpi ne, %sign3A_2676, %sign3A_2683 : i32
        %rem3A_2685 = arith.remsi %squeeze3A_2667, %jit3A_2668 : i32
        %ne3A_2686 = arith.constant 0 : i32
        %ne3A_2687 = arith.cmpi ne, %rem3A_2685, %ne3A_2686 : i32
        %and3A_2688 = arith.andi %ne3A_2684, %ne3A_2687 : i1
        %sub3A_2689 = arith.constant 1 : i32
        %sub3A_2690 = arith.subi %div3A_2669, %sub3A_2689 : i32
        %select_n3A_2691 = arith.select %and3A_2688, %sub3A_2690, %div3A_2669 : i32
        %mul3A_2692 = arith.constant 128 : i32
        %mul3A_2693 = arith.muli %select_n3A_2691, %mul3A_2692 : i32
        %dma_start3A_2694 = arith.constant 1 : i32
        %dma_start3A_2695 = arith.constant 0 : i32
        %dma_start3A_2696 = arith.constant 0 : i32
        %dma_start3A_2697 = tpu.memref_slice %arg14[%rem3A_1374, %dma_start3A_2694, %dma_start3A_2695, %dma_start3A_2696] : memref<5x8x16x128xf32, #tpu.memory_space<vmem>> -> memref<1x1x16x128xf32, #tpu.memory_space<vmem>>
        %dma_start3A_2698 = tpu.memref_squeeze %dma_start3A_2697 : memref<1x1x16x128xf32, #tpu.memory_space<vmem>> -> memref<16x128xf32, #tpu.memory_space<vmem>>
        %dma_start3A_2699 = arith.constant 0 : i32
        %dma_start3A_2700 = tpu.memref_slice %arg4[%dma_start3A_2699, %mul3A_2693] : memref<16x1000001xf32, #tpu.memory_space<hbm>> -> memref<16x128xf32, #tpu.memory_space<hbm>>
        %dma_start3A_2701 = arith.constant 0 : i32
        %dma_start3A_2702 = arith.constant 0 : i32
        %dma_start3A_2703 = tpu.memref_slice %arg14[%rem3A_1374, %dma_start3A_2694, %dma_start3A_2701, %dma_start3A_2702] : memref<5x8x16x128xf32, #tpu.memory_space<vmem>> -> memref<1x1x16x128xf32, #tpu.memory_space<vmem>>
        %dma_start3A_2704 = tpu.memref_squeeze %dma_start3A_2703 : memref<1x1x16x128xf32, #tpu.memory_space<vmem>> -> memref<16x128xf32, #tpu.memory_space<vmem>>
        %dma_start3A_2705 = arith.constant 0 : i32
        %dma_start3A_2706 = tpu.memref_slice %arg4[%dma_start3A_2705, %mul3A_2693] : memref<16x1000001xf32, #tpu.memory_space<hbm>> -> memref<16x128xf32, #tpu.memory_space<hbm>>
        tpu.enqueue_dma source(%dma_start3A_2706 : memref<16x128xf32, #tpu.memory_space<hbm>>) target(%dma_start3A_2704 : memref<16x128xf32, #tpu.memory_space<vmem>>) target_semaphore(%arg17 : memref<!tpu.dma_semaphore, #tpu.memory_space<semaphore_mem>>)
        %slice3A_2707 = vector.extract_strided_slice %get3A_2624 {offsets = [2], sizes = [1], strides = [1]} : vector<16xi32> to vector<1xi32>
        %squeeze3A_2708 = vector.extract %slice3A_2707[0] : i32 from vector<1xi32>
        %jit3A_2709 = arith.constant 128 : i32
        %div3A_2710 = arith.divsi %squeeze3A_2708, %jit3A_2709 : i32
        %sign3A_2711 = arith.constant 0 : i32
        %sign3A_2712 = arith.cmpi sgt, %squeeze3A_2708, %sign3A_2711 : i32
        %sign3A_2713 = arith.extui %sign3A_2712 : i1 to i32
        %sign3A_2714 = arith.constant 0 : i32
        %sign3A_2715 = arith.cmpi slt, %squeeze3A_2708, %sign3A_2714 : i32
        %sign3A_2716 = arith.extui %sign3A_2715 : i1 to i32
        %sign3A_2717 = arith.subi %sign3A_2713, %sign3A_2716 : i32
        %sign3A_2718 = arith.constant 0 : i32
        %sign3A_2719 = arith.cmpi sgt, %jit3A_2709, %sign3A_2718 : i32
        %sign3A_2720 = arith.extui %sign3A_2719 : i1 to i32
        %sign3A_2721 = arith.constant 0 : i32
        %sign3A_2722 = arith.cmpi slt, %jit3A_2709, %sign3A_2721 : i32
        %sign3A_2723 = arith.extui %sign3A_2722 : i1 to i32
        %sign3A_2724 = arith.subi %sign3A_2720, %sign3A_2723 : i32
        %ne3A_2725 = arith.cmpi ne, %sign3A_2717, %sign3A_2724 : i32
        %rem3A_2726 = arith.remsi %squeeze3A_2708, %jit3A_2709 : i32
        %ne3A_2727 = arith.constant 0 : i32
        %ne3A_2728 = arith.cmpi ne, %rem3A_2726, %ne3A_2727 : i32
        %and3A_2729 = arith.andi %ne3A_2725, %ne3A_2728 : i1
        %sub3A_2730 = arith.constant 1 : i32
        %sub3A_2731 = arith.subi %div3A_2710, %sub3A_2730 : i32
        %select_n3A_2732 = arith.select %and3A_2729, %sub3A_2731, %div3A_2710 : i32
        %mul3A_2733 = arith.constant 128 : i32
        %mul3A_2734 = arith.muli %select_n3A_2732, %mul3A_2733 : i32
        %dma_start3A_2735 = arith.constant 2 : i32
        %dma_start3A_2736 = arith.constant 0 : i32
        %dma_start3A_2737 = arith.constant 0 : i32
        %dma_start3A_2738 = tpu.memref_slice %arg14[%rem3A_1374, %dma_start3A_2735, %dma_start3A_2736, %dma_start3A_2737] : memref<5x8x16x128xf32, #tpu.memory_space<vmem>> -> memref<1x1x16x128xf32, #tpu.memory_space<vmem>>
        %dma_start3A_2739 = tpu.memref_squeeze %dma_start3A_2738 : memref<1x1x16x128xf32, #tpu.memory_space<vmem>> -> memref<16x128xf32, #tpu.memory_space<vmem>>
        %dma_start3A_2740 = arith.constant 0 : i32
        %dma_start3A_2741 = tpu.memref_slice %arg4[%dma_start3A_2740, %mul3A_2734] : memref<16x1000001xf32, #tpu.memory_space<hbm>> -> memref<16x128xf32, #tpu.memory_space<hbm>>
        %dma_start3A_2742 = arith.constant 0 : i32
        %dma_start3A_2743 = arith.constant 0 : i32
        %dma_start3A_2744 = tpu.memref_slice %arg14[%rem3A_1374, %dma_start3A_2735, %dma_start3A_2742, %dma_start3A_2743] : memref<5x8x16x128xf32, #tpu.memory_space<vmem>> -> memref<1x1x16x128xf32, #tpu.memory_space<vmem>>
        %dma_start3A_2745 = tpu.memref_squeeze %dma_start3A_2744 : memref<1x1x16x128xf32, #tpu.memory_space<vmem>> -> memref<16x128xf32, #tpu.memory_space<vmem>>
        %dma_start3A_2746 = arith.constant 0 : i32
        %dma_start3A_2747 = tpu.memref_slice %arg4[%dma_start3A_2746, %mul3A_2734] : memref<16x1000001xf32, #tpu.memory_space<hbm>> -> memref<16x128xf32, #tpu.memory_space<hbm>>
        tpu.enqueue_dma source(%dma_start3A_2747 : memref<16x128xf32, #tpu.memory_space<hbm>>) target(%dma_start3A_2745 : memref<16x128xf32, #tpu.memory_space<vmem>>) target_semaphore(%arg17 : memref<!tpu.dma_semaphore, #tpu.memory_space<semaphore_mem>>)
        %slice3A_2748 = vector.extract_strided_slice %get3A_2624 {offsets = [3], sizes = [1], strides = [1]} : vector<16xi32> to vector<1xi32>
        %squeeze3A_2749 = vector.extract %slice3A_2748[0] : i32 from vector<1xi32>
        %jit3A_2750 = arith.constant 128 : i32
        %div3A_2751 = arith.divsi %squeeze3A_2749, %jit3A_2750 : i32
        %sign3A_2752 = arith.constant 0 : i32
        %sign3A_2753 = arith.cmpi sgt, %squeeze3A_2749, %sign3A_2752 : i32
        %sign3A_2754 = arith.extui %sign3A_2753 : i1 to i32
        %sign3A_2755 = arith.constant 0 : i32
        %sign3A_2756 = arith.cmpi slt, %squeeze3A_2749, %sign3A_2755 : i32
        %sign3A_2757 = arith.extui %sign3A_2756 : i1 to i32
        %sign3A_2758 = arith.subi %sign3A_2754, %sign3A_2757 : i32
        %sign3A_2759 = arith.constant 0 : i32
        %sign3A_2760 = arith.cmpi sgt, %jit3A_2750, %sign3A_2759 : i32
        %sign3A_2761 = arith.extui %sign3A_2760 : i1 to i32
        %sign3A_2762 = arith.constant 0 : i32
        %sign3A_2763 = arith.cmpi slt, %jit3A_2750, %sign3A_2762 : i32
        %sign3A_2764 = arith.extui %sign3A_2763 : i1 to i32
        %sign3A_2765 = arith.subi %sign3A_2761, %sign3A_2764 : i32
        %ne3A_2766 = arith.cmpi ne, %sign3A_2758, %sign3A_2765 : i32
        %rem3A_2767 = arith.remsi %squeeze3A_2749, %jit3A_2750 : i32
        %ne3A_2768 = arith.constant 0 : i32
        %ne3A_2769 = arith.cmpi ne, %rem3A_2767, %ne3A_2768 : i32
        %and3A_2770 = arith.andi %ne3A_2766, %ne3A_2769 : i1
        %sub3A_2771 = arith.constant 1 : i32
        %sub3A_2772 = arith.subi %div3A_2751, %sub3A_2771 : i32
        %select_n3A_2773 = arith.select %and3A_2770, %sub3A_2772, %div3A_2751 : i32
        %mul3A_2774 = arith.constant 128 : i32
        %mul3A_2775 = arith.muli %select_n3A_2773, %mul3A_2774 : i32
        %dma_start3A_2776 = arith.constant 3 : i32
        %dma_start3A_2777 = arith.constant 0 : i32
        %dma_start3A_2778 = arith.constant 0 : i32
        %dma_start3A_2779 = tpu.memref_slice %arg14[%rem3A_1374, %dma_start3A_2776, %dma_start3A_2777, %dma_start3A_2778] : memref<5x8x16x128xf32, #tpu.memory_space<vmem>> -> memref<1x1x16x128xf32, #tpu.memory_space<vmem>>
        %dma_start3A_2780 = tpu.memref_squeeze %dma_start3A_2779 : memref<1x1x16x128xf32, #tpu.memory_space<vmem>> -> memref<16x128xf32, #tpu.memory_space<vmem>>
        %dma_start3A_2781 = arith.constant 0 : i32
        %dma_start3A_2782 = tpu.memref_slice %arg4[%dma_start3A_2781, %mul3A_2775] : memref<16x1000001xf32, #tpu.memory_space<hbm>> -> memref<16x128xf32, #tpu.memory_space<hbm>>
        %dma_start3A_2783 = arith.constant 0 : i32
        %dma_start3A_2784 = arith.constant 0 : i32
        %dma_start3A_2785 = tpu.memref_slice %arg14[%rem3A_1374, %dma_start3A_2776, %dma_start3A_2783, %dma_start3A_2784] : memref<5x8x16x128xf32, #tpu.memory_space<vmem>> -> memref<1x1x16x128xf32, #tpu.memory_space<vmem>>
        %dma_start3A_2786 = tpu.memref_squeeze %dma_start3A_2785 : memref<1x1x16x128xf32, #tpu.memory_space<vmem>> -> memref<16x128xf32, #tpu.memory_space<vmem>>
        %dma_start3A_2787 = arith.constant 0 : i32
        %dma_start3A_2788 = tpu.memref_slice %arg4[%dma_start3A_2787, %mul3A_2775] : memref<16x1000001xf32, #tpu.memory_space<hbm>> -> memref<16x128xf32, #tpu.memory_space<hbm>>
        tpu.enqueue_dma source(%dma_start3A_2788 : memref<16x128xf32, #tpu.memory_space<hbm>>) target(%dma_start3A_2786 : memref<16x128xf32, #tpu.memory_space<vmem>>) target_semaphore(%arg17 : memref<!tpu.dma_semaphore, #tpu.memory_space<semaphore_mem>>)
        %slice3A_2789 = vector.extract_strided_slice %get3A_2624 {offsets = [4], sizes = [1], strides = [1]} : vector<16xi32> to vector<1xi32>
        %squeeze3A_2790 = vector.extract %slice3A_2789[0] : i32 from vector<1xi32>
        %jit3A_2791 = arith.constant 128 : i32
        %div3A_2792 = arith.divsi %squeeze3A_2790, %jit3A_2791 : i32
        %sign3A_2793 = arith.constant 0 : i32
        %sign3A_2794 = arith.cmpi sgt, %squeeze3A_2790, %sign3A_2793 : i32
        %sign3A_2795 = arith.extui %sign3A_2794 : i1 to i32
        %sign3A_2796 = arith.constant 0 : i32
        %sign3A_2797 = arith.cmpi slt, %squeeze3A_2790, %sign3A_2796 : i32
        %sign3A_2798 = arith.extui %sign3A_2797 : i1 to i32
        %sign3A_2799 = arith.subi %sign3A_2795, %sign3A_2798 : i32
        %sign3A_2800 = arith.constant 0 : i32
        %sign3A_2801 = arith.cmpi sgt, %jit3A_2791, %sign3A_2800 : i32
        %sign3A_2802 = arith.extui %sign3A_2801 : i1 to i32
        %sign3A_2803 = arith.constant 0 : i32
        %sign3A_2804 = arith.cmpi slt, %jit3A_2791, %sign3A_2803 : i32
        %sign3A_2805 = arith.extui %sign3A_2804 : i1 to i32
        %sign3A_2806 = arith.subi %sign3A_2802, %sign3A_2805 : i32
        %ne3A_2807 = arith.cmpi ne, %sign3A_2799, %sign3A_2806 : i32
        %rem3A_2808 = arith.remsi %squeeze3A_2790, %jit3A_2791 : i32
        %ne3A_2809 = arith.constant 0 : i32
        %ne3A_2810 = arith.cmpi ne, %rem3A_2808, %ne3A_2809 : i32
        %and3A_2811 = arith.andi %ne3A_2807, %ne3A_2810 : i1
        %sub3A_2812 = arith.constant 1 : i32
        %sub3A_2813 = arith.subi %div3A_2792, %sub3A_2812 : i32
        %select_n3A_2814 = arith.select %and3A_2811, %sub3A_2813, %div3A_2792 : i32
        %mul3A_2815 = arith.constant 128 : i32
        %mul3A_2816 = arith.muli %select_n3A_2814, %mul3A_2815 : i32
        %dma_start3A_2817 = arith.constant 4 : i32
        %dma_start3A_2818 = arith.constant 0 : i32
        %dma_start3A_2819 = arith.constant 0 : i32
        %dma_start3A_2820 = tpu.memref_slice %arg14[%rem3A_1374, %dma_start3A_2817, %dma_start3A_2818, %dma_start3A_2819] : memref<5x8x16x128xf32, #tpu.memory_space<vmem>> -> memref<1x1x16x128xf32, #tpu.memory_space<vmem>>
        %dma_start3A_2821 = tpu.memref_squeeze %dma_start3A_2820 : memref<1x1x16x128xf32, #tpu.memory_space<vmem>> -> memref<16x128xf32, #tpu.memory_space<vmem>>
        %dma_start3A_2822 = arith.constant 0 : i32
        %dma_start3A_2823 = tpu.memref_slice %arg4[%dma_start3A_2822, %mul3A_2816] : memref<16x1000001xf32, #tpu.memory_space<hbm>> -> memref<16x128xf32, #tpu.memory_space<hbm>>
        %dma_start3A_2824 = arith.constant 0 : i32
        %dma_start3A_2825 = arith.constant 0 : i32
        %dma_start3A_2826 = tpu.memref_slice %arg14[%rem3A_1374, %dma_start3A_2817, %dma_start3A_2824, %dma_start3A_2825] : memref<5x8x16x128xf32, #tpu.memory_space<vmem>> -> memref<1x1x16x128xf32, #tpu.memory_space<vmem>>
        %dma_start3A_2827 = tpu.memref_squeeze %dma_start3A_2826 : memref<1x1x16x128xf32, #tpu.memory_space<vmem>> -> memref<16x128xf32, #tpu.memory_space<vmem>>
        %dma_start3A_2828 = arith.constant 0 : i32
        %dma_start3A_2829 = tpu.memref_slice %arg4[%dma_start3A_2828, %mul3A_2816] : memref<16x1000001xf32, #tpu.memory_space<hbm>> -> memref<16x128xf32, #tpu.memory_space<hbm>>
        tpu.enqueue_dma source(%dma_start3A_2829 : memref<16x128xf32, #tpu.memory_space<hbm>>) target(%dma_start3A_2827 : memref<16x128xf32, #tpu.memory_space<vmem>>) target_semaphore(%arg17 : memref<!tpu.dma_semaphore, #tpu.memory_space<semaphore_mem>>)
        %slice3A_2830 = vector.extract_strided_slice %get3A_2624 {offsets = [5], sizes = [1], strides = [1]} : vector<16xi32> to vector<1xi32>
        %squeeze3A_2831 = vector.extract %slice3A_2830[0] : i32 from vector<1xi32>
        %jit3A_2832 = arith.constant 128 : i32
        %div3A_2833 = arith.divsi %squeeze3A_2831, %jit3A_2832 : i32
        %sign3A_2834 = arith.constant 0 : i32
        %sign3A_2835 = arith.cmpi sgt, %squeeze3A_2831, %sign3A_2834 : i32
        %sign3A_2836 = arith.extui %sign3A_2835 : i1 to i32
        %sign3A_2837 = arith.constant 0 : i32
        %sign3A_2838 = arith.cmpi slt, %squeeze3A_2831, %sign3A_2837 : i32
        %sign3A_2839 = arith.extui %sign3A_2838 : i1 to i32
        %sign3A_2840 = arith.subi %sign3A_2836, %sign3A_2839 : i32
        %sign3A_2841 = arith.constant 0 : i32
        %sign3A_2842 = arith.cmpi sgt, %jit3A_2832, %sign3A_2841 : i32
        %sign3A_2843 = arith.extui %sign3A_2842 : i1 to i32
        %sign3A_2844 = arith.constant 0 : i32
        %sign3A_2845 = arith.cmpi slt, %jit3A_2832, %sign3A_2844 : i32
        %sign3A_2846 = arith.extui %sign3A_2845 : i1 to i32
        %sign3A_2847 = arith.subi %sign3A_2843, %sign3A_2846 : i32
        %ne3A_2848 = arith.cmpi ne, %sign3A_2840, %sign3A_2847 : i32
        %rem3A_2849 = arith.remsi %squeeze3A_2831, %jit3A_2832 : i32
        %ne3A_2850 = arith.constant 0 : i32
        %ne3A_2851 = arith.cmpi ne, %rem3A_2849, %ne3A_2850 : i32
        %and3A_2852 = arith.andi %ne3A_2848, %ne3A_2851 : i1
        %sub3A_2853 = arith.constant 1 : i32
        %sub3A_2854 = arith.subi %div3A_2833, %sub3A_2853 : i32
        %select_n3A_2855 = arith.select %and3A_2852, %sub3A_2854, %div3A_2833 : i32
        %mul3A_2856 = arith.constant 128 : i32
        %mul3A_2857 = arith.muli %select_n3A_2855, %mul3A_2856 : i32
        %dma_start3A_2858 = arith.constant 5 : i32
        %dma_start3A_2859 = arith.constant 0 : i32
        %dma_start3A_2860 = arith.constant 0 : i32
        %dma_start3A_2861 = tpu.memref_slice %arg14[%rem3A_1374, %dma_start3A_2858, %dma_start3A_2859, %dma_start3A_2860] : memref<5x8x16x128xf32, #tpu.memory_space<vmem>> -> memref<1x1x16x128xf32, #tpu.memory_space<vmem>>
        %dma_start3A_2862 = tpu.memref_squeeze %dma_start3A_2861 : memref<1x1x16x128xf32, #tpu.memory_space<vmem>> -> memref<16x128xf32, #tpu.memory_space<vmem>>
        %dma_start3A_2863 = arith.constant 0 : i32
        %dma_start3A_2864 = tpu.memref_slice %arg4[%dma_start3A_2863, %mul3A_2857] : memref<16x1000001xf32, #tpu.memory_space<hbm>> -> memref<16x128xf32, #tpu.memory_space<hbm>>
        %dma_start3A_2865 = arith.constant 0 : i32
        %dma_start3A_2866 = arith.constant 0 : i32
        %dma_start3A_2867 = tpu.memref_slice %arg14[%rem3A_1374, %dma_start3A_2858, %dma_start3A_2865, %dma_start3A_2866] : memref<5x8x16x128xf32, #tpu.memory_space<vmem>> -> memref<1x1x16x128xf32, #tpu.memory_space<vmem>>
        %dma_start3A_2868 = tpu.memref_squeeze %dma_start3A_2867 : memref<1x1x16x128xf32, #tpu.memory_space<vmem>> -> memref<16x128xf32, #tpu.memory_space<vmem>>
        %dma_start3A_2869 = arith.constant 0 : i32
        %dma_start3A_2870 = tpu.memref_slice %arg4[%dma_start3A_2869, %mul3A_2857] : memref<16x1000001xf32, #tpu.memory_space<hbm>> -> memref<16x128xf32, #tpu.memory_space<hbm>>
        tpu.enqueue_dma source(%dma_start3A_2870 : memref<16x128xf32, #tpu.memory_space<hbm>>) target(%dma_start3A_2868 : memref<16x128xf32, #tpu.memory_space<vmem>>) target_semaphore(%arg17 : memref<!tpu.dma_semaphore, #tpu.memory_space<semaphore_mem>>)
        %slice3A_2871 = vector.extract_strided_slice %get3A_2624 {offsets = [6], sizes = [1], strides = [1]} : vector<16xi32> to vector<1xi32>
        %squeeze3A_2872 = vector.extract %slice3A_2871[0] : i32 from vector<1xi32>
        %jit3A_2873 = arith.constant 128 : i32
        %div3A_2874 = arith.divsi %squeeze3A_2872, %jit3A_2873 : i32
        %sign3A_2875 = arith.constant 0 : i32
        %sign3A_2876 = arith.cmpi sgt, %squeeze3A_2872, %sign3A_2875 : i32
        %sign3A_2877 = arith.extui %sign3A_2876 : i1 to i32
        %sign3A_2878 = arith.constant 0 : i32
        %sign3A_2879 = arith.cmpi slt, %squeeze3A_2872, %sign3A_2878 : i32
        %sign3A_2880 = arith.extui %sign3A_2879 : i1 to i32
        %sign3A_2881 = arith.subi %sign3A_2877, %sign3A_2880 : i32
        %sign3A_2882 = arith.constant 0 : i32
        %sign3A_2883 = arith.cmpi sgt, %jit3A_2873, %sign3A_2882 : i32
        %sign3A_2884 = arith.extui %sign3A_2883 : i1 to i32
        %sign3A_2885 = arith.constant 0 : i32
        %sign3A_2886 = arith.cmpi slt, %jit3A_2873, %sign3A_2885 : i32
        %sign3A_2887 = arith.extui %sign3A_2886 : i1 to i32
        %sign3A_2888 = arith.subi %sign3A_2884, %sign3A_2887 : i32
        %ne3A_2889 = arith.cmpi ne, %sign3A_2881, %sign3A_2888 : i32
        %rem3A_2890 = arith.remsi %squeeze3A_2872, %jit3A_2873 : i32
        %ne3A_2891 = arith.constant 0 : i32
        %ne3A_2892 = arith.cmpi ne, %rem3A_2890, %ne3A_2891 : i32
        %and3A_2893 = arith.andi %ne3A_2889, %ne3A_2892 : i1
        %sub3A_2894 = arith.constant 1 : i32
        %sub3A_2895 = arith.subi %div3A_2874, %sub3A_2894 : i32
        %select_n3A_2896 = arith.select %and3A_2893, %sub3A_2895, %div3A_2874 : i32
        %mul3A_2897 = arith.constant 128 : i32
        %mul3A_2898 = arith.muli %select_n3A_2896, %mul3A_2897 : i32
        %dma_start3A_2899 = arith.constant 6 : i32
        %dma_start3A_2900 = arith.constant 0 : i32
        %dma_start3A_2901 = arith.constant 0 : i32
        %dma_start3A_2902 = tpu.memref_slice %arg14[%rem3A_1374, %dma_start3A_2899, %dma_start3A_2900, %dma_start3A_2901] : memref<5x8x16x128xf32, #tpu.memory_space<vmem>> -> memref<1x1x16x128xf32, #tpu.memory_space<vmem>>
        %dma_start3A_2903 = tpu.memref_squeeze %dma_start3A_2902 : memref<1x1x16x128xf32, #tpu.memory_space<vmem>> -> memref<16x128xf32, #tpu.memory_space<vmem>>
        %dma_start3A_2904 = arith.constant 0 : i32
        %dma_start3A_2905 = tpu.memref_slice %arg4[%dma_start3A_2904, %mul3A_2898] : memref<16x1000001xf32, #tpu.memory_space<hbm>> -> memref<16x128xf32, #tpu.memory_space<hbm>>
        %dma_start3A_2906 = arith.constant 0 : i32
        %dma_start3A_2907 = arith.constant 0 : i32
        %dma_start3A_2908 = tpu.memref_slice %arg14[%rem3A_1374, %dma_start3A_2899, %dma_start3A_2906, %dma_start3A_2907] : memref<5x8x16x128xf32, #tpu.memory_space<vmem>> -> memref<1x1x16x128xf32, #tpu.memory_space<vmem>>
        %dma_start3A_2909 = tpu.memref_squeeze %dma_start3A_2908 : memref<1x1x16x128xf32, #tpu.memory_space<vmem>> -> memref<16x128xf32, #tpu.memory_space<vmem>>
        %dma_start3A_2910 = arith.constant 0 : i32
        %dma_start3A_2911 = tpu.memref_slice %arg4[%dma_start3A_2910, %mul3A_2898] : memref<16x1000001xf32, #tpu.memory_space<hbm>> -> memref<16x128xf32, #tpu.memory_space<hbm>>
        tpu.enqueue_dma source(%dma_start3A_2911 : memref<16x128xf32, #tpu.memory_space<hbm>>) target(%dma_start3A_2909 : memref<16x128xf32, #tpu.memory_space<vmem>>) target_semaphore(%arg17 : memref<!tpu.dma_semaphore, #tpu.memory_space<semaphore_mem>>)
        %slice3A_2912 = vector.extract_strided_slice %get3A_2624 {offsets = [7], sizes = [1], strides = [1]} : vector<16xi32> to vector<1xi32>
        %squeeze3A_2913 = vector.extract %slice3A_2912[0] : i32 from vector<1xi32>
        %jit3A_2914 = arith.constant 128 : i32
        %div3A_2915 = arith.divsi %squeeze3A_2913, %jit3A_2914 : i32
        %sign3A_2916 = arith.constant 0 : i32
        %sign3A_2917 = arith.cmpi sgt, %squeeze3A_2913, %sign3A_2916 : i32
        %sign3A_2918 = arith.extui %sign3A_2917 : i1 to i32
        %sign3A_2919 = arith.constant 0 : i32
        %sign3A_2920 = arith.cmpi slt, %squeeze3A_2913, %sign3A_2919 : i32
        %sign3A_2921 = arith.extui %sign3A_2920 : i1 to i32
        %sign3A_2922 = arith.subi %sign3A_2918, %sign3A_2921 : i32
        %sign3A_2923 = arith.constant 0 : i32
        %sign3A_2924 = arith.cmpi sgt, %jit3A_2914, %sign3A_2923 : i32
        %sign3A_2925 = arith.extui %sign3A_2924 : i1 to i32
        %sign3A_2926 = arith.constant 0 : i32
        %sign3A_2927 = arith.cmpi slt, %jit3A_2914, %sign3A_2926 : i32
        %sign3A_2928 = arith.extui %sign3A_2927 : i1 to i32
        %sign3A_2929 = arith.subi %sign3A_2925, %sign3A_2928 : i32
        %ne3A_2930 = arith.cmpi ne, %sign3A_2922, %sign3A_2929 : i32
        %rem3A_2931 = arith.remsi %squeeze3A_2913, %jit3A_2914 : i32
        %ne3A_2932 = arith.constant 0 : i32
        %ne3A_2933 = arith.cmpi ne, %rem3A_2931, %ne3A_2932 : i32
        %and3A_2934 = arith.andi %ne3A_2930, %ne3A_2933 : i1
        %sub3A_2935 = arith.constant 1 : i32
        %sub3A_2936 = arith.subi %div3A_2915, %sub3A_2935 : i32
        %select_n3A_2937 = arith.select %and3A_2934, %sub3A_2936, %div3A_2915 : i32
        %mul3A_2938 = arith.constant 128 : i32
        %mul3A_2939 = arith.muli %select_n3A_2937, %mul3A_2938 : i32
        %dma_start3A_2940 = arith.constant 7 : i32
        %dma_start3A_2941 = arith.constant 0 : i32
        %dma_start3A_2942 = arith.constant 0 : i32
        %dma_start3A_2943 = tpu.memref_slice %arg14[%rem3A_1374, %dma_start3A_2940, %dma_start3A_2941, %dma_start3A_2942] : memref<5x8x16x128xf32, #tpu.memory_space<vmem>> -> memref<1x1x16x128xf32, #tpu.memory_space<vmem>>
        %dma_start3A_2944 = tpu.memref_squeeze %dma_start3A_2943 : memref<1x1x16x128xf32, #tpu.memory_space<vmem>> -> memref<16x128xf32, #tpu.memory_space<vmem>>
        %dma_start3A_2945 = arith.constant 0 : i32
        %dma_start3A_2946 = tpu.memref_slice %arg4[%dma_start3A_2945, %mul3A_2939] : memref<16x1000001xf32, #tpu.memory_space<hbm>> -> memref<16x128xf32, #tpu.memory_space<hbm>>
        %dma_start3A_2947 = arith.constant 0 : i32
        %dma_start3A_2948 = arith.constant 0 : i32
        %dma_start3A_2949 = tpu.memref_slice %arg14[%rem3A_1374, %dma_start3A_2940, %dma_start3A_2947, %dma_start3A_2948] : memref<5x8x16x128xf32, #tpu.memory_space<vmem>> -> memref<1x1x16x128xf32, #tpu.memory_space<vmem>>
        %dma_start3A_2950 = tpu.memref_squeeze %dma_start3A_2949 : memref<1x1x16x128xf32, #tpu.memory_space<vmem>> -> memref<16x128xf32, #tpu.memory_space<vmem>>
        %dma_start3A_2951 = arith.constant 0 : i32
        %dma_start3A_2952 = tpu.memref_slice %arg4[%dma_start3A_2951, %mul3A_2939] : memref<16x1000001xf32, #tpu.memory_space<hbm>> -> memref<16x128xf32, #tpu.memory_space<hbm>>
        tpu.enqueue_dma source(%dma_start3A_2952 : memref<16x128xf32, #tpu.memory_space<hbm>>) target(%dma_start3A_2950 : memref<16x128xf32, #tpu.memory_space<vmem>>) target_semaphore(%arg17 : memref<!tpu.dma_semaphore, #tpu.memory_space<semaphore_mem>>)
      } else {
      }
      %mul3A_1512 = arith.constant 16 : i32
      %mul3A_1513 = arith.muli %scan3A_1354, %mul3A_1512 : i32
      %get3A_1514 = arith.index_cast %mul3A_1513 : i32 to index
      %get3A_1515 = tpu.vector_load %arg11[%get3A_1514] {strides = array<i32>} : memref<512xf32, #tpu.memory_space<vmem>>, vector<16xf32>,
      %add3A_1516 = arith.constant 511 : i32
      %add3A_1517 = vector.broadcast %add3A_1516 : i32 to vector<16xi32>
      %add3A_1518 = arith.addi %broadcast_in_dim3A_3, %add3A_1517 : vector<16xi32>
      %gather3A = tpu.vector_load_idx %arg12[%add3A_1518] : memref<1024xf32, #tpu.memory_space<vmem>>[vector<16xi32>], vector<16xf32>,
      %le3A = arith.cmpf ole, %gather3A, %get3A_1515 : vector<16xf32>
      %add3A_1519 = arith.constant 512 : i32
      %add3A_1520 = vector.broadcast %add3A_1519 : i32 to vector<16xi32>
      %add3A_1521 = arith.addi %broadcast_in_dim3A_3, %add3A_1520 : vector<16xi32>
      %select_n3A_1522 = arith.select %le3A, %add3A_1521, %broadcast_in_dim3A_3 : vector<16xi1>, vector<16xi32>
      %add3A_1523 = arith.constant 255 : i32
      %add3A_1524 = vector.broadcast %add3A_1523 : i32 to vector<16xi32>
      %add3A_1525 = arith.addi %select_n3A_1522, %add3A_1524 : vector<16xi32>
      %gather3A_1526 = tpu.vector_load_idx %arg12[%add3A_1525] : memref<1024xf32, #tpu.memory_space<vmem>>[vector<16xi32>], vector<16xf32>,
      %le3A_1527 = arith.cmpf ole, %gather3A_1526, %get3A_1515 : vector<16xf32>
      %add3A_1528 = arith.constant 256 : i32
      %add3A_1529 = vector.broadcast %add3A_1528 : i32 to vector<16xi32>
      %add3A_1530 = arith.addi %select_n3A_1522, %add3A_1529 : vector<16xi32>
      %select_n3A_1531 = arith.select %le3A_1527, %add3A_1530, %select_n3A_1522 : vector<16xi1>, vector<16xi32>
      %add3A_1532 = arith.constant 127 : i32
      %add3A_1533 = vector.broadcast %add3A_1532 : i32 to vector<16xi32>
      %add3A_1534 = arith.addi %select_n3A_1531, %add3A_1533 : vector<16xi32>
      %gather3A_1535 = tpu.vector_load_idx %arg12[%add3A_1534] : memref<1024xf32, #tpu.memory_space<vmem>>[vector<16xi32>], vector<16xf32>,
      %le3A_1536 = arith.cmpf ole, %gather3A_1535, %get3A_1515 : vector<16xf32>
      %add3A_1537 = arith.constant 128 : i32
      %add3A_1538 = vector.broadcast %add3A_1537 : i32 to vector<16xi32>
      %add3A_1539 = arith.addi %select_n3A_1531, %add3A_1538 : vector<16xi32>
      %select_n3A_1540 = arith.select %le3A_1536, %add3A_1539, %select_n3A_1531 : vector<16xi1>, vector<16xi32>
      %add3A_1541 = arith.constant 63 : i32
      %add3A_1542 = vector.broadcast %add3A_1541 : i32 to vector<16xi32>
      %add3A_1543 = arith.addi %select_n3A_1540, %add3A_1542 : vector<16xi32>
      %gather3A_1544 = tpu.vector_load_idx %arg12[%add3A_1543] : memref<1024xf32, #tpu.memory_space<vmem>>[vector<16xi32>], vector<16xf32>,
      %le3A_1545 = arith.cmpf ole, %gather3A_1544, %get3A_1515 : vector<16xf32>
      %add3A_1546 = arith.constant 64 : i32
      %add3A_1547 = vector.broadcast %add3A_1546 : i32 to vector<16xi32>
      %add3A_1548 = arith.addi %select_n3A_1540, %add3A_1547 : vector<16xi32>
      %select_n3A_1549 = arith.select %le3A_1545, %add3A_1548, %select_n3A_1540 : vector<16xi1>, vector<16xi32>
      %add3A_1550 = arith.constant 31 : i32
      %add3A_1551 = vector.broadcast %add3A_1550 : i32 to vector<16xi32>
      %add3A_1552 = arith.addi %select_n3A_1549, %add3A_1551 : vector<16xi32>
      %gather3A_1553 = tpu.vector_load_idx %arg12[%add3A_1552] : memref<1024xf32, #tpu.memory_space<vmem>>[vector<16xi32>], vector<16xf32>,
      %le3A_1554 = arith.cmpf ole, %gather3A_1553, %get3A_1515 : vector<16xf32>
      %add3A_1555 = arith.constant 32 : i32
      %add3A_1556 = vector.broadcast %add3A_1555 : i32 to vector<16xi32>
      %add3A_1557 = arith.addi %select_n3A_1549, %add3A_1556 : vector<16xi32>
      %select_n3A_1558 = arith.select %le3A_1554, %add3A_1557, %select_n3A_1549 : vector<16xi1>, vector<16xi32>
      %add3A_1559 = arith.constant 15 : i32
      %add3A_1560 = vector.broadcast %add3A_1559 : i32 to vector<16xi32>
      %add3A_1561 = arith.addi %select_n3A_1558, %add3A_1560 : vector<16xi32>
      %gather3A_1562 = tpu.vector_load_idx %arg12[%add3A_1561] : memref<1024xf32, #tpu.memory_space<vmem>>[vector<16xi32>], vector<16xf32>,
      %le3A_1563 = arith.cmpf ole, %gather3A_1562, %get3A_1515 : vector<16xf32>
      %add3A_1564 = arith.constant 16 : i32
      %add3A_1565 = vector.broadcast %add3A_1564 : i32 to vector<16xi32>
      %add3A_1566 = arith.addi %select_n3A_1558, %add3A_1565 : vector<16xi32>
      %select_n3A_1567 = arith.select %le3A_1563, %add3A_1566, %select_n3A_1558 : vector<16xi1>, vector<16xi32>
      %add3A_1568 = arith.constant 7 : i32
      %add3A_1569 = vector.broadcast %add3A_1568 : i32 to vector<16xi32>
      %add3A_1570 = arith.addi %select_n3A_1567, %add3A_1569 : vector<16xi32>
      %gather3A_1571 = tpu.vector_load_idx %arg12[%add3A_1570] : memref<1024xf32, #tpu.memory_space<vmem>>[vector<16xi32>], vector<16xf32>,
      %le3A_1572 = arith.cmpf ole, %gather3A_1571, %get3A_1515 : vector<16xf32>
      %add3A_1573 = arith.constant 8 : i32
      %add3A_1574 = vector.broadcast %add3A_1573 : i32 to vector<16xi32>
      %add3A_1575 = arith.addi %select_n3A_1567, %add3A_1574 : vector<16xi32>
      %select_n3A_1576 = arith.select %le3A_1572, %add3A_1575, %select_n3A_1567 : vector<16xi1>, vector<16xi32>
      %add3A_1577 = arith.constant 3 : i32
      %add3A_1578 = vector.broadcast %add3A_1577 : i32 to vector<16xi32>
      %add3A_1579 = arith.addi %select_n3A_1576, %add3A_1578 : vector<16xi32>
      %gather3A_1580 = tpu.vector_load_idx %arg12[%add3A_1579] : memref<1024xf32, #tpu.memory_space<vmem>>[vector<16xi32>], vector<16xf32>,
      %le3A_1581 = arith.cmpf ole, %gather3A_1580, %get3A_1515 : vector<16xf32>
      %add3A_1582 = arith.constant 4 : i32
      %add3A_1583 = vector.broadcast %add3A_1582 : i32 to vector<16xi32>
      %add3A_1584 = arith.addi %select_n3A_1576, %add3A_1583 : vector<16xi32>
      %select_n3A_1585 = arith.select %le3A_1581, %add3A_1584, %select_n3A_1576 : vector<16xi1>, vector<16xi32>
      %add3A_1586 = arith.constant 1 : i32
      %add3A_1587 = vector.broadcast %add3A_1586 : i32 to vector<16xi32>
      %add3A_1588 = arith.addi %select_n3A_1585, %add3A_1587 : vector<16xi32>
      %gather3A_1589 = tpu.vector_load_idx %arg12[%add3A_1588] : memref<1024xf32, #tpu.memory_space<vmem>>[vector<16xi32>], vector<16xf32>,
      %le3A_1590 = arith.cmpf ole, %gather3A_1589, %get3A_1515 : vector<16xf32>
      %add3A_1591 = arith.constant 2 : i32
      %add3A_1592 = vector.broadcast %add3A_1591 : i32 to vector<16xi32>
      %add3A_1593 = arith.addi %select_n3A_1585, %add3A_1592 : vector<16xi32>
      %select_n3A_1594 = arith.select %le3A_1590, %add3A_1593, %select_n3A_1585 : vector<16xi1>, vector<16xi32>
      %add3A_1595 = arith.constant 0 : i32
      %add3A_1596 = vector.broadcast %add3A_1595 : i32 to vector<16xi32>
      %add3A_1597 = arith.addi %select_n3A_1594, %add3A_1596 : vector<16xi32>
      %gather3A_1598 = tpu.vector_load_idx %arg12[%add3A_1597] : memref<1024xf32, #tpu.memory_space<vmem>>[vector<16xi32>], vector<16xf32>,
      %le3A_1599 = arith.cmpf ole, %gather3A_1598, %get3A_1515 : vector<16xf32>
      %add3A_1600 = arith.constant 1 : i32
      %add3A_1601 = vector.broadcast %add3A_1600 : i32 to vector<16xi32>
      %add3A_1602 = arith.addi %select_n3A_1594, %add3A_1601 : vector<16xi32>
      %select_n3A_1603 = arith.select %le3A_1599, %add3A_1602, %select_n3A_1594 : vector<16xi1>, vector<16xi32>
      %mul3A_1604 = arith.constant 15 : i32
      %mul3A_1605 = vector.broadcast %mul3A_1604 : i32 to vector<16xi32>
      %mul3A_1606 = arith.muli %select_n3A_1603, %mul3A_1605 : vector<16xi32>
      %add3A_1607 = arith.constant 0 : i32
      %add3A_1608 = vector.broadcast %add3A_1607 : i32 to vector<16xi32>
      %add3A_1609 = arith.addi %mul3A_1606, %add3A_1608 : vector<16xi32>
      %gather3A_1610 = tpu.vector_load_idx %arg13[%add3A_1609] : memref<15024xf32, #tpu.memory_space<vmem>>[vector<16xi32>], vector<16xf32>,
      %mul3A_1611 = arith.constant 16 : i32
      %mul3A_1612 = arith.muli %scan3A_1354, %mul3A_1611 : i32
      %swap3A = arith.constant 16 : i32
      %swap3A_1613 = arith.index_cast %swap3A : i32 to index
      %swap3A_1614 = arith.index_cast %mul3A_1612 : i32 to index
      %swap3A_1615 = tpu.vector_load %arg15[%swap3A_1613, %swap3A_1614] {strides = array<i32>} : memref<32x512xf32, #tpu.memory_space<vmem>>, vector<16xf32>,
      tpu.vector_store %arg15[%swap3A_1613, %swap3A_1614], %gather3A_1610 {strides = array<i32>} : memref<32x512xf32, #tpu.memory_space<vmem>>, vector<16xf32>,
      %add3A_1616 = arith.constant 1 : i32
      %add3A_1617 = vector.broadcast %add3A_1616 : i32 to vector<16xi32>
      %add3A_1618 = arith.addi %mul3A_1606, %add3A_1617 : vector<16xi32>
      %gather3A_1619 = tpu.vector_load_idx %arg13[%add3A_1618] : memref<15024xf32, #tpu.memory_space<vmem>>[vector<16xi32>], vector<16xf32>,
      %mul3A_1620 = arith.constant 16 : i32
      %mul3A_1621 = arith.muli %scan3A_1354, %mul3A_1620 : i32
      %swap3A_1622 = arith.constant 17 : i32
      %swap3A_1623 = arith.index_cast %swap3A_1622 : i32 to index
      %swap3A_1624 = arith.index_cast %mul3A_1621 : i32 to index
      %swap3A_1625 = tpu.vector_load %arg15[%swap3A_1623, %swap3A_1624] {strides = array<i32>} : memref<32x512xf32, #tpu.memory_space<vmem>>, vector<16xf32>,
      tpu.vector_store %arg15[%swap3A_1623, %swap3A_1624], %gather3A_1619 {strides = array<i32>} : memref<32x512xf32, #tpu.memory_space<vmem>>, vector<16xf32>,
      %add3A_1626 = arith.constant 2 : i32
      %add3A_1627 = vector.broadcast %add3A_1626 : i32 to vector<16xi32>
      %add3A_1628 = arith.addi %mul3A_1606, %add3A_1627 : vector<16xi32>
      %gather3A_1629 = tpu.vector_load_idx %arg13[%add3A_1628] : memref<15024xf32, #tpu.memory_space<vmem>>[vector<16xi32>], vector<16xf32>,
      %mul3A_1630 = arith.constant 16 : i32
      %mul3A_1631 = arith.muli %scan3A_1354, %mul3A_1630 : i32
      %swap3A_1632 = arith.constant 18 : i32
      %swap3A_1633 = arith.index_cast %swap3A_1632 : i32 to index
      %swap3A_1634 = arith.index_cast %mul3A_1631 : i32 to index
      %swap3A_1635 = tpu.vector_load %arg15[%swap3A_1633, %swap3A_1634] {strides = array<i32>} : memref<32x512xf32, #tpu.memory_space<vmem>>, vector<16xf32>,
      tpu.vector_store %arg15[%swap3A_1633, %swap3A_1634], %gather3A_1629 {strides = array<i32>} : memref<32x512xf32, #tpu.memory_space<vmem>>, vector<16xf32>,
      %add3A_1636 = arith.constant 3 : i32
      %add3A_1637 = vector.broadcast %add3A_1636 : i32 to vector<16xi32>
      %add3A_1638 = arith.addi %mul3A_1606, %add3A_1637 : vector<16xi32>
      %gather3A_1639 = tpu.vector_load_idx %arg13[%add3A_1638] : memref<15024xf32, #tpu.memory_space<vmem>>[vector<16xi32>], vector<16xf32>,
      %mul3A_1640 = arith.constant 16 : i32
      %mul3A_1641 = arith.muli %scan3A_1354, %mul3A_1640 : i32
      %swap3A_1642 = arith.constant 19 : i32
      %swap3A_1643 = arith.index_cast %swap3A_1642 : i32 to index
      %swap3A_1644 = arith.index_cast %mul3A_1641 : i32 to index
      %swap3A_1645 = tpu.vector_load %arg15[%swap3A_1643, %swap3A_1644] {strides = array<i32>} : memref<32x512xf32, #tpu.memory_space<vmem>>, vector<16xf32>,
      tpu.vector_store %arg15[%swap3A_1643, %swap3A_1644], %gather3A_1639 {strides = array<i32>} : memref<32x512xf32, #tpu.memory_space<vmem>>, vector<16xf32>,
      %add3A_1646 = arith.constant 4 : i32
      %add3A_1647 = vector.broadcast %add3A_1646 : i32 to vector<16xi32>
      %add3A_1648 = arith.addi %mul3A_1606, %add3A_1647 : vector<16xi32>
      %gather3A_1649 = tpu.vector_load_idx %arg13[%add3A_1648] : memref<15024xf32, #tpu.memory_space<vmem>>[vector<16xi32>], vector<16xf32>,
      %mul3A_1650 = arith.constant 16 : i32
      %mul3A_1651 = arith.muli %scan3A_1354, %mul3A_1650 : i32
      %swap3A_1652 = arith.constant 20 : i32
      %swap3A_1653 = arith.index_cast %swap3A_1652 : i32 to index
      %swap3A_1654 = arith.index_cast %mul3A_1651 : i32 to index
      %swap3A_1655 = tpu.vector_load %arg15[%swap3A_1653, %swap3A_1654] {strides = array<i32>} : memref<32x512xf32, #tpu.memory_space<vmem>>, vector<16xf32>,
      tpu.vector_store %arg15[%swap3A_1653, %swap3A_1654], %gather3A_1649 {strides = array<i32>} : memref<32x512xf32, #tpu.memory_space<vmem>>, vector<16xf32>,
      %add3A_1656 = arith.constant 5 : i32
      %add3A_1657 = vector.broadcast %add3A_1656 : i32 to vector<16xi32>
      %add3A_1658 = arith.addi %mul3A_1606, %add3A_1657 : vector<16xi32>
      %gather3A_1659 = tpu.vector_load_idx %arg13[%add3A_1658] : memref<15024xf32, #tpu.memory_space<vmem>>[vector<16xi32>], vector<16xf32>,
      %mul3A_1660 = arith.constant 16 : i32
      %mul3A_1661 = arith.muli %scan3A_1354, %mul3A_1660 : i32
      %swap3A_1662 = arith.constant 21 : i32
      %swap3A_1663 = arith.index_cast %swap3A_1662 : i32 to index
      %swap3A_1664 = arith.index_cast %mul3A_1661 : i32 to index
      %swap3A_1665 = tpu.vector_load %arg15[%swap3A_1663, %swap3A_1664] {strides = array<i32>} : memref<32x512xf32, #tpu.memory_space<vmem>>, vector<16xf32>,
      tpu.vector_store %arg15[%swap3A_1663, %swap3A_1664], %gather3A_1659 {strides = array<i32>} : memref<32x512xf32, #tpu.memory_space<vmem>>, vector<16xf32>,
      %add3A_1666 = arith.constant 6 : i32
      %add3A_1667 = vector.broadcast %add3A_1666 : i32 to vector<16xi32>
      %add3A_1668 = arith.addi %mul3A_1606, %add3A_1667 : vector<16xi32>
      %gather3A_1669 = tpu.vector_load_idx %arg13[%add3A_1668] : memref<15024xf32, #tpu.memory_space<vmem>>[vector<16xi32>], vector<16xf32>,
      %mul3A_1670 = arith.constant 16 : i32
      %mul3A_1671 = arith.muli %scan3A_1354, %mul3A_1670 : i32
      %swap3A_1672 = arith.constant 22 : i32
      %swap3A_1673 = arith.index_cast %swap3A_1672 : i32 to index
      %swap3A_1674 = arith.index_cast %mul3A_1671 : i32 to index
      %swap3A_1675 = tpu.vector_load %arg15[%swap3A_1673, %swap3A_1674] {strides = array<i32>} : memref<32x512xf32, #tpu.memory_space<vmem>>, vector<16xf32>,
      tpu.vector_store %arg15[%swap3A_1673, %swap3A_1674], %gather3A_1669 {strides = array<i32>} : memref<32x512xf32, #tpu.memory_space<vmem>>, vector<16xf32>,
      %add3A_1676 = arith.constant 7 : i32
      %add3A_1677 = vector.broadcast %add3A_1676 : i32 to vector<16xi32>
      %add3A_1678 = arith.addi %mul3A_1606, %add3A_1677 : vector<16xi32>
      %gather3A_1679 = tpu.vector_load_idx %arg13[%add3A_1678] : memref<15024xf32, #tpu.memory_space<vmem>>[vector<16xi32>], vector<16xf32>,
      %mul3A_1680 = arith.constant 16 : i32
      %mul3A_1681 = arith.muli %scan3A_1354, %mul3A_1680 : i32
      %swap3A_1682 = arith.constant 23 : i32
      %swap3A_1683 = arith.index_cast %swap3A_1682 : i32 to index
      %swap3A_1684 = arith.index_cast %mul3A_1681 : i32 to index
      %swap3A_1685 = tpu.vector_load %arg15[%swap3A_1683, %swap3A_1684] {strides = array<i32>} : memref<32x512xf32, #tpu.memory_space<vmem>>, vector<16xf32>,
      tpu.vector_store %arg15[%swap3A_1683, %swap3A_1684], %gather3A_1679 {strides = array<i32>} : memref<32x512xf32, #tpu.memory_space<vmem>>, vector<16xf32>,
      %add3A_1686 = arith.constant 8 : i32
      %add3A_1687 = vector.broadcast %add3A_1686 : i32 to vector<16xi32>
      %add3A_1688 = arith.addi %mul3A_1606, %add3A_1687 : vector<16xi32>
      %gather3A_1689 = tpu.vector_load_idx %arg13[%add3A_1688] : memref<15024xf32, #tpu.memory_space<vmem>>[vector<16xi32>], vector<16xf32>,
      %mul3A_1690 = arith.constant 16 : i32
      %mul3A_1691 = arith.muli %scan3A_1354, %mul3A_1690 : i32
      %swap3A_1692 = arith.constant 24 : i32
      %swap3A_1693 = arith.index_cast %swap3A_1692 : i32 to index
      %swap3A_1694 = arith.index_cast %mul3A_1691 : i32 to index
      %swap3A_1695 = tpu.vector_load %arg15[%swap3A_1693, %swap3A_1694] {strides = array<i32>} : memref<32x512xf32, #tpu.memory_space<vmem>>, vector<16xf32>,
      tpu.vector_store %arg15[%swap3A_1693, %swap3A_1694], %gather3A_1689 {strides = array<i32>} : memref<32x512xf32, #tpu.memory_space<vmem>>, vector<16xf32>,
      %add3A_1696 = arith.constant 9 : i32
      %add3A_1697 = vector.broadcast %add3A_1696 : i32 to vector<16xi32>
      %add3A_1698 = arith.addi %mul3A_1606, %add3A_1697 : vector<16xi32>
      %gather3A_1699 = tpu.vector_load_idx %arg13[%add3A_1698] : memref<15024xf32, #tpu.memory_space<vmem>>[vector<16xi32>], vector<16xf32>,
      %mul3A_1700 = arith.constant 16 : i32
      %mul3A_1701 = arith.muli %scan3A_1354, %mul3A_1700 : i32
      %swap3A_1702 = arith.constant 25 : i32
      %swap3A_1703 = arith.index_cast %swap3A_1702 : i32 to index
      %swap3A_1704 = arith.index_cast %mul3A_1701 : i32 to index
      %swap3A_1705 = tpu.vector_load %arg15[%swap3A_1703, %swap3A_1704] {strides = array<i32>} : memref<32x512xf32, #tpu.memory_space<vmem>>, vector<16xf32>,
      tpu.vector_store %arg15[%swap3A_1703, %swap3A_1704], %gather3A_1699 {strides = array<i32>} : memref<32x512xf32, #tpu.memory_space<vmem>>, vector<16xf32>,
      %add3A_1706 = arith.constant 10 : i32
      %add3A_1707 = vector.broadcast %add3A_1706 : i32 to vector<16xi32>
      %add3A_1708 = arith.addi %mul3A_1606, %add3A_1707 : vector<16xi32>
      %gather3A_1709 = tpu.vector_load_idx %arg13[%add3A_1708] : memref<15024xf32, #tpu.memory_space<vmem>>[vector<16xi32>], vector<16xf32>,
      %mul3A_1710 = arith.constant 16 : i32
      %mul3A_1711 = arith.muli %scan3A_1354, %mul3A_1710 : i32
      %swap3A_1712 = arith.constant 26 : i32
      %swap3A_1713 = arith.index_cast %swap3A_1712 : i32 to index
      %swap3A_1714 = arith.index_cast %mul3A_1711 : i32 to index
      %swap3A_1715 = tpu.vector_load %arg15[%swap3A_1713, %swap3A_1714] {strides = array<i32>} : memref<32x512xf32, #tpu.memory_space<vmem>>, vector<16xf32>,
      tpu.vector_store %arg15[%swap3A_1713, %swap3A_1714], %gather3A_1709 {strides = array<i32>} : memref<32x512xf32, #tpu.memory_space<vmem>>, vector<16xf32>,
      %add3A_1716 = arith.constant 11 : i32
      %add3A_1717 = vector.broadcast %add3A_1716 : i32 to vector<16xi32>
      %add3A_1718 = arith.addi %mul3A_1606, %add3A_1717 : vector<16xi32>
      %gather3A_1719 = tpu.vector_load_idx %arg13[%add3A_1718] : memref<15024xf32, #tpu.memory_space<vmem>>[vector<16xi32>], vector<16xf32>,
      %mul3A_1720 = arith.constant 16 : i32
      %mul3A_1721 = arith.muli %scan3A_1354, %mul3A_1720 : i32
      %swap3A_1722 = arith.constant 27 : i32
      %swap3A_1723 = arith.index_cast %swap3A_1722 : i32 to index
      %swap3A_1724 = arith.index_cast %mul3A_1721 : i32 to index
      %swap3A_1725 = tpu.vector_load %arg15[%swap3A_1723, %swap3A_1724] {strides = array<i32>} : memref<32x512xf32, #tpu.memory_space<vmem>>, vector<16xf32>,
      tpu.vector_store %arg15[%swap3A_1723, %swap3A_1724], %gather3A_1719 {strides = array<i32>} : memref<32x512xf32, #tpu.memory_space<vmem>>, vector<16xf32>,
      %add3A_1726 = arith.constant 12 : i32
      %add3A_1727 = vector.broadcast %add3A_1726 : i32 to vector<16xi32>
      %add3A_1728 = arith.addi %mul3A_1606, %add3A_1727 : vector<16xi32>
      %gather3A_1729 = tpu.vector_load_idx %arg13[%add3A_1728] : memref<15024xf32, #tpu.memory_space<vmem>>[vector<16xi32>], vector<16xf32>,
      %mul3A_1730 = arith.constant 16 : i32
      %mul3A_1731 = arith.muli %scan3A_1354, %mul3A_1730 : i32
      %swap3A_1732 = arith.constant 28 : i32
      %swap3A_1733 = arith.index_cast %swap3A_1732 : i32 to index
      %swap3A_1734 = arith.index_cast %mul3A_1731 : i32 to index
      %swap3A_1735 = tpu.vector_load %arg15[%swap3A_1733, %swap3A_1734] {strides = array<i32>} : memref<32x512xf32, #tpu.memory_space<vmem>>, vector<16xf32>,
      tpu.vector_store %arg15[%swap3A_1733, %swap3A_1734], %gather3A_1729 {strides = array<i32>} : memref<32x512xf32, #tpu.memory_space<vmem>>, vector<16xf32>,
      %add3A_1736 = arith.constant 13 : i32
      %add3A_1737 = vector.broadcast %add3A_1736 : i32 to vector<16xi32>
      %add3A_1738 = arith.addi %mul3A_1606, %add3A_1737 : vector<16xi32>
      %gather3A_1739 = tpu.vector_load_idx %arg13[%add3A_1738] : memref<15024xf32, #tpu.memory_space<vmem>>[vector<16xi32>], vector<16xf32>,
      %mul3A_1740 = arith.constant 16 : i32
      %mul3A_1741 = arith.muli %scan3A_1354, %mul3A_1740 : i32
      %swap3A_1742 = arith.constant 29 : i32
      %swap3A_1743 = arith.index_cast %swap3A_1742 : i32 to index
      %swap3A_1744 = arith.index_cast %mul3A_1741 : i32 to index
      %swap3A_1745 = tpu.vector_load %arg15[%swap3A_1743, %swap3A_1744] {strides = array<i32>} : memref<32x512xf32, #tpu.memory_space<vmem>>, vector<16xf32>,
      tpu.vector_store %arg15[%swap3A_1743, %swap3A_1744], %gather3A_1739 {strides = array<i32>} : memref<32x512xf32, #tpu.memory_space<vmem>>, vector<16xf32>,
      %add3A_1746 = arith.constant 14 : i32
      %add3A_1747 = vector.broadcast %add3A_1746 : i32 to vector<16xi32>
      %add3A_1748 = arith.addi %mul3A_1606, %add3A_1747 : vector<16xi32>
      %gather3A_1749 = tpu.vector_load_idx %arg13[%add3A_1748] : memref<15024xf32, #tpu.memory_space<vmem>>[vector<16xi32>], vector<16xf32>,
      %mul3A_1750 = arith.constant 16 : i32
      %mul3A_1751 = arith.muli %scan3A_1354, %mul3A_1750 : i32
      %swap3A_1752 = arith.constant 30 : i32
      %swap3A_1753 = arith.index_cast %swap3A_1752 : i32 to index
      %swap3A_1754 = arith.index_cast %mul3A_1751 : i32 to index
      %swap3A_1755 = tpu.vector_load %arg15[%swap3A_1753, %swap3A_1754] {strides = array<i32>} : memref<32x512xf32, #tpu.memory_space<vmem>>, vector<16xf32>,
      tpu.vector_store %arg15[%swap3A_1753, %swap3A_1754], %gather3A_1749 {strides = array<i32>} : memref<32x512xf32, #tpu.memory_space<vmem>>, vector<16xf32>,
      %sub3A_1756 = arith.subf %get3A_1515, %get3A_1344 : vector<16xf32>
      %mul3A_1757 = arith.mulf %sub3A_1756, %get3A_1348 : vector<16xf32>
      %mul3A_1758 = arith.constant 16 : i32
      %mul3A_1759 = arith.muli %scan3A_1354, %mul3A_1758 : i32
      %swap3A_1760 = arith.constant 31 : i32
      %swap3A_1761 = arith.index_cast %swap3A_1760 : i32 to index
      %swap3A_1762 = arith.index_cast %mul3A_1759 : i32 to index
      %swap3A_1763 = tpu.vector_load %arg15[%swap3A_1761, %swap3A_1762] {strides = array<i32>} : memref<32x512xf32, #tpu.memory_space<vmem>>, vector<16xf32>,
      tpu.vector_store %arg15[%swap3A_1761, %swap3A_1762], %mul3A_1757 {strides = array<i32>} : memref<32x512xf32, #tpu.memory_space<vmem>>, vector<16xf32>,
      %slice3A_1764 = vector.extract_strided_slice %get3A_1358 {offsets = [0], sizes = [1], strides = [1]} : vector<16xi32> to vector<1xi32>
      %squeeze3A_1765 = vector.extract %slice3A_1764[0] : i32 from vector<1xi32>
      %slice3A_1766 = vector.extract_strided_slice %get3A_1358 {offsets = [0], sizes = [1], strides = [1]} : vector<16xi32> to vector<1xi32>
      %squeeze3A_1767 = vector.extract %slice3A_1766[0] : i32 from vector<1xi32>
      %jit3A_1768 = arith.constant 128 : i32
      %div3A_1769 = arith.divsi %squeeze3A_1767, %jit3A_1768 : i32
      %sign3A_1770 = arith.constant 0 : i32
      %sign3A_1771 = arith.cmpi sgt, %squeeze3A_1767, %sign3A_1770 : i32
      %sign3A_1772 = arith.extui %sign3A_1771 : i1 to i32
      %sign3A_1773 = arith.constant 0 : i32
      %sign3A_1774 = arith.cmpi slt, %squeeze3A_1767, %sign3A_1773 : i32
      %sign3A_1775 = arith.extui %sign3A_1774 : i1 to i32
      %sign3A_1776 = arith.subi %sign3A_1772, %sign3A_1775 : i32
      %sign3A_1777 = arith.constant 0 : i32
      %sign3A_1778 = arith.cmpi sgt, %jit3A_1768, %sign3A_1777 : i32
      %sign3A_1779 = arith.extui %sign3A_1778 : i1 to i32
      %sign3A_1780 = arith.constant 0 : i32
      %sign3A_1781 = arith.cmpi slt, %jit3A_1768, %sign3A_1780 : i32
      %sign3A_1782 = arith.extui %sign3A_1781 : i1 to i32
      %sign3A_1783 = arith.subi %sign3A_1779, %sign3A_1782 : i32
      %ne3A_1784 = arith.cmpi ne, %sign3A_1776, %sign3A_1783 : i32
      %rem3A_1785 = arith.remsi %squeeze3A_1767, %jit3A_1768 : i32
      %ne3A_1786 = arith.constant 0 : i32
      %ne3A_1787 = arith.cmpi ne, %rem3A_1785, %ne3A_1786 : i32
      %and3A_1788 = arith.andi %ne3A_1784, %ne3A_1787 : i1
      %sub3A_1789 = arith.constant 1 : i32
      %sub3A_1790 = arith.subi %div3A_1769, %sub3A_1789 : i32
      %select_n3A_1791 = arith.select %and3A_1788, %sub3A_1790, %div3A_1769 : i32
      %mul3A_1792 = arith.constant 128 : i32
      %mul3A_1793 = arith.muli %select_n3A_1791, %mul3A_1792 : i32
      %sub3A_1794 = arith.subi %squeeze3A_1765, %mul3A_1793 : i32
      %add3A_1795 = vector.broadcast %sub3A_1794 : i32 to vector<16xi32>
      %add3A_1796 = arith.addi %add3A_1795, %broadcast_in_dim3A_3 : vector<16xi32>
      %add3A_1797 = vector.broadcast %rem3A_1362 : i32 to vector<16xi32>
      %add3A_1798 = arith.addi %broadcast_in_dim3A_3, %add3A_1797 : vector<16xi32>
      %add3A_1799 = arith.constant 0 : i32
      %add3A_1800 = vector.broadcast %add3A_1799 : i32 to vector<16xi32>
      %add3A_1801 = arith.addi %broadcast_in_dim3A_3, %add3A_1800 : vector<16xi32>
      %gather3A_1802 = tpu.vector_load_idx %arg14[%add3A_1798, %add3A_1801, %iota3A, %add3A_1796] : memref<5x8x16x128xf32, #tpu.memory_space<vmem>>[vector<16xi32>, vector<16xi32>, vector<16xi32>, vector<16xi32>], vector<16xf32>,
      %mul3A_1803 = arith.constant 16 : i32
      %mul3A_1804 = arith.muli %scan3A_1354, %mul3A_1803 : i32
      %add3A_1805 = arith.constant 0 : i32
      %add3A_1806 = arith.addi %mul3A_1804, %add3A_1805 : i32
      %add3A_1807 = vector.broadcast %add3A_1806 : i32 to vector<16xi32>
      %add3A_1808 = arith.addi %broadcast_in_dim3A_3, %add3A_1807 : vector<16xi32>
      tpu.vector_store_idx %arg15[%iota3A, %add3A_1808], %gather3A_1802 : memref<32x512xf32, #tpu.memory_space<vmem>>[vector<16xi32>, vector<16xi32>], vector<16xf32>,
      %slice3A_1809 = vector.extract_strided_slice %get3A_1358 {offsets = [1], sizes = [1], strides = [1]} : vector<16xi32> to vector<1xi32>
      %squeeze3A_1810 = vector.extract %slice3A_1809[0] : i32 from vector<1xi32>
      %slice3A_1811 = vector.extract_strided_slice %get3A_1358 {offsets = [1], sizes = [1], strides = [1]} : vector<16xi32> to vector<1xi32>
      %squeeze3A_1812 = vector.extract %slice3A_1811[0] : i32 from vector<1xi32>
      %jit3A_1813 = arith.constant 128 : i32
      %div3A_1814 = arith.divsi %squeeze3A_1812, %jit3A_1813 : i32
      %sign3A_1815 = arith.constant 0 : i32
      %sign3A_1816 = arith.cmpi sgt, %squeeze3A_1812, %sign3A_1815 : i32
      %sign3A_1817 = arith.extui %sign3A_1816 : i1 to i32
      %sign3A_1818 = arith.constant 0 : i32
      %sign3A_1819 = arith.cmpi slt, %squeeze3A_1812, %sign3A_1818 : i32
      %sign3A_1820 = arith.extui %sign3A_1819 : i1 to i32
      %sign3A_1821 = arith.subi %sign3A_1817, %sign3A_1820 : i32
      %sign3A_1822 = arith.constant 0 : i32
      %sign3A_1823 = arith.cmpi sgt, %jit3A_1813, %sign3A_1822 : i32
      %sign3A_1824 = arith.extui %sign3A_1823 : i1 to i32
      %sign3A_1825 = arith.constant 0 : i32
      %sign3A_1826 = arith.cmpi slt, %jit3A_1813, %sign3A_1825 : i32
      %sign3A_1827 = arith.extui %sign3A_1826 : i1 to i32
      %sign3A_1828 = arith.subi %sign3A_1824, %sign3A_1827 : i32
      %ne3A_1829 = arith.cmpi ne, %sign3A_1821, %sign3A_1828 : i32
      %rem3A_1830 = arith.remsi %squeeze3A_1812, %jit3A_1813 : i32
      %ne3A_1831 = arith.constant 0 : i32
      %ne3A_1832 = arith.cmpi ne, %rem3A_1830, %ne3A_1831 : i32
      %and3A_1833 = arith.andi %ne3A_1829, %ne3A_1832 : i1
      %sub3A_1834 = arith.constant 1 : i32
      %sub3A_1835 = arith.subi %div3A_1814, %sub3A_1834 : i32
      %select_n3A_1836 = arith.select %and3A_1833, %sub3A_1835, %div3A_1814 : i32
      %mul3A_1837 = arith.constant 128 : i32
      %mul3A_1838 = arith.muli %select_n3A_1836, %mul3A_1837 : i32
      %sub3A_1839 = arith.subi %squeeze3A_1810, %mul3A_1838 : i32
      %add3A_1840 = vector.broadcast %sub3A_1839 : i32 to vector<16xi32>
      %add3A_1841 = arith.addi %add3A_1840, %broadcast_in_dim3A_3 : vector<16xi32>
      %add3A_1842 = vector.broadcast %rem3A_1362 : i32 to vector<16xi32>
      %add3A_1843 = arith.addi %broadcast_in_dim3A_3, %add3A_1842 : vector<16xi32>
      %add3A_1844 = arith.constant 1 : i32
      %add3A_1845 = vector.broadcast %add3A_1844 : i32 to vector<16xi32>
      %add3A_1846 = arith.addi %broadcast_in_dim3A_3, %add3A_1845 : vector<16xi32>
      %gather3A_1847 = tpu.vector_load_idx %arg14[%add3A_1843, %add3A_1846, %iota3A, %add3A_1841] : memref<5x8x16x128xf32, #tpu.memory_space<vmem>>[vector<16xi32>, vector<16xi32>, vector<16xi32>, vector<16xi32>], vector<16xf32>,
      %mul3A_1848 = arith.constant 16 : i32
      %mul3A_1849 = arith.muli %scan3A_1354, %mul3A_1848 : i32
      %add3A_1850 = arith.constant 1 : i32
      %add3A_1851 = arith.addi %mul3A_1849, %add3A_1850 : i32
      %add3A_1852 = vector.broadcast %add3A_1851 : i32 to vector<16xi32>
      %add3A_1853 = arith.addi %broadcast_in_dim3A_3, %add3A_1852 : vector<16xi32>
      tpu.vector_store_idx %arg15[%iota3A, %add3A_1853], %gather3A_1847 : memref<32x512xf32, #tpu.memory_space<vmem>>[vector<16xi32>, vector<16xi32>], vector<16xf32>,
      %slice3A_1854 = vector.extract_strided_slice %get3A_1358 {offsets = [2], sizes = [1], strides = [1]} : vector<16xi32> to vector<1xi32>
      %squeeze3A_1855 = vector.extract %slice3A_1854[0] : i32 from vector<1xi32>
      %slice3A_1856 = vector.extract_strided_slice %get3A_1358 {offsets = [2], sizes = [1], strides = [1]} : vector<16xi32> to vector<1xi32>
      %squeeze3A_1857 = vector.extract %slice3A_1856[0] : i32 from vector<1xi32>
      %jit3A_1858 = arith.constant 128 : i32
      %div3A_1859 = arith.divsi %squeeze3A_1857, %jit3A_1858 : i32
      %sign3A_1860 = arith.constant 0 : i32
      %sign3A_1861 = arith.cmpi sgt, %squeeze3A_1857, %sign3A_1860 : i32
      %sign3A_1862 = arith.extui %sign3A_1861 : i1 to i32
      %sign3A_1863 = arith.constant 0 : i32
      %sign3A_1864 = arith.cmpi slt, %squeeze3A_1857, %sign3A_1863 : i32
      %sign3A_1865 = arith.extui %sign3A_1864 : i1 to i32
      %sign3A_1866 = arith.subi %sign3A_1862, %sign3A_1865 : i32
      %sign3A_1867 = arith.constant 0 : i32
      %sign3A_1868 = arith.cmpi sgt, %jit3A_1858, %sign3A_1867 : i32
      %sign3A_1869 = arith.extui %sign3A_1868 : i1 to i32
      %sign3A_1870 = arith.constant 0 : i32
      %sign3A_1871 = arith.cmpi slt, %jit3A_1858, %sign3A_1870 : i32
      %sign3A_1872 = arith.extui %sign3A_1871 : i1 to i32
      %sign3A_1873 = arith.subi %sign3A_1869, %sign3A_1872 : i32
      %ne3A_1874 = arith.cmpi ne, %sign3A_1866, %sign3A_1873 : i32
      %rem3A_1875 = arith.remsi %squeeze3A_1857, %jit3A_1858 : i32
      %ne3A_1876 = arith.constant 0 : i32
      %ne3A_1877 = arith.cmpi ne, %rem3A_1875, %ne3A_1876 : i32
      %and3A_1878 = arith.andi %ne3A_1874, %ne3A_1877 : i1
      %sub3A_1879 = arith.constant 1 : i32
      %sub3A_1880 = arith.subi %div3A_1859, %sub3A_1879 : i32
      %select_n3A_1881 = arith.select %and3A_1878, %sub3A_1880, %div3A_1859 : i32
      %mul3A_1882 = arith.constant 128 : i32
      %mul3A_1883 = arith.muli %select_n3A_1881, %mul3A_1882 : i32
      %sub3A_1884 = arith.subi %squeeze3A_1855, %mul3A_1883 : i32
      %add3A_1885 = vector.broadcast %sub3A_1884 : i32 to vector<16xi32>
      %add3A_1886 = arith.addi %add3A_1885, %broadcast_in_dim3A_3 : vector<16xi32>
      %add3A_1887 = vector.broadcast %rem3A_1362 : i32 to vector<16xi32>
      %add3A_1888 = arith.addi %broadcast_in_dim3A_3, %add3A_1887 : vector<16xi32>
      %add3A_1889 = arith.constant 2 : i32
      %add3A_1890 = vector.broadcast %add3A_1889 : i32 to vector<16xi32>
      %add3A_1891 = arith.addi %broadcast_in_dim3A_3, %add3A_1890 : vector<16xi32>
      %gather3A_1892 = tpu.vector_load_idx %arg14[%add3A_1888, %add3A_1891, %iota3A, %add3A_1886] : memref<5x8x16x128xf32, #tpu.memory_space<vmem>>[vector<16xi32>, vector<16xi32>, vector<16xi32>, vector<16xi32>], vector<16xf32>,
      %mul3A_1893 = arith.constant 16 : i32
      %mul3A_1894 = arith.muli %scan3A_1354, %mul3A_1893 : i32
      %add3A_1895 = arith.constant 2 : i32
      %add3A_1896 = arith.addi %mul3A_1894, %add3A_1895 : i32
      %add3A_1897 = vector.broadcast %add3A_1896 : i32 to vector<16xi32>
      %add3A_1898 = arith.addi %broadcast_in_dim3A_3, %add3A_1897 : vector<16xi32>
      tpu.vector_store_idx %arg15[%iota3A, %add3A_1898], %gather3A_1892 : memref<32x512xf32, #tpu.memory_space<vmem>>[vector<16xi32>, vector<16xi32>], vector<16xf32>,
      %slice3A_1899 = vector.extract_strided_slice %get3A_1358 {offsets = [3], sizes = [1], strides = [1]} : vector<16xi32> to vector<1xi32>
      %squeeze3A_1900 = vector.extract %slice3A_1899[0] : i32 from vector<1xi32>
      %slice3A_1901 = vector.extract_strided_slice %get3A_1358 {offsets = [3], sizes = [1], strides = [1]} : vector<16xi32> to vector<1xi32>
      %squeeze3A_1902 = vector.extract %slice3A_1901[0] : i32 from vector<1xi32>
      %jit3A_1903 = arith.constant 128 : i32
      %div3A_1904 = arith.divsi %squeeze3A_1902, %jit3A_1903 : i32
      %sign3A_1905 = arith.constant 0 : i32
      %sign3A_1906 = arith.cmpi sgt, %squeeze3A_1902, %sign3A_1905 : i32
      %sign3A_1907 = arith.extui %sign3A_1906 : i1 to i32
      %sign3A_1908 = arith.constant 0 : i32
      %sign3A_1909 = arith.cmpi slt, %squeeze3A_1902, %sign3A_1908 : i32
      %sign3A_1910 = arith.extui %sign3A_1909 : i1 to i32
      %sign3A_1911 = arith.subi %sign3A_1907, %sign3A_1910 : i32
      %sign3A_1912 = arith.constant 0 : i32
      %sign3A_1913 = arith.cmpi sgt, %jit3A_1903, %sign3A_1912 : i32
      %sign3A_1914 = arith.extui %sign3A_1913 : i1 to i32
      %sign3A_1915 = arith.constant 0 : i32
      %sign3A_1916 = arith.cmpi slt, %jit3A_1903, %sign3A_1915 : i32
      %sign3A_1917 = arith.extui %sign3A_1916 : i1 to i32
      %sign3A_1918 = arith.subi %sign3A_1914, %sign3A_1917 : i32
      %ne3A_1919 = arith.cmpi ne, %sign3A_1911, %sign3A_1918 : i32
      %rem3A_1920 = arith.remsi %squeeze3A_1902, %jit3A_1903 : i32
      %ne3A_1921 = arith.constant 0 : i32
      %ne3A_1922 = arith.cmpi ne, %rem3A_1920, %ne3A_1921 : i32
      %and3A_1923 = arith.andi %ne3A_1919, %ne3A_1922 : i1
      %sub3A_1924 = arith.constant 1 : i32
      %sub3A_1925 = arith.subi %div3A_1904, %sub3A_1924 : i32
      %select_n3A_1926 = arith.select %and3A_1923, %sub3A_1925, %div3A_1904 : i32
      %mul3A_1927 = arith.constant 128 : i32
      %mul3A_1928 = arith.muli %select_n3A_1926, %mul3A_1927 : i32
      %sub3A_1929 = arith.subi %squeeze3A_1900, %mul3A_1928 : i32
      %add3A_1930 = vector.broadcast %sub3A_1929 : i32 to vector<16xi32>
      %add3A_1931 = arith.addi %add3A_1930, %broadcast_in_dim3A_3 : vector<16xi32>
      %add3A_1932 = vector.broadcast %rem3A_1362 : i32 to vector<16xi32>
      %add3A_1933 = arith.addi %broadcast_in_dim3A_3, %add3A_1932 : vector<16xi32>
      %add3A_1934 = arith.constant 3 : i32
      %add3A_1935 = vector.broadcast %add3A_1934 : i32 to vector<16xi32>
      %add3A_1936 = arith.addi %broadcast_in_dim3A_3, %add3A_1935 : vector<16xi32>
      %gather3A_1937 = tpu.vector_load_idx %arg14[%add3A_1933, %add3A_1936, %iota3A, %add3A_1931] : memref<5x8x16x128xf32, #tpu.memory_space<vmem>>[vector<16xi32>, vector<16xi32>, vector<16xi32>, vector<16xi32>], vector<16xf32>,
      %mul3A_1938 = arith.constant 16 : i32
      %mul3A_1939 = arith.muli %scan3A_1354, %mul3A_1938 : i32
      %add3A_1940 = arith.constant 3 : i32
      %add3A_1941 = arith.addi %mul3A_1939, %add3A_1940 : i32
      %add3A_1942 = vector.broadcast %add3A_1941 : i32 to vector<16xi32>
      %add3A_1943 = arith.addi %broadcast_in_dim3A_3, %add3A_1942 : vector<16xi32>
      tpu.vector_store_idx %arg15[%iota3A, %add3A_1943], %gather3A_1937 : memref<32x512xf32, #tpu.memory_space<vmem>>[vector<16xi32>, vector<16xi32>], vector<16xf32>,
      %slice3A_1944 = vector.extract_strided_slice %get3A_1358 {offsets = [4], sizes = [1], strides = [1]} : vector<16xi32> to vector<1xi32>
      %squeeze3A_1945 = vector.extract %slice3A_1944[0] : i32 from vector<1xi32>
      %slice3A_1946 = vector.extract_strided_slice %get3A_1358 {offsets = [4], sizes = [1], strides = [1]} : vector<16xi32> to vector<1xi32>
      %squeeze3A_1947 = vector.extract %slice3A_1946[0] : i32 from vector<1xi32>
      %jit3A_1948 = arith.constant 128 : i32
      %div3A_1949 = arith.divsi %squeeze3A_1947, %jit3A_1948 : i32
      %sign3A_1950 = arith.constant 0 : i32
      %sign3A_1951 = arith.cmpi sgt, %squeeze3A_1947, %sign3A_1950 : i32
      %sign3A_1952 = arith.extui %sign3A_1951 : i1 to i32
      %sign3A_1953 = arith.constant 0 : i32
      %sign3A_1954 = arith.cmpi slt, %squeeze3A_1947, %sign3A_1953 : i32
      %sign3A_1955 = arith.extui %sign3A_1954 : i1 to i32
      %sign3A_1956 = arith.subi %sign3A_1952, %sign3A_1955 : i32
      %sign3A_1957 = arith.constant 0 : i32
      %sign3A_1958 = arith.cmpi sgt, %jit3A_1948, %sign3A_1957 : i32
      %sign3A_1959 = arith.extui %sign3A_1958 : i1 to i32
      %sign3A_1960 = arith.constant 0 : i32
      %sign3A_1961 = arith.cmpi slt, %jit3A_1948, %sign3A_1960 : i32
      %sign3A_1962 = arith.extui %sign3A_1961 : i1 to i32
      %sign3A_1963 = arith.subi %sign3A_1959, %sign3A_1962 : i32
      %ne3A_1964 = arith.cmpi ne, %sign3A_1956, %sign3A_1963 : i32
      %rem3A_1965 = arith.remsi %squeeze3A_1947, %jit3A_1948 : i32
      %ne3A_1966 = arith.constant 0 : i32
      %ne3A_1967 = arith.cmpi ne, %rem3A_1965, %ne3A_1966 : i32
      %and3A_1968 = arith.andi %ne3A_1964, %ne3A_1967 : i1
      %sub3A_1969 = arith.constant 1 : i32
      %sub3A_1970 = arith.subi %div3A_1949, %sub3A_1969 : i32
      %select_n3A_1971 = arith.select %and3A_1968, %sub3A_1970, %div3A_1949 : i32
      %mul3A_1972 = arith.constant 128 : i32
      %mul3A_1973 = arith.muli %select_n3A_1971, %mul3A_1972 : i32
      %sub3A_1974 = arith.subi %squeeze3A_1945, %mul3A_1973 : i32
      %add3A_1975 = vector.broadcast %sub3A_1974 : i32 to vector<16xi32>
      %add3A_1976 = arith.addi %add3A_1975, %broadcast_in_dim3A_3 : vector<16xi32>
      %add3A_1977 = vector.broadcast %rem3A_1362 : i32 to vector<16xi32>
      %add3A_1978 = arith.addi %broadcast_in_dim3A_3, %add3A_1977 : vector<16xi32>
      %add3A_1979 = arith.constant 4 : i32
      %add3A_1980 = vector.broadcast %add3A_1979 : i32 to vector<16xi32>
      %add3A_1981 = arith.addi %broadcast_in_dim3A_3, %add3A_1980 : vector<16xi32>
      %gather3A_1982 = tpu.vector_load_idx %arg14[%add3A_1978, %add3A_1981, %iota3A, %add3A_1976] : memref<5x8x16x128xf32, #tpu.memory_space<vmem>>[vector<16xi32>, vector<16xi32>, vector<16xi32>, vector<16xi32>], vector<16xf32>,
      %mul3A_1983 = arith.constant 16 : i32
      %mul3A_1984 = arith.muli %scan3A_1354, %mul3A_1983 : i32
      %add3A_1985 = arith.constant 4 : i32
      %add3A_1986 = arith.addi %mul3A_1984, %add3A_1985 : i32
      %add3A_1987 = vector.broadcast %add3A_1986 : i32 to vector<16xi32>
      %add3A_1988 = arith.addi %broadcast_in_dim3A_3, %add3A_1987 : vector<16xi32>
      tpu.vector_store_idx %arg15[%iota3A, %add3A_1988], %gather3A_1982 : memref<32x512xf32, #tpu.memory_space<vmem>>[vector<16xi32>, vector<16xi32>], vector<16xf32>,
      %slice3A_1989 = vector.extract_strided_slice %get3A_1358 {offsets = [5], sizes = [1], strides = [1]} : vector<16xi32> to vector<1xi32>
      %squeeze3A_1990 = vector.extract %slice3A_1989[0] : i32 from vector<1xi32>
      %slice3A_1991 = vector.extract_strided_slice %get3A_1358 {offsets = [5], sizes = [1], strides = [1]} : vector<16xi32> to vector<1xi32>
      %squeeze3A_1992 = vector.extract %slice3A_1991[0] : i32 from vector<1xi32>
      %jit3A_1993 = arith.constant 128 : i32
      %div3A_1994 = arith.divsi %squeeze3A_1992, %jit3A_1993 : i32
      %sign3A_1995 = arith.constant 0 : i32
      %sign3A_1996 = arith.cmpi sgt, %squeeze3A_1992, %sign3A_1995 : i32
      %sign3A_1997 = arith.extui %sign3A_1996 : i1 to i32
      %sign3A_1998 = arith.constant 0 : i32
      %sign3A_1999 = arith.cmpi slt, %squeeze3A_1992, %sign3A_1998 : i32
      %sign3A_2000 = arith.extui %sign3A_1999 : i1 to i32
      %sign3A_2001 = arith.subi %sign3A_1997, %sign3A_2000 : i32
      %sign3A_2002 = arith.constant 0 : i32
      %sign3A_2003 = arith.cmpi sgt, %jit3A_1993, %sign3A_2002 : i32
      %sign3A_2004 = arith.extui %sign3A_2003 : i1 to i32
      %sign3A_2005 = arith.constant 0 : i32
      %sign3A_2006 = arith.cmpi slt, %jit3A_1993, %sign3A_2005 : i32
      %sign3A_2007 = arith.extui %sign3A_2006 : i1 to i32
      %sign3A_2008 = arith.subi %sign3A_2004, %sign3A_2007 : i32
      %ne3A_2009 = arith.cmpi ne, %sign3A_2001, %sign3A_2008 : i32
      %rem3A_2010 = arith.remsi %squeeze3A_1992, %jit3A_1993 : i32
      %ne3A_2011 = arith.constant 0 : i32
      %ne3A_2012 = arith.cmpi ne, %rem3A_2010, %ne3A_2011 : i32
      %and3A_2013 = arith.andi %ne3A_2009, %ne3A_2012 : i1
      %sub3A_2014 = arith.constant 1 : i32
      %sub3A_2015 = arith.subi %div3A_1994, %sub3A_2014 : i32
      %select_n3A_2016 = arith.select %and3A_2013, %sub3A_2015, %div3A_1994 : i32
      %mul3A_2017 = arith.constant 128 : i32
      %mul3A_2018 = arith.muli %select_n3A_2016, %mul3A_2017 : i32
      %sub3A_2019 = arith.subi %squeeze3A_1990, %mul3A_2018 : i32
      %add3A_2020 = vector.broadcast %sub3A_2019 : i32 to vector<16xi32>
      %add3A_2021 = arith.addi %add3A_2020, %broadcast_in_dim3A_3 : vector<16xi32>
      %add3A_2022 = vector.broadcast %rem3A_1362 : i32 to vector<16xi32>
      %add3A_2023 = arith.addi %broadcast_in_dim3A_3, %add3A_2022 : vector<16xi32>
      %add3A_2024 = arith.constant 5 : i32
      %add3A_2025 = vector.broadcast %add3A_2024 : i32 to vector<16xi32>
      %add3A_2026 = arith.addi %broadcast_in_dim3A_3, %add3A_2025 : vector<16xi32>
      %gather3A_2027 = tpu.vector_load_idx %arg14[%add3A_2023, %add3A_2026, %iota3A, %add3A_2021] : memref<5x8x16x128xf32, #tpu.memory_space<vmem>>[vector<16xi32>, vector<16xi32>, vector<16xi32>, vector<16xi32>], vector<16xf32>,
      %mul3A_2028 = arith.constant 16 : i32
      %mul3A_2029 = arith.muli %scan3A_1354, %mul3A_2028 : i32
      %add3A_2030 = arith.constant 5 : i32
      %add3A_2031 = arith.addi %mul3A_2029, %add3A_2030 : i32
      %add3A_2032 = vector.broadcast %add3A_2031 : i32 to vector<16xi32>
      %add3A_2033 = arith.addi %broadcast_in_dim3A_3, %add3A_2032 : vector<16xi32>
      tpu.vector_store_idx %arg15[%iota3A, %add3A_2033], %gather3A_2027 : memref<32x512xf32, #tpu.memory_space<vmem>>[vector<16xi32>, vector<16xi32>], vector<16xf32>,
      %slice3A_2034 = vector.extract_strided_slice %get3A_1358 {offsets = [6], sizes = [1], strides = [1]} : vector<16xi32> to vector<1xi32>
      %squeeze3A_2035 = vector.extract %slice3A_2034[0] : i32 from vector<1xi32>
      %slice3A_2036 = vector.extract_strided_slice %get3A_1358 {offsets = [6], sizes = [1], strides = [1]} : vector<16xi32> to vector<1xi32>
      %squeeze3A_2037 = vector.extract %slice3A_2036[0] : i32 from vector<1xi32>
      %jit3A_2038 = arith.constant 128 : i32
      %div3A_2039 = arith.divsi %squeeze3A_2037, %jit3A_2038 : i32
      %sign3A_2040 = arith.constant 0 : i32
      %sign3A_2041 = arith.cmpi sgt, %squeeze3A_2037, %sign3A_2040 : i32
      %sign3A_2042 = arith.extui %sign3A_2041 : i1 to i32
      %sign3A_2043 = arith.constant 0 : i32
      %sign3A_2044 = arith.cmpi slt, %squeeze3A_2037, %sign3A_2043 : i32
      %sign3A_2045 = arith.extui %sign3A_2044 : i1 to i32
      %sign3A_2046 = arith.subi %sign3A_2042, %sign3A_2045 : i32
      %sign3A_2047 = arith.constant 0 : i32
      %sign3A_2048 = arith.cmpi sgt, %jit3A_2038, %sign3A_2047 : i32
      %sign3A_2049 = arith.extui %sign3A_2048 : i1 to i32
      %sign3A_2050 = arith.constant 0 : i32
      %sign3A_2051 = arith.cmpi slt, %jit3A_2038, %sign3A_2050 : i32
      %sign3A_2052 = arith.extui %sign3A_2051 : i1 to i32
      %sign3A_2053 = arith.subi %sign3A_2049, %sign3A_2052 : i32
      %ne3A_2054 = arith.cmpi ne, %sign3A_2046, %sign3A_2053 : i32
      %rem3A_2055 = arith.remsi %squeeze3A_2037, %jit3A_2038 : i32
      %ne3A_2056 = arith.constant 0 : i32
      %ne3A_2057 = arith.cmpi ne, %rem3A_2055, %ne3A_2056 : i32
      %and3A_2058 = arith.andi %ne3A_2054, %ne3A_2057 : i1
      %sub3A_2059 = arith.constant 1 : i32
      %sub3A_2060 = arith.subi %div3A_2039, %sub3A_2059 : i32
      %select_n3A_2061 = arith.select %and3A_2058, %sub3A_2060, %div3A_2039 : i32
      %mul3A_2062 = arith.constant 128 : i32
      %mul3A_2063 = arith.muli %select_n3A_2061, %mul3A_2062 : i32
      %sub3A_2064 = arith.subi %squeeze3A_2035, %mul3A_2063 : i32
      %add3A_2065 = vector.broadcast %sub3A_2064 : i32 to vector<16xi32>
      %add3A_2066 = arith.addi %add3A_2065, %broadcast_in_dim3A_3 : vector<16xi32>
      %add3A_2067 = vector.broadcast %rem3A_1362 : i32 to vector<16xi32>
      %add3A_2068 = arith.addi %broadcast_in_dim3A_3, %add3A_2067 : vector<16xi32>
      %add3A_2069 = arith.constant 6 : i32
      %add3A_2070 = vector.broadcast %add3A_2069 : i32 to vector<16xi32>
      %add3A_2071 = arith.addi %broadcast_in_dim3A_3, %add3A_2070 : vector<16xi32>
      %gather3A_2072 = tpu.vector_load_idx %arg14[%add3A_2068, %add3A_2071, %iota3A, %add3A_2066] : memref<5x8x16x128xf32, #tpu.memory_space<vmem>>[vector<16xi32>, vector<16xi32>, vector<16xi32>, vector<16xi32>], vector<16xf32>,
      %mul3A_2073 = arith.constant 16 : i32
      %mul3A_2074 = arith.muli %scan3A_1354, %mul3A_2073 : i32
      %add3A_2075 = arith.constant 6 : i32
      %add3A_2076 = arith.addi %mul3A_2074, %add3A_2075 : i32
      %add3A_2077 = vector.broadcast %add3A_2076 : i32 to vector<16xi32>
      %add3A_2078 = arith.addi %broadcast_in_dim3A_3, %add3A_2077 : vector<16xi32>
      tpu.vector_store_idx %arg15[%iota3A, %add3A_2078], %gather3A_2072 : memref<32x512xf32, #tpu.memory_space<vmem>>[vector<16xi32>, vector<16xi32>], vector<16xf32>,
      %slice3A_2079 = vector.extract_strided_slice %get3A_1358 {offsets = [7], sizes = [1], strides = [1]} : vector<16xi32> to vector<1xi32>
      %squeeze3A_2080 = vector.extract %slice3A_2079[0] : i32 from vector<1xi32>
      %slice3A_2081 = vector.extract_strided_slice %get3A_1358 {offsets = [7], sizes = [1], strides = [1]} : vector<16xi32> to vector<1xi32>
      %squeeze3A_2082 = vector.extract %slice3A_2081[0] : i32 from vector<1xi32>
      %jit3A_2083 = arith.constant 128 : i32
      %div3A_2084 = arith.divsi %squeeze3A_2082, %jit3A_2083 : i32
      %sign3A_2085 = arith.constant 0 : i32
      %sign3A_2086 = arith.cmpi sgt, %squeeze3A_2082, %sign3A_2085 : i32
      %sign3A_2087 = arith.extui %sign3A_2086 : i1 to i32
      %sign3A_2088 = arith.constant 0 : i32
      %sign3A_2089 = arith.cmpi slt, %squeeze3A_2082, %sign3A_2088 : i32
      %sign3A_2090 = arith.extui %sign3A_2089 : i1 to i32
      %sign3A_2091 = arith.subi %sign3A_2087, %sign3A_2090 : i32
      %sign3A_2092 = arith.constant 0 : i32
      %sign3A_2093 = arith.cmpi sgt, %jit3A_2083, %sign3A_2092 : i32
      %sign3A_2094 = arith.extui %sign3A_2093 : i1 to i32
      %sign3A_2095 = arith.constant 0 : i32
      %sign3A_2096 = arith.cmpi slt, %jit3A_2083, %sign3A_2095 : i32
      %sign3A_2097 = arith.extui %sign3A_2096 : i1 to i32
      %sign3A_2098 = arith.subi %sign3A_2094, %sign3A_2097 : i32
      %ne3A_2099 = arith.cmpi ne, %sign3A_2091, %sign3A_2098 : i32
      %rem3A_2100 = arith.remsi %squeeze3A_2082, %jit3A_2083 : i32
      %ne3A_2101 = arith.constant 0 : i32
      %ne3A_2102 = arith.cmpi ne, %rem3A_2100, %ne3A_2101 : i32
      %and3A_2103 = arith.andi %ne3A_2099, %ne3A_2102 : i1
      %sub3A_2104 = arith.constant 1 : i32
      %sub3A_2105 = arith.subi %div3A_2084, %sub3A_2104 : i32
      %select_n3A_2106 = arith.select %and3A_2103, %sub3A_2105, %div3A_2084 : i32
      %mul3A_2107 = arith.constant 128 : i32
      %mul3A_2108 = arith.muli %select_n3A_2106, %mul3A_2107 : i32
      %sub3A_2109 = arith.subi %squeeze3A_2080, %mul3A_2108 : i32
      %add3A_2110 = vector.broadcast %sub3A_2109 : i32 to vector<16xi32>
      %add3A_2111 = arith.addi %add3A_2110, %broadcast_in_dim3A_3 : vector<16xi32>
      %add3A_2112 = vector.broadcast %rem3A_1362 : i32 to vector<16xi32>
      %add3A_2113 = arith.addi %broadcast_in_dim3A_3, %add3A_2112 : vector<16xi32>
      %add3A_2114 = arith.constant 7 : i32
      %add3A_2115 = vector.broadcast %add3A_2114 : i32 to vector<16xi32>
      %add3A_2116 = arith.addi %broadcast_in_dim3A_3, %add3A_2115 : vector<16xi32>
      %gather3A_2117 = tpu.vector_load_idx %arg14[%add3A_2113, %add3A_2116, %iota3A, %add3A_2111] : memref<5x8x16x128xf32, #tpu.memory_space<vmem>>[vector<16xi32>, vector<16xi32>, vector<16xi32>, vector<16xi32>], vector<16xf32>,
      %mul3A_2118 = arith.constant 16 : i32
      %mul3A_2119 = arith.muli %scan3A_1354, %mul3A_2118 : i32
      %add3A_2120 = arith.constant 7 : i32
      %add3A_2121 = arith.addi %mul3A_2119, %add3A_2120 : i32
      %add3A_2122 = vector.broadcast %add3A_2121 : i32 to vector<16xi32>
      %add3A_2123 = arith.addi %broadcast_in_dim3A_3, %add3A_2122 : vector<16xi32>
      tpu.vector_store_idx %arg15[%iota3A, %add3A_2123], %gather3A_2117 : memref<32x512xf32, #tpu.memory_space<vmem>>[vector<16xi32>, vector<16xi32>], vector<16xf32>,
      %dma_wait3A_2124 = arith.constant 0 : i32
      %dma_wait3A_2125 = arith.constant 0 : i32
      %dma_wait3A_2126 = arith.constant 0 : i32
      %dma_wait3A_2127 = arith.constant 0 : i32
      %dma_wait3A_2128 = tpu.memref_slice %arg14[%dma_wait3A_2124, %dma_wait3A_2125, %dma_wait3A_2126, %dma_wait3A_2127] : memref<5x8x16x128xf32, #tpu.memory_space<vmem>> -> memref<1x1x16x128xf32, #tpu.memory_space<vmem>>
      %dma_wait3A_2129 = tpu.memref_squeeze %dma_wait3A_2128 : memref<1x1x16x128xf32, #tpu.memory_space<vmem>> -> memref<16x128xf32, #tpu.memory_space<vmem>>
      %dma_wait3A_2130 = arith.constant 0 : i32
      %dma_wait3A_2131 = arith.constant 0 : i32
      %dma_wait3A_2132 = tpu.memref_slice %arg4[%dma_wait3A_2130, %dma_wait3A_2131] : memref<16x1000001xf32, #tpu.memory_space<hbm>> -> memref<16x128xf32, #tpu.memory_space<hbm>>
      %dma_wait3A_2133 = arith.constant 0 : i32
      %dma_wait3A_2134 = arith.constant 0 : i32
      %dma_wait3A_2135 = tpu.memref_slice %arg14[%dma_wait3A_2124, %dma_wait3A_2125, %dma_wait3A_2133, %dma_wait3A_2134] : memref<5x8x16x128xf32, #tpu.memory_space<vmem>> -> memref<1x1x16x128xf32, #tpu.memory_space<vmem>>
      %dma_wait3A_2136 = tpu.memref_squeeze %dma_wait3A_2135 : memref<1x1x16x128xf32, #tpu.memory_space<vmem>> -> memref<16x128xf32, #tpu.memory_space<vmem>>
      %dma_wait3A_2137 = arith.constant 0 : i32
      %dma_wait3A_2138 = arith.constant 0 : i32
      %dma_wait3A_2139 = tpu.memref_slice %arg4[%dma_wait3A_2137, %dma_wait3A_2138] : memref<16x1000001xf32, #tpu.memory_space<hbm>> -> memref<16x128xf32, #tpu.memory_space<hbm>>
      tpu.wait_dma2 semaphore(%arg17 : memref<!tpu.dma_semaphore, #tpu.memory_space<semaphore_mem>>) src(%dma_wait3A_2139 : memref<16x128xf32, #tpu.memory_space<hbm>>) dst(%dma_wait3A_2136 : memref<16x128xf32, #tpu.memory_space<vmem>>)
      %dma_wait3A_2140 = arith.constant 0 : i32
      %dma_wait3A_2141 = arith.constant 1 : i32
      %dma_wait3A_2142 = arith.constant 0 : i32
      %dma_wait3A_2143 = arith.constant 0 : i32
      %dma_wait3A_2144 = tpu.memref_slice %arg14[%dma_wait3A_2140, %dma_wait3A_2141, %dma_wait3A_2142, %dma_wait3A_2143] : memref<5x8x16x128xf32, #tpu.memory_space<vmem>> -> memref<1x1x16x128xf32, #tpu.memory_space<vmem>>
      %dma_wait3A_2145 = tpu.memref_squeeze %dma_wait3A_2144 : memref<1x1x16x128xf32, #tpu.memory_space<vmem>> -> memref<16x128xf32, #tpu.memory_space<vmem>>
      %dma_wait3A_2146 = arith.constant 0 : i32
      %dma_wait3A_2147 = arith.constant 0 : i32
      %dma_wait3A_2148 = tpu.memref_slice %arg4[%dma_wait3A_2146, %dma_wait3A_2147] : memref<16x1000001xf32, #tpu.memory_space<hbm>> -> memref<16x128xf32, #tpu.memory_space<hbm>>
      %dma_wait3A_2149 = arith.constant 0 : i32
      %dma_wait3A_2150 = arith.constant 0 : i32
      %dma_wait3A_2151 = tpu.memref_slice %arg14[%dma_wait3A_2140, %dma_wait3A_2141, %dma_wait3A_2149, %dma_wait3A_2150] : memref<5x8x16x128xf32, #tpu.memory_space<vmem>> -> memref<1x1x16x128xf32, #tpu.memory_space<vmem>>
      %dma_wait3A_2152 = tpu.memref_squeeze %dma_wait3A_2151 : memref<1x1x16x128xf32, #tpu.memory_space<vmem>> -> memref<16x128xf32, #tpu.memory_space<vmem>>
      %dma_wait3A_2153 = arith.constant 0 : i32
      %dma_wait3A_2154 = arith.constant 0 : i32
      %dma_wait3A_2155 = tpu.memref_slice %arg4[%dma_wait3A_2153, %dma_wait3A_2154] : memref<16x1000001xf32, #tpu.memory_space<hbm>> -> memref<16x128xf32, #tpu.memory_space<hbm>>
      tpu.wait_dma2 semaphore(%arg17 : memref<!tpu.dma_semaphore, #tpu.memory_space<semaphore_mem>>) src(%dma_wait3A_2155 : memref<16x128xf32, #tpu.memory_space<hbm>>) dst(%dma_wait3A_2152 : memref<16x128xf32, #tpu.memory_space<vmem>>)
      %dma_wait3A_2156 = arith.constant 0 : i32
      %dma_wait3A_2157 = arith.constant 2 : i32
      %dma_wait3A_2158 = arith.constant 0 : i32
      %dma_wait3A_2159 = arith.constant 0 : i32
      %dma_wait3A_2160 = tpu.memref_slice %arg14[%dma_wait3A_2156, %dma_wait3A_2157, %dma_wait3A_2158, %dma_wait3A_2159] : memref<5x8x16x128xf32, #tpu.memory_space<vmem>> -> memref<1x1x16x128xf32, #tpu.memory_space<vmem>>
      %dma_wait3A_2161 = tpu.memref_squeeze %dma_wait3A_2160 : memref<1x1x16x128xf32, #tpu.memory_space<vmem>> -> memref<16x128xf32, #tpu.memory_space<vmem>>
      %dma_wait3A_2162 = arith.constant 0 : i32
      %dma_wait3A_2163 = arith.constant 0 : i32
      %dma_wait3A_2164 = tpu.memref_slice %arg4[%dma_wait3A_2162, %dma_wait3A_2163] : memref<16x1000001xf32, #tpu.memory_space<hbm>> -> memref<16x128xf32, #tpu.memory_space<hbm>>
      %dma_wait3A_2165 = arith.constant 0 : i32
      %dma_wait3A_2166 = arith.constant 0 : i32
      %dma_wait3A_2167 = tpu.memref_slice %arg14[%dma_wait3A_2156, %dma_wait3A_2157, %dma_wait3A_2165, %dma_wait3A_2166] : memref<5x8x16x128xf32, #tpu.memory_space<vmem>> -> memref<1x1x16x128xf32, #tpu.memory_space<vmem>>
      %dma_wait3A_2168 = tpu.memref_squeeze %dma_wait3A_2167 : memref<1x1x16x128xf32, #tpu.memory_space<vmem>> -> memref<16x128xf32, #tpu.memory_space<vmem>>
      %dma_wait3A_2169 = arith.constant 0 : i32
      %dma_wait3A_2170 = arith.constant 0 : i32
      %dma_wait3A_2171 = tpu.memref_slice %arg4[%dma_wait3A_2169, %dma_wait3A_2170] : memref<16x1000001xf32, #tpu.memory_space<hbm>> -> memref<16x128xf32, #tpu.memory_space<hbm>>
      tpu.wait_dma2 semaphore(%arg17 : memref<!tpu.dma_semaphore, #tpu.memory_space<semaphore_mem>>) src(%dma_wait3A_2171 : memref<16x128xf32, #tpu.memory_space<hbm>>) dst(%dma_wait3A_2168 : memref<16x128xf32, #tpu.memory_space<vmem>>)
      %dma_wait3A_2172 = arith.constant 0 : i32
      %dma_wait3A_2173 = arith.constant 3 : i32
      %dma_wait3A_2174 = arith.constant 0 : i32
      %dma_wait3A_2175 = arith.constant 0 : i32
      %dma_wait3A_2176 = tpu.memref_slice %arg14[%dma_wait3A_2172, %dma_wait3A_2173, %dma_wait3A_2174, %dma_wait3A_2175] : memref<5x8x16x128xf32, #tpu.memory_space<vmem>> -> memref<1x1x16x128xf32, #tpu.memory_space<vmem>>
      %dma_wait3A_2177 = tpu.memref_squeeze %dma_wait3A_2176 : memref<1x1x16x128xf32, #tpu.memory_space<vmem>> -> memref<16x128xf32, #tpu.memory_space<vmem>>
      %dma_wait3A_2178 = arith.constant 0 : i32
      %dma_wait3A_2179 = arith.constant 0 : i32
      %dma_wait3A_2180 = tpu.memref_slice %arg4[%dma_wait3A_2178, %dma_wait3A_2179] : memref<16x1000001xf32, #tpu.memory_space<hbm>> -> memref<16x128xf32, #tpu.memory_space<hbm>>
      %dma_wait3A_2181 = arith.constant 0 : i32
      %dma_wait3A_2182 = arith.constant 0 : i32
      %dma_wait3A_2183 = tpu.memref_slice %arg14[%dma_wait3A_2172, %dma_wait3A_2173, %dma_wait3A_2181, %dma_wait3A_2182] : memref<5x8x16x128xf32, #tpu.memory_space<vmem>> -> memref<1x1x16x128xf32, #tpu.memory_space<vmem>>
      %dma_wait3A_2184 = tpu.memref_squeeze %dma_wait3A_2183 : memref<1x1x16x128xf32, #tpu.memory_space<vmem>> -> memref<16x128xf32, #tpu.memory_space<vmem>>
      %dma_wait3A_2185 = arith.constant 0 : i32
      %dma_wait3A_2186 = arith.constant 0 : i32
      %dma_wait3A_2187 = tpu.memref_slice %arg4[%dma_wait3A_2185, %dma_wait3A_2186] : memref<16x1000001xf32, #tpu.memory_space<hbm>> -> memref<16x128xf32, #tpu.memory_space<hbm>>
      tpu.wait_dma2 semaphore(%arg17 : memref<!tpu.dma_semaphore, #tpu.memory_space<semaphore_mem>>) src(%dma_wait3A_2187 : memref<16x128xf32, #tpu.memory_space<hbm>>) dst(%dma_wait3A_2184 : memref<16x128xf32, #tpu.memory_space<vmem>>)
      %dma_wait3A_2188 = arith.constant 0 : i32
      %dma_wait3A_2189 = arith.constant 4 : i32
      %dma_wait3A_2190 = arith.constant 0 : i32
      %dma_wait3A_2191 = arith.constant 0 : i32
      %dma_wait3A_2192 = tpu.memref_slice %arg14[%dma_wait3A_2188, %dma_wait3A_2189, %dma_wait3A_2190, %dma_wait3A_2191] : memref<5x8x16x128xf32, #tpu.memory_space<vmem>> -> memref<1x1x16x128xf32, #tpu.memory_space<vmem>>
      %dma_wait3A_2193 = tpu.memref_squeeze %dma_wait3A_2192 : memref<1x1x16x128xf32, #tpu.memory_space<vmem>> -> memref<16x128xf32, #tpu.memory_space<vmem>>
      %dma_wait3A_2194 = arith.constant 0 : i32
      %dma_wait3A_2195 = arith.constant 0 : i32
      %dma_wait3A_2196 = tpu.memref_slice %arg4[%dma_wait3A_2194, %dma_wait3A_2195] : memref<16x1000001xf32, #tpu.memory_space<hbm>> -> memref<16x128xf32, #tpu.memory_space<hbm>>
      %dma_wait3A_2197 = arith.constant 0 : i32
      %dma_wait3A_2198 = arith.constant 0 : i32
      %dma_wait3A_2199 = tpu.memref_slice %arg14[%dma_wait3A_2188, %dma_wait3A_2189, %dma_wait3A_2197, %dma_wait3A_2198] : memref<5x8x16x128xf32, #tpu.memory_space<vmem>> -> memref<1x1x16x128xf32, #tpu.memory_space<vmem>>
      %dma_wait3A_2200 = tpu.memref_squeeze %dma_wait3A_2199 : memref<1x1x16x128xf32, #tpu.memory_space<vmem>> -> memref<16x128xf32, #tpu.memory_space<vmem>>
      %dma_wait3A_2201 = arith.constant 0 : i32
      %dma_wait3A_2202 = arith.constant 0 : i32
      %dma_wait3A_2203 = tpu.memref_slice %arg4[%dma_wait3A_2201, %dma_wait3A_2202] : memref<16x1000001xf32, #tpu.memory_space<hbm>> -> memref<16x128xf32, #tpu.memory_space<hbm>>
      tpu.wait_dma2 semaphore(%arg17 : memref<!tpu.dma_semaphore, #tpu.memory_space<semaphore_mem>>) src(%dma_wait3A_2203 : memref<16x128xf32, #tpu.memory_space<hbm>>) dst(%dma_wait3A_2200 : memref<16x128xf32, #tpu.memory_space<vmem>>)
      %dma_wait3A_2204 = arith.constant 0 : i32
      %dma_wait3A_2205 = arith.constant 5 : i32
      %dma_wait3A_2206 = arith.constant 0 : i32
      %dma_wait3A_2207 = arith.constant 0 : i32
      %dma_wait3A_2208 = tpu.memref_slice %arg14[%dma_wait3A_2204, %dma_wait3A_2205, %dma_wait3A_2206, %dma_wait3A_2207] : memref<5x8x16x128xf32, #tpu.memory_space<vmem>> -> memref<1x1x16x128xf32, #tpu.memory_space<vmem>>
      %dma_wait3A_2209 = tpu.memref_squeeze %dma_wait3A_2208 : memref<1x1x16x128xf32, #tpu.memory_space<vmem>> -> memref<16x128xf32, #tpu.memory_space<vmem>>
      %dma_wait3A_2210 = arith.constant 0 : i32
      %dma_wait3A_2211 = arith.constant 0 : i32
      %dma_wait3A_2212 = tpu.memref_slice %arg4[%dma_wait3A_2210, %dma_wait3A_2211] : memref<16x1000001xf32, #tpu.memory_space<hbm>> -> memref<16x128xf32, #tpu.memory_space<hbm>>
      %dma_wait3A_2213 = arith.constant 0 : i32
      %dma_wait3A_2214 = arith.constant 0 : i32
      %dma_wait3A_2215 = tpu.memref_slice %arg14[%dma_wait3A_2204, %dma_wait3A_2205, %dma_wait3A_2213, %dma_wait3A_2214] : memref<5x8x16x128xf32, #tpu.memory_space<vmem>> -> memref<1x1x16x128xf32, #tpu.memory_space<vmem>>
      %dma_wait3A_2216 = tpu.memref_squeeze %dma_wait3A_2215 : memref<1x1x16x128xf32, #tpu.memory_space<vmem>> -> memref<16x128xf32, #tpu.memory_space<vmem>>
      %dma_wait3A_2217 = arith.constant 0 : i32
      %dma_wait3A_2218 = arith.constant 0 : i32
      %dma_wait3A_2219 = tpu.memref_slice %arg4[%dma_wait3A_2217, %dma_wait3A_2218] : memref<16x1000001xf32, #tpu.memory_space<hbm>> -> memref<16x128xf32, #tpu.memory_space<hbm>>
      tpu.wait_dma2 semaphore(%arg17 : memref<!tpu.dma_semaphore, #tpu.memory_space<semaphore_mem>>) src(%dma_wait3A_2219 : memref<16x128xf32, #tpu.memory_space<hbm>>) dst(%dma_wait3A_2216 : memref<16x128xf32, #tpu.memory_space<vmem>>)
      %dma_wait3A_2220 = arith.constant 0 : i32
      %dma_wait3A_2221 = arith.constant 6 : i32
      %dma_wait3A_2222 = arith.constant 0 : i32
      %dma_wait3A_2223 = arith.constant 0 : i32
      %dma_wait3A_2224 = tpu.memref_slice %arg14[%dma_wait3A_2220, %dma_wait3A_2221, %dma_wait3A_2222, %dma_wait3A_2223] : memref<5x8x16x128xf32, #tpu.memory_space<vmem>> -> memref<1x1x16x128xf32, #tpu.memory_space<vmem>>
      %dma_wait3A_2225 = tpu.memref_squeeze %dma_wait3A_2224 : memref<1x1x16x128xf32, #tpu.memory_space<vmem>> -> memref<16x128xf32, #tpu.memory_space<vmem>>
      %dma_wait3A_2226 = arith.constant 0 : i32
      %dma_wait3A_2227 = arith.constant 0 : i32
      %dma_wait3A_2228 = tpu.memref_slice %arg4[%dma_wait3A_2226, %dma_wait3A_2227] : memref<16x1000001xf32, #tpu.memory_space<hbm>> -> memref<16x128xf32, #tpu.memory_space<hbm>>
      %dma_wait3A_2229 = arith.constant 0 : i32
      %dma_wait3A_2230 = arith.constant 0 : i32
      %dma_wait3A_2231 = tpu.memref_slice %arg14[%dma_wait3A_2220, %dma_wait3A_2221, %dma_wait3A_2229, %dma_wait3A_2230] : memref<5x8x16x128xf32, #tpu.memory_space<vmem>> -> memref<1x1x16x128xf32, #tpu.memory_space<vmem>>
      %dma_wait3A_2232 = tpu.memref_squeeze %dma_wait3A_2231 : memref<1x1x16x128xf32, #tpu.memory_space<vmem>> -> memref<16x128xf32, #tpu.memory_space<vmem>>
      %dma_wait3A_2233 = arith.constant 0 : i32
      %dma_wait3A_2234 = arith.constant 0 : i32
      %dma_wait3A_2235 = tpu.memref_slice %arg4[%dma_wait3A_2233, %dma_wait3A_2234] : memref<16x1000001xf32, #tpu.memory_space<hbm>> -> memref<16x128xf32, #tpu.memory_space<hbm>>
      tpu.wait_dma2 semaphore(%arg17 : memref<!tpu.dma_semaphore, #tpu.memory_space<semaphore_mem>>) src(%dma_wait3A_2235 : memref<16x128xf32, #tpu.memory_space<hbm>>) dst(%dma_wait3A_2232 : memref<16x128xf32, #tpu.memory_space<vmem>>)
      %dma_wait3A_2236 = arith.constant 0 : i32
      %dma_wait3A_2237 = arith.constant 7 : i32
      %dma_wait3A_2238 = arith.constant 0 : i32
      %dma_wait3A_2239 = arith.constant 0 : i32
      %dma_wait3A_2240 = tpu.memref_slice %arg14[%dma_wait3A_2236, %dma_wait3A_2237, %dma_wait3A_2238, %dma_wait3A_2239] : memref<5x8x16x128xf32, #tpu.memory_space<vmem>> -> memref<1x1x16x128xf32, #tpu.memory_space<vmem>>
      %dma_wait3A_2241 = tpu.memref_squeeze %dma_wait3A_2240 : memref<1x1x16x128xf32, #tpu.memory_space<vmem>> -> memref<16x128xf32, #tpu.memory_space<vmem>>
      %dma_wait3A_2242 = arith.constant 0 : i32
      %dma_wait3A_2243 = arith.constant 0 : i32
      %dma_wait3A_2244 = tpu.memref_slice %arg4[%dma_wait3A_2242, %dma_wait3A_2243] : memref<16x1000001xf32, #tpu.memory_space<hbm>> -> memref<16x128xf32, #tpu.memory_space<hbm>>
      %dma_wait3A_2245 = arith.constant 0 : i32
      %dma_wait3A_2246 = arith.constant 0 : i32
      %dma_wait3A_2247 = tpu.memref_slice %arg14[%dma_wait3A_2236, %dma_wait3A_2237, %dma_wait3A_2245, %dma_wait3A_2246] : memref<5x8x16x128xf32, #tpu.memory_space<vmem>> -> memref<1x1x16x128xf32, #tpu.memory_space<vmem>>
      %dma_wait3A_2248 = tpu.memref_squeeze %dma_wait3A_2247 : memref<1x1x16x128xf32, #tpu.memory_space<vmem>> -> memref<16x128xf32, #tpu.memory_space<vmem>>
      %dma_wait3A_2249 = arith.constant 0 : i32
      %dma_wait3A_2250 = arith.constant 0 : i32
      %dma_wait3A_2251 = tpu.memref_slice %arg4[%dma_wait3A_2249, %dma_wait3A_2250] : memref<16x1000001xf32, #tpu.memory_space<hbm>> -> memref<16x128xf32, #tpu.memory_space<hbm>>
      tpu.wait_dma2 semaphore(%arg17 : memref<!tpu.dma_semaphore, #tpu.memory_space<semaphore_mem>>) src(%dma_wait3A_2251 : memref<16x128xf32, #tpu.memory_space<hbm>>) dst(%dma_wait3A_2248 : memref<16x128xf32, #tpu.memory_space<vmem>>)
      %add3A_2252 = arith.constant 2 : i32
      %add3A_2253 = arith.addi %scan3A_1354, %add3A_2252 : i32
      %lt3A_2254 = arith.constant 32 : i32
      %lt3A_2255 = arith.cmpi slt, %add3A_2253, %lt3A_2254 : i32
      %convert_element_type3A_2256 = arith.extui %lt3A_2255 : i1 to i32
      %cond3A_2257 = arith.constant 0 : i32
      %cond3A_2258 = arith.cmpi ne, %convert_element_type3A_2256, %cond3A_2257 : i32
      scf.if %cond3A_2258 {
        %add3A_2619 = arith.constant 2 : i32
        %add3A_2620 = arith.addi %scan3A_1354, %add3A_2619 : i32
        %mul3A_2621 = arith.constant 16 : i32
        %mul3A_2622 = arith.muli %add3A_2620, %mul3A_2621 : i32
        %get3A_2623 = arith.index_cast %mul3A_2622 : i32 to index
        %get3A_2624 = tpu.vector_load %arg10[%get3A_2623] {strides = array<i32>} : memref<512xi32, #tpu.memory_space<vmem>>, vector<16xi32>,
        %slice3A_2625 = vector.extract_strided_slice %get3A_2624 {offsets = [8], sizes = [1], strides = [1]} : vector<16xi32> to vector<1xi32>
        %squeeze3A_2626 = vector.extract %slice3A_2625[0] : i32 from vector<1xi32>
        %jit3A_2627 = arith.constant 128 : i32
        %div3A_2628 = arith.divsi %squeeze3A_2626, %jit3A_2627 : i32
        %sign3A_2629 = arith.constant 0 : i32
        %sign3A_2630 = arith.cmpi sgt, %squeeze3A_2626, %sign3A_2629 : i32
        %sign3A_2631 = arith.extui %sign3A_2630 : i1 to i32
        %sign3A_2632 = arith.constant 0 : i32
        %sign3A_2633 = arith.cmpi slt, %squeeze3A_2626, %sign3A_2632 : i32
        %sign3A_2634 = arith.extui %sign3A_2633 : i1 to i32
        %sign3A_2635 = arith.subi %sign3A_2631, %sign3A_2634 : i32
        %sign3A_2636 = arith.constant 0 : i32
        %sign3A_2637 = arith.cmpi sgt, %jit3A_2627, %sign3A_2636 : i32
        %sign3A_2638 = arith.extui %sign3A_2637 : i1 to i32
        %sign3A_2639 = arith.constant 0 : i32
        %sign3A_2640 = arith.cmpi slt, %jit3A_2627, %sign3A_2639 : i32
        %sign3A_2641 = arith.extui %sign3A_2640 : i1 to i32
        %sign3A_2642 = arith.subi %sign3A_2638, %sign3A_2641 : i32
        %ne3A_2643 = arith.cmpi ne, %sign3A_2635, %sign3A_2642 : i32
        %rem3A_2644 = arith.remsi %squeeze3A_2626, %jit3A_2627 : i32
        %ne3A_2645 = arith.constant 0 : i32
        %ne3A_2646 = arith.cmpi ne, %rem3A_2644, %ne3A_2645 : i32
        %and3A_2647 = arith.andi %ne3A_2643, %ne3A_2646 : i1
        %sub3A_2648 = arith.constant 1 : i32
        %sub3A_2649 = arith.subi %div3A_2628, %sub3A_2648 : i32
        %select_n3A_2650 = arith.select %and3A_2647, %sub3A_2649, %div3A_2628 : i32
        %mul3A_2651 = arith.constant 128 : i32
        %mul3A_2652 = arith.muli %select_n3A_2650, %mul3A_2651 : i32
        %dma_start3A_2653 = arith.constant 0 : i32
        %dma_start3A_2654 = arith.constant 0 : i32
        %dma_start3A_2655 = arith.constant 0 : i32
        %dma_start3A_2656 = tpu.memref_slice %arg14[%rem3A_1380, %dma_start3A_2653, %dma_start3A_2654, %dma_start3A_2655] : memref<5x8x16x128xf32, #tpu.memory_space<vmem>> -> memref<1x1x16x128xf32, #tpu.memory_space<vmem>>
        %dma_start3A_2657 = tpu.memref_squeeze %dma_start3A_2656 : memref<1x1x16x128xf32, #tpu.memory_space<vmem>> -> memref<16x128xf32, #tpu.memory_space<vmem>>
        %dma_start3A_2658 = arith.constant 0 : i32
        %dma_start3A_2659 = tpu.memref_slice %arg4[%dma_start3A_2658, %mul3A_2652] : memref<16x1000001xf32, #tpu.memory_space<hbm>> -> memref<16x128xf32, #tpu.memory_space<hbm>>
        %dma_start3A_2660 = arith.constant 0 : i32
        %dma_start3A_2661 = arith.constant 0 : i32
        %dma_start3A_2662 = tpu.memref_slice %arg14[%rem3A_1380, %dma_start3A_2653, %dma_start3A_2660, %dma_start3A_2661] : memref<5x8x16x128xf32, #tpu.memory_space<vmem>> -> memref<1x1x16x128xf32, #tpu.memory_space<vmem>>
        %dma_start3A_2663 = tpu.memref_squeeze %dma_start3A_2662 : memref<1x1x16x128xf32, #tpu.memory_space<vmem>> -> memref<16x128xf32, #tpu.memory_space<vmem>>
        %dma_start3A_2664 = arith.constant 0 : i32
        %dma_start3A_2665 = tpu.memref_slice %arg4[%dma_start3A_2664, %mul3A_2652] : memref<16x1000001xf32, #tpu.memory_space<hbm>> -> memref<16x128xf32, #tpu.memory_space<hbm>>
        tpu.enqueue_dma source(%dma_start3A_2665 : memref<16x128xf32, #tpu.memory_space<hbm>>) target(%dma_start3A_2663 : memref<16x128xf32, #tpu.memory_space<vmem>>) target_semaphore(%arg17 : memref<!tpu.dma_semaphore, #tpu.memory_space<semaphore_mem>>)
        %slice3A_2666 = vector.extract_strided_slice %get3A_2624 {offsets = [9], sizes = [1], strides = [1]} : vector<16xi32> to vector<1xi32>
        %squeeze3A_2667 = vector.extract %slice3A_2666[0] : i32 from vector<1xi32>
        %jit3A_2668 = arith.constant 128 : i32
        %div3A_2669 = arith.divsi %squeeze3A_2667, %jit3A_2668 : i32
        %sign3A_2670 = arith.constant 0 : i32
        %sign3A_2671 = arith.cmpi sgt, %squeeze3A_2667, %sign3A_2670 : i32
        %sign3A_2672 = arith.extui %sign3A_2671 : i1 to i32
        %sign3A_2673 = arith.constant 0 : i32
        %sign3A_2674 = arith.cmpi slt, %squeeze3A_2667, %sign3A_2673 : i32
        %sign3A_2675 = arith.extui %sign3A_2674 : i1 to i32
        %sign3A_2676 = arith.subi %sign3A_2672, %sign3A_2675 : i32
        %sign3A_2677 = arith.constant 0 : i32
        %sign3A_2678 = arith.cmpi sgt, %jit3A_2668, %sign3A_2677 : i32
        %sign3A_2679 = arith.extui %sign3A_2678 : i1 to i32
        %sign3A_2680 = arith.constant 0 : i32
        %sign3A_2681 = arith.cmpi slt, %jit3A_2668, %sign3A_2680 : i32
        %sign3A_2682 = arith.extui %sign3A_2681 : i1 to i32
        %sign3A_2683 = arith.subi %sign3A_2679, %sign3A_2682 : i32
        %ne3A_2684 = arith.cmpi ne, %sign3A_2676, %sign3A_2683 : i32
        %rem3A_2685 = arith.remsi %squeeze3A_2667, %jit3A_2668 : i32
        %ne3A_2686 = arith.constant 0 : i32
        %ne3A_2687 = arith.cmpi ne, %rem3A_2685, %ne3A_2686 : i32
        %and3A_2688 = arith.andi %ne3A_2684, %ne3A_2687 : i1
        %sub3A_2689 = arith.constant 1 : i32
        %sub3A_2690 = arith.subi %div3A_2669, %sub3A_2689 : i32
        %select_n3A_2691 = arith.select %and3A_2688, %sub3A_2690, %div3A_2669 : i32
        %mul3A_2692 = arith.constant 128 : i32
        %mul3A_2693 = arith.muli %select_n3A_2691, %mul3A_2692 : i32
        %dma_start3A_2694 = arith.constant 1 : i32
        %dma_start3A_2695 = arith.constant 0 : i32
        %dma_start3A_2696 = arith.constant 0 : i32
        %dma_start3A_2697 = tpu.memref_slice %arg14[%rem3A_1380, %dma_start3A_2694, %dma_start3A_2695, %dma_start3A_2696] : memref<5x8x16x128xf32, #tpu.memory_space<vmem>> -> memref<1x1x16x128xf32, #tpu.memory_space<vmem>>
        %dma_start3A_2698 = tpu.memref_squeeze %dma_start3A_2697 : memref<1x1x16x128xf32, #tpu.memory_space<vmem>> -> memref<16x128xf32, #tpu.memory_space<vmem>>
        %dma_start3A_2699 = arith.constant 0 : i32
        %dma_start3A_2700 = tpu.memref_slice %arg4[%dma_start3A_2699, %mul3A_2693] : memref<16x1000001xf32, #tpu.memory_space<hbm>> -> memref<16x128xf32, #tpu.memory_space<hbm>>
        %dma_start3A_2701 = arith.constant 0 : i32
        %dma_start3A_2702 = arith.constant 0 : i32
        %dma_start3A_2703 = tpu.memref_slice %arg14[%rem3A_1380, %dma_start3A_2694, %dma_start3A_2701, %dma_start3A_2702] : memref<5x8x16x128xf32, #tpu.memory_space<vmem>> -> memref<1x1x16x128xf32, #tpu.memory_space<vmem>>
        %dma_start3A_2704 = tpu.memref_squeeze %dma_start3A_2703 : memref<1x1x16x128xf32, #tpu.memory_space<vmem>> -> memref<16x128xf32, #tpu.memory_space<vmem>>
        %dma_start3A_2705 = arith.constant 0 : i32
        %dma_start3A_2706 = tpu.memref_slice %arg4[%dma_start3A_2705, %mul3A_2693] : memref<16x1000001xf32, #tpu.memory_space<hbm>> -> memref<16x128xf32, #tpu.memory_space<hbm>>
        tpu.enqueue_dma source(%dma_start3A_2706 : memref<16x128xf32, #tpu.memory_space<hbm>>) target(%dma_start3A_2704 : memref<16x128xf32, #tpu.memory_space<vmem>>) target_semaphore(%arg17 : memref<!tpu.dma_semaphore, #tpu.memory_space<semaphore_mem>>)
        %slice3A_2707 = vector.extract_strided_slice %get3A_2624 {offsets = [10], sizes = [1], strides = [1]} : vector<16xi32> to vector<1xi32>
        %squeeze3A_2708 = vector.extract %slice3A_2707[0] : i32 from vector<1xi32>
        %jit3A_2709 = arith.constant 128 : i32
        %div3A_2710 = arith.divsi %squeeze3A_2708, %jit3A_2709 : i32
        %sign3A_2711 = arith.constant 0 : i32
        %sign3A_2712 = arith.cmpi sgt, %squeeze3A_2708, %sign3A_2711 : i32
        %sign3A_2713 = arith.extui %sign3A_2712 : i1 to i32
        %sign3A_2714 = arith.constant 0 : i32
        %sign3A_2715 = arith.cmpi slt, %squeeze3A_2708, %sign3A_2714 : i32
        %sign3A_2716 = arith.extui %sign3A_2715 : i1 to i32
        %sign3A_2717 = arith.subi %sign3A_2713, %sign3A_2716 : i32
        %sign3A_2718 = arith.constant 0 : i32
        %sign3A_2719 = arith.cmpi sgt, %jit3A_2709, %sign3A_2718 : i32
        %sign3A_2720 = arith.extui %sign3A_2719 : i1 to i32
        %sign3A_2721 = arith.constant 0 : i32
        %sign3A_2722 = arith.cmpi slt, %jit3A_2709, %sign3A_2721 : i32
        %sign3A_2723 = arith.extui %sign3A_2722 : i1 to i32
        %sign3A_2724 = arith.subi %sign3A_2720, %sign3A_2723 : i32
        %ne3A_2725 = arith.cmpi ne, %sign3A_2717, %sign3A_2724 : i32
        %rem3A_2726 = arith.remsi %squeeze3A_2708, %jit3A_2709 : i32
        %ne3A_2727 = arith.constant 0 : i32
        %ne3A_2728 = arith.cmpi ne, %rem3A_2726, %ne3A_2727 : i32
        %and3A_2729 = arith.andi %ne3A_2725, %ne3A_2728 : i1
        %sub3A_2730 = arith.constant 1 : i32
        %sub3A_2731 = arith.subi %div3A_2710, %sub3A_2730 : i32
        %select_n3A_2732 = arith.select %and3A_2729, %sub3A_2731, %div3A_2710 : i32
        %mul3A_2733 = arith.constant 128 : i32
        %mul3A_2734 = arith.muli %select_n3A_2732, %mul3A_2733 : i32
        %dma_start3A_2735 = arith.constant 2 : i32
        %dma_start3A_2736 = arith.constant 0 : i32
        %dma_start3A_2737 = arith.constant 0 : i32
        %dma_start3A_2738 = tpu.memref_slice %arg14[%rem3A_1380, %dma_start3A_2735, %dma_start3A_2736, %dma_start3A_2737] : memref<5x8x16x128xf32, #tpu.memory_space<vmem>> -> memref<1x1x16x128xf32, #tpu.memory_space<vmem>>
        %dma_start3A_2739 = tpu.memref_squeeze %dma_start3A_2738 : memref<1x1x16x128xf32, #tpu.memory_space<vmem>> -> memref<16x128xf32, #tpu.memory_space<vmem>>
        %dma_start3A_2740 = arith.constant 0 : i32
        %dma_start3A_2741 = tpu.memref_slice %arg4[%dma_start3A_2740, %mul3A_2734] : memref<16x1000001xf32, #tpu.memory_space<hbm>> -> memref<16x128xf32, #tpu.memory_space<hbm>>
        %dma_start3A_2742 = arith.constant 0 : i32
        %dma_start3A_2743 = arith.constant 0 : i32
        %dma_start3A_2744 = tpu.memref_slice %arg14[%rem3A_1380, %dma_start3A_2735, %dma_start3A_2742, %dma_start3A_2743] : memref<5x8x16x128xf32, #tpu.memory_space<vmem>> -> memref<1x1x16x128xf32, #tpu.memory_space<vmem>>
        %dma_start3A_2745 = tpu.memref_squeeze %dma_start3A_2744 : memref<1x1x16x128xf32, #tpu.memory_space<vmem>> -> memref<16x128xf32, #tpu.memory_space<vmem>>
        %dma_start3A_2746 = arith.constant 0 : i32
        %dma_start3A_2747 = tpu.memref_slice %arg4[%dma_start3A_2746, %mul3A_2734] : memref<16x1000001xf32, #tpu.memory_space<hbm>> -> memref<16x128xf32, #tpu.memory_space<hbm>>
        tpu.enqueue_dma source(%dma_start3A_2747 : memref<16x128xf32, #tpu.memory_space<hbm>>) target(%dma_start3A_2745 : memref<16x128xf32, #tpu.memory_space<vmem>>) target_semaphore(%arg17 : memref<!tpu.dma_semaphore, #tpu.memory_space<semaphore_mem>>)
        %slice3A_2748 = vector.extract_strided_slice %get3A_2624 {offsets = [11], sizes = [1], strides = [1]} : vector<16xi32> to vector<1xi32>
        %squeeze3A_2749 = vector.extract %slice3A_2748[0] : i32 from vector<1xi32>
        %jit3A_2750 = arith.constant 128 : i32
        %div3A_2751 = arith.divsi %squeeze3A_2749, %jit3A_2750 : i32
        %sign3A_2752 = arith.constant 0 : i32
        %sign3A_2753 = arith.cmpi sgt, %squeeze3A_2749, %sign3A_2752 : i32
        %sign3A_2754 = arith.extui %sign3A_2753 : i1 to i32
        %sign3A_2755 = arith.constant 0 : i32
        %sign3A_2756 = arith.cmpi slt, %squeeze3A_2749, %sign3A_2755 : i32
        %sign3A_2757 = arith.extui %sign3A_2756 : i1 to i32
        %sign3A_2758 = arith.subi %sign3A_2754, %sign3A_2757 : i32
        %sign3A_2759 = arith.constant 0 : i32
        %sign3A_2760 = arith.cmpi sgt, %jit3A_2750, %sign3A_2759 : i32
        %sign3A_2761 = arith.extui %sign3A_2760 : i1 to i32
        %sign3A_2762 = arith.constant 0 : i32
        %sign3A_2763 = arith.cmpi slt, %jit3A_2750, %sign3A_2762 : i32
        %sign3A_2764 = arith.extui %sign3A_2763 : i1 to i32
        %sign3A_2765 = arith.subi %sign3A_2761, %sign3A_2764 : i32
        %ne3A_2766 = arith.cmpi ne, %sign3A_2758, %sign3A_2765 : i32
        %rem3A_2767 = arith.remsi %squeeze3A_2749, %jit3A_2750 : i32
        %ne3A_2768 = arith.constant 0 : i32
        %ne3A_2769 = arith.cmpi ne, %rem3A_2767, %ne3A_2768 : i32
        %and3A_2770 = arith.andi %ne3A_2766, %ne3A_2769 : i1
        %sub3A_2771 = arith.constant 1 : i32
        %sub3A_2772 = arith.subi %div3A_2751, %sub3A_2771 : i32
        %select_n3A_2773 = arith.select %and3A_2770, %sub3A_2772, %div3A_2751 : i32
        %mul3A_2774 = arith.constant 128 : i32
        %mul3A_2775 = arith.muli %select_n3A_2773, %mul3A_2774 : i32
        %dma_start3A_2776 = arith.constant 3 : i32
        %dma_start3A_2777 = arith.constant 0 : i32
        %dma_start3A_2778 = arith.constant 0 : i32
        %dma_start3A_2779 = tpu.memref_slice %arg14[%rem3A_1380, %dma_start3A_2776, %dma_start3A_2777, %dma_start3A_2778] : memref<5x8x16x128xf32, #tpu.memory_space<vmem>> -> memref<1x1x16x128xf32, #tpu.memory_space<vmem>>
        %dma_start3A_2780 = tpu.memref_squeeze %dma_start3A_2779 : memref<1x1x16x128xf32, #tpu.memory_space<vmem>> -> memref<16x128xf32, #tpu.memory_space<vmem>>
        %dma_start3A_2781 = arith.constant 0 : i32
        %dma_start3A_2782 = tpu.memref_slice %arg4[%dma_start3A_2781, %mul3A_2775] : memref<16x1000001xf32, #tpu.memory_space<hbm>> -> memref<16x128xf32, #tpu.memory_space<hbm>>
        %dma_start3A_2783 = arith.constant 0 : i32
        %dma_start3A_2784 = arith.constant 0 : i32
        %dma_start3A_2785 = tpu.memref_slice %arg14[%rem3A_1380, %dma_start3A_2776, %dma_start3A_2783, %dma_start3A_2784] : memref<5x8x16x128xf32, #tpu.memory_space<vmem>> -> memref<1x1x16x128xf32, #tpu.memory_space<vmem>>
        %dma_start3A_2786 = tpu.memref_squeeze %dma_start3A_2785 : memref<1x1x16x128xf32, #tpu.memory_space<vmem>> -> memref<16x128xf32, #tpu.memory_space<vmem>>
        %dma_start3A_2787 = arith.constant 0 : i32
        %dma_start3A_2788 = tpu.memref_slice %arg4[%dma_start3A_2787, %mul3A_2775] : memref<16x1000001xf32, #tpu.memory_space<hbm>> -> memref<16x128xf32, #tpu.memory_space<hbm>>
        tpu.enqueue_dma source(%dma_start3A_2788 : memref<16x128xf32, #tpu.memory_space<hbm>>) target(%dma_start3A_2786 : memref<16x128xf32, #tpu.memory_space<vmem>>) target_semaphore(%arg17 : memref<!tpu.dma_semaphore, #tpu.memory_space<semaphore_mem>>)
        %slice3A_2789 = vector.extract_strided_slice %get3A_2624 {offsets = [12], sizes = [1], strides = [1]} : vector<16xi32> to vector<1xi32>
        %squeeze3A_2790 = vector.extract %slice3A_2789[0] : i32 from vector<1xi32>
        %jit3A_2791 = arith.constant 128 : i32
        %div3A_2792 = arith.divsi %squeeze3A_2790, %jit3A_2791 : i32
        %sign3A_2793 = arith.constant 0 : i32
        %sign3A_2794 = arith.cmpi sgt, %squeeze3A_2790, %sign3A_2793 : i32
        %sign3A_2795 = arith.extui %sign3A_2794 : i1 to i32
        %sign3A_2796 = arith.constant 0 : i32
        %sign3A_2797 = arith.cmpi slt, %squeeze3A_2790, %sign3A_2796 : i32
        %sign3A_2798 = arith.extui %sign3A_2797 : i1 to i32
        %sign3A_2799 = arith.subi %sign3A_2795, %sign3A_2798 : i32
        %sign3A_2800 = arith.constant 0 : i32
        %sign3A_2801 = arith.cmpi sgt, %jit3A_2791, %sign3A_2800 : i32
        %sign3A_2802 = arith.extui %sign3A_2801 : i1 to i32
        %sign3A_2803 = arith.constant 0 : i32
        %sign3A_2804 = arith.cmpi slt, %jit3A_2791, %sign3A_2803 : i32
        %sign3A_2805 = arith.extui %sign3A_2804 : i1 to i32
        %sign3A_2806 = arith.subi %sign3A_2802, %sign3A_2805 : i32
        %ne3A_2807 = arith.cmpi ne, %sign3A_2799, %sign3A_2806 : i32
        %rem3A_2808 = arith.remsi %squeeze3A_2790, %jit3A_2791 : i32
        %ne3A_2809 = arith.constant 0 : i32
        %ne3A_2810 = arith.cmpi ne, %rem3A_2808, %ne3A_2809 : i32
        %and3A_2811 = arith.andi %ne3A_2807, %ne3A_2810 : i1
        %sub3A_2812 = arith.constant 1 : i32
        %sub3A_2813 = arith.subi %div3A_2792, %sub3A_2812 : i32
        %select_n3A_2814 = arith.select %and3A_2811, %sub3A_2813, %div3A_2792 : i32
        %mul3A_2815 = arith.constant 128 : i32
        %mul3A_2816 = arith.muli %select_n3A_2814, %mul3A_2815 : i32
        %dma_start3A_2817 = arith.constant 4 : i32
        %dma_start3A_2818 = arith.constant 0 : i32
        %dma_start3A_2819 = arith.constant 0 : i32
        %dma_start3A_2820 = tpu.memref_slice %arg14[%rem3A_1380, %dma_start3A_2817, %dma_start3A_2818, %dma_start3A_2819] : memref<5x8x16x128xf32, #tpu.memory_space<vmem>> -> memref<1x1x16x128xf32, #tpu.memory_space<vmem>>
        %dma_start3A_2821 = tpu.memref_squeeze %dma_start3A_2820 : memref<1x1x16x128xf32, #tpu.memory_space<vmem>> -> memref<16x128xf32, #tpu.memory_space<vmem>>
        %dma_start3A_2822 = arith.constant 0 : i32
        %dma_start3A_2823 = tpu.memref_slice %arg4[%dma_start3A_2822, %mul3A_2816] : memref<16x1000001xf32, #tpu.memory_space<hbm>> -> memref<16x128xf32, #tpu.memory_space<hbm>>
        %dma_start3A_2824 = arith.constant 0 : i32
        %dma_start3A_2825 = arith.constant 0 : i32
        %dma_start3A_2826 = tpu.memref_slice %arg14[%rem3A_1380, %dma_start3A_2817, %dma_start3A_2824, %dma_start3A_2825] : memref<5x8x16x128xf32, #tpu.memory_space<vmem>> -> memref<1x1x16x128xf32, #tpu.memory_space<vmem>>
        %dma_start3A_2827 = tpu.memref_squeeze %dma_start3A_2826 : memref<1x1x16x128xf32, #tpu.memory_space<vmem>> -> memref<16x128xf32, #tpu.memory_space<vmem>>
        %dma_start3A_2828 = arith.constant 0 : i32
        %dma_start3A_2829 = tpu.memref_slice %arg4[%dma_start3A_2828, %mul3A_2816] : memref<16x1000001xf32, #tpu.memory_space<hbm>> -> memref<16x128xf32, #tpu.memory_space<hbm>>
        tpu.enqueue_dma source(%dma_start3A_2829 : memref<16x128xf32, #tpu.memory_space<hbm>>) target(%dma_start3A_2827 : memref<16x128xf32, #tpu.memory_space<vmem>>) target_semaphore(%arg17 : memref<!tpu.dma_semaphore, #tpu.memory_space<semaphore_mem>>)
        %slice3A_2830 = vector.extract_strided_slice %get3A_2624 {offsets = [13], sizes = [1], strides = [1]} : vector<16xi32> to vector<1xi32>
        %squeeze3A_2831 = vector.extract %slice3A_2830[0] : i32 from vector<1xi32>
        %jit3A_2832 = arith.constant 128 : i32
        %div3A_2833 = arith.divsi %squeeze3A_2831, %jit3A_2832 : i32
        %sign3A_2834 = arith.constant 0 : i32
        %sign3A_2835 = arith.cmpi sgt, %squeeze3A_2831, %sign3A_2834 : i32
        %sign3A_2836 = arith.extui %sign3A_2835 : i1 to i32
        %sign3A_2837 = arith.constant 0 : i32
        %sign3A_2838 = arith.cmpi slt, %squeeze3A_2831, %sign3A_2837 : i32
        %sign3A_2839 = arith.extui %sign3A_2838 : i1 to i32
        %sign3A_2840 = arith.subi %sign3A_2836, %sign3A_2839 : i32
        %sign3A_2841 = arith.constant 0 : i32
        %sign3A_2842 = arith.cmpi sgt, %jit3A_2832, %sign3A_2841 : i32
        %sign3A_2843 = arith.extui %sign3A_2842 : i1 to i32
        %sign3A_2844 = arith.constant 0 : i32
        %sign3A_2845 = arith.cmpi slt, %jit3A_2832, %sign3A_2844 : i32
        %sign3A_2846 = arith.extui %sign3A_2845 : i1 to i32
        %sign3A_2847 = arith.subi %sign3A_2843, %sign3A_2846 : i32
        %ne3A_2848 = arith.cmpi ne, %sign3A_2840, %sign3A_2847 : i32
        %rem3A_2849 = arith.remsi %squeeze3A_2831, %jit3A_2832 : i32
        %ne3A_2850 = arith.constant 0 : i32
        %ne3A_2851 = arith.cmpi ne, %rem3A_2849, %ne3A_2850 : i32
        %and3A_2852 = arith.andi %ne3A_2848, %ne3A_2851 : i1
        %sub3A_2853 = arith.constant 1 : i32
        %sub3A_2854 = arith.subi %div3A_2833, %sub3A_2853 : i32
        %select_n3A_2855 = arith.select %and3A_2852, %sub3A_2854, %div3A_2833 : i32
        %mul3A_2856 = arith.constant 128 : i32
        %mul3A_2857 = arith.muli %select_n3A_2855, %mul3A_2856 : i32
        %dma_start3A_2858 = arith.constant 5 : i32
        %dma_start3A_2859 = arith.constant 0 : i32
        %dma_start3A_2860 = arith.constant 0 : i32
        %dma_start3A_2861 = tpu.memref_slice %arg14[%rem3A_1380, %dma_start3A_2858, %dma_start3A_2859, %dma_start3A_2860] : memref<5x8x16x128xf32, #tpu.memory_space<vmem>> -> memref<1x1x16x128xf32, #tpu.memory_space<vmem>>
        %dma_start3A_2862 = tpu.memref_squeeze %dma_start3A_2861 : memref<1x1x16x128xf32, #tpu.memory_space<vmem>> -> memref<16x128xf32, #tpu.memory_space<vmem>>
        %dma_start3A_2863 = arith.constant 0 : i32
        %dma_start3A_2864 = tpu.memref_slice %arg4[%dma_start3A_2863, %mul3A_2857] : memref<16x1000001xf32, #tpu.memory_space<hbm>> -> memref<16x128xf32, #tpu.memory_space<hbm>>
        %dma_start3A_2865 = arith.constant 0 : i32
        %dma_start3A_2866 = arith.constant 0 : i32
        %dma_start3A_2867 = tpu.memref_slice %arg14[%rem3A_1380, %dma_start3A_2858, %dma_start3A_2865, %dma_start3A_2866] : memref<5x8x16x128xf32, #tpu.memory_space<vmem>> -> memref<1x1x16x128xf32, #tpu.memory_space<vmem>>
        %dma_start3A_2868 = tpu.memref_squeeze %dma_start3A_2867 : memref<1x1x16x128xf32, #tpu.memory_space<vmem>> -> memref<16x128xf32, #tpu.memory_space<vmem>>
        %dma_start3A_2869 = arith.constant 0 : i32
        %dma_start3A_2870 = tpu.memref_slice %arg4[%dma_start3A_2869, %mul3A_2857] : memref<16x1000001xf32, #tpu.memory_space<hbm>> -> memref<16x128xf32, #tpu.memory_space<hbm>>
        tpu.enqueue_dma source(%dma_start3A_2870 : memref<16x128xf32, #tpu.memory_space<hbm>>) target(%dma_start3A_2868 : memref<16x128xf32, #tpu.memory_space<vmem>>) target_semaphore(%arg17 : memref<!tpu.dma_semaphore, #tpu.memory_space<semaphore_mem>>)
        %slice3A_2871 = vector.extract_strided_slice %get3A_2624 {offsets = [14], sizes = [1], strides = [1]} : vector<16xi32> to vector<1xi32>
        %squeeze3A_2872 = vector.extract %slice3A_2871[0] : i32 from vector<1xi32>
        %jit3A_2873 = arith.constant 128 : i32
        %div3A_2874 = arith.divsi %squeeze3A_2872, %jit3A_2873 : i32
        %sign3A_2875 = arith.constant 0 : i32
        %sign3A_2876 = arith.cmpi sgt, %squeeze3A_2872, %sign3A_2875 : i32
        %sign3A_2877 = arith.extui %sign3A_2876 : i1 to i32
        %sign3A_2878 = arith.constant 0 : i32
        %sign3A_2879 = arith.cmpi slt, %squeeze3A_2872, %sign3A_2878 : i32
        %sign3A_2880 = arith.extui %sign3A_2879 : i1 to i32
        %sign3A_2881 = arith.subi %sign3A_2877, %sign3A_2880 : i32
        %sign3A_2882 = arith.constant 0 : i32
        %sign3A_2883 = arith.cmpi sgt, %jit3A_2873, %sign3A_2882 : i32
        %sign3A_2884 = arith.extui %sign3A_2883 : i1 to i32
        %sign3A_2885 = arith.constant 0 : i32
        %sign3A_2886 = arith.cmpi slt, %jit3A_2873, %sign3A_2885 : i32
        %sign3A_2887 = arith.extui %sign3A_2886 : i1 to i32
        %sign3A_2888 = arith.subi %sign3A_2884, %sign3A_2887 : i32
        %ne3A_2889 = arith.cmpi ne, %sign3A_2881, %sign3A_2888 : i32
        %rem3A_2890 = arith.remsi %squeeze3A_2872, %jit3A_2873 : i32
        %ne3A_2891 = arith.constant 0 : i32
        %ne3A_2892 = arith.cmpi ne, %rem3A_2890, %ne3A_2891 : i32
        %and3A_2893 = arith.andi %ne3A_2889, %ne3A_2892 : i1
        %sub3A_2894 = arith.constant 1 : i32
        %sub3A_2895 = arith.subi %div3A_2874, %sub3A_2894 : i32
        %select_n3A_2896 = arith.select %and3A_2893, %sub3A_2895, %div3A_2874 : i32
        %mul3A_2897 = arith.constant 128 : i32
        %mul3A_2898 = arith.muli %select_n3A_2896, %mul3A_2897 : i32
        %dma_start3A_2899 = arith.constant 6 : i32
        %dma_start3A_2900 = arith.constant 0 : i32
        %dma_start3A_2901 = arith.constant 0 : i32
        %dma_start3A_2902 = tpu.memref_slice %arg14[%rem3A_1380, %dma_start3A_2899, %dma_start3A_2900, %dma_start3A_2901] : memref<5x8x16x128xf32, #tpu.memory_space<vmem>> -> memref<1x1x16x128xf32, #tpu.memory_space<vmem>>
        %dma_start3A_2903 = tpu.memref_squeeze %dma_start3A_2902 : memref<1x1x16x128xf32, #tpu.memory_space<vmem>> -> memref<16x128xf32, #tpu.memory_space<vmem>>
        %dma_start3A_2904 = arith.constant 0 : i32
        %dma_start3A_2905 = tpu.memref_slice %arg4[%dma_start3A_2904, %mul3A_2898] : memref<16x1000001xf32, #tpu.memory_space<hbm>> -> memref<16x128xf32, #tpu.memory_space<hbm>>
        %dma_start3A_2906 = arith.constant 0 : i32
        %dma_start3A_2907 = arith.constant 0 : i32
        %dma_start3A_2908 = tpu.memref_slice %arg14[%rem3A_1380, %dma_start3A_2899, %dma_start3A_2906, %dma_start3A_2907] : memref<5x8x16x128xf32, #tpu.memory_space<vmem>> -> memref<1x1x16x128xf32, #tpu.memory_space<vmem>>
        %dma_start3A_2909 = tpu.memref_squeeze %dma_start3A_2908 : memref<1x1x16x128xf32, #tpu.memory_space<vmem>> -> memref<16x128xf32, #tpu.memory_space<vmem>>
        %dma_start3A_2910 = arith.constant 0 : i32
        %dma_start3A_2911 = tpu.memref_slice %arg4[%dma_start3A_2910, %mul3A_2898] : memref<16x1000001xf32, #tpu.memory_space<hbm>> -> memref<16x128xf32, #tpu.memory_space<hbm>>
        tpu.enqueue_dma source(%dma_start3A_2911 : memref<16x128xf32, #tpu.memory_space<hbm>>) target(%dma_start3A_2909 : memref<16x128xf32, #tpu.memory_space<vmem>>) target_semaphore(%arg17 : memref<!tpu.dma_semaphore, #tpu.memory_space<semaphore_mem>>)
        %slice3A_2912 = vector.extract_strided_slice %get3A_2624 {offsets = [15], sizes = [1], strides = [1]} : vector<16xi32> to vector<1xi32>
        %squeeze3A_2913 = vector.extract %slice3A_2912[0] : i32 from vector<1xi32>
        %jit3A_2914 = arith.constant 128 : i32
        %div3A_2915 = arith.divsi %squeeze3A_2913, %jit3A_2914 : i32
        %sign3A_2916 = arith.constant 0 : i32
        %sign3A_2917 = arith.cmpi sgt, %squeeze3A_2913, %sign3A_2916 : i32
        %sign3A_2918 = arith.extui %sign3A_2917 : i1 to i32
        %sign3A_2919 = arith.constant 0 : i32
        %sign3A_2920 = arith.cmpi slt, %squeeze3A_2913, %sign3A_2919 : i32
        %sign3A_2921 = arith.extui %sign3A_2920 : i1 to i32
        %sign3A_2922 = arith.subi %sign3A_2918, %sign3A_2921 : i32
        %sign3A_2923 = arith.constant 0 : i32
        %sign3A_2924 = arith.cmpi sgt, %jit3A_2914, %sign3A_2923 : i32
        %sign3A_2925 = arith.extui %sign3A_2924 : i1 to i32
        %sign3A_2926 = arith.constant 0 : i32
        %sign3A_2927 = arith.cmpi slt, %jit3A_2914, %sign3A_2926 : i32
        %sign3A_2928 = arith.extui %sign3A_2927 : i1 to i32
        %sign3A_2929 = arith.subi %sign3A_2925, %sign3A_2928 : i32
        %ne3A_2930 = arith.cmpi ne, %sign3A_2922, %sign3A_2929 : i32
        %rem3A_2931 = arith.remsi %squeeze3A_2913, %jit3A_2914 : i32
        %ne3A_2932 = arith.constant 0 : i32
        %ne3A_2933 = arith.cmpi ne, %rem3A_2931, %ne3A_2932 : i32
        %and3A_2934 = arith.andi %ne3A_2930, %ne3A_2933 : i1
        %sub3A_2935 = arith.constant 1 : i32
        %sub3A_2936 = arith.subi %div3A_2915, %sub3A_2935 : i32
        %select_n3A_2937 = arith.select %and3A_2934, %sub3A_2936, %div3A_2915 : i32
        %mul3A_2938 = arith.constant 128 : i32
        %mul3A_2939 = arith.muli %select_n3A_2937, %mul3A_2938 : i32
        %dma_start3A_2940 = arith.constant 7 : i32
        %dma_start3A_2941 = arith.constant 0 : i32
        %dma_start3A_2942 = arith.constant 0 : i32
        %dma_start3A_2943 = tpu.memref_slice %arg14[%rem3A_1380, %dma_start3A_2940, %dma_start3A_2941, %dma_start3A_2942] : memref<5x8x16x128xf32, #tpu.memory_space<vmem>> -> memref<1x1x16x128xf32, #tpu.memory_space<vmem>>
        %dma_start3A_2944 = tpu.memref_squeeze %dma_start3A_2943 : memref<1x1x16x128xf32, #tpu.memory_space<vmem>> -> memref<16x128xf32, #tpu.memory_space<vmem>>
        %dma_start3A_2945 = arith.constant 0 : i32
        %dma_start3A_2946 = tpu.memref_slice %arg4[%dma_start3A_2945, %mul3A_2939] : memref<16x1000001xf32, #tpu.memory_space<hbm>> -> memref<16x128xf32, #tpu.memory_space<hbm>>
        %dma_start3A_2947 = arith.constant 0 : i32
        %dma_start3A_2948 = arith.constant 0 : i32
        %dma_start3A_2949 = tpu.memref_slice %arg14[%rem3A_1380, %dma_start3A_2940, %dma_start3A_2947, %dma_start3A_2948] : memref<5x8x16x128xf32, #tpu.memory_space<vmem>> -> memref<1x1x16x128xf32, #tpu.memory_space<vmem>>
        %dma_start3A_2950 = tpu.memref_squeeze %dma_start3A_2949 : memref<1x1x16x128xf32, #tpu.memory_space<vmem>> -> memref<16x128xf32, #tpu.memory_space<vmem>>
        %dma_start3A_2951 = arith.constant 0 : i32
        %dma_start3A_2952 = tpu.memref_slice %arg4[%dma_start3A_2951, %mul3A_2939] : memref<16x1000001xf32, #tpu.memory_space<hbm>> -> memref<16x128xf32, #tpu.memory_space<hbm>>
        tpu.enqueue_dma source(%dma_start3A_2952 : memref<16x128xf32, #tpu.memory_space<hbm>>) target(%dma_start3A_2950 : memref<16x128xf32, #tpu.memory_space<vmem>>) target_semaphore(%arg17 : memref<!tpu.dma_semaphore, #tpu.memory_space<semaphore_mem>>)
      } else {
      }
      %slice3A_2259 = vector.extract_strided_slice %get3A_1358 {offsets = [8], sizes = [1], strides = [1]} : vector<16xi32> to vector<1xi32>
      %squeeze3A_2260 = vector.extract %slice3A_2259[0] : i32 from vector<1xi32>
      %slice3A_2261 = vector.extract_strided_slice %get3A_1358 {offsets = [8], sizes = [1], strides = [1]} : vector<16xi32> to vector<1xi32>
      %squeeze3A_2262 = vector.extract %slice3A_2261[0] : i32 from vector<1xi32>
      %jit3A_2263 = arith.constant 128 : i32
      %div3A_2264 = arith.divsi %squeeze3A_2262, %jit3A_2263 : i32
      %sign3A_2265 = arith.constant 0 : i32
      %sign3A_2266 = arith.cmpi sgt, %squeeze3A_2262, %sign3A_2265 : i32
      %sign3A_2267 = arith.extui %sign3A_2266 : i1 to i32
      %sign3A_2268 = arith.constant 0 : i32
      %sign3A_2269 = arith.cmpi slt, %squeeze3A_2262, %sign3A_2268 : i32
      %sign3A_2270 = arith.extui %sign3A_2269 : i1 to i32
      %sign3A_2271 = arith.subi %sign3A_2267, %sign3A_2270 : i32
      %sign3A_2272 = arith.constant 0 : i32
      %sign3A_2273 = arith.cmpi sgt, %jit3A_2263, %sign3A_2272 : i32
      %sign3A_2274 = arith.extui %sign3A_2273 : i1 to i32
      %sign3A_2275 = arith.constant 0 : i32
      %sign3A_2276 = arith.cmpi slt, %jit3A_2263, %sign3A_2275 : i32
      %sign3A_2277 = arith.extui %sign3A_2276 : i1 to i32
      %sign3A_2278 = arith.subi %sign3A_2274, %sign3A_2277 : i32
      %ne3A_2279 = arith.cmpi ne, %sign3A_2271, %sign3A_2278 : i32
      %rem3A_2280 = arith.remsi %squeeze3A_2262, %jit3A_2263 : i32
      %ne3A_2281 = arith.constant 0 : i32
      %ne3A_2282 = arith.cmpi ne, %rem3A_2280, %ne3A_2281 : i32
      %and3A_2283 = arith.andi %ne3A_2279, %ne3A_2282 : i1
      %sub3A_2284 = arith.constant 1 : i32
      %sub3A_2285 = arith.subi %div3A_2264, %sub3A_2284 : i32
      %select_n3A_2286 = arith.select %and3A_2283, %sub3A_2285, %div3A_2264 : i32
      %mul3A_2287 = arith.constant 128 : i32
      %mul3A_2288 = arith.muli %select_n3A_2286, %mul3A_2287 : i32
      %sub3A_2289 = arith.subi %squeeze3A_2260, %mul3A_2288 : i32
      %add3A_2290 = vector.broadcast %sub3A_2289 : i32 to vector<16xi32>
      %add3A_2291 = arith.addi %add3A_2290, %broadcast_in_dim3A_3 : vector<16xi32>
      %add3A_2292 = vector.broadcast %rem3A_1368 : i32 to vector<16xi32>
      %add3A_2293 = arith.addi %broadcast_in_dim3A_3, %add3A_2292 : vector<16xi32>
      %add3A_2294 = arith.constant 0 : i32
      %add3A_2295 = vector.broadcast %add3A_2294 : i32 to vector<16xi32>
      %add3A_2296 = arith.addi %broadcast_in_dim3A_3, %add3A_2295 : vector<16xi32>
      %gather3A_2297 = tpu.vector_load_idx %arg14[%add3A_2293, %add3A_2296, %iota3A, %add3A_2291] : memref<5x8x16x128xf32, #tpu.memory_space<vmem>>[vector<16xi32>, vector<16xi32>, vector<16xi32>, vector<16xi32>], vector<16xf32>,
      %mul3A_2298 = arith.constant 16 : i32
      %mul3A_2299 = arith.muli %scan3A_1354, %mul3A_2298 : i32
      %add3A_2300 = arith.constant 8 : i32
      %add3A_2301 = arith.addi %mul3A_2299, %add3A_2300 : i32
      %add3A_2302 = vector.broadcast %add3A_2301 : i32 to vector<16xi32>
      %add3A_2303 = arith.addi %broadcast_in_dim3A_3, %add3A_2302 : vector<16xi32>
      tpu.vector_store_idx %arg15[%iota3A, %add3A_2303], %gather3A_2297 : memref<32x512xf32, #tpu.memory_space<vmem>>[vector<16xi32>, vector<16xi32>], vector<16xf32>,
      %slice3A_2304 = vector.extract_strided_slice %get3A_1358 {offsets = [9], sizes = [1], strides = [1]} : vector<16xi32> to vector<1xi32>
      %squeeze3A_2305 = vector.extract %slice3A_2304[0] : i32 from vector<1xi32>
      %slice3A_2306 = vector.extract_strided_slice %get3A_1358 {offsets = [9], sizes = [1], strides = [1]} : vector<16xi32> to vector<1xi32>
      %squeeze3A_2307 = vector.extract %slice3A_2306[0] : i32 from vector<1xi32>
      %jit3A_2308 = arith.constant 128 : i32
      %div3A_2309 = arith.divsi %squeeze3A_2307, %jit3A_2308 : i32
      %sign3A_2310 = arith.constant 0 : i32
      %sign3A_2311 = arith.cmpi sgt, %squeeze3A_2307, %sign3A_2310 : i32
      %sign3A_2312 = arith.extui %sign3A_2311 : i1 to i32
      %sign3A_2313 = arith.constant 0 : i32
      %sign3A_2314 = arith.cmpi slt, %squeeze3A_2307, %sign3A_2313 : i32
      %sign3A_2315 = arith.extui %sign3A_2314 : i1 to i32
      %sign3A_2316 = arith.subi %sign3A_2312, %sign3A_2315 : i32
      %sign3A_2317 = arith.constant 0 : i32
      %sign3A_2318 = arith.cmpi sgt, %jit3A_2308, %sign3A_2317 : i32
      %sign3A_2319 = arith.extui %sign3A_2318 : i1 to i32
      %sign3A_2320 = arith.constant 0 : i32
      %sign3A_2321 = arith.cmpi slt, %jit3A_2308, %sign3A_2320 : i32
      %sign3A_2322 = arith.extui %sign3A_2321 : i1 to i32
      %sign3A_2323 = arith.subi %sign3A_2319, %sign3A_2322 : i32
      %ne3A_2324 = arith.cmpi ne, %sign3A_2316, %sign3A_2323 : i32
      %rem3A_2325 = arith.remsi %squeeze3A_2307, %jit3A_2308 : i32
      %ne3A_2326 = arith.constant 0 : i32
      %ne3A_2327 = arith.cmpi ne, %rem3A_2325, %ne3A_2326 : i32
      %and3A_2328 = arith.andi %ne3A_2324, %ne3A_2327 : i1
      %sub3A_2329 = arith.constant 1 : i32
      %sub3A_2330 = arith.subi %div3A_2309, %sub3A_2329 : i32
      %select_n3A_2331 = arith.select %and3A_2328, %sub3A_2330, %div3A_2309 : i32
      %mul3A_2332 = arith.constant 128 : i32
      %mul3A_2333 = arith.muli %select_n3A_2331, %mul3A_2332 : i32
      %sub3A_2334 = arith.subi %squeeze3A_2305, %mul3A_2333 : i32
      %add3A_2335 = vector.broadcast %sub3A_2334 : i32 to vector<16xi32>
      %add3A_2336 = arith.addi %add3A_2335, %broadcast_in_dim3A_3 : vector<16xi32>
      %add3A_2337 = vector.broadcast %rem3A_1368 : i32 to vector<16xi32>
      %add3A_2338 = arith.addi %broadcast_in_dim3A_3, %add3A_2337 : vector<16xi32>
      %add3A_2339 = arith.constant 1 : i32
      %add3A_2340 = vector.broadcast %add3A_2339 : i32 to vector<16xi32>
      %add3A_2341 = arith.addi %broadcast_in_dim3A_3, %add3A_2340 : vector<16xi32>
      %gather3A_2342 = tpu.vector_load_idx %arg14[%add3A_2338, %add3A_2341, %iota3A, %add3A_2336] : memref<5x8x16x128xf32, #tpu.memory_space<vmem>>[vector<16xi32>, vector<16xi32>, vector<16xi32>, vector<16xi32>], vector<16xf32>,
      %mul3A_2343 = arith.constant 16 : i32
      %mul3A_2344 = arith.muli %scan3A_1354, %mul3A_2343 : i32
      %add3A_2345 = arith.constant 9 : i32
      %add3A_2346 = arith.addi %mul3A_2344, %add3A_2345 : i32
      %add3A_2347 = vector.broadcast %add3A_2346 : i32 to vector<16xi32>
      %add3A_2348 = arith.addi %broadcast_in_dim3A_3, %add3A_2347 : vector<16xi32>
      tpu.vector_store_idx %arg15[%iota3A, %add3A_2348], %gather3A_2342 : memref<32x512xf32, #tpu.memory_space<vmem>>[vector<16xi32>, vector<16xi32>], vector<16xf32>,
      %slice3A_2349 = vector.extract_strided_slice %get3A_1358 {offsets = [10], sizes = [1], strides = [1]} : vector<16xi32> to vector<1xi32>
      %squeeze3A_2350 = vector.extract %slice3A_2349[0] : i32 from vector<1xi32>
      %slice3A_2351 = vector.extract_strided_slice %get3A_1358 {offsets = [10], sizes = [1], strides = [1]} : vector<16xi32> to vector<1xi32>
      %squeeze3A_2352 = vector.extract %slice3A_2351[0] : i32 from vector<1xi32>
      %jit3A_2353 = arith.constant 128 : i32
      %div3A_2354 = arith.divsi %squeeze3A_2352, %jit3A_2353 : i32
      %sign3A_2355 = arith.constant 0 : i32
      %sign3A_2356 = arith.cmpi sgt, %squeeze3A_2352, %sign3A_2355 : i32
      %sign3A_2357 = arith.extui %sign3A_2356 : i1 to i32
      %sign3A_2358 = arith.constant 0 : i32
      %sign3A_2359 = arith.cmpi slt, %squeeze3A_2352, %sign3A_2358 : i32
      %sign3A_2360 = arith.extui %sign3A_2359 : i1 to i32
      %sign3A_2361 = arith.subi %sign3A_2357, %sign3A_2360 : i32
      %sign3A_2362 = arith.constant 0 : i32
      %sign3A_2363 = arith.cmpi sgt, %jit3A_2353, %sign3A_2362 : i32
      %sign3A_2364 = arith.extui %sign3A_2363 : i1 to i32
      %sign3A_2365 = arith.constant 0 : i32
      %sign3A_2366 = arith.cmpi slt, %jit3A_2353, %sign3A_2365 : i32
      %sign3A_2367 = arith.extui %sign3A_2366 : i1 to i32
      %sign3A_2368 = arith.subi %sign3A_2364, %sign3A_2367 : i32
      %ne3A_2369 = arith.cmpi ne, %sign3A_2361, %sign3A_2368 : i32
      %rem3A_2370 = arith.remsi %squeeze3A_2352, %jit3A_2353 : i32
      %ne3A_2371 = arith.constant 0 : i32
      %ne3A_2372 = arith.cmpi ne, %rem3A_2370, %ne3A_2371 : i32
      %and3A_2373 = arith.andi %ne3A_2369, %ne3A_2372 : i1
      %sub3A_2374 = arith.constant 1 : i32
      %sub3A_2375 = arith.subi %div3A_2354, %sub3A_2374 : i32
      %select_n3A_2376 = arith.select %and3A_2373, %sub3A_2375, %div3A_2354 : i32
      %mul3A_2377 = arith.constant 128 : i32
      %mul3A_2378 = arith.muli %select_n3A_2376, %mul3A_2377 : i32
      %sub3A_2379 = arith.subi %squeeze3A_2350, %mul3A_2378 : i32
      %add3A_2380 = vector.broadcast %sub3A_2379 : i32 to vector<16xi32>
      %add3A_2381 = arith.addi %add3A_2380, %broadcast_in_dim3A_3 : vector<16xi32>
      %add3A_2382 = vector.broadcast %rem3A_1368 : i32 to vector<16xi32>
      %add3A_2383 = arith.addi %broadcast_in_dim3A_3, %add3A_2382 : vector<16xi32>
      %add3A_2384 = arith.constant 2 : i32
      %add3A_2385 = vector.broadcast %add3A_2384 : i32 to vector<16xi32>
      %add3A_2386 = arith.addi %broadcast_in_dim3A_3, %add3A_2385 : vector<16xi32>
      %gather3A_2387 = tpu.vector_load_idx %arg14[%add3A_2383, %add3A_2386, %iota3A, %add3A_2381] : memref<5x8x16x128xf32, #tpu.memory_space<vmem>>[vector<16xi32>, vector<16xi32>, vector<16xi32>, vector<16xi32>], vector<16xf32>,
      %mul3A_2388 = arith.constant 16 : i32
      %mul3A_2389 = arith.muli %scan3A_1354, %mul3A_2388 : i32
      %add3A_2390 = arith.constant 10 : i32
      %add3A_2391 = arith.addi %mul3A_2389, %add3A_2390 : i32
      %add3A_2392 = vector.broadcast %add3A_2391 : i32 to vector<16xi32>
      %add3A_2393 = arith.addi %broadcast_in_dim3A_3, %add3A_2392 : vector<16xi32>
      tpu.vector_store_idx %arg15[%iota3A, %add3A_2393], %gather3A_2387 : memref<32x512xf32, #tpu.memory_space<vmem>>[vector<16xi32>, vector<16xi32>], vector<16xf32>,
      %slice3A_2394 = vector.extract_strided_slice %get3A_1358 {offsets = [11], sizes = [1], strides = [1]} : vector<16xi32> to vector<1xi32>
      %squeeze3A_2395 = vector.extract %slice3A_2394[0] : i32 from vector<1xi32>
      %slice3A_2396 = vector.extract_strided_slice %get3A_1358 {offsets = [11], sizes = [1], strides = [1]} : vector<16xi32> to vector<1xi32>
      %squeeze3A_2397 = vector.extract %slice3A_2396[0] : i32 from vector<1xi32>
      %jit3A_2398 = arith.constant 128 : i32
      %div3A_2399 = arith.divsi %squeeze3A_2397, %jit3A_2398 : i32
      %sign3A_2400 = arith.constant 0 : i32
      %sign3A_2401 = arith.cmpi sgt, %squeeze3A_2397, %sign3A_2400 : i32
      %sign3A_2402 = arith.extui %sign3A_2401 : i1 to i32
      %sign3A_2403 = arith.constant 0 : i32
      %sign3A_2404 = arith.cmpi slt, %squeeze3A_2397, %sign3A_2403 : i32
      %sign3A_2405 = arith.extui %sign3A_2404 : i1 to i32
      %sign3A_2406 = arith.subi %sign3A_2402, %sign3A_2405 : i32
      %sign3A_2407 = arith.constant 0 : i32
      %sign3A_2408 = arith.cmpi sgt, %jit3A_2398, %sign3A_2407 : i32
      %sign3A_2409 = arith.extui %sign3A_2408 : i1 to i32
      %sign3A_2410 = arith.constant 0 : i32
      %sign3A_2411 = arith.cmpi slt, %jit3A_2398, %sign3A_2410 : i32
      %sign3A_2412 = arith.extui %sign3A_2411 : i1 to i32
      %sign3A_2413 = arith.subi %sign3A_2409, %sign3A_2412 : i32
      %ne3A_2414 = arith.cmpi ne, %sign3A_2406, %sign3A_2413 : i32
      %rem3A_2415 = arith.remsi %squeeze3A_2397, %jit3A_2398 : i32
      %ne3A_2416 = arith.constant 0 : i32
      %ne3A_2417 = arith.cmpi ne, %rem3A_2415, %ne3A_2416 : i32
      %and3A_2418 = arith.andi %ne3A_2414, %ne3A_2417 : i1
      %sub3A_2419 = arith.constant 1 : i32
      %sub3A_2420 = arith.subi %div3A_2399, %sub3A_2419 : i32
      %select_n3A_2421 = arith.select %and3A_2418, %sub3A_2420, %div3A_2399 : i32
      %mul3A_2422 = arith.constant 128 : i32
      %mul3A_2423 = arith.muli %select_n3A_2421, %mul3A_2422 : i32
      %sub3A_2424 = arith.subi %squeeze3A_2395, %mul3A_2423 : i32
      %add3A_2425 = vector.broadcast %sub3A_2424 : i32 to vector<16xi32>
      %add3A_2426 = arith.addi %add3A_2425, %broadcast_in_dim3A_3 : vector<16xi32>
      %add3A_2427 = vector.broadcast %rem3A_1368 : i32 to vector<16xi32>
      %add3A_2428 = arith.addi %broadcast_in_dim3A_3, %add3A_2427 : vector<16xi32>
      %add3A_2429 = arith.constant 3 : i32
      %add3A_2430 = vector.broadcast %add3A_2429 : i32 to vector<16xi32>
      %add3A_2431 = arith.addi %broadcast_in_dim3A_3, %add3A_2430 : vector<16xi32>
      %gather3A_2432 = tpu.vector_load_idx %arg14[%add3A_2428, %add3A_2431, %iota3A, %add3A_2426] : memref<5x8x16x128xf32, #tpu.memory_space<vmem>>[vector<16xi32>, vector<16xi32>, vector<16xi32>, vector<16xi32>], vector<16xf32>,
      %mul3A_2433 = arith.constant 16 : i32
      %mul3A_2434 = arith.muli %scan3A_1354, %mul3A_2433 : i32
      %add3A_2435 = arith.constant 11 : i32
      %add3A_2436 = arith.addi %mul3A_2434, %add3A_2435 : i32
      %add3A_2437 = vector.broadcast %add3A_2436 : i32 to vector<16xi32>
      %add3A_2438 = arith.addi %broadcast_in_dim3A_3, %add3A_2437 : vector<16xi32>
      tpu.vector_store_idx %arg15[%iota3A, %add3A_2438], %gather3A_2432 : memref<32x512xf32, #tpu.memory_space<vmem>>[vector<16xi32>, vector<16xi32>], vector<16xf32>,
      %slice3A_2439 = vector.extract_strided_slice %get3A_1358 {offsets = [12], sizes = [1], strides = [1]} : vector<16xi32> to vector<1xi32>
      %squeeze3A_2440 = vector.extract %slice3A_2439[0] : i32 from vector<1xi32>
      %slice3A_2441 = vector.extract_strided_slice %get3A_1358 {offsets = [12], sizes = [1], strides = [1]} : vector<16xi32> to vector<1xi32>
      %squeeze3A_2442 = vector.extract %slice3A_2441[0] : i32 from vector<1xi32>
      %jit3A_2443 = arith.constant 128 : i32
      %div3A_2444 = arith.divsi %squeeze3A_2442, %jit3A_2443 : i32
      %sign3A_2445 = arith.constant 0 : i32
      %sign3A_2446 = arith.cmpi sgt, %squeeze3A_2442, %sign3A_2445 : i32
      %sign3A_2447 = arith.extui %sign3A_2446 : i1 to i32
      %sign3A_2448 = arith.constant 0 : i32
      %sign3A_2449 = arith.cmpi slt, %squeeze3A_2442, %sign3A_2448 : i32
      %sign3A_2450 = arith.extui %sign3A_2449 : i1 to i32
      %sign3A_2451 = arith.subi %sign3A_2447, %sign3A_2450 : i32
      %sign3A_2452 = arith.constant 0 : i32
      %sign3A_2453 = arith.cmpi sgt, %jit3A_2443, %sign3A_2452 : i32
      %sign3A_2454 = arith.extui %sign3A_2453 : i1 to i32
      %sign3A_2455 = arith.constant 0 : i32
      %sign3A_2456 = arith.cmpi slt, %jit3A_2443, %sign3A_2455 : i32
      %sign3A_2457 = arith.extui %sign3A_2456 : i1 to i32
      %sign3A_2458 = arith.subi %sign3A_2454, %sign3A_2457 : i32
      %ne3A_2459 = arith.cmpi ne, %sign3A_2451, %sign3A_2458 : i32
      %rem3A_2460 = arith.remsi %squeeze3A_2442, %jit3A_2443 : i32
      %ne3A_2461 = arith.constant 0 : i32
      %ne3A_2462 = arith.cmpi ne, %rem3A_2460, %ne3A_2461 : i32
      %and3A_2463 = arith.andi %ne3A_2459, %ne3A_2462 : i1
      %sub3A_2464 = arith.constant 1 : i32
      %sub3A_2465 = arith.subi %div3A_2444, %sub3A_2464 : i32
      %select_n3A_2466 = arith.select %and3A_2463, %sub3A_2465, %div3A_2444 : i32
      %mul3A_2467 = arith.constant 128 : i32
      %mul3A_2468 = arith.muli %select_n3A_2466, %mul3A_2467 : i32
      %sub3A_2469 = arith.subi %squeeze3A_2440, %mul3A_2468 : i32
      %add3A_2470 = vector.broadcast %sub3A_2469 : i32 to vector<16xi32>
      %add3A_2471 = arith.addi %add3A_2470, %broadcast_in_dim3A_3 : vector<16xi32>
      %add3A_2472 = vector.broadcast %rem3A_1368 : i32 to vector<16xi32>
      %add3A_2473 = arith.addi %broadcast_in_dim3A_3, %add3A_2472 : vector<16xi32>
      %add3A_2474 = arith.constant 4 : i32
      %add3A_2475 = vector.broadcast %add3A_2474 : i32 to vector<16xi32>
      %add3A_2476 = arith.addi %broadcast_in_dim3A_3, %add3A_2475 : vector<16xi32>
      %gather3A_2477 = tpu.vector_load_idx %arg14[%add3A_2473, %add3A_2476, %iota3A, %add3A_2471] : memref<5x8x16x128xf32, #tpu.memory_space<vmem>>[vector<16xi32>, vector<16xi32>, vector<16xi32>, vector<16xi32>], vector<16xf32>,
      %mul3A_2478 = arith.constant 16 : i32
      %mul3A_2479 = arith.muli %scan3A_1354, %mul3A_2478 : i32
      %add3A_2480 = arith.constant 12 : i32
      %add3A_2481 = arith.addi %mul3A_2479, %add3A_2480 : i32
      %add3A_2482 = vector.broadcast %add3A_2481 : i32 to vector<16xi32>
      %add3A_2483 = arith.addi %broadcast_in_dim3A_3, %add3A_2482 : vector<16xi32>
      tpu.vector_store_idx %arg15[%iota3A, %add3A_2483], %gather3A_2477 : memref<32x512xf32, #tpu.memory_space<vmem>>[vector<16xi32>, vector<16xi32>], vector<16xf32>,
      %slice3A_2484 = vector.extract_strided_slice %get3A_1358 {offsets = [13], sizes = [1], strides = [1]} : vector<16xi32> to vector<1xi32>
      %squeeze3A_2485 = vector.extract %slice3A_2484[0] : i32 from vector<1xi32>
      %slice3A_2486 = vector.extract_strided_slice %get3A_1358 {offsets = [13], sizes = [1], strides = [1]} : vector<16xi32> to vector<1xi32>
      %squeeze3A_2487 = vector.extract %slice3A_2486[0] : i32 from vector<1xi32>
      %jit3A_2488 = arith.constant 128 : i32
      %div3A_2489 = arith.divsi %squeeze3A_2487, %jit3A_2488 : i32
      %sign3A_2490 = arith.constant 0 : i32
      %sign3A_2491 = arith.cmpi sgt, %squeeze3A_2487, %sign3A_2490 : i32
      %sign3A_2492 = arith.extui %sign3A_2491 : i1 to i32
      %sign3A_2493 = arith.constant 0 : i32
      %sign3A_2494 = arith.cmpi slt, %squeeze3A_2487, %sign3A_2493 : i32
      %sign3A_2495 = arith.extui %sign3A_2494 : i1 to i32
      %sign3A_2496 = arith.subi %sign3A_2492, %sign3A_2495 : i32
      %sign3A_2497 = arith.constant 0 : i32
      %sign3A_2498 = arith.cmpi sgt, %jit3A_2488, %sign3A_2497 : i32
      %sign3A_2499 = arith.extui %sign3A_2498 : i1 to i32
      %sign3A_2500 = arith.constant 0 : i32
      %sign3A_2501 = arith.cmpi slt, %jit3A_2488, %sign3A_2500 : i32
      %sign3A_2502 = arith.extui %sign3A_2501 : i1 to i32
      %sign3A_2503 = arith.subi %sign3A_2499, %sign3A_2502 : i32
      %ne3A_2504 = arith.cmpi ne, %sign3A_2496, %sign3A_2503 : i32
      %rem3A_2505 = arith.remsi %squeeze3A_2487, %jit3A_2488 : i32
      %ne3A_2506 = arith.constant 0 : i32
      %ne3A_2507 = arith.cmpi ne, %rem3A_2505, %ne3A_2506 : i32
      %and3A_2508 = arith.andi %ne3A_2504, %ne3A_2507 : i1
      %sub3A_2509 = arith.constant 1 : i32
      %sub3A_2510 = arith.subi %div3A_2489, %sub3A_2509 : i32
      %select_n3A_2511 = arith.select %and3A_2508, %sub3A_2510, %div3A_2489 : i32
      %mul3A_2512 = arith.constant 128 : i32
      %mul3A_2513 = arith.muli %select_n3A_2511, %mul3A_2512 : i32
      %sub3A_2514 = arith.subi %squeeze3A_2485, %mul3A_2513 : i32
      %add3A_2515 = vector.broadcast %sub3A_2514 : i32 to vector<16xi32>
      %add3A_2516 = arith.addi %add3A_2515, %broadcast_in_dim3A_3 : vector<16xi32>
      %add3A_2517 = vector.broadcast %rem3A_1368 : i32 to vector<16xi32>
      %add3A_2518 = arith.addi %broadcast_in_dim3A_3, %add3A_2517 : vector<16xi32>
      %add3A_2519 = arith.constant 5 : i32
      %add3A_2520 = vector.broadcast %add3A_2519 : i32 to vector<16xi32>
      %add3A_2521 = arith.addi %broadcast_in_dim3A_3, %add3A_2520 : vector<16xi32>
      %gather3A_2522 = tpu.vector_load_idx %arg14[%add3A_2518, %add3A_2521, %iota3A, %add3A_2516] : memref<5x8x16x128xf32, #tpu.memory_space<vmem>>[vector<16xi32>, vector<16xi32>, vector<16xi32>, vector<16xi32>], vector<16xf32>,
      %mul3A_2523 = arith.constant 16 : i32
      %mul3A_2524 = arith.muli %scan3A_1354, %mul3A_2523 : i32
      %add3A_2525 = arith.constant 13 : i32
      %add3A_2526 = arith.addi %mul3A_2524, %add3A_2525 : i32
      %add3A_2527 = vector.broadcast %add3A_2526 : i32 to vector<16xi32>
      %add3A_2528 = arith.addi %broadcast_in_dim3A_3, %add3A_2527 : vector<16xi32>
      tpu.vector_store_idx %arg15[%iota3A, %add3A_2528], %gather3A_2522 : memref<32x512xf32, #tpu.memory_space<vmem>>[vector<16xi32>, vector<16xi32>], vector<16xf32>,
      %slice3A_2529 = vector.extract_strided_slice %get3A_1358 {offsets = [14], sizes = [1], strides = [1]} : vector<16xi32> to vector<1xi32>
      %squeeze3A_2530 = vector.extract %slice3A_2529[0] : i32 from vector<1xi32>
      %slice3A_2531 = vector.extract_strided_slice %get3A_1358 {offsets = [14], sizes = [1], strides = [1]} : vector<16xi32> to vector<1xi32>
      %squeeze3A_2532 = vector.extract %slice3A_2531[0] : i32 from vector<1xi32>
      %jit3A_2533 = arith.constant 128 : i32
      %div3A_2534 = arith.divsi %squeeze3A_2532, %jit3A_2533 : i32
      %sign3A_2535 = arith.constant 0 : i32
      %sign3A_2536 = arith.cmpi sgt, %squeeze3A_2532, %sign3A_2535 : i32
      %sign3A_2537 = arith.extui %sign3A_2536 : i1 to i32
      %sign3A_2538 = arith.constant 0 : i32
      %sign3A_2539 = arith.cmpi slt, %squeeze3A_2532, %sign3A_2538 : i32
      %sign3A_2540 = arith.extui %sign3A_2539 : i1 to i32
      %sign3A_2541 = arith.subi %sign3A_2537, %sign3A_2540 : i32
      %sign3A_2542 = arith.constant 0 : i32
      %sign3A_2543 = arith.cmpi sgt, %jit3A_2533, %sign3A_2542 : i32
      %sign3A_2544 = arith.extui %sign3A_2543 : i1 to i32
      %sign3A_2545 = arith.constant 0 : i32
      %sign3A_2546 = arith.cmpi slt, %jit3A_2533, %sign3A_2545 : i32
      %sign3A_2547 = arith.extui %sign3A_2546 : i1 to i32
      %sign3A_2548 = arith.subi %sign3A_2544, %sign3A_2547 : i32
      %ne3A_2549 = arith.cmpi ne, %sign3A_2541, %sign3A_2548 : i32
      %rem3A_2550 = arith.remsi %squeeze3A_2532, %jit3A_2533 : i32
      %ne3A_2551 = arith.constant 0 : i32
      %ne3A_2552 = arith.cmpi ne, %rem3A_2550, %ne3A_2551 : i32
      %and3A_2553 = arith.andi %ne3A_2549, %ne3A_2552 : i1
      %sub3A_2554 = arith.constant 1 : i32
      %sub3A_2555 = arith.subi %div3A_2534, %sub3A_2554 : i32
      %select_n3A_2556 = arith.select %and3A_2553, %sub3A_2555, %div3A_2534 : i32
      %mul3A_2557 = arith.constant 128 : i32
      %mul3A_2558 = arith.muli %select_n3A_2556, %mul3A_2557 : i32
      %sub3A_2559 = arith.subi %squeeze3A_2530, %mul3A_2558 : i32
      %add3A_2560 = vector.broadcast %sub3A_2559 : i32 to vector<16xi32>
      %add3A_2561 = arith.addi %add3A_2560, %broadcast_in_dim3A_3 : vector<16xi32>
      %add3A_2562 = vector.broadcast %rem3A_1368 : i32 to vector<16xi32>
      %add3A_2563 = arith.addi %broadcast_in_dim3A_3, %add3A_2562 : vector<16xi32>
      %add3A_2564 = arith.constant 6 : i32
      %add3A_2565 = vector.broadcast %add3A_2564 : i32 to vector<16xi32>
      %add3A_2566 = arith.addi %broadcast_in_dim3A_3, %add3A_2565 : vector<16xi32>
      %gather3A_2567 = tpu.vector_load_idx %arg14[%add3A_2563, %add3A_2566, %iota3A, %add3A_2561] : memref<5x8x16x128xf32, #tpu.memory_space<vmem>>[vector<16xi32>, vector<16xi32>, vector<16xi32>, vector<16xi32>], vector<16xf32>,
      %mul3A_2568 = arith.constant 16 : i32
      %mul3A_2569 = arith.muli %scan3A_1354, %mul3A_2568 : i32
      %add3A_2570 = arith.constant 14 : i32
      %add3A_2571 = arith.addi %mul3A_2569, %add3A_2570 : i32
      %add3A_2572 = vector.broadcast %add3A_2571 : i32 to vector<16xi32>
      %add3A_2573 = arith.addi %broadcast_in_dim3A_3, %add3A_2572 : vector<16xi32>
      tpu.vector_store_idx %arg15[%iota3A, %add3A_2573], %gather3A_2567 : memref<32x512xf32, #tpu.memory_space<vmem>>[vector<16xi32>, vector<16xi32>], vector<16xf32>,
      %slice3A_2574 = vector.extract_strided_slice %get3A_1358 {offsets = [15], sizes = [1], strides = [1]} : vector<16xi32> to vector<1xi32>
      %squeeze3A_2575 = vector.extract %slice3A_2574[0] : i32 from vector<1xi32>
      %slice3A_2576 = vector.extract_strided_slice %get3A_1358 {offsets = [15], sizes = [1], strides = [1]} : vector<16xi32> to vector<1xi32>
      %squeeze3A_2577 = vector.extract %slice3A_2576[0] : i32 from vector<1xi32>
      %jit3A_2578 = arith.constant 128 : i32
      %div3A_2579 = arith.divsi %squeeze3A_2577, %jit3A_2578 : i32
      %sign3A_2580 = arith.constant 0 : i32
      %sign3A_2581 = arith.cmpi sgt, %squeeze3A_2577, %sign3A_2580 : i32
      %sign3A_2582 = arith.extui %sign3A_2581 : i1 to i32
      %sign3A_2583 = arith.constant 0 : i32
      %sign3A_2584 = arith.cmpi slt, %squeeze3A_2577, %sign3A_2583 : i32
      %sign3A_2585 = arith.extui %sign3A_2584 : i1 to i32
      %sign3A_2586 = arith.subi %sign3A_2582, %sign3A_2585 : i32
      %sign3A_2587 = arith.constant 0 : i32
      %sign3A_2588 = arith.cmpi sgt, %jit3A_2578, %sign3A_2587 : i32
      %sign3A_2589 = arith.extui %sign3A_2588 : i1 to i32
      %sign3A_2590 = arith.constant 0 : i32
      %sign3A_2591 = arith.cmpi slt, %jit3A_2578, %sign3A_2590 : i32
      %sign3A_2592 = arith.extui %sign3A_2591 : i1 to i32
      %sign3A_2593 = arith.subi %sign3A_2589, %sign3A_2592 : i32
      %ne3A_2594 = arith.cmpi ne, %sign3A_2586, %sign3A_2593 : i32
      %rem3A_2595 = arith.remsi %squeeze3A_2577, %jit3A_2578 : i32
      %ne3A_2596 = arith.constant 0 : i32
      %ne3A_2597 = arith.cmpi ne, %rem3A_2595, %ne3A_2596 : i32
      %and3A_2598 = arith.andi %ne3A_2594, %ne3A_2597 : i1
      %sub3A_2599 = arith.constant 1 : i32
      %sub3A_2600 = arith.subi %div3A_2579, %sub3A_2599 : i32
      %select_n3A_2601 = arith.select %and3A_2598, %sub3A_2600, %div3A_2579 : i32
      %mul3A_2602 = arith.constant 128 : i32
      %mul3A_2603 = arith.muli %select_n3A_2601, %mul3A_2602 : i32
      %sub3A_2604 = arith.subi %squeeze3A_2575, %mul3A_2603 : i32
      %add3A_2605 = vector.broadcast %sub3A_2604 : i32 to vector<16xi32>
      %add3A_2606 = arith.addi %add3A_2605, %broadcast_in_dim3A_3 : vector<16xi32>
      %add3A_2607 = vector.broadcast %rem3A_1368 : i32 to vector<16xi32>
      %add3A_2608 = arith.addi %broadcast_in_dim3A_3, %add3A_2607 : vector<16xi32>
      %add3A_2609 = arith.constant 7 : i32
      %add3A_2610 = vector.broadcast %add3A_2609 : i32 to vector<16xi32>
      %add3A_2611 = arith.addi %broadcast_in_dim3A_3, %add3A_2610 : vector<16xi32>
      %gather3A_2612 = tpu.vector_load_idx %arg14[%add3A_2608, %add3A_2611, %iota3A, %add3A_2606] : memref<5x8x16x128xf32, #tpu.memory_space<vmem>>[vector<16xi32>, vector<16xi32>, vector<16xi32>, vector<16xi32>], vector<16xf32>,
      %mul3A_2613 = arith.constant 16 : i32
      %mul3A_2614 = arith.muli %scan3A_1354, %mul3A_2613 : i32
      %add3A_2615 = arith.constant 15 : i32
      %add3A_2616 = arith.addi %mul3A_2614, %add3A_2615 : i32
      %add3A_2617 = vector.broadcast %add3A_2616 : i32 to vector<16xi32>
      %add3A_2618 = arith.addi %broadcast_in_dim3A_3, %add3A_2617 : vector<16xi32>
      tpu.vector_store_idx %arg15[%iota3A, %add3A_2618], %gather3A_2612 : memref<32x512xf32, #tpu.memory_space<vmem>>[vector<16xi32>, vector<16xi32>], vector<16xf32>,
    }
    %scan3A_1353 = arith.constant 32 : i32
    "tpu.region"() ({
      %run_scoped3A_1354 = tpu.sem_alloc : memref<!tpu.dma_semaphore, #tpu.memory_space<semaphore_mem>>
      %dma_start3A_1355 = arith.constant 0 : i32
      %dma_start3A_1356 = tpu.memref_slice %arg9[%dma_start3A_1355, %mul3A_2] : memref<32x16384xf32, #tpu.memory_space<hbm>> -> memref<32x512xf32, #tpu.memory_space<hbm>>
      %dma_start3A_1357 = arith.constant 0 : i32
      %dma_start3A_1358 = tpu.memref_slice %arg9[%dma_start3A_1357, %mul3A_2] : memref<32x16384xf32, #tpu.memory_space<hbm>> -> memref<32x512xf32, #tpu.memory_space<hbm>>
      tpu.enqueue_dma source(%arg15 : memref<32x512xf32, #tpu.memory_space<vmem>>) target(%dma_start3A_1358 : memref<32x512xf32, #tpu.memory_space<hbm>>) target_semaphore(%run_scoped3A_1354 : memref<!tpu.dma_semaphore, #tpu.memory_space<semaphore_mem>>)
      %dma_wait3A = arith.constant 0 : i32
      %dma_wait3A_1359 = tpu.memref_slice %arg9[%dma_wait3A, %mul3A_2] : memref<32x16384xf32, #tpu.memory_space<hbm>> -> memref<32x512xf32, #tpu.memory_space<hbm>>
      %dma_wait3A_1360 = arith.constant 0 : i32
      %dma_wait3A_1361 = tpu.memref_slice %arg9[%dma_wait3A_1360, %mul3A_2] : memref<32x16384xf32, #tpu.memory_space<hbm>> -> memref<32x512xf32, #tpu.memory_space<hbm>>
      tpu.wait_dma2 semaphore(%run_scoped3A_1354 : memref<!tpu.dma_semaphore, #tpu.memory_space<semaphore_mem>>) src(%arg15 : memref<32x512xf32, #tpu.memory_space<vmem>>) dst(%dma_wait3A_1361 : memref<32x512xf32, #tpu.memory_space<hbm>>)
      tpu.yield
    }) : () -> ()
    return
  }
}

</mosaic_0001>

<sc_bundles>
// kernel: kernel.3.cloned.1.call-start
scs
__scs_entry_jumppad:
0x0: {  	(pc) =	sbr.rel $0x88, $3  }
0x1: {  	(tag) =	ssettag $0x0;
	lr =	simm.s32 $0x1  }
0x2: {  	[smem:$0x3F9A] =	sst lr;
	_ =	strace $0xD0000000  }
0x3: {  	_ = 	snop  }
0x4: {  	_ = 	snop  }
0x5: {  	_ = 	snop  }
0x6: {  	_ = 	snop  }
0x7: {  	_ = 	snop  }
__scs_overlays_trampoline_lowered:
0x8: {  	[smem:$0x3FA9] =	sst s0  }
0x9: {  	[smem:$0x3FAA] =	sst s1  }
0xa: {  	[smem:$0x3FAB] =	sst s2  }
0xb: {  	[smem:$0x3FAC] =	sst s3  }
0xc: {  	[smem:$0x3FAD] =	sst s4  }
0xd: {  	[smem:$0x3FAE] =	sst s5  }
0xe: {  	[smem:$0x3FAF] =	sst s6  }
0xf: {  	[smem:$0x3FB0] =	sst s7  }
0x10: {  	[smem:$0x3FB1] =	sst s8  }
0x11: {  	[smem:$0x3FB2] =	sst s9;
	s0 =	simm.s32 @!p0 $0x0  }
0x12: {  	s1 =	sld [smem:$0x3F98];
	s0 =	simm.s32 @p0 $0x1  }
0x13: {  	[smem:$0x3FB3] =	sst s0;
	s0 =	simm.s32 @!p1 $0x0  }
0x14: {  	s2 =	sld [smem:$0x3F97];
	s0 =	simm.s32 @p1 $0x1  }
0x15: {  	[smem:$0x3FB4] =	sst s0;
	s0 =	simm.s32 @!p2 $0x0  }
0x16: {  	s3 =	sld [smem:$0x3FDB];
	s0 =	simm.s32 @p2 $0x1  }
0x17: {  	s4 =	simm.s32 $0x1BF5;
	[smem:$0x3FB6] =	sst s0  }
0x18: {  	s0 =	sld [smem:$0x3F99];
	_ =	swait.ge [sflag:s4], $0x0  }
0x19: {  	s7 =	sld [smem:$0x3F9A]  }
0x1a: {  	s8 =	sadd.s32 $0xFFFFE003, lr  }
0x1b: {  	s9 =	sadd.s32 $0xFFFFFEF7, lr;
	s5 =	simm.s32 $0xFFFFFFFF;
	p2 =	slt.u32 s8, $0xFFFFF086  }
0x1c: {  	p1 =	slt.u32 s9, $0xF7A;
	s5 =	simm.s32 @!p2 $0x0  }
0x1d: {  	s5 =	simm.s32 @p1 $0x1;
	p0 =	seq.s32 s7, s2  }
0x1e: {  	s7 =	smul.u32 @!p0 $0xF7A, s2;
	p2 =	seq.s32 @!p0 s5, $0x0  }
0x1f: {  	s9 =	smul.u32 $0xF7A, s1;
	s8 =	simm.s32 @!p0 $0x1BF5;
	p2 =	por !p2, p0  }
0x20: {  	[sflag:s8] =	ssyncset.s32 @!p0 $0xFFFFF086;
	s6 =	sadd.s32 @!p0 s3, s7;
	s7 =	simm.s32 @!p0 $0x108  }
0x21: {  	s3 =	sadd.s32 s3, s9;
	s6 =	sadd.s32 @!p0 $0x88, s6;
	s7 =	simm.s32 @p2 $0x1082  }
0x22: {  	[simem:s7], [sflag:s8] =	dma.local @!p0 [hbm:s6], $0xF7A  }
0x23: {  	s9 =	sor.u32 $0xD0000000, s2;
	s6 =	simm.s32 $0x108;
	_ =	swait.ge @!p0 [sflag:s8], $0x0  }
0x24: {  	s3 =	sadd.s32 $0x88, s3;
	s6 =	simm.s32 @!p1 $0x1082;
	[sflag:s4] =	ssyncset.s32 $0xFFFFF086  }
0x25: {  	[simem:s6], [sflag:s4] =	dma.local [hbm:s3], $0xF7A  }
0x26: {  	[smem:$0x3F9A] =	sst s1;
	(tag) =	ssettag s2;
	_ =	strace s9  }
0x27: {  	s1 =	sld [smem:$0x3FAA]  }
0x28: {  	s2 =	sld [smem:$0x3FAB]  }
0x29: {  	s4 =	sld [smem:$0x3FAD]  }
0x2a: {  	p0 =	seq.s32 s5, $0x0;
	s5 =	sld [smem:$0x3FAE]  }
0x2b: {  	s6 =	sld [smem:$0x3FAF]  }
0x2c: {  	s7 =	sld [smem:$0x3FB0]  }
0x2d: {  	s3 =	simm.s32 $0x108;
	s8 =	sld [smem:$0x3FB1]  }
0x2e: {  	s3 =	simm.s32 @!p0 $0x1082;
	s9 =	sld [smem:$0x3FB2]  }
0x2f: {  	lr =	sadd.s32 s0, s3;
	s0 =	sld [smem:$0x3FA9]  }
0x30: {  	s3 =	sld [smem:$0x3FAC]  }
0x31: {  	[smem:$0x3FB5] =	sst s10  }
0x32: {  	s10 =	sld [smem:$0x3FB3];
	_ =	sdelay $0x3  }
0x33: {  	p0 =	seq.s32 s10, $0x1;
	s10 =	sld [smem:$0x3FB5];
	_ =	sdelay $0x3  }
0x34: {  	[smem:$0x3FB5] =	sst s10  }
0x35: {  	s10 =	sld [smem:$0x3FB4];
	_ =	sdelay $0x3  }
0x36: {  	p1 =	seq.s32 s10, $0x1;
	s10 =	sld [smem:$0x3FB5];
	_ =	sdelay $0x3  }
0x37: {  	[smem:$0x3FB5] =	sst s10  }
0x38: {  	s10 =	sld [smem:$0x3FB6]  }
0x39: {  	_ = 	snop;
	(pc) =	sbr.ind lr, $3  }
0x3a: {  	_ = 	snop  }
0x3b: {  	_ = 	snop  }
0x3c: {  	p2 =	seq.s32 s10, $0x1;
	s10 =	sld [smem:$0x3FB5]  }
0x3d: {  	_ =	shalt  }
0x3e: {  	_ =	shalt  }
0x3f: {  	_ =	shalt  }
0x40: {  	_ =	shalt  }
0x41: {  	_ =	shalt  }
0x42: {  	_ =	shalt  }
0x43: {  	_ =	shalt  }
0x44: {  	_ =	shalt  }
0x45: {  	_ =	shalt  }
0x46: {  	_ =	shalt  }
0x47: {  	_ =	shalt  }
0x48: {  	_ =	shalt  }
0x49: {  	_ =	shalt  }
0x4a: {  	_ =	shalt  }
0x4b: {  	_ =	shalt  }
0x4c: {  	_ =	shalt  }
0x4d: {  	_ =	shalt  }
0x4e: {  	_ =	shalt  }
0x4f: {  	_ =	shalt  }
0x50: {  	_ =	shalt  }
0x51: {  	_ =	shalt  }
0x52: {  	_ =	shalt  }
0x53: {  	_ =	shalt  }
0x54: {  	_ =	shalt  }
0x55: {  	_ =	shalt  }
0x56: {  	_ =	shalt  }
0x57: {  	_ =	shalt  }
0x58: {  	_ =	shalt  }
0x59: {  	_ =	shalt  }
0x5a: {  	_ =	shalt  }
0x5b: {  	_ =	shalt  }
0x5c: {  	_ =	shalt  }
0x5d: {  	_ =	shalt  }
0x5e: {  	_ =	shalt  }
0x5f: {  	_ =	shalt  }
0x60: {  	_ =	shalt  }
0x61: {  	_ =	shalt  }
0x62: {  	_ =	shalt  }
0x63: {  	_ =	shalt  }
0x64: {  	_ =	shalt  }
0x65: {  	_ =	shalt  }
0x66: {  	_ =	shalt  }
0x67: {  	_ =	shalt  }
0x68: {  	_ =	shalt  }
0x69: {  	_ =	shalt  }
0x6a: {  	_ =	shalt  }
0x6b: {  	_ =	shalt  }
0x6c: {  	_ =	shalt  }
0x6d: {  	_ =	shalt  }
0x6e: {  	_ =	shalt  }
0x6f: {  	_ =	shalt  }
0x70: {  	_ =	shalt  }
0x71: {  	_ =	shalt  }
0x72: {  	_ =	shalt  }
0x73: {  	_ =	shalt  }
0x74: {  	_ =	shalt  }
0x75: {  	_ =	shalt  }
0x76: {  	_ =	shalt  }
0x77: {  	_ =	shalt  }
0x78: {  	_ =	shalt  }
0x79: {  	_ =	shalt  }
0x7a: {  	_ =	shalt  }
0x7b: {  	_ =	shalt  }
0x7c: {  	_ =	shalt  }
0x7d: {  	_ =	shalt  }
0x7e: {  	_ =	shalt  }
0x7f: {  	_ =	shalt  }
0x80: {  	_ =	shalt  }
0x81: {  	_ =	shalt  }
0x82: {  	_ =	shalt  }
0x83: {  	_ =	shalt  }
0x84: {  	_ =	shalt  }
0x85: {  	_ =	shalt  }
0x86: {  	_ =	shalt  }
0x87: {  	_ =	shalt  }
.Lfunc_end0:
.L_simem_size_0:
called_computation_lowered:
.L_overlay_start_0:
0x88: {  	s2 =	sld [smem:$0x3FD9]  }
0x89: {  	s3 =	sld [smem:$0x3FFE];
	_ =	sdelay $0x1  }
0x8a: {  	s1 =	srdreg.scid  }
0x8b: {  	s0 =	sand.u32 $0x1, s1  }
0x8c: {  	s17 =	sshll.u32 s0, $0xA;
	s2 =	sadd.s32 s3, s2  }
0x8d: {  	s2 =	sadd.s32 s2, s17  }
0x8e: {  	[smem:$0x3FC1] =	sst s2  }
0x8f: {  	_ = 	snop  }
0x90: {  	s2 =	sld [smem:$0x3FC9]  }
0x91: {  	s18 =	sld [smem:$0x3FC8]  }
0x92: {  	s4 =	sld [smem:$0x3FC7]  }
0x93: {  	s5 =	sld [smem:$0x3FD0];
	(tm) =	ssettm $0x1  }
0x94: {  	s6 =	sld [smem:$0x3FFB];
	_ =	sdelay $0x3  }
0x95: {  	_ =	strace s6  }
0x96: {  	s6 =	sld [smem:$0x3FFC];
	_ =	sdelay $0x3  }
0x97: {  	_ =	strace s6  }
0x98: {  	s6 =	sld [smem:$0x3FFD];
	_ =	sdelay $0x3  }
0x99: {  	_ =	strace s6  }
0x9a: {  	_ =	strace $0x8FFFFFFF  }
0x9b: {  	s19 =	sld [smem:$0x3FDB];
	_ =	sdelay $0x1  }
0x9c: {  	s7 =	simm.s32 $_scs_section_size  }
0x9d: {  	s8 =	simm.s32 $_size__tile_overlayer_lowered;
	s9 =	simm.s32 $_tile_overlayer_lowered  }
0x9e: {  	s22 =	simm.s32 $0x1BFF;
	s21 =	sshll.u32 s9, $0x1;
	s6 =	sadd.s32 s7, s19  }
0x9f: {  	s10 =	simm.s32 $0x0;
	s20 =	sshll.u32 s8, $0x1;
	s8 =	sadd.s32 s21, s6  }
0xa0: {  	[timem:s10], [sflag:s22] =	dma.local [hbm:s8], s20  }
0xa1: {  	_ =	swait.ge [sflag:s22], s20  }
0xa2: {  	s7 =	ssub.s32 $0x0, s20;
	[sflag:s22] =	ssyncset.done $0x0  }
0xa3: {  	[sflag:s22] =	ssyncadd.s32 s7;
	_ =	sdelay $0x1  }
0xa4: {  	s23 =	simm.s32 $0x1B8B  }
0xa5: {  	_ =	swait.ge [sflag:s23], $0x1  }
0xa6: {  	[sflag:s23] =	ssyncset.done $0x0  }
0xa7: {  	s25 =	simm.s32 $0x1B8E;
	s24 =	sld [smem:$0x3FFE];
	[sflag:s23] =	ssyncadd.s32 $0xFFFFFFFF  }
0xa8: {  	s26 =	simm.s32 $execute0_lowered;
	[smem:$0x3FD2] =	sst s25  }
0xa9: {  	s8 =	sshll.u32 s26, $0x1;
	_ =	strace $0x80000046;
	[dreg:$0x1] =	wrdreg $0xFFFFFFFF  }
0xaa: {  	s28 =	simm.s32 $_size_execute0_lowered;
	s6 =	sadd.s32 s6, s8;
	[dreg:$0x0] =	wrdreg $0x0  }
0xab: {  	s8 =	sshll.u32 s28, $0x1;
	[dreg:$0x2] =	wrdreg s6  }
0xac: {  	[dreg:$0x3] =	wrdreg s8  }
0xad: {  	[dreg:$0x4] =	wrdreg $0xC0  }
0xae: {  	_ =	task [dreg:s10], $0x5FFFF  }
0xaf: {  	[dreg:$0x1] =	wrdreg $0xFFFFFFFF  }
0xb0: {  	[dreg:$0x0] =	wrdreg $0x60  }
0xb1: {  	[dreg:$0x2] =	wrdreg s2  }
0xb2: {  	[dreg:$0x3] =	wrdreg s18  }
0xb3: {  	[dreg:$0x4] =	wrdreg s4  }
0xb4: {  	[dreg:$0x5] =	wrdreg s24  }
0xb5: {  	[dreg:$0x6] =	wrdreg s5  }
0xb6: {  	[dreg:$0x7] =	wrdreg $0x9  }
0xb7: {  	_ =	task.clear_ibuf [dreg:s10], $0x8FFFF;
	_ =	strace $0x90000046  }
0xb8: {  	s29 =	simm.s32 $0x9;
	_ =	strace $0x80000048  }
0xb9: {  	_ =	swait.ge [sflag:s29], $0x1  }
0xba: {  	[sflag:s29] =	ssyncadd.s32 $0xFFFFFFFF  }
0xbb: {  	_ =	strace $0x90000048  }
0xbc: {  	_ =	sfence  }
0xbd: {  	s30 =	sld [smem:$0x0];
	_ =	sdelay $0x2  }
0xbe: {  	s31 =	sshll.u32 s1, $0xD;
	s1 =	sshrl.u32 s1, $0x2  }
0xbf: {  	s3 =	sand.u32 $0x4000, s31;
	s1 =	sadd.s32 s1, s30  }
0xc0: {  	s0 =	sor.u32 s3, s0;
	s1 =	sshll.u32 s1, $0x11  }
0xc1: {  	s0 =	sor.u32 s1, s0  }
0xc2: {  	s0 =	sadd.s32 $0x8F2B, s0  }
0xc3: {  	[sflag:s0] =	ssyncadd.remote.s32 $0x1  }
0xc4: {  	_ =	sfence.sel $0xFFFF  }
0xc5: {  	[dreg:$0x0] =	wrdreg $0xFFFFFFFF;
	(pc) =	sbr.abs _section_cstart, $3  }
0xc6: {  	[dreg:$0x1] =	wrdreg $0xFFFFFFFF  }
0xc7: {  	_ =	task.clear_ibuf [dreg:s10], $0x2FFFF;
	_ =	strace $0x9FFFFFFF  }
0xc8: {  	(tm) =	ssettm $0x7FFFFFFF  }
0xc9: {  	_ =	shalt  }
tec
execute0_lowered:
.L_overlay_start_1:
0x0: {  	(tag) =	ssettag $0x1  }
0x1: {  	v0 =	vimm.s32 $0x1380;
	vm0 =	vcmask $0x300  }
0x2: {  	vm14 =	vcmask $0x704;
	v0 =	vsel vm0, $0x0, v0  }
0x3: {  	vm15 =	vcmask $0xB08;
	v0 =	vsel vm14, $0x80, v0  }
0x4: {  	s0 =	rddreg [dreg:$0x0];
	vm4 =	vcmask $0xF0C;
	v0 =	vsel vm15, $0x100, v0  }
0x5: {  	s3 =	rddreg [dreg:$0x1];
	vm5 =	vcmask $0x1310;
	v0 =	vsel vm4, $0x180, v0  }
0x6: {  	s1 =	rddreg [dreg:$0x2];
	vm6 =	vcmask $0x1714;
	v0 =	vsel vm5, $0x200, v0  }
0x7: {  	s7 =	rddreg [dreg:$0x3];
	vm7 =	vcmask $0x1B18;
	v0 =	vsel vm6, $0x280, v0  }
0x8: {  	s10 =	rddreg [dreg:$0x4];
	vm8 =	vcmask $0x1F1C;
	v0 =	vsel vm7, $0x300, v0  }
0x9: {  	s2 =	simm.s32 $0x0;
	s5 =	srdreg.scid;
	s6 =	stileid.u32;
	vm9 =	vcmask $0x2320;
	v0 =	vsel vm8, $0x380, v0  }
0xa: {  	s14 =	simm.s32 $0x400;
	s15 =	simm.s32 $0x7A1400;
	s16 =	simm.s32 $0x4300;
	vm10 =	vcmask $0x2724;
	v0 =	vsel vm9, $0x1000, v0  }
0xb: {  	vm11 =	vcmask $0x2B28;
	s19 =	simm.s32 $0x18300;
	s22 =	simm.s32 $0x0;
	[smem:$0x7FF] =	sst s2;
	v0 =	vsel vm10, $0x1080, v0  }
0xc: {  	vm12 =	vcmask $0x2F2C;
	s4 =	sadd.s32 $0x600, s7;
	s8 =	sand.u32 $0x1, s5;
	s5 =	sadd.s32 $0x400, s7;
	v0 =	vsel vm11, $0x1100, v0  }
0xd: {  	v1 =	vlaneseq.u32;
	vm13 =	vcmask $0x3330;
	s9 =	sshll.u32 s6, $0xA;
	s6 =	sadd.s32 $0xE00, s7;
	s7 =	sadd.s32 $0x1000, s7;
	v2 =	vsel vm12, $0x1180, v0  }
.Ltmp0:
0xe: {  	s11 =	sshll.u32 s8, $0x9;
	s8 =	ssub.s32 $0x2, s8;
	vm14 =	vcmask $0x3734;
	v0 =	vmul.u32 $0x80, v1;
	v2 =	vsel vm13, $0x1200, v2;
	(pc) =	sbr.rel .LBB2_1-.Ltmp0, $4  }
0xf: {  	_ =	strace $0x80000047;
	s11 =	sor.u32 s11, s9;
	s31 =	sshrl.u32 s8, $0x1;
	vm15 =	vcmask $0x3B38;
	v1 =	vimm.s32 $0x1FF;
	v3 =	vsel vm14, $0x1280, v2  }
0x10: {  	s12 =	sshrl.u32 s11, $0x3;
	s13 =	ssub.s32 s8, s31;
	s10 =	sadd.s32 s10, s11;
	v2 =	vimm.s32 $0x0;
	v4 =	vor.u32 $0x800, v0;
	v5 =	vor.u32 $0x1000, v0  }
0x11: {  	s8 =	sadd.s32 s0, s12;
	s9 =	sadd.s32 s3, s12;
	s11 =	smax.u32 s13, $0x1;
	v6 =	vor.u32 $0x1800, v0;
	v7 =	vor.u32 $0x2000, v0;
	v8 =	vor.u32 $0x2800, v0  }
0x12: {  	s12 =	simm.s32 $0x2;
	s13 =	simm.s32 $0x1;
	s3 =	simm.s32 $0x800;
	v9 =	vor.u32 $0x3000, v0;
	v10 =	vor.u32 $0x3800, v0;
	v3 =	vsel vm15, $0x1300, v3  }
.LBB2_7:
0x13: {  	s22 =	sadd.s32 $0x1, s22  }
0x14: {  	p0 =	sne.s32 s22, s11  }
.Ltmp1:
0x15: {  	s0 =	simm.s32 $0x1000;
	s17 =	simm.s32 $0x20000;
	(pc) =	sbr.rel @!p0 .LBB2_8-.Ltmp1, $4  }
0x16: {  	[hbm4b:s10+s0] =	stream.strided.scatter [tilespmem:s19], [sflag:$0x2], $0x4000, s17, s0, $0x38;
	[tilespmem:$0x1C400] =	vst v63  }
0x17: {  	_ =	swait.ge [sflag:s12], $0x4000  }
0x18: {  	[sflag:s12] =	ssyncset.done $0x0  }
0x19: {  	[sflag:s12] =	ssyncadd.s32 $0xFFFFC000  }
.LBB2_1:
0x1a: {  	[tilespmem:s2], [sflag:$0x2] =	stream.linear.gather [hbm4b:s8+s2], $0x200, $0x38;
	[tilespmem:$0x1C400] =	vst v63  }
0x1b: {  	_ =	swait.ge [sflag:s12], $0x200  }
0x1c: {  	[sflag:s12] =	ssyncset.done $0x0  }
0x1d: {  	[sflag:s12] =	ssyncadd.s32 $0xFFFFFE00  }
0x1e: {  	v12 =	vld [tilespmem:$0x0];
	_ =	sdelay $0x4  }
0x1f: {  	(v2sf) =	vpush v12, $0x0;
	_ =	sdelay $0x5  }
0x20: {  	(v2sf) =	vpush v12, $0x1;
	_ =	sdelay $0x8  }
0x21: {  	s0 =	spop (v2sf)  }
0x22: {  	(v2sf) =	vpush v12, $0x2;
	s23 =	sand.u32 $0x7F, s0  }
0x23: {  	s24 =	sshra.s32 s0, $0x1F;
	p0 =	slt.s32 s0, $0x1;
	p1 =	sne.s32 s23, $0x0  }
0x24: {  	s20 =	sshrl.u32 s24, $0x19;
	p0 =	por !p0, !p1  }
0x25: {  	s23 =	simm.s32 $0x1;
	s0 =	sadd.s32 s20, s0;
	p0 =	por !p0, !p0  }
0x26: {  	s0 =	sshrl.u32 s0, $0x7;
	s23 =	simm.s32 @!p0 $0x0  }
0x27: {  	s21 =	spop (v2sf);
	s0 =	ssub.s32 s0, s23  }
0x28: {  	s25 =	sand.u32 $0x7F, s21;
	s26 =	sshra.s32 s21, $0x1F;
	s0 =	sshll.u32 s0, $0x7  }
0x29: {  	(v2sf) =	vpush v12, $0x3;
	p5 =	slt.s32 s21, $0x1;
	p6 =	sne.s32 s25, $0x0;
	s0 =	sand.u32 $0x1FFFFF80, s0  }
0x2a: {  	s29 =	sshrl.u32 s26, $0x19;
	p0 =	por !p5, !p6;
	s0 =	sadd.s32 s1, s0  }
0x2b: {  	v11 =	vld [tilespmem:$0x10];
	[tilespmem:s16], [sflag:$0x1] =	stream.strided.gather [hbm4b:s0+s14], $0x800, s15, s14, $0x38  }
0x2c: {  	p0 =	por !p0, !p0;
	s23 =	simm.s32 $0x1;
	s0 =	sadd.s32 s29, s21  }
0x2d: {  	s23 =	simm.s32 @!p0 $0x0;
	s0 =	sshrl.u32 s0, $0x7  }
0x2e: {  	s0 =	ssub.s32 s0, s23  }
0x2f: {  	s0 =	sshll.u32 s0, $0x7  }
0x30: {  	s0 =	sand.u32 $0x1FFFFF80, s0  }
0x31: {  	s17 =	simm.s32 $0x4B00;
	s0 =	sadd.s32 s1, s0;
	s30 =	spop (v2sf)  }
0x32: {  	[tilespmem:s17], [sflag:$0x1] =	stream.strided.gather [hbm4b:s0+s14], $0x800, s15, s14, $0x38;
	[tilespmem:$0x1C400] =	vst v63  }
0x33: {  	(v2sf) =	vpush v12, $0x4;
	s31 =	sand.u32 $0x7F, s30  }
0x34: {  	s17 =	sshra.s32 s30, $0x1F;
	p1 =	slt.s32 s30, $0x1;
	p2 =	sne.s32 s31, $0x0  }
0x35: {  	s18 =	sshrl.u32 s17, $0x19;
	p0 =	por !p1, !p2  }
0x36: {  	s23 =	simm.s32 $0x1;
	s0 =	sadd.s32 s18, s30;
	p0 =	por !p0, !p0  }
0x37: {  	s0 =	sshrl.u32 s0, $0x7;
	s23 =	simm.s32 @!p0 $0x0  }
0x38: {  	s20 =	simm.s32 $0x5300;
	s21 =	spop (v2sf);
	s0 =	ssub.s32 s0, s23  }
0x39: {  	s24 =	sand.u32 $0x7F, s21;
	s25 =	sshra.s32 s21, $0x1F;
	s0 =	sshll.u32 s0, $0x7  }
0x3a: {  	(v2sf) =	vpush v12, $0x5;
	p3 =	slt.s32 s21, $0x1;
	p4 =	sne.s32 s24, $0x0;
	s0 =	sand.u32 $0x1FFFFF80, s0  }
0x3b: {  	s26 =	sshrl.u32 s25, $0x19;
	p0 =	por !p3, !p4;
	s0 =	sadd.s32 s1, s0  }
0x3c: {  	[tilespmem:s20], [sflag:$0x1] =	stream.strided.gather [hbm4b:s0+s14], $0x800, s15, s14, $0x38;
	[tilespmem:$0x1C400] =	vst v63  }
0x3d: {  	p0 =	por !p0, !p0;
	s23 =	simm.s32 $0x1;
	s0 =	sadd.s32 s26, s21  }
0x3e: {  	s23 =	simm.s32 @!p0 $0x0;
	s0 =	sshrl.u32 s0, $0x7  }
0x3f: {  	s0 =	ssub.s32 s0, s23  }
0x40: {  	s0 =	sshll.u32 s0, $0x7  }
0x41: {  	s0 =	sand.u32 $0x1FFFFF80, s0  }
0x42: {  	s29 =	simm.s32 $0x5B00;
	s0 =	sadd.s32 s1, s0;
	s30 =	spop (v2sf)  }
0x43: {  	[tilespmem:s29], [sflag:$0x1] =	stream.strided.gather [hbm4b:s0+s14], $0x800, s15, s14, $0x38;
	[tilespmem:$0x1C400] =	vst v63  }
0x44: {  	(v2sf) =	vpush v12, $0x6;
	s31 =	sand.u32 $0x7F, s30  }
0x45: {  	s17 =	sshra.s32 s30, $0x1F;
	p5 =	slt.s32 s30, $0x1;
	p6 =	sne.s32 s31, $0x0  }
0x46: {  	s18 =	sshrl.u32 s17, $0x19;
	p0 =	por !p5, !p6  }
0x47: {  	s23 =	simm.s32 $0x1;
	s0 =	sadd.s32 s18, s30;
	p0 =	por !p0, !p0  }
0x48: {  	s0 =	sshrl.u32 s0, $0x7;
	s23 =	simm.s32 @!p0 $0x0  }
0x49: {  	s20 =	simm.s32 $0x6300;
	s21 =	spop (v2sf);
	s0 =	ssub.s32 s0, s23  }
0x4a: {  	s24 =	sand.u32 $0x7F, s21;
	s25 =	sshra.s32 s21, $0x1F;
	s0 =	sshll.u32 s0, $0x7  }
0x4b: {  	(v2sf) =	vpush v12, $0x7;
	p1 =	slt.s32 s21, $0x1;
	p2 =	sne.s32 s24, $0x0;
	s0 =	sand.u32 $0x1FFFFF80, s0  }
0x4c: {  	s26 =	sshrl.u32 s25, $0x19;
	p0 =	por !p1, !p2;
	s0 =	sadd.s32 s1, s0  }
0x4d: {  	[tilespmem:s20], [sflag:$0x1] =	stream.strided.gather [hbm4b:s0+s14], $0x800, s15, s14, $0x38;
	[tilespmem:$0x1C400] =	vst v63  }
0x4e: {  	p0 =	por !p0, !p0;
	s23 =	simm.s32 $0x1;
	s0 =	sadd.s32 s26, s21  }
0x4f: {  	s23 =	simm.s32 @!p0 $0x0;
	s0 =	sshrl.u32 s0, $0x7  }
0x50: {  	s0 =	ssub.s32 s0, s23  }
0x51: {  	s0 =	sshll.u32 s0, $0x7  }
0x52: {  	s0 =	sand.u32 $0x1FFFFF80, s0  }
0x53: {  	s29 =	simm.s32 $0x6B00;
	s0 =	sadd.s32 s1, s0;
	s30 =	spop (v2sf)  }
0x54: {  	[tilespmem:s29], [sflag:$0x1] =	stream.strided.gather [hbm4b:s0+s14], $0x800, s15, s14, $0x38;
	[tilespmem:$0x1C400] =	vst v63  }
0x55: {  	(v2sf) =	vpush v12, $0x8;
	s31 =	sand.u32 $0x7F, s30  }
0x56: {  	s17 =	sshra.s32 s30, $0x1F;
	p3 =	slt.s32 s30, $0x1;
	p4 =	sne.s32 s31, $0x0  }
0x57: {  	s18 =	sshrl.u32 s17, $0x19;
	p0 =	por !p3, !p4  }
0x58: {  	s23 =	simm.s32 $0x1;
	s0 =	sadd.s32 s18, s30;
	p0 =	por !p0, !p0  }
0x59: {  	s0 =	sshrl.u32 s0, $0x7;
	s23 =	simm.s32 @!p0 $0x0  }
0x5a: {  	s20 =	simm.s32 $0x7300;
	s21 =	spop (v2sf);
	s0 =	ssub.s32 s0, s23  }
0x5b: {  	s24 =	sand.u32 $0x7F, s21;
	s25 =	sshra.s32 s21, $0x1F;
	s0 =	sshll.u32 s0, $0x7  }
0x5c: {  	(v2sf) =	vpush v12, $0x9;
	p5 =	slt.s32 s21, $0x1;
	p6 =	sne.s32 s24, $0x0;
	s0 =	sand.u32 $0x1FFFFF80, s0  }
0x5d: {  	s26 =	sshrl.u32 s25, $0x19;
	p0 =	por !p5, !p6;
	s0 =	sadd.s32 s1, s0  }
0x5e: {  	[tilespmem:s20], [sflag:$0x1] =	stream.strided.gather [hbm4b:s0+s14], $0x800, s15, s14, $0x38;
	[tilespmem:$0x1C400] =	vst v63  }
0x5f: {  	p0 =	por !p0, !p0;
	s23 =	simm.s32 $0x1;
	s0 =	sadd.s32 s26, s21  }
0x60: {  	s23 =	simm.s32 @!p0 $0x0;
	s0 =	sshrl.u32 s0, $0x7  }
0x61: {  	s0 =	ssub.s32 s0, s23  }
0x62: {  	s0 =	sshll.u32 s0, $0x7  }
0x63: {  	s0 =	sand.u32 $0x1FFFFF80, s0  }
0x64: {  	s29 =	simm.s32 $0x7B00;
	s0 =	sadd.s32 s1, s0;
	s30 =	spop (v2sf)  }
0x65: {  	[tilespmem:s29], [sflag:$0x1] =	stream.strided.gather [hbm4b:s0+s14], $0x800, s15, s14, $0x38;
	[tilespmem:$0x1C400] =	vst v63  }
0x66: {  	(v2sf) =	vpush v12, $0xA;
	s31 =	sand.u32 $0x7F, s30  }
0x67: {  	s17 =	sshra.s32 s30, $0x1F;
	p1 =	slt.s32 s30, $0x1;
	p2 =	sne.s32 s31, $0x0  }
0x68: {  	s18 =	sshrl.u32 s17, $0x19;
	p0 =	por !p1, !p2  }
0x69: {  	s23 =	simm.s32 $0x1;
	s0 =	sadd.s32 s18, s30;
	p0 =	por !p0, !p0  }
0x6a: {  	s0 =	sshrl.u32 s0, $0x7;
	s23 =	simm.s32 @!p0 $0x0  }
0x6b: {  	s20 =	simm.s32 $0x8300;
	s21 =	spop (v2sf);
	s0 =	ssub.s32 s0, s23  }
0x6c: {  	s24 =	sand.u32 $0x7F, s21;
	s25 =	sshra.s32 s21, $0x1F;
	s0 =	sshll.u32 s0, $0x7  }
0x6d: {  	(v2sf) =	vpush v12, $0xB;
	p3 =	slt.s32 s21, $0x1;
	p4 =	sne.s32 s24, $0x0;
	s0 =	sand.u32 $0x1FFFFF80, s0  }
0x6e: {  	s26 =	sshrl.u32 s25, $0x19;
	p0 =	por !p3, !p4;
	s0 =	sadd.s32 s1, s0  }
0x6f: {  	[tilespmem:s20], [sflag:$0x1] =	stream.strided.gather [hbm4b:s0+s14], $0x800, s15, s14, $0x38;
	[tilespmem:$0x1C400] =	vst v63  }
0x70: {  	p0 =	por !p0, !p0;
	s23 =	simm.s32 $0x1;
	s0 =	sadd.s32 s26, s21  }
0x71: {  	s23 =	simm.s32 @!p0 $0x0;
	s0 =	sshrl.u32 s0, $0x7  }
0x72: {  	s0 =	ssub.s32 s0, s23  }
0x73: {  	s0 =	sshll.u32 s0, $0x7  }
0x74: {  	s0 =	sand.u32 $0x1FFFFF80, s0  }
0x75: {  	s29 =	simm.s32 $0x8B00;
	s0 =	sadd.s32 s1, s0;
	s30 =	spop (v2sf)  }
0x76: {  	[tilespmem:s29], [sflag:$0x1] =	stream.strided.gather [hbm4b:s0+s14], $0x800, s15, s14, $0x38;
	[tilespmem:$0x1C400] =	vst v63  }
0x77: {  	(v2sf) =	vpush v12, $0xC;
	s31 =	sand.u32 $0x7F, s30  }
0x78: {  	s17 =	sshra.s32 s30, $0x1F;
	p5 =	slt.s32 s30, $0x1;
	p6 =	sne.s32 s31, $0x0  }
0x79: {  	s18 =	sshrl.u32 s17, $0x19;
	p0 =	por !p5, !p6  }
0x7a: {  	s23 =	simm.s32 $0x1;
	s0 =	sadd.s32 s18, s30;
	p0 =	por !p0, !p0  }
0x7b: {  	s0 =	sshrl.u32 s0, $0x7;
	s23 =	simm.s32 @!p0 $0x0  }
0x7c: {  	s20 =	simm.s32 $0x9300;
	s21 =	spop (v2sf);
	s0 =	ssub.s32 s0, s23  }
0x7d: {  	s24 =	sand.u32 $0x7F, s21;
	s25 =	sshra.s32 s21, $0x1F;
	s0 =	sshll.u32 s0, $0x7  }
0x7e: {  	(v2sf) =	vpush v12, $0xD;
	p1 =	slt.s32 s21, $0x1;
	p2 =	sne.s32 s24, $0x0;
	s0 =	sand.u32 $0x1FFFFF80, s0  }
0x7f: {  	s26 =	sshrl.u32 s25, $0x19;
	p0 =	por !p1, !p2;
	s0 =	sadd.s32 s1, s0  }
0x80: {  	[tilespmem:s20], [sflag:$0x1] =	stream.strided.gather [hbm4b:s0+s14], $0x800, s15, s14, $0x38;
	[tilespmem:$0x1C400] =	vst v63  }
0x81: {  	p0 =	por !p0, !p0;
	s23 =	simm.s32 $0x1;
	s0 =	sadd.s32 s26, s21  }
0x82: {  	s23 =	simm.s32 @!p0 $0x0;
	s0 =	sshrl.u32 s0, $0x7  }
0x83: {  	s0 =	ssub.s32 s0, s23  }
0x84: {  	s0 =	sshll.u32 s0, $0x7  }
0x85: {  	s0 =	sand.u32 $0x1FFFFF80, s0  }
0x86: {  	s29 =	simm.s32 $0x9B00;
	s0 =	sadd.s32 s1, s0;
	s30 =	spop (v2sf)  }
0x87: {  	[tilespmem:s29], [sflag:$0x1] =	stream.strided.gather [hbm4b:s0+s14], $0x800, s15, s14, $0x38;
	[tilespmem:$0x1C400] =	vst v63  }
0x88: {  	(v2sf) =	vpush v12, $0xE;
	s31 =	sand.u32 $0x7F, s30  }
0x89: {  	s17 =	sshra.s32 s30, $0x1F;
	p3 =	slt.s32 s30, $0x1;
	p4 =	sne.s32 s31, $0x0  }
0x8a: {  	s18 =	sshrl.u32 s17, $0x19;
	p0 =	por !p3, !p4  }
0x8b: {  	s23 =	simm.s32 $0x1;
	s0 =	sadd.s32 s18, s30;
	p0 =	por !p0, !p0  }
0x8c: {  	s0 =	sshrl.u32 s0, $0x7;
	s23 =	simm.s32 @!p0 $0x0  }
0x8d: {  	s20 =	simm.s32 $0xA300;
	s21 =	spop (v2sf);
	s0 =	ssub.s32 s0, s23  }
0x8e: {  	s24 =	sand.u32 $0x7F, s21;
	s25 =	sshra.s32 s21, $0x1F;
	s0 =	sshll.u32 s0, $0x7  }
0x8f: {  	(v2sf) =	vpush v12, $0xF;
	p5 =	slt.s32 s21, $0x1;
	p6 =	sne.s32 s24, $0x0;
	s0 =	sand.u32 $0x1FFFFF80, s0  }
0x90: {  	s26 =	sshrl.u32 s25, $0x19;
	p0 =	por !p5, !p6;
	s0 =	sadd.s32 s1, s0  }
0x91: {  	[tilespmem:s20], [sflag:$0x1] =	stream.strided.gather [hbm4b:s0+s14], $0x800, s15, s14, $0x38;
	[tilespmem:$0x1C400] =	vst v63  }
0x92: {  	p0 =	por !p0, !p0;
	s23 =	simm.s32 $0x1;
	s0 =	sadd.s32 s26, s21  }
0x93: {  	s23 =	simm.s32 @!p0 $0x0;
	s0 =	sshrl.u32 s0, $0x7  }
0x94: {  	s0 =	ssub.s32 s0, s23  }
0x95: {  	s0 =	sshll.u32 s0, $0x7  }
0x96: {  	s0 =	sand.u32 $0x1FFFFF80, s0  }
0x97: {  	s29 =	simm.s32 $0xAB00;
	s0 =	sadd.s32 s1, s0;
	s30 =	spop (v2sf)  }
0x98: {  	[tilespmem:s29], [sflag:$0x1] =	stream.strided.gather [hbm4b:s0+s14], $0x800, s15, s14, $0x38;
	[tilespmem:$0x1C400] =	vst v63  }
0x99: {  	(v2sf) =	vpush v11, $0x0;
	s31 =	sand.u32 $0x7F, s30  }
0x9a: {  	s17 =	sshra.s32 s30, $0x1F;
	p1 =	slt.s32 s30, $0x1;
	p2 =	sne.s32 s31, $0x0  }
0x9b: {  	s18 =	sshrl.u32 s17, $0x19;
	p0 =	por !p1, !p2  }
0x9c: {  	s23 =	simm.s32 $0x1;
	s0 =	sadd.s32 s18, s30;
	p0 =	por !p0, !p0  }
0x9d: {  	s0 =	sshrl.u32 s0, $0x7;
	s23 =	simm.s32 @!p0 $0x0  }
0x9e: {  	s20 =	simm.s32 $0xB300;
	s21 =	spop (v2sf);
	s0 =	ssub.s32 s0, s23  }
0x9f: {  	s24 =	sand.u32 $0x7F, s21;
	s25 =	sshra.s32 s21, $0x1F;
	s0 =	sshll.u32 s0, $0x7  }
0xa0: {  	(v2sf) =	vpush v11, $0x1;
	p3 =	slt.s32 s21, $0x1;
	p4 =	sne.s32 s24, $0x0;
	s0 =	sand.u32 $0x1FFFFF80, s0  }
0xa1: {  	s26 =	sshrl.u32 s25, $0x19;
	p0 =	por !p3, !p4;
	s0 =	sadd.s32 s1, s0  }
0xa2: {  	[tilespmem:s20], [sflag:$0x1] =	stream.strided.gather [hbm4b:s0+s14], $0x800, s15, s14, $0x38;
	[tilespmem:$0x1C400] =	vst v63  }
0xa3: {  	p0 =	por !p0, !p0;
	s23 =	simm.s32 $0x1;
	s0 =	sadd.s32 s26, s21  }
0xa4: {  	s23 =	simm.s32 @!p0 $0x0;
	s0 =	sshrl.u32 s0, $0x7  }
0xa5: {  	s0 =	ssub.s32 s0, s23  }
0xa6: {  	s0 =	sshll.u32 s0, $0x7  }
0xa7: {  	s0 =	sand.u32 $0x1FFFFF80, s0  }
0xa8: {  	s29 =	simm.s32 $0xBB00;
	s0 =	sadd.s32 s1, s0;
	s30 =	spop (v2sf)  }
0xa9: {  	[tilespmem:s29], [sflag:$0x1] =	stream.strided.gather [hbm4b:s0+s14], $0x800, s15, s14, $0x38;
	[tilespmem:$0x1C400] =	vst v63  }
0xaa: {  	(v2sf) =	vpush v11, $0x2;
	s31 =	sand.u32 $0x7F, s30  }
0xab: {  	s17 =	sshra.s32 s30, $0x1F;
	p5 =	slt.s32 s30, $0x1;
	p6 =	sne.s32 s31, $0x0  }
0xac: {  	s18 =	sshrl.u32 s17, $0x19;
	p0 =	por !p5, !p6  }
0xad: {  	s23 =	simm.s32 $0x1;
	s0 =	sadd.s32 s18, s30;
	p0 =	por !p0, !p0  }
0xae: {  	s0 =	sshrl.u32 s0, $0x7;
	s23 =	simm.s32 @!p0 $0x0  }
0xaf: {  	s20 =	simm.s32 $0xC300;
	s21 =	spop (v2sf);
	s0 =	ssub.s32 s0, s23  }
0xb0: {  	s24 =	sand.u32 $0x7F, s21;
	s25 =	sshra.s32 s21, $0x1F;
	s0 =	sshll.u32 s0, $0x7  }
0xb1: {  	(v2sf) =	vpush v11, $0x3;
	p1 =	slt.s32 s21, $0x1;
	p2 =	sne.s32 s24, $0x0;
	s0 =	sand.u32 $0x1FFFFF80, s0  }
0xb2: {  	s26 =	sshrl.u32 s25, $0x19;
	p0 =	por !p1, !p2;
	s0 =	sadd.s32 s1, s0  }
0xb3: {  	[tilespmem:s20], [sflag:$0x1] =	stream.strided.gather [hbm4b:s0+s14], $0x800, s15, s14, $0x38;
	[tilespmem:$0x1C400] =	vst v63  }
0xb4: {  	p0 =	por !p0, !p0;
	s23 =	simm.s32 $0x1;
	s0 =	sadd.s32 s26, s21  }
0xb5: {  	s23 =	simm.s32 @!p0 $0x0;
	s0 =	sshrl.u32 s0, $0x7  }
0xb6: {  	s0 =	ssub.s32 s0, s23  }
0xb7: {  	s0 =	sshll.u32 s0, $0x7  }
0xb8: {  	s0 =	sand.u32 $0x1FFFFF80, s0  }
0xb9: {  	s29 =	simm.s32 $0xCB00;
	s0 =	sadd.s32 s1, s0;
	s30 =	spop (v2sf)  }
0xba: {  	[tilespmem:s29], [sflag:$0x1] =	stream.strided.gather [hbm4b:s0+s14], $0x800, s15, s14, $0x38;
	[tilespmem:$0x1C400] =	vst v63  }
0xbb: {  	(v2sf) =	vpush v11, $0x4;
	s31 =	sand.u32 $0x7F, s30  }
0xbc: {  	s17 =	sshra.s32 s30, $0x1F;
	p3 =	slt.s32 s30, $0x1;
	p4 =	sne.s32 s31, $0x0  }
0xbd: {  	s18 =	sshrl.u32 s17, $0x19;
	p0 =	por !p3, !p4  }
0xbe: {  	s23 =	simm.s32 $0x1;
	s0 =	sadd.s32 s18, s30;
	p0 =	por !p0, !p0  }
0xbf: {  	s0 =	sshrl.u32 s0, $0x7;
	s23 =	simm.s32 @!p0 $0x0  }
0xc0: {  	s20 =	simm.s32 $0xD300;
	s21 =	spop (v2sf);
	s0 =	ssub.s32 s0, s23  }
0xc1: {  	s24 =	sand.u32 $0x7F, s21;
	s25 =	sshra.s32 s21, $0x1F;
	s0 =	sshll.u32 s0, $0x7  }
0xc2: {  	(v2sf) =	vpush v11, $0x5;
	p5 =	slt.s32 s21, $0x1;
	p6 =	sne.s32 s24, $0x0;
	s0 =	sand.u32 $0x1FFFFF80, s0  }
0xc3: {  	s26 =	sshrl.u32 s25, $0x19;
	p0 =	por !p5, !p6;
	s0 =	sadd.s32 s1, s0  }
0xc4: {  	[tilespmem:s20], [sflag:$0x1] =	stream.strided.gather [hbm4b:s0+s14], $0x800, s15, s14, $0x38;
	[tilespmem:$0x1C400] =	vst v63  }
0xc5: {  	p0 =	por !p0, !p0;
	s23 =	simm.s32 $0x1;
	s0 =	sadd.s32 s26, s21  }
0xc6: {  	s23 =	simm.s32 @!p0 $0x0;
	s0 =	sshrl.u32 s0, $0x7  }
0xc7: {  	s0 =	ssub.s32 s0, s23  }
0xc8: {  	s0 =	sshll.u32 s0, $0x7  }
0xc9: {  	s0 =	sand.u32 $0x1FFFFF80, s0  }
0xca: {  	s29 =	simm.s32 $0xDB00;
	s0 =	sadd.s32 s1, s0;
	s30 =	spop (v2sf)  }
0xcb: {  	[tilespmem:s29], [sflag:$0x1] =	stream.strided.gather [hbm4b:s0+s14], $0x800, s15, s14, $0x38;
	[tilespmem:$0x1C400] =	vst v63  }
0xcc: {  	(v2sf) =	vpush v11, $0x6;
	s31 =	sand.u32 $0x7F, s30  }
0xcd: {  	s17 =	sshra.s32 s30, $0x1F;
	p1 =	slt.s32 s30, $0x1;
	p2 =	sne.s32 s31, $0x0  }
0xce: {  	s18 =	sshrl.u32 s17, $0x19;
	p0 =	por !p1, !p2  }
0xcf: {  	s23 =	simm.s32 $0x1;
	s0 =	sadd.s32 s18, s30;
	p0 =	por !p0, !p0  }
0xd0: {  	s0 =	sshrl.u32 s0, $0x7;
	s23 =	simm.s32 @!p0 $0x0  }
0xd1: {  	s20 =	simm.s32 $0xE300;
	s21 =	spop (v2sf);
	s0 =	ssub.s32 s0, s23  }
0xd2: {  	s24 =	sand.u32 $0x7F, s21;
	s25 =	sshra.s32 s21, $0x1F;
	s0 =	sshll.u32 s0, $0x7  }
0xd3: {  	(v2sf) =	vpush v11, $0x7;
	p3 =	slt.s32 s21, $0x1;
	p4 =	sne.s32 s24, $0x0;
	s0 =	sand.u32 $0x1FFFFF80, s0  }
0xd4: {  	s26 =	sshrl.u32 s25, $0x19;
	p0 =	por !p3, !p4;
	s0 =	sadd.s32 s1, s0  }
0xd5: {  	[tilespmem:s20], [sflag:$0x1] =	stream.strided.gather [hbm4b:s0+s14], $0x800, s15, s14, $0x38;
	[tilespmem:$0x1C400] =	vst v63  }
0xd6: {  	p0 =	por !p0, !p0;
	s23 =	simm.s32 $0x1;
	s0 =	sadd.s32 s26, s21  }
0xd7: {  	s23 =	simm.s32 @!p0 $0x0;
	s0 =	sshrl.u32 s0, $0x7  }
0xd8: {  	s0 =	ssub.s32 s0, s23  }
0xd9: {  	s0 =	sshll.u32 s0, $0x7  }
0xda: {  	s0 =	sand.u32 $0x1FFFFF80, s0  }
0xdb: {  	s29 =	simm.s32 $0xEB00;
	s0 =	sadd.s32 s1, s0;
	s30 =	spop (v2sf)  }
0xdc: {  	[tilespmem:s29], [sflag:$0x1] =	stream.strided.gather [hbm4b:s0+s14], $0x800, s15, s14, $0x38;
	[tilespmem:$0x1C400] =	vst v63  }
0xdd: {  	(v2sf) =	vpush v11, $0x8;
	s31 =	sand.u32 $0x7F, s30  }
0xde: {  	s17 =	sshra.s32 s30, $0x1F;
	p5 =	slt.s32 s30, $0x1;
	p6 =	sne.s32 s31, $0x0  }
0xdf: {  	s18 =	sshrl.u32 s17, $0x19;
	p0 =	por !p5, !p6  }
0xe0: {  	s23 =	simm.s32 $0x1;
	s0 =	sadd.s32 s18, s30;
	p0 =	por !p0, !p0  }
0xe1: {  	s0 =	sshrl.u32 s0, $0x7;
	s23 =	simm.s32 @!p0 $0x0  }
0xe2: {  	s20 =	simm.s32 $0xF300;
	s21 =	spop (v2sf);
	s0 =	ssub.s32 s0, s23  }
0xe3: {  	s24 =	sand.u32 $0x7F, s21;
	s25 =	sshra.s32 s21, $0x1F;
	s0 =	sshll.u32 s0, $0x7  }
0xe4: {  	(v2sf) =	vpush v11, $0x9;
	p1 =	slt.s32 s21, $0x1;
	p2 =	sne.s32 s24, $0x0;
	s0 =	sand.u32 $0x1FFFFF80, s0  }
0xe5: {  	s26 =	sshrl.u32 s25, $0x19;
	p0 =	por !p1, !p2;
	s0 =	sadd.s32 s1, s0  }
0xe6: {  	[tilespmem:s20], [sflag:$0x1] =	stream.strided.gather [hbm4b:s0+s14], $0x800, s15, s14, $0x38;
	[tilespmem:$0x1C400] =	vst v63  }
0xe7: {  	p0 =	por !p0, !p0;
	s23 =	simm.s32 $0x1;
	s0 =	sadd.s32 s26, s21  }
0xe8: {  	s23 =	simm.s32 @!p0 $0x0;
	s0 =	sshrl.u32 s0, $0x7  }
0xe9: {  	s0 =	ssub.s32 s0, s23  }
0xea: {  	s0 =	sshll.u32 s0, $0x7  }
0xeb: {  	s0 =	sand.u32 $0x1FFFFF80, s0  }
0xec: {  	s29 =	simm.s32 $0xFB00;
	s0 =	sadd.s32 s1, s0;
	s30 =	spop (v2sf)  }
0xed: {  	[tilespmem:s29], [sflag:$0x1] =	stream.strided.gather [hbm4b:s0+s14], $0x800, s15, s14, $0x38;
	[tilespmem:$0x1C400] =	vst v63  }
0xee: {  	(v2sf) =	vpush v11, $0xA;
	s31 =	sand.u32 $0x7F, s30  }
0xef: {  	s17 =	sshra.s32 s30, $0x1F;
	p3 =	slt.s32 s30, $0x1;
	p4 =	sne.s32 s31, $0x0  }
0xf0: {  	s18 =	sshrl.u32 s17, $0x19;
	p0 =	por !p3, !p4  }
0xf1: {  	s23 =	simm.s32 $0x1;
	s0 =	sadd.s32 s18, s30;
	p0 =	por !p0, !p0  }
0xf2: {  	s0 =	sshrl.u32 s0, $0x7;
	s23 =	simm.s32 @!p0 $0x0  }
0xf3: {  	s20 =	simm.s32 $0x10300;
	s21 =	spop (v2sf);
	s0 =	ssub.s32 s0, s23  }
0xf4: {  	s24 =	sand.u32 $0x7F, s21;
	s25 =	sshra.s32 s21, $0x1F;
	s0 =	sshll.u32 s0, $0x7  }
0xf5: {  	(v2sf) =	vpush v11, $0xB;
	p5 =	slt.s32 s21, $0x1;
	p6 =	sne.s32 s24, $0x0;
	s0 =	sand.u32 $0x1FFFFF80, s0  }
0xf6: {  	s26 =	sshrl.u32 s25, $0x19;
	p0 =	por !p5, !p6;
	s0 =	sadd.s32 s1, s0  }
0xf7: {  	[tilespmem:s20], [sflag:$0x1] =	stream.strided.gather [hbm4b:s0+s14], $0x800, s15, s14, $0x38;
	[tilespmem:$0x1C400] =	vst v63  }
0xf8: {  	p0 =	por !p0, !p0;
	s23 =	simm.s32 $0x1;
	s0 =	sadd.s32 s26, s21  }
0xf9: {  	s23 =	simm.s32 @!p0 $0x0;
	s0 =	sshrl.u32 s0, $0x7  }
0xfa: {  	s0 =	ssub.s32 s0, s23  }
0xfb: {  	s0 =	sshll.u32 s0, $0x7  }
0xfc: {  	s0 =	sand.u32 $0x1FFFFF80, s0  }
0xfd: {  	s29 =	simm.s32 $0x10B00;
	s0 =	sadd.s32 s1, s0;
	s30 =	spop (v2sf)  }
0xfe: {  	[tilespmem:s29], [sflag:$0x1] =	stream.strided.gather [hbm4b:s0+s14], $0x800, s15, s14, $0x38;
	[tilespmem:$0x1C400] =	vst v63  }
0xff: {  	(v2sf) =	vpush v11, $0xC;
	s31 =	sand.u32 $0x7F, s30  }
0x100: {  	s17 =	sshra.s32 s30, $0x1F;
	p1 =	slt.s32 s30, $0x1;
	p2 =	sne.s32 s31, $0x0  }
0x101: {  	s18 =	sshrl.u32 s17, $0x19;
	p0 =	por !p1, !p2  }
0x102: {  	s23 =	simm.s32 $0x1;
	s0 =	sadd.s32 s18, s30;
	p0 =	por !p0, !p0  }
0x103: {  	s0 =	sshrl.u32 s0, $0x7;
	s23 =	simm.s32 @!p0 $0x0  }
0x104: {  	s20 =	simm.s32 $0x11300;
	s21 =	spop (v2sf);
	s0 =	ssub.s32 s0, s23  }
0x105: {  	s24 =	sand.u32 $0x7F, s21;
	s25 =	sshra.s32 s21, $0x1F;
	s0 =	sshll.u32 s0, $0x7  }
0x106: {  	(v2sf) =	vpush v11, $0xD;
	p3 =	slt.s32 s21, $0x1;
	p4 =	sne.s32 s24, $0x0;
	s0 =	sand.u32 $0x1FFFFF80, s0  }
0x107: {  	s26 =	sshrl.u32 s25, $0x19;
	p0 =	por !p3, !p4;
	s0 =	sadd.s32 s1, s0  }
0x108: {  	[tilespmem:s20], [sflag:$0x1] =	stream.strided.gather [hbm4b:s0+s14], $0x800, s15, s14, $0x38;
	[tilespmem:$0x1C400] =	vst v63  }
0x109: {  	p0 =	por !p0, !p0;
	s23 =	simm.s32 $0x1;
	s0 =	sadd.s32 s26, s21  }
0x10a: {  	s23 =	simm.s32 @!p0 $0x0;
	s0 =	sshrl.u32 s0, $0x7  }
0x10b: {  	s0 =	ssub.s32 s0, s23  }
0x10c: {  	s0 =	sshll.u32 s0, $0x7  }
0x10d: {  	s0 =	sand.u32 $0x1FFFFF80, s0  }
0x10e: {  	s29 =	simm.s32 $0x11B00;
	s0 =	sadd.s32 s1, s0;
	s30 =	spop (v2sf)  }
0x10f: {  	[tilespmem:s29], [sflag:$0x1] =	stream.strided.gather [hbm4b:s0+s14], $0x800, s15, s14, $0x38;
	[tilespmem:$0x1C400] =	vst v63  }
0x110: {  	(v2sf) =	vpush v11, $0xE;
	s31 =	sand.u32 $0x7F, s30  }
0x111: {  	s17 =	sshra.s32 s30, $0x1F;
	p5 =	slt.s32 s30, $0x1;
	p6 =	sne.s32 s31, $0x0  }
0x112: {  	s18 =	sshrl.u32 s17, $0x19;
	p0 =	por !p5, !p6  }
0x113: {  	s23 =	simm.s32 $0x1;
	s0 =	sadd.s32 s18, s30;
	p0 =	por !p0, !p0  }
0x114: {  	s0 =	sshrl.u32 s0, $0x7;
	s23 =	simm.s32 @!p0 $0x0  }
0x115: {  	s20 =	simm.s32 $0x12300;
	s21 =	spop (v2sf);
	s0 =	ssub.s32 s0, s23  }
0x116: {  	s24 =	sand.u32 $0x7F, s21;
	s25 =	sshra.s32 s21, $0x1F;
	s0 =	sshll.u32 s0, $0x7  }
0x117: {  	(v2sf) =	vpush v11, $0xF;
	p1 =	slt.s32 s21, $0x1;
	p2 =	sne.s32 s24, $0x0;
	s0 =	sand.u32 $0x1FFFFF80, s0  }
0x118: {  	s26 =	sshrl.u32 s25, $0x19;
	p0 =	por !p1, !p2;
	s0 =	sadd.s32 s1, s0  }
0x119: {  	[tilespmem:s20], [sflag:$0x1] =	stream.strided.gather [hbm4b:s0+s14], $0x800, s15, s14, $0x38;
	[tilespmem:$0x1C400] =	vst v63  }
0x11a: {  	p0 =	por !p0, !p0;
	s23 =	simm.s32 $0x1;
	s0 =	sadd.s32 s26, s21  }
0x11b: {  	s23 =	simm.s32 @!p0 $0x0;
	s0 =	sshrl.u32 s0, $0x7  }
0x11c: {  	s0 =	ssub.s32 s0, s23  }
0x11d: {  	s0 =	sshll.u32 s0, $0x7  }
0x11e: {  	s0 =	sand.u32 $0x1FFFFF80, s0  }
0x11f: {  	s30 =	simm.s32 $0x12B00;
	s29 =	spop (v2sf);
	s0 =	sadd.s32 s1, s0  }
0x120: {  	[tilespmem:s30], [sflag:$0x1] =	stream.strided.gather [hbm4b:s0+s14], $0x800, s15, s14, $0x38;
	[tilespmem:$0x1C400] =	vst v63  }
0x121: {  	s31 =	sand.u32 $0x7F, s29  }
0x122: {  	s17 =	sshra.s32 s29, $0x1F;
	p3 =	slt.s32 s29, $0x1;
	p4 =	sne.s32 s31, $0x0  }
0x123: {  	s18 =	sshrl.u32 s17, $0x19;
	p0 =	por !p3, !p4  }
0x124: {  	s23 =	simm.s32 $0x1;
	s0 =	sadd.s32 s18, s29;
	p0 =	por !p0, !p0  }
0x125: {  	s0 =	sshrl.u32 s0, $0x7;
	s23 =	simm.s32 @!p0 $0x0  }
0x126: {  	s20 =	simm.s32 $0x13300;
	s21 =	spop (v2sf);
	s0 =	ssub.s32 s0, s23  }
0x127: {  	s24 =	sand.u32 $0x7F, s21;
	s25 =	sshra.s32 s21, $0x1F;
	s0 =	sshll.u32 s0, $0x7  }
0x128: {  	p5 =	slt.s32 s21, $0x1;
	p6 =	sne.s32 s24, $0x0;
	s0 =	sand.u32 $0x1FFFFF80, s0  }
0x129: {  	s26 =	sshrl.u32 s25, $0x19;
	p0 =	por !p5, !p6;
	s0 =	sadd.s32 s1, s0  }
0x12a: {  	[tilespmem:s20], [sflag:$0x1] =	stream.strided.gather [hbm4b:s0+s14], $0x800, s15, s14, $0x38;
	[tilespmem:$0x1C400] =	vst v63  }
0x12b: {  	p0 =	por !p0, !p0;
	s23 =	simm.s32 $0x1;
	s0 =	sadd.s32 s26, s21  }
0x12c: {  	s23 =	simm.s32 @!p0 $0x0;
	s0 =	sshrl.u32 s0, $0x7  }
0x12d: {  	s0 =	ssub.s32 s0, s23  }
0x12e: {  	s0 =	sshll.u32 s0, $0x7  }
0x12f: {  	s0 =	sand.u32 $0x1FFFFF80, s0  }
0x130: {  	s29 =	simm.s32 $0x13B00;
	s0 =	sadd.s32 s1, s0  }
0x131: {  	[tilespmem:s29], [sflag:$0x1] =	stream.strided.gather [hbm4b:s0+s14], $0x800, s15, s14, $0x38;
	[tilespmem:$0x1C400] =	vst v63  }
0x132: {  	s23 =	simm.s32 $0x200  }
0x133: {  	[tilespmem:s23], [sflag:$0x2] =	stream.linear.gather [hbm4b:s9+s2], $0x200, $0x38;
	[tilespmem:$0x1C400] =	vst v63  }
0x134: {  	_ =	swait.ge [sflag:s12], $0x200  }
0x135: {  	[sflag:s12] =	ssyncset.done $0x0  }
0x136: {  	[sflag:s12] =	ssyncadd.s32 $0xFFFFFE00  }
0x137: {  	[tilespmem:s14], [sflag:$0x2] =	stream.linear.gather [hbm4b:s5+s2], $0x400, $0x38;
	[tilespmem:$0x1C400] =	vst v63  }
0x138: {  	_ =	swait.ge [sflag:s12], $0x400  }
0x139: {  	[sflag:s12] =	ssyncset.done $0x0  }
0x13a: {  	[sflag:s12] =	ssyncadd.s32 $0xFFFFFC00  }
0x13b: {  	[tilespmem:s3], [sflag:$0x2] =	stream.linear.gather [hbm4b:s4+s2], $0x3B00, $0x38;
	[tilespmem:$0x1C400] =	vst v63  }
0x13c: {  	_ =	swait.ge [sflag:s12], $0x3B00  }
0x13d: {  	[sflag:s12] =	ssyncset.done $0x0  }
0x13e: {  	s30 =	simm.s32 $0x1C300;
	[sflag:s12] =	ssyncadd.s32 $0xFFFFC500  }
0x13f: {  	[tilespmem:s30], [sflag:$0x2] =	stream.linear.gather [hbm4b:s6+s2], $0x80, $0x38;
	[tilespmem:$0x1C400] =	vst v63  }
0x140: {  	_ =	swait.ge [sflag:s12], $0x80  }
0x141: {  	[sflag:s12] =	ssyncset.done $0x0  }
0x142: {  	s31 =	simm.s32 $0x1C380;
	[sflag:s12] =	ssyncadd.s32 $0xFFFFFF80  }
0x143: {  	[tilespmem:s31], [sflag:$0x2] =	stream.linear.gather [hbm4b:s7+s2], $0x80, $0x38;
	[tilespmem:$0x1C400] =	vst v63  }
.Ltmp2:
0x144: {  	_ =	swait.ge [sflag:s12], $0x80;
	(pc) =	sbr.rel .LBB2_2-.Ltmp2, $4  }
0x145: {  	[sflag:s12] =	ssyncset.done $0x0  }
0x146: {  	[sflag:s12] =	ssyncadd.s32 $0xFFFFFF80  }
0x147: {  	s28 =	simm.s32 $0x0;
	v11 =	vld [tilespmem:$0x1C300]  }
0x148: {  	s24 =	simm.s32 $0xF;
	s25 =	simm.s32 $0x20;
	s26 =	simm.s32 $0x0;
	v12 =	vld [tilespmem:$0x1C380]  }
.LBB2_6:
0x149: {  	(v2sf) =	vpush v13, $0x8;
	_ =	sdelay $0x5  }
0x14a: {  	(v2sf) =	vpush v13, $0x9;
	_ =	sdelay $0x4  }
0x14b: {  	(v2sf) =	vpush v13, $0xA  }
0x14c: {  	s0 =	sshllo.u32 s28, $0x1  }
0x14d: {  	s17 =	sand.u32 $0xFF, s0  }
0x14e: {  	s17 =	smul.u32 $0xCD, s17  }
0x14f: {  	s18 =	spop (v2sf)  }
0x150: {  	s17 =	sshrl.u32 s17, $0xA;
	s20 =	sand.u32 $0x7F, s18  }
0x151: {  	s21 =	sshra.s32 s18, $0x1F;
	p0 =	slt.s32 s18, $0x1;
	p1 =	sne.s32 s20, $0x0  }
0x152: {  	s17 =	smul.u32 $0x5, s17;
	(v2sf) =	vpush v13, $0xB;
	s29 =	sshrl.u32 s21, $0x19;
	p0 =	por !p0, !p1  }
0x153: {  	s21 =	simm.s32 $0x1;
	s20 =	sadd.s32 s29, s18;
	p0 =	por !p0, !p0  }
0x154: {  	s0 =	ssub.s32 s0, s17;
	s20 =	sshrl.u32 s20, $0x7;
	s21 =	simm.s32 @!p0 $0x0  }
0x155: {  	s0 =	sand.u32 $0xFF, s0;
	s30 =	ssub.s32 s21, s20;
	s20 =	spop (v2sf)  }
0x156: {  	s17 =	sshll.u32 s30, $0x7;
	s31 =	sand.u32 $0x7F, s20;
	s29 =	sshra.s32 s20, $0x1F  }
0x157: {  	p5 =	slt.s32 s20, $0x1;
	p6 =	sne.s32 s31, $0x0;
	s17 =	sadd.s32 s18, s17  }
0x158: {  	(v2sf) =	vpush v13, $0xC;
	s30 =	sshrl.u32 s29, $0x19;
	s18 =	simm.s32 $0x1;
	p0 =	por !p5, !p6;
	v14 =	vmov s17  }
0x159: {  	s29 =	sshll.u32 s0, $0xE;
	s31 =	sadd.s32 s30, s20;
	p0 =	por !p0, !p0;
	v15 =	vand.u32 $0xFFFFFF80, v14  }
0x15a: {  	s17 =	spop (v2sf);
	s21 =	sshrl.u32 s31, $0x7;
	v14 =	vand.u32 $0x7F, v14;
	s18 =	simm.s32 @!p0 $0x0;
	v15 =	vadd.s32 s29, v15  }
0x15b: {  	s30 =	sand.u32 $0x7F, s17;
	s0 =	ssub.s32 s18, s21;
	v14 =	vor.u32 v14, v15  }
0x15c: {  	s31 =	sshra.s32 s17, $0x1F;
	s18 =	sadd.s32 $0xFFFFFFF9, s24;
	s0 =	sshll.u32 s0, $0x7;
	v14 =	vadd.s32 v0, v14  }
0x15d: {  	(v2sf) =	vpush v13, $0xD;
	p2 =	slt.s32 s17, $0x1;
	p1 =	sne.s32 s30, $0x0;
	v15 =	vmov s18;
	s0 =	sadd.s32 s20, s0  }
0x15e: {  	p0 =	por !p2, !p1;
	s20 =	sshrl.u32 s31, $0x19;
	v16 =	vshll.u32 v15, $0x3;
	v17 =	vmov s0  }
0x15f: {  	p0 =	por !p0, !p0;
	s18 =	simm.s32 $0x1;
	v15 =	vand.u32 $0x78, v15;
	s21 =	sadd.s32 s20, s17;
	v16 =	vand.u32 $0xC00, v16;
	v18 =	vand.u32 $0xFFFFFF80, v17  }
0x160: {  	s18 =	simm.s32 @!p0 $0x0;
	s0 =	sshrl.u32 s21, $0x7;
	v15 =	vor.u32 v16, v15;
	v31 =	vand.u32 $0x7F, v17;
	v32 =	vadd.s32 s29, v18  }
0x161: {  	s20 =	sadd.s32 $0xFFFFFFFA, s24;
	s0 =	ssub.s32 s18, s0;
	s18 =	spop (v2sf);
	v15 =	vor.u32 v3, v15;
	v14 =	vld.idx.msk [tilespmem:v14+s16+$0x0], $0xffff;
	v16 =	vor.u32 v31, v32  }
0x162: {  	s0 =	sshll.u32 s0, $0x7;
	s30 =	sand.u32 $0x7F, s18;
	s31 =	sshra.s32 s18, $0x1F;
	v16 =	vadd.s32 v4, v16  }
0x163: {  	v33 =	vmov s20;
	p4 =	slt.s32 s18, $0x1;
	p3 =	sne.s32 s30, $0x0;
	s0 =	sadd.s32 s17, s0  }
0x164: {  	(v2sf) =	vpush v13, $0xE;
	v34 =	vshll.u32 v33, $0x3;
	s20 =	sshrl.u32 s31, $0x19;
	p0 =	por !p4, !p3;
	v19 =	vmov s0  }
0x165: {  	v17 =	vand.u32 $0x79, v33;
	v18 =	vand.u32 $0xC00, v34;
	s17 =	simm.s32 $0x1;
	s21 =	sadd.s32 s20, s18;
	p0 =	por !p0, !p0;
	v20 =	vand.u32 $0xFFFFFF80, v19  }
0x166: {  	s0 =	sshrl.u32 s21, $0x7;
	s17 =	simm.s32 @!p0 $0x0;
	v35 =	vadd.s32 s29, v20;
	[tilespmem:v15+s19+$0x0] =	vst.idx.msk $0xffff, v14;
	v14 =	vor.u32 v18, v17;
	v15 =	vand.u32 $0x7F, v19  }
0x167: {  	s20 =	sadd.s32 $0xFFFFFFFB, s24;
	s0 =	ssub.s32 s17, s0;
	s17 =	spop (v2sf);
	v16 =	vld.idx.msk [tilespmem:v16+s16+$0x0], $0xffff;
	v14 =	vor.u32 v3, v14;
	v15 =	vor.u32 v15, v35  }
0x168: {  	s0 =	sshll.u32 s0, $0x7;
	s30 =	sand.u32 $0x7F, s17;
	s31 =	sshra.s32 s17, $0x1F;
	v15 =	vadd.s32 v5, v15  }
0x169: {  	v36 =	vmov s20;
	p6 =	slt.s32 s17, $0x1;
	p5 =	sne.s32 s30, $0x0;
	s0 =	sadd.s32 s18, s0  }
0x16a: {  	v37 =	vshll.u32 v36, $0x3;
	(v2sf) =	vpush v13, $0xF;
	s20 =	sshrl.u32 s31, $0x19;
	p0 =	por !p6, !p5;
	v38 =	vmov s0  }
0x16b: {  	v13 =	vand.u32 $0x7A, v36;
	v39 =	vand.u32 $0xC00, v37;
	s18 =	simm.s32 $0x1;
	s21 =	sadd.s32 s20, s17;
	p0 =	por !p0, !p0;
	v40 =	vand.u32 $0xFFFFFF80, v38  }
0x16c: {  	v13 =	vor.u32 v39, v13;
	s20 =	spop (v2sf);
	s0 =	sshrl.u32 s21, $0x7;
	s18 =	simm.s32 @!p0 $0x0;
	v41 =	vadd.s32 s29, v40;
	[tilespmem:v14+s19+$0x0] =	vst.idx.msk $0xffff, v16;
	v14 =	vand.u32 $0x7F, v38  }
0x16d: {  	v13 =	vor.u32 v3, v13;
	s30 =	sand.u32 $0x7F, s20;
	s0 =	ssub.s32 s18, s0;
	v15 =	vld.idx.msk [tilespmem:v15+s16+$0x0], $0xffff;
	v14 =	vor.u32 v14, v41  }
0x16e: {  	s31 =	sshra.s32 s20, $0x1F;
	s18 =	sadd.s32 $0xFFFFFFFC, s24;
	s0 =	sshll.u32 s0, $0x7;
	v14 =	vadd.s32 v6, v14  }
0x16f: {  	p2 =	slt.s32 s20, $0x1;
	p1 =	sne.s32 s30, $0x0;
	v42 =	vmov s18;
	s0 =	sadd.s32 s17, s0  }
0x170: {  	p0 =	por !p2, !p1;
	s18 =	sshrl.u32 s31, $0x19;
	v43 =	vshll.u32 v42, $0x3;
	v44 =	vmov s0  }
0x171: {  	p0 =	por !p0, !p0;
	s21 =	sadd.s32 s18, s20;
	s17 =	simm.s32 $0x1;
	v16 =	vand.u32 $0x7B, v42;
	v17 =	vand.u32 $0xC00, v43;
	v45 =	vand.u32 $0xFFFFFF80, v44  }
0x172: {  	s0 =	sshrl.u32 s21, $0x7;
	s17 =	simm.s32 @!p0 $0x0;
	v46 =	vadd.s32 s29, v45;
	[tilespmem:v13+s19+$0x0] =	vst.idx.msk $0xffff, v15;
	v13 =	vor.u32 v17, v16;
	v15 =	vand.u32 $0x7F, v44  }
0x173: {  	s18 =	spop (v2sf);
	s0 =	ssub.s32 s17, s0;
	s17 =	sadd.s32 $0xFFFFFFFD, s24;
	v14 =	vld.idx.msk [tilespmem:v14+s16+$0x0], $0xffff;
	v13 =	vor.u32 v3, v13;
	v15 =	vor.u32 v15, v46  }
0x174: {  	s30 =	sand.u32 $0x7F, s18;
	s31 =	sshra.s32 s18, $0x1F;
	s0 =	sshll.u32 s0, $0x7;
	v15 =	vadd.s32 v7, v15  }
0x175: {  	p4 =	slt.s32 s18, $0x1;
	p3 =	sne.s32 s30, $0x0;
	v47 =	vmov s17;
	s0 =	sadd.s32 s20, s0  }
0x176: {  	s20 =	sshrl.u32 s31, $0x19;
	p0 =	por !p4, !p3;
	v48 =	vshll.u32 v47, $0x3;
	v49 =	vmov s0  }
0x177: {  	s17 =	simm.s32 $0x1;
	v16 =	vand.u32 $0x7C, v47;
	s21 =	sadd.s32 s20, s18;
	p0 =	por !p0, !p0;
	v17 =	vand.u32 $0xC00, v48;
	v50 =	vand.u32 $0xFFFFFF80, v49  }
0x178: {  	s0 =	sshrl.u32 s21, $0x7;
	s17 =	simm.s32 @!p0 $0x0;
	v51 =	vadd.s32 s29, v50;
	[tilespmem:v13+s19+$0x0] =	vst.idx.msk $0xffff, v14;
	v13 =	vor.u32 v17, v16;
	v14 =	vand.u32 $0x7F, v49  }
0x179: {  	s30 =	sadd.s32 $0xFFFFFFFE, s24;
	s0 =	ssub.s32 s17, s0;
	s17 =	spop (v2sf);
	v15 =	vld.idx.msk [tilespmem:v15+s16+$0x0], $0xffff;
	v13 =	vor.u32 v3, v13;
	v14 =	vor.u32 v14, v51  }
0x17a: {  	s0 =	sshll.u32 s0, $0x7;
	s31 =	sand.u32 $0x7F, s17;
	s21 =	sshra.s32 s17, $0x1F;
	v14 =	vadd.s32 v8, v14  }
0x17b: {  	v52 =	vmov s30;
	p6 =	slt.s32 s17, $0x1;
	s0 =	sadd.s32 s18, s0;
	p5 =	sne.s32 s31, $0x0  }
0x17c: {  	v53 =	vshll.u32 v52, $0x3;
	s30 =	sshrl.u32 s21, $0x19;
	v54 =	vmov s0;
	p0 =	por !p6, !p5  }
0x17d: {  	s18 =	simm.s32 $0x1;
	v16 =	vand.u32 $0x7D, v52;
	v17 =	vand.u32 $0xC00, v53;
	s0 =	sadd.s32 s30, s17;
	v55 =	vand.u32 $0xFFFFFF80, v54;
	p0 =	por !p0, !p0  }
0x17e: {  	s0 =	sshrl.u32 s0, $0x7;
	v56 =	vadd.s32 s29, v55;
	s18 =	simm.s32 @!p0 $0x0;
	[tilespmem:v13+s19+$0x0] =	vst.idx.msk $0xffff, v15;
	v13 =	vor.u32 v17, v16;
	v15 =	vand.u32 $0x7F, v54  }
0x17f: {  	s0 =	ssub.s32 s18, s0;
	v14 =	vld.idx.msk [tilespmem:v14+s16+$0x0], $0xffff;
	v13 =	vor.u32 v3, v13;
	v15 =	vor.u32 v15, v56  }
0x180: {  	s31 =	sadd.s32 $0xFFFFFFFF, s24;
	s0 =	sshll.u32 s0, $0x7;
	v15 =	vadd.s32 v9, v15  }
0x181: {  	v57 =	vmov s31;
	s0 =	sadd.s32 s17, s0  }
0x182: {  	v58 =	vshll.u32 v57, $0x3;
	v59 =	vmov s0  }
0x183: {  	v16 =	vand.u32 $0x7E, v57;
	v17 =	vand.u32 $0xC00, v58;
	v60 =	vand.u32 $0xFFFFFF80, v59  }
0x184: {  	v61 =	vadd.s32 s29, v60;
	[tilespmem:v13+s19+$0x0] =	vst.idx.msk $0xffff, v14;
	v13 =	vor.u32 v17, v16;
	v14 =	vand.u32 $0x7F, v59  }
0x185: {  	v15 =	vld.idx.msk [tilespmem:v15+s16+$0x0], $0xffff;
	v13 =	vor.u32 v3, v13;
	v14 =	vor.u32 v14, v61  }
0x186: {  	v14 =	vadd.s32 v10, v14  }
0x187: {  	v62 =	vmov s24  }
0x188: {  	v63 =	vshll.u32 v62, $0x3  }
0x189: {  	v16 =	vand.u32 $0x7F, v62;
	v17 =	vand.u32 $0xC00, v63  }
0x18a: {  	s24 =	sadd.s32 $0x10, s24;
	[tilespmem:v13+s19+$0x0] =	vst.idx.msk $0xffff, v15;
	v13 =	vor.u32 v17, v16  }
0x18b: {  	p0 =	sne.s32 s24, $0x20F;
	v14 =	vld.idx.msk [tilespmem:v14+s16+$0x0], $0xffff;
	v13 =	vor.u32 v3, v13  }
.Ltmp3:
0x18c: {  	_ = 	snop;
	(pc) =	sbr.rel @!p0 .LBB2_7-.Ltmp3, $3  }
0x18d: {  	_ =	sdelay $0x1  }
0x18e: {  	s28 =	sadd.s32 $0x1, s28  }
0x18f: {  	s26 =	sadd.s32 $0x80, s26;
	s25 =	sadd.s32 $0x10, s25;
	s23 =	sadd.s32 $0x10, s23;
	[tilespmem:v13+s19+$0x0] =	vst.idx.msk $0xffff, v14  }
.LBB2_2:
0x190: {  	v13 =	vld [tilespmem:s25+$0xFFFFFFE0];
	_ =	swait.ge [sflag:s13], $0x800  }
0x191: {  	[sflag:s13] =	ssyncset.done $0x0  }
0x192: {  	[sflag:s13] =	ssyncadd.s32 $0xFFFFF800  }
0x193: {  	_ =	swait.ge [sflag:s13], $0x800  }
0x194: {  	[sflag:s13] =	ssyncset.done $0x0  }
0x195: {  	[sflag:s13] =	ssyncadd.s32 $0xFFFFF800  }
0x196: {  	_ =	swait.ge [sflag:s13], $0x800  }
0x197: {  	[sflag:s13] =	ssyncset.done $0x0  }
0x198: {  	[sflag:s13] =	ssyncadd.s32 $0xFFFFF800  }
0x199: {  	_ =	swait.ge [sflag:s13], $0x800  }
0x19a: {  	[sflag:s13] =	ssyncset.done $0x0  }
0x19b: {  	[sflag:s13] =	ssyncadd.s32 $0xFFFFF800  }
0x19c: {  	_ =	swait.ge [sflag:s13], $0x800  }
0x19d: {  	[sflag:s13] =	ssyncset.done $0x0  }
0x19e: {  	[sflag:s13] =	ssyncadd.s32 $0xFFFFF800  }
0x19f: {  	_ =	swait.ge [sflag:s13], $0x800  }
0x1a0: {  	[sflag:s13] =	ssyncset.done $0x0  }
0x1a1: {  	[sflag:s13] =	ssyncadd.s32 $0xFFFFF800  }
0x1a2: {  	p0 =	sgt.u32 s28, $0x1D;
	_ =	swait.ge [sflag:s13], $0x800  }
.Ltmp4:
0x1a3: {  	[sflag:s13] =	ssyncset.done $0x0;
	(pc) =	sbr.rel @p0 .LBB2_4-.Ltmp4, $4  }
0x1a4: {  	[sflag:s13] =	ssyncadd.s32 $0xFFFFF800  }
0x1a5: {  	_ =	swait.ge [sflag:s13], $0x800  }
0x1a6: {  	[sflag:s13] =	ssyncset.done $0x0  }
0x1a7: {  	s29 =	sshll.u32 s28, $0x1;
	[sflag:s13] =	ssyncadd.s32 $0xFFFFF800  }
0x1a8: {  	v14 =	vld [tilespmem:s25+$0x0];
	_ =	sdelay $0x4  }
0x1a9: {  	(v2sf) =	vpush v14, $0x0;
	_ =	sdelay $0xa  }
0x1aa: {  	(v2sf) =	vpush v14, $0x1  }
0x1ab: {  	s0 =	sadd.s32 $0x4, s29  }
0x1ac: {  	s30 =	sand.u32 $0xFF, s0  }
0x1ad: {  	s30 =	smul.u32 $0xCD, s30  }
0x1ae: {  	s31 =	spop (v2sf)  }
0x1af: {  	s30 =	sshrl.u32 s30, $0xA;
	s17 =	sand.u32 $0x7F, s31  }
0x1b0: {  	s20 =	sshra.s32 s31, $0x1F;
	p2 =	slt.s32 s31, $0x1;
	p1 =	sne.s32 s17, $0x0  }
0x1b1: {  	s30 =	smul.u32 $0x5, s30;
	s17 =	sshrl.u32 s20, $0x19;
	p1 =	por !p2, !p1  }
0x1b2: {  	s17 =	sadd.s32 s17, s31;
	s31 =	simm.s32 $0x1;
	p1 =	por !p1, !p1  }
0x1b3: {  	s17 =	sshrl.u32 s17, $0x7;
	s31 =	simm.s32 @!p1 $0x0  }
0x1b4: {  	s0 =	ssub.s32 s0, s30;
	s17 =	ssub.s32 s17, s31  }
0x1b5: {  	s0 =	sand.u32 $0xFF, s0;
	(v2sf) =	vpush v14, $0x2;
	s17 =	sshll.u32 s17, $0x7  }
0x1b6: {  	s30 =	sshll.u32 s0, $0xE;
	s21 =	sand.u32 $0x1FFFFF80, s17  }
0x1b7: {  	s31 =	sadd.s32 $0x4300, s30;
	s0 =	sadd.s32 s1, s21  }
0x1b8: {  	[tilespmem:s31], [sflag:$0x1] =	stream.strided.gather [hbm4b:s0+s14], $0x800, s15, s14, $0x38;
	[tilespmem:$0x1C400] =	vst v63  }
0x1b9: {  	s0 =	spop (v2sf)  }
0x1ba: {  	s18 =	sand.u32 $0x7F, s0  }
0x1bb: {  	s20 =	sshra.s32 s0, $0x1F;
	p5 =	slt.s32 s0, $0x1;
	p6 =	sne.s32 s18, $0x0  }
0x1bc: {  	(v2sf) =	vpush v14, $0x3;
	s21 =	sshrl.u32 s20, $0x19;
	p1 =	por !p5, !p6  }
0x1bd: {  	s17 =	simm.s32 $0x1;
	s0 =	sadd.s32 s21, s0;
	p1 =	por !p1, !p1  }
0x1be: {  	s0 =	sshrl.u32 s0, $0x7;
	s17 =	simm.s32 @!p1 $0x0  }
0x1bf: {  	s0 =	ssub.s32 s0, s17  }
0x1c0: {  	s0 =	sshll.u32 s0, $0x7  }
0x1c1: {  	s0 =	sand.u32 $0x1FFFFF80, s0  }
0x1c2: {  	s31 =	sadd.s32 $0x4B00, s30;
	s0 =	sadd.s32 s1, s0  }
0x1c3: {  	[tilespmem:s31], [sflag:$0x1] =	stream.strided.gather [hbm4b:s0+s14], $0x800, s15, s14, $0x38;
	[tilespmem:$0x1C400] =	vst v63  }
0x1c4: {  	s0 =	spop (v2sf)  }
0x1c5: {  	s18 =	sand.u32 $0x7F, s0  }
0x1c6: {  	s20 =	sshra.s32 s0, $0x1F;
	p3 =	slt.s32 s0, $0x1;
	p4 =	sne.s32 s18, $0x0  }
0x1c7: {  	s21 =	sshrl.u32 s20, $0x19;
	p1 =	por !p3, !p4  }
0x1c8: {  	s17 =	simm.s32 $0x1;
	(v2sf) =	vpush v14, $0x4;
	s0 =	sadd.s32 s21, s0;
	p1 =	por !p1, !p1  }
0x1c9: {  	s0 =	sshrl.u32 s0, $0x7;
	s17 =	simm.s32 @!p1 $0x0  }
0x1ca: {  	s0 =	ssub.s32 s0, s17  }
0x1cb: {  	s31 =	sadd.s32 $0x5300, s30;
	s18 =	spop (v2sf);
	s0 =	sshll.u32 s0, $0x7  }
0x1cc: {  	s20 =	sand.u32 $0x7F, s18;
	s21 =	sshra.s32 s18, $0x1F;
	s0 =	sand.u32 $0x1FFFFF80, s0  }
0x1cd: {  	p5 =	slt.s32 s18, $0x1;
	p6 =	sne.s32 s20, $0x0;
	s0 =	sadd.s32 s1, s0  }
0x1ce: {  	[tilespmem:s31], [sflag:$0x1] =	stream.strided.gather [hbm4b:s0+s14], $0x800, s15, s14, $0x38;
	[tilespmem:$0x1C400] =	vst v63  }
0x1cf: {  	p1 =	por !p5, !p6;
	s31 =	sshrl.u32 s21, $0x19  }
0x1d0: {  	s17 =	simm.s32 $0x1;
	p1 =	por !p1, !p1;
	s0 =	sadd.s32 s31, s18  }
0x1d1: {  	s17 =	simm.s32 @!p1 $0x0;
	s0 =	sshrl.u32 s0, $0x7  }
0x1d2: {  	s0 =	ssub.s32 s0, s17  }
0x1d3: {  	(v2sf) =	vpush v14, $0x5;
	s0 =	sshll.u32 s0, $0x7  }
0x1d4: {  	s0 =	sand.u32 $0x1FFFFF80, s0  }
0x1d5: {  	s18 =	sadd.s32 $0x5B00, s30;
	s0 =	sadd.s32 s1, s0  }
0x1d6: {  	[tilespmem:s18], [sflag:$0x1] =	stream.strided.gather [hbm4b:s0+s14], $0x800, s15, s14, $0x38;
	[tilespmem:$0x1C400] =	vst v63  }
0x1d7: {  	s0 =	spop (v2sf)  }
0x1d8: {  	s20 =	sand.u32 $0x7F, s0  }
0x1d9: {  	s21 =	sshra.s32 s0, $0x1F;
	p3 =	slt.s32 s0, $0x1;
	p4 =	sne.s32 s20, $0x0  }
0x1da: {  	(v2sf) =	vpush v14, $0x6;
	s18 =	sshrl.u32 s21, $0x19;
	p1 =	por !p3, !p4  }
0x1db: {  	s17 =	simm.s32 $0x1;
	s0 =	sadd.s32 s18, s0;
	p1 =	por !p1, !p1  }
0x1dc: {  	s0 =	sshrl.u32 s0, $0x7;
	s17 =	simm.s32 @!p1 $0x0  }
0x1dd: {  	s0 =	ssub.s32 s0, s17  }
0x1de: {  	s0 =	sshll.u32 s0, $0x7  }
0x1df: {  	s0 =	sand.u32 $0x1FFFFF80, s0  }
0x1e0: {  	s20 =	sadd.s32 $0x6300, s30;
	s0 =	sadd.s32 s1, s0  }
0x1e1: {  	[tilespmem:s20], [sflag:$0x1] =	stream.strided.gather [hbm4b:s0+s14], $0x800, s15, s14, $0x38;
	[tilespmem:$0x1C400] =	vst v63  }
0x1e2: {  	s0 =	spop (v2sf)  }
0x1e3: {  	s21 =	sand.u32 $0x7F, s0  }
0x1e4: {  	s18 =	sshra.s32 s0, $0x1F;
	p5 =	slt.s32 s0, $0x1;
	p6 =	sne.s32 s21, $0x0  }
0x1e5: {  	s20 =	sshrl.u32 s18, $0x19;
	p1 =	por !p5, !p6  }
0x1e6: {  	s17 =	simm.s32 $0x1;
	(v2sf) =	vpush v14, $0x7;
	s0 =	sadd.s32 s20, s0;
	p1 =	por !p1, !p1  }
0x1e7: {  	s0 =	sshrl.u32 s0, $0x7;
	s17 =	simm.s32 @!p1 $0x0  }
0x1e8: {  	s0 =	ssub.s32 s0, s17  }
0x1e9: {  	s21 =	sadd.s32 $0x6B00, s30;
	s17 =	spop (v2sf);
	s0 =	sshll.u32 s0, $0x7  }
0x1ea: {  	s18 =	sand.u32 $0x7F, s17;
	s20 =	sshra.s32 s17, $0x1F;
	s0 =	sand.u32 $0x1FFFFF80, s0  }
0x1eb: {  	p3 =	slt.s32 s17, $0x1;
	p4 =	sne.s32 s18, $0x0;
	s0 =	sadd.s32 s1, s0  }
0x1ec: {  	[tilespmem:s21], [sflag:$0x1] =	stream.strided.gather [hbm4b:s0+s14], $0x800, s15, s14, $0x38;
	[tilespmem:$0x1C400] =	vst v63  }
0x1ed: {  	p1 =	por !p3, !p4;
	s21 =	sshrl.u32 s20, $0x19  }
0x1ee: {  	p1 =	por !p1, !p1;
	s0 =	sadd.s32 s21, s17;
	s17 =	simm.s32 $0x1  }
0x1ef: {  	s0 =	sshrl.u32 s0, $0x7;
	s17 =	simm.s32 @!p1 $0x0  }
0x1f0: {  	s0 =	ssub.s32 s0, s17  }
0x1f1: {  	s0 =	sshll.u32 s0, $0x7  }
0x1f2: {  	s0 =	sand.u32 $0x1FFFFF80, s0  }
0x1f3: {  	s31 =	sadd.s32 $0x7300, s30;
	s0 =	sadd.s32 s1, s0  }
0x1f4: {  	[tilespmem:s31], [sflag:$0x1] =	stream.strided.gather [hbm4b:s0+s14], $0x800, s15, s14, $0x38;
	[tilespmem:$0x1C400] =	vst v63  }
0x1f5: {  	s0 =	spop (v2sf)  }
0x1f6: {  	s18 =	sand.u32 $0x7F, s0  }
0x1f7: {  	s20 =	sshra.s32 s0, $0x1F;
	p5 =	slt.s32 s0, $0x1;
	p6 =	sne.s32 s18, $0x0  }
0x1f8: {  	s21 =	sshrl.u32 s20, $0x19;
	p1 =	por !p5, !p6  }
0x1f9: {  	s17 =	simm.s32 $0x1;
	s0 =	sadd.s32 s21, s0;
	p1 =	por !p1, !p1  }
0x1fa: {  	s0 =	sshrl.u32 s0, $0x7;
	s17 =	simm.s32 @!p1 $0x0  }
0x1fb: {  	s0 =	ssub.s32 s0, s17  }
0x1fc: {  	s0 =	sshll.u32 s0, $0x7  }
0x1fd: {  	s0 =	sand.u32 $0x1FFFFF80, s0  }
0x1fe: {  	s31 =	sadd.s32 $0x7B00, s30;
	s0 =	sadd.s32 s1, s0  }
0x1ff: {  	[tilespmem:s31], [sflag:$0x1] =	stream.strided.gather [hbm4b:s0+s14], $0x800, s15, s14, $0x38;
	[tilespmem:$0x1C400] =	vst v63  }
.LBB2_4:
0x200: {  	_ =	sdelay $0x2  }
0x201: {  	v14 =	vld [tilespmem:s23+$0x0]  }
0x202: {  	v15 =	vld.idx.msk [tilespmem:v1+s14+$0x0], $0xffff;
	_ =	sdelay $0x4  }
0x203: {  	vm0 =	vle.f32 v15, v14  }
0x204: {  	v15 =	vsel vm0, $0x200, v2  }
0x205: {  	v16 =	vor.u32 $0xFF, v15;
	_ =	sdelay $0x4  }
0x206: {  	v16 =	vld.idx.msk [tilespmem:v16+s14+$0x0], $0xffff;
	_ =	sdelay $0x4  }
0x207: {  	v47 =	vor.u32 $0x100, v15;
	vm7 =	vle.f32 v16, v14  }
0x208: {  	v15 =	vsel vm7, v47, v15  }
0x209: {  	v16 =	vor.u32 $0x7F, v15;
	_ =	sdelay $0x4  }
0x20a: {  	v16 =	vld.idx.msk [tilespmem:v16+s14+$0x0], $0xffff;
	_ =	sdelay $0x4  }
0x20b: {  	v48 =	vor.u32 $0x80, v15;
	vm8 =	vle.f32 v16, v14  }
0x20c: {  	v15 =	vsel vm8, v48, v15  }
0x20d: {  	v16 =	vor.u32 $0x3F, v15;
	_ =	sdelay $0x4  }
0x20e: {  	v16 =	vld.idx.msk [tilespmem:v16+s14+$0x0], $0xffff;
	_ =	sdelay $0x4  }
0x20f: {  	v49 =	vor.u32 $0x40, v15;
	vm9 =	vle.f32 v16, v14  }
0x210: {  	v15 =	vsel vm9, v49, v15  }
0x211: {  	v16 =	vadd.s32 $0x1F, v15;
	_ =	sdelay $0x4  }
0x212: {  	v16 =	vld.idx.msk [tilespmem:v16+s14+$0x0], $0xffff;
	_ =	sdelay $0x4  }
0x213: {  	v50 =	vadd.s32 $0x20, v15;
	vm10 =	vle.f32 v16, v14  }
0x214: {  	v15 =	vsel vm10, v50, v15  }
0x215: {  	v16 =	vadd.s32 $0xF, v15;
	_ =	sdelay $0x4  }
0x216: {  	v16 =	vld.idx.msk [tilespmem:v16+s14+$0x0], $0xffff;
	_ =	sdelay $0x4  }
0x217: {  	v51 =	vadd.s32 $0x10, v15;
	vm11 =	vle.f32 v16, v14  }
0x218: {  	v15 =	vsel vm11, v51, v15  }
0x219: {  	v16 =	vadd.s32 $0x7, v15;
	_ =	sdelay $0x4  }
0x21a: {  	v16 =	vld.idx.msk [tilespmem:v16+s14+$0x0], $0xffff;
	_ =	sdelay $0x4  }
0x21b: {  	v52 =	vadd.s32 $0x8, v15;
	vm12 =	vle.f32 v16, v14  }
0x21c: {  	v15 =	vsel vm12, v52, v15  }
0x21d: {  	v16 =	vadd.s32 $0x3, v15;
	_ =	sdelay $0x4  }
0x21e: {  	v16 =	vld.idx.msk [tilespmem:v16+s14+$0x0], $0xffff;
	_ =	sdelay $0x4  }
0x21f: {  	v53 =	vadd.s32 $0x4, v15;
	vm13 =	vle.f32 v16, v14  }
0x220: {  	v15 =	vsel vm13, v53, v15  }
0x221: {  	v16 =	vadd.s32 $0x1, v15;
	_ =	sdelay $0x4  }
0x222: {  	v16 =	vld.idx.msk [tilespmem:v16+s14+$0x0], $0xffff;
	_ =	sdelay $0x4  }
0x223: {  	v54 =	vadd.s32 $0x2, v15;
	vm14 =	vle.f32 v16, v14  }
0x224: {  	v15 =	vsel vm14, v54, v15;
	_ =	sdelay $0x4  }
0x225: {  	v16 =	vld.idx.msk [tilespmem:v15+s14+$0x0], $0xffff;
	_ =	sdelay $0x4  }
0x226: {  	vm15 =	vle.f32 v16, v14  }
0x227: {  	v16 =	vsel vm15, $0x1, v2  }
0x228: {  	v15 =	vadd.s32 v16, v15  }
0x229: {  	v15 =	vmul.u32 $0xF, v15;
	_ =	sdelay $0x5  }
0x22a: {  	v55 =	vld.idx.msk [tilespmem:v15+s3+$0x0], $0xffff  }
0x22b: {  	v17 =	vadd.s32 $0x1, v15  }
0x22c: {  	s0 =	sadd.s32 $0xFFFFFFF1, s24  }
0x22d: {  	s30 =	sand.u32 $0xC00, s26;
	s17 =	sand.u32 $0x70, s0  }
0x22e: {  	s31 =	sor.u32 s17, s30  }
0x22f: {  	[tilespmem:s31+$0x1A300] =	vst v55  }
0x230: {  	v16 =	vld.idx.msk [tilespmem:v17+s3+$0x0], $0xffff  }
0x231: {  	v56 =	vadd.s32 $0x2, v15;
	_ =	sdelay $0x3  }
0x232: {  	[tilespmem:s31+$0x1A380] =	vst v16  }
0x233: {  	v16 =	vld.idx.msk [tilespmem:v56+s3+$0x0], $0xffff  }
0x234: {  	v57 =	vadd.s32 $0x3, v15;
	_ =	sdelay $0x3  }
0x235: {  	[tilespmem:s31+$0x1A400] =	vst v16  }
0x236: {  	v16 =	vld.idx.msk [tilespmem:v57+s3+$0x0], $0xffff  }
0x237: {  	v58 =	vadd.s32 $0x4, v15;
	_ =	sdelay $0x3  }
0x238: {  	[tilespmem:s31+$0x1A480] =	vst v16  }
0x239: {  	v16 =	vld.idx.msk [tilespmem:v58+s3+$0x0], $0xffff  }
0x23a: {  	v59 =	vadd.s32 $0x5, v15;
	_ =	sdelay $0x3  }
0x23b: {  	[tilespmem:s31+$0x1A500] =	vst v16  }
0x23c: {  	v16 =	vld.idx.msk [tilespmem:v59+s3+$0x0], $0xffff  }
0x23d: {  	v60 =	vadd.s32 $0x6, v15;
	_ =	sdelay $0x3  }
0x23e: {  	[tilespmem:s31+$0x1A580] =	vst v16  }
0x23f: {  	v16 =	vld.idx.msk [tilespmem:v60+s3+$0x0], $0xffff  }
0x240: {  	v61 =	vadd.s32 $0x7, v15;
	_ =	sdelay $0x3  }
0x241: {  	[tilespmem:s31+$0x1A600] =	vst v16  }
0x242: {  	v16 =	vld.idx.msk [tilespmem:v61+s3+$0x0], $0xffff  }
0x243: {  	v62 =	vadd.s32 $0x8, v15;
	_ =	sdelay $0x3  }
0x244: {  	[tilespmem:s31+$0x1A680] =	vst v16  }
0x245: {  	v16 =	vld.idx.msk [tilespmem:v62+s3+$0x0], $0xffff  }
0x246: {  	v63 =	vadd.s32 $0x9, v15;
	_ =	sdelay $0x3  }
0x247: {  	[tilespmem:s31+$0x1B300] =	vst v16  }
0x248: {  	v16 =	vld.idx.msk [tilespmem:v63+s3+$0x0], $0xffff  }
0x249: {  	v20 =	vadd.s32 $0xA, v15;
	_ =	sdelay $0x2  }
0x24a: {  	(v2sf) =	vpush v13, $0x0  }
0x24b: {  	[tilespmem:s31+$0x1B380] =	vst v16  }
0x24c: {  	v16 =	vld.idx.msk [tilespmem:v20+s3+$0x0], $0xffff  }
0x24d: {  	v21 =	vadd.s32 $0xB, v15;
	_ =	sdelay $0x2  }
0x24e: {  	(v2sf) =	vpush v13, $0x1  }
0x24f: {  	[tilespmem:s31+$0x1B400] =	vst v16  }
0x250: {  	v16 =	vld.idx.msk [tilespmem:v21+s3+$0x0], $0xffff  }
0x251: {  	v22 =	vadd.s32 $0xC, v15;
	_ =	sdelay $0x2  }
0x252: {  	(v2sf) =	vpush v13, $0x2  }
0x253: {  	s20 =	sand.u32 $0xFE, s29;
	[tilespmem:s31+$0x1B480] =	vst v16  }
0x254: {  	s17 =	smul.u32 $0xCD, s20;
	v16 =	vld.idx.msk [tilespmem:v22+s3+$0x0], $0xffff  }
0x255: {  	s30 =	spop (v2sf);
	v23 =	vadd.s32 $0xD, v15  }
0x256: {  	s17 =	sshrl.u32 s17, $0xA;
	s18 =	sand.u32 $0x7F, s30  }
0x257: {  	s20 =	sshra.s32 s30, $0x1F;
	p1 =	slt.s32 s30, $0x1;
	p2 =	sne.s32 s18, $0x0  }
0x258: {  	s17 =	smul.u32 $0x5, s17;
	(v2sf) =	vpush v13, $0x3;
	s21 =	sshrl.u32 s20, $0x19;
	p1 =	por !p1, !p2  }
0x259: {  	s20 =	simm.s32 $0x1;
	s18 =	sadd.s32 s21, s30;
	p1 =	por !p1, !p1;
	[tilespmem:s31+$0x1B500] =	vst v16  }
0x25a: {  	s17 =	ssub.s32 s29, s17;
	s18 =	sshrl.u32 s18, $0x7;
	s20 =	simm.s32 @!p1 $0x0;
	v16 =	vld.idx.msk [tilespmem:v23+s3+$0x0], $0xffff  }
0x25b: {  	s17 =	sand.u32 $0xFF, s17;
	s18 =	ssub.s32 s20, s18;
	s20 =	spop (v2sf);
	v15 =	vadd.s32 $0xE, v15  }
0x25c: {  	s18 =	sshll.u32 s18, $0x7;
	s21 =	sand.u32 $0x7F, s20;
	p6 =	slt.s32 s20, $0x1  }
0x25d: {  	p5 =	sne.s32 s21, $0x0;
	s21 =	sshra.s32 s20, $0x1F;
	s18 =	sadd.s32 s30, s18  }
0x25e: {  	(v2sf) =	vpush v13, $0x4;
	s30 =	sshll.u32 s17, $0xE;
	s21 =	sshrl.u32 s21, $0x19;
	p1 =	por !p6, !p5;
	v24 =	vmov s18  }
0x25f: {  	s18 =	sadd.s32 s21, s20;
	p1 =	por !p1, !p1;
	s21 =	simm.s32 $0x1;
	v25 =	vand.u32 $0xFFFFFF80, v24;
	[tilespmem:s31+$0x1B580] =	vst v16  }
0x260: {  	s18 =	sshrl.u32 s18, $0x7;
	s21 =	simm.s32 @!p1 $0x0;
	v17 =	vand.u32 $0x7F, v24;
	v16 =	vadd.s32 s30, v25;
	v15 =	vld.idx.msk [tilespmem:v15+s3+$0x0], $0xffff  }
0x261: {  	s17 =	ssub.s32 s21, s18;
	s18 =	spop (v2sf);
	v16 =	vor.u32 v17, v16  }
0x262: {  	s17 =	sshll.u32 s17, $0x7;
	s21 =	sand.u32 $0x7F, s18;
	p4 =	slt.s32 s18, $0x1;
	v14 =	vsub.f32 v14, v11;
	v16 =	vadd.s32 v0, v16  }
0x263: {  	v26 =	vmov s0;
	(v2sf) =	vpush v13, $0x5;
	p3 =	sne.s32 s21, $0x0;
	s21 =	sshra.s32 s18, $0x1F;
	s17 =	sadd.s32 s20, s17  }
0x264: {  	v18 =	vshll.u32 v26, $0x3;
	s20 =	sshrl.u32 s21, $0x19;
	p1 =	por !p4, !p3;
	v19 =	vmov s17;
	v14 =	vmul.f32 v14, v12  }
0x265: {  	v27 =	vand.u32 $0xC00, v18;
	s17 =	simm.s32 $0x1;
	s21 =	sadd.s32 s20, s18;
	p1 =	por !p1, !p1;
	v28 =	vand.u32 $0xFFFFFF80, v19;
	[tilespmem:s31+$0x1B600] =	vst v15;
	v15 =	vand.u32 $0x70, v26  }
0x266: {  	s0 =	sshrl.u32 s21, $0x7;
	s17 =	simm.s32 @!p1 $0x0;
	v29 =	vadd.s32 s30, v28;
	[tilespmem:s31+$0x1B680] =	vst v14;
	v14 =	vor.u32 v27, v15;
	v15 =	vand.u32 $0x7F, v19  }
0x267: {  	s20 =	sadd.s32 $0xFFFFFFF2, s24;
	s0 =	ssub.s32 s17, s0;
	s17 =	spop (v2sf);
	v16 =	vld.idx.msk [tilespmem:v16+s16+$0x0], $0xffff;
	v14 =	vor.u32 v3, v14;
	v15 =	vor.u32 v15, v29  }
0x268: {  	s0 =	sshll.u32 s0, $0x7;
	p6 =	slt.s32 s17, $0x1;
	s31 =	sand.u32 $0x7F, s17;
	v15 =	vadd.s32 v4, v15  }
0x269: {  	v30 =	vmov s20;
	(v2sf) =	vpush v13, $0x6;
	s0 =	sadd.s32 s18, s0;
	p5 =	sne.s32 s31, $0x0;
	s31 =	sshra.s32 s17, $0x1F  }
0x26a: {  	v31 =	vshll.u32 v30, $0x3;
	v32 =	vmov s0;
	s20 =	sshrl.u32 s31, $0x19;
	p1 =	por !p6, !p5  }
0x26b: {  	v18 =	vand.u32 $0xC00, v31;
	s18 =	simm.s32 $0x1;
	v20 =	vand.u32 $0xFFFFFF80, v32;
	v17 =	vand.u32 $0x71, v30;
	s21 =	sadd.s32 s20, s17;
	p1 =	por !p1, !p1  }
0x26c: {  	v33 =	vand.u32 $0x7F, v32;
	v34 =	vadd.s32 s30, v20;
	s0 =	sshrl.u32 s21, $0x7;
	s18 =	simm.s32 @!p1 $0x0;
	[tilespmem:v14+s19+$0x0] =	vst.idx.msk $0xffff, v16;
	v14 =	vor.u32 v18, v17  }
0x26d: {  	s20 =	sadd.s32 $0xFFFFFFF3, s24;
	s0 =	ssub.s32 s18, s0;
	s18 =	spop (v2sf);
	v16 =	vor.u32 v33, v34;
	v15 =	vld.idx.msk [tilespmem:v15+s16+$0x0], $0xffff;
	v14 =	vor.u32 v3, v14  }
0x26e: {  	s0 =	sshll.u32 s0, $0x7;
	s31 =	sand.u32 $0x7F, s18;
	p4 =	slt.s32 s18, $0x1;
	v16 =	vadd.s32 v5, v16  }
0x26f: {  	v35 =	vmov s20;
	p3 =	sne.s32 s31, $0x0;
	s31 =	sshra.s32 s18, $0x1F;
	s0 =	sadd.s32 s17, s0  }
0x270: {  	v36 =	vshll.u32 v35, $0x3;
	(v2sf) =	vpush v13, $0x7;
	s20 =	sshrl.u32 s31, $0x19;
	p1 =	por !p4, !p3;
	v37 =	vmov s0  }
0x271: {  	s17 =	simm.s32 $0x1;
	v17 =	vand.u32 $0x72, v35;
	v18 =	vand.u32 $0xC00, v36;
	s21 =	sadd.s32 s20, s18;
	p1 =	por !p1, !p1;
	v38 =	vand.u32 $0xFFFFFF80, v37  }
0x272: {  	s20 =	spop (v2sf);
	s0 =	sshrl.u32 s21, $0x7;
	s17 =	simm.s32 @!p1 $0x0;
	v39 =	vadd.s32 s30, v38;
	[tilespmem:v14+s19+$0x0] =	vst.idx.msk $0xffff, v15;
	v14 =	vor.u32 v18, v17;
	v15 =	vand.u32 $0x7F, v37  }
0x273: {  	s31 =	sand.u32 $0x7F, s20;
	s0 =	ssub.s32 s17, s0;
	v16 =	vld.idx.msk [tilespmem:v16+s16+$0x0], $0xffff;
	v14 =	vor.u32 v3, v14;
	v15 =	vor.u32 v15, v39  }
0x274: {  	p6 =	slt.s32 s20, $0x1;
	s17 =	sadd.s32 $0xFFFFFFF4, s24;
	s0 =	sshll.u32 s0, $0x7;
	v15 =	vadd.s32 v6, v15  }
0x275: {  	p5 =	sne.s32 s31, $0x0;
	s31 =	sshra.s32 s20, $0x1F;
	v40 =	vmov s17;
	s0 =	sadd.s32 s18, s0  }
0x276: {  	p1 =	por !p6, !p5;
	s18 =	sshrl.u32 s31, $0x19;
	v41 =	vshll.u32 v40, $0x3;
	v42 =	vmov s0  }
0x277: {  	s17 =	simm.s32 $0x1;
	p1 =	por !p1, !p1;
	v17 =	vand.u32 $0x73, v40;
	s21 =	sadd.s32 s18, s20;
	v18 =	vand.u32 $0xC00, v41;
	v43 =	vand.u32 $0xFFFFFF80, v42  }
0x278: {  	s17 =	simm.s32 @!p1 $0x0;
	s18 =	spop (v2sf);
	s0 =	sshrl.u32 s21, $0x7;
	v44 =	vand.u32 $0x7F, v42;
	v45 =	vadd.s32 s30, v43;
	[tilespmem:v14+s19+$0x0] =	vst.idx.msk $0xffff, v16;
	v14 =	vor.u32 v18, v17  }
0x279: {  	s31 =	sand.u32 $0x7F, s18;
	s0 =	ssub.s32 s17, s0;
	v16 =	vor.u32 v44, v45;
	v15 =	vld.idx.msk [tilespmem:v15+s16+$0x0], $0xffff;
	v14 =	vor.u32 v3, v14  }
0x27a: {  	p4 =	slt.s32 s18, $0x1;
	s17 =	sadd.s32 $0xFFFFFFF5, s24;
	s0 =	sshll.u32 s0, $0x7;
	v16 =	vadd.s32 v7, v16  }
0x27b: {  	p3 =	sne.s32 s31, $0x0;
	s31 =	sshra.s32 s18, $0x1F;
	v46 =	vmov s17;
	s0 =	sadd.s32 s20, s0  }
0x27c: {  	p1 =	por !p4, !p3;
	s20 =	sshrl.u32 s31, $0x19;
	v47 =	vshll.u32 v46, $0x3;
	v48 =	vmov s0  }
0x27d: {  	s17 =	simm.s32 $0x1;
	p1 =	por !p1, !p1;
	s21 =	sadd.s32 s20, s18;
	v17 =	vand.u32 $0x74, v46;
	v18 =	vand.u32 $0xC00, v47;
	v49 =	vand.u32 $0xFFFFFF80, v48  }
0x27e: {  	s17 =	simm.s32 @!p1 $0x0;
	s0 =	sshrl.u32 s21, $0x7;
	v50 =	vadd.s32 s30, v49;
	[tilespmem:v14+s19+$0x0] =	vst.idx.msk $0xffff, v15;
	v14 =	vor.u32 v18, v17;
	v15 =	vand.u32 $0x7F, v48  }
0x27f: {  	s31 =	sadd.s32 $0xFFFFFFF6, s24;
	s0 =	ssub.s32 s17, s0;
	s17 =	spop (v2sf);
	v16 =	vld.idx.msk [tilespmem:v16+s16+$0x0], $0xffff;
	v14 =	vor.u32 v3, v14;
	v15 =	vor.u32 v15, v50  }
0x280: {  	v51 =	vmov s31;
	s0 =	sshll.u32 s0, $0x7;
	s21 =	sand.u32 $0x7F, s17;
	s31 =	sshra.s32 s17, $0x1F;
	v15 =	vadd.s32 v8, v15  }
0x281: {  	p5 =	slt.s32 s17, $0x1;
	s0 =	sadd.s32 s18, s0;
	p6 =	sne.s32 s21, $0x0  }
0x282: {  	v52 =	vshll.u32 v51, $0x3;
	s20 =	sshrl.u32 s31, $0x19;
	v53 =	vmov s0;
	p1 =	por !p5, !p6  }
0x283: {  	s18 =	simm.s32 $0x1;
	s0 =	sadd.s32 s20, s17;
	v17 =	vand.u32 $0x75, v51;
	v18 =	vand.u32 $0xC00, v52;
	v54 =	vand.u32 $0xFFFFFF80, v53;
	p1 =	por !p1, !p1  }
0x284: {  	v55 =	vand.u32 $0x7F, v53;
	s0 =	sshrl.u32 s0, $0x7;
	v56 =	vadd.s32 s30, v54;
	s18 =	simm.s32 @!p1 $0x0;
	[tilespmem:v14+s19+$0x0] =	vst.idx.msk $0xffff, v16;
	v14 =	vor.u32 v18, v17  }
0x285: {  	s0 =	ssub.s32 s18, s0;
	v16 =	vor.u32 v55, v56;
	v15 =	vld.idx.msk [tilespmem:v15+s16+$0x0], $0xffff;
	v14 =	vor.u32 v3, v14  }
0x286: {  	s21 =	sadd.s32 $0xFFFFFFF7, s24;
	s0 =	sshll.u32 s0, $0x7;
	v16 =	vadd.s32 v9, v16  }
0x287: {  	v57 =	vmov s21;
	s0 =	sadd.s32 s17, s0  }
0x288: {  	v58 =	vshll.u32 v57, $0x3;
	v59 =	vmov s0  }
0x289: {  	v17 =	vand.u32 $0x76, v57;
	v18 =	vand.u32 $0xC00, v58;
	v60 =	vand.u32 $0xFFFFFF80, v59  }
0x28a: {  	v61 =	vadd.s32 s30, v60;
	[tilespmem:v14+s19+$0x0] =	vst.idx.msk $0xffff, v15;
	v14 =	vor.u32 v18, v17;
	v15 =	vand.u32 $0x7F, v59  }
0x28b: {  	v16 =	vld.idx.msk [tilespmem:v16+s16+$0x0], $0xffff;
	v14 =	vor.u32 v3, v14;
	v15 =	vor.u32 v15, v61  }
0x28c: {  	s31 =	sadd.s32 $0xFFFFFFF8, s24;
	v15 =	vadd.s32 v10, v15  }
0x28d: {  	v62 =	vmov s31  }
0x28e: {  	v63 =	vshll.u32 v62, $0x3  }
0x28f: {  	v17 =	vand.u32 $0x77, v62;
	v18 =	vand.u32 $0xC00, v63  }
0x290: {  	[tilespmem:v14+s19+$0x0] =	vst.idx.msk $0xffff, v16;
	v14 =	vor.u32 v18, v17  }
0x291: {  	v15 =	vld.idx.msk [tilespmem:v15+s16+$0x0], $0xffff;
	v14 =	vor.u32 v3, v14;
	_ =	sdelay $0x4  }
0x292: {  	[tilespmem:v14+s19+$0x0] =	vst.idx.msk $0xffff, v15  }
0x293: {  	_ =	swait.ge [sflag:s13], $0x800  }
0x294: {  	[sflag:s13] =	ssyncset.done $0x0  }
0x295: {  	[sflag:s13] =	ssyncadd.s32 $0xFFFFF800  }
0x296: {  	_ =	swait.ge [sflag:s13], $0x800  }
0x297: {  	[sflag:s13] =	ssyncset.done $0x0  }
0x298: {  	[sflag:s13] =	ssyncadd.s32 $0xFFFFF800  }
0x299: {  	_ =	swait.ge [sflag:s13], $0x800  }
0x29a: {  	[sflag:s13] =	ssyncset.done $0x0  }
0x29b: {  	[sflag:s13] =	ssyncadd.s32 $0xFFFFF800  }
0x29c: {  	_ =	swait.ge [sflag:s13], $0x800  }
0x29d: {  	[sflag:s13] =	ssyncset.done $0x0  }
0x29e: {  	[sflag:s13] =	ssyncadd.s32 $0xFFFFF800  }
0x29f: {  	_ =	swait.ge [sflag:s13], $0x800  }
0x2a0: {  	[sflag:s13] =	ssyncset.done $0x0  }
0x2a1: {  	[sflag:s13] =	ssyncadd.s32 $0xFFFFF800  }
0x2a2: {  	_ =	swait.ge [sflag:s13], $0x800  }
0x2a3: {  	[sflag:s13] =	ssyncset.done $0x0  }
0x2a4: {  	[sflag:s13] =	ssyncadd.s32 $0xFFFFF800  }
0x2a5: {  	_ =	swait.ge [sflag:s13], $0x800  }
.Ltmp5:
0x2a6: {  	[sflag:s13] =	ssyncset.done $0x0;
	(pc) =	sbr.rel @p0 .LBB2_6-.Ltmp5, $4  }
0x2a7: {  	[sflag:s13] =	ssyncadd.s32 $0xFFFFF800  }
0x2a8: {  	_ =	swait.ge [sflag:s13], $0x800  }
0x2a9: {  	[sflag:s13] =	ssyncset.done $0x0  }
0x2aa: {  	[sflag:s13] =	ssyncadd.s32 $0xFFFFF800  }
0x2ab: {  	v14 =	vld [tilespmem:s25+$0x0];
	_ =	sdelay $0x4  }
0x2ac: {  	(v2sf) =	vpush v14, $0x8;
	_ =	sdelay $0x5  }
0x2ad: {  	(v2sf) =	vpush v14, $0x9;
	_ =	sdelay $0x2  }
0x2ae: {  	s0 =	sadd.s32 $0x5, s29  }
0x2af: {  	s17 =	sand.u32 $0xFF, s0  }
0x2b0: {  	s17 =	smul.u32 $0xCD, s17;
	_ =	sdelay $0x1  }
0x2b1: {  	s17 =	sshrl.u32 s17, $0xA  }
0x2b2: {  	s17 =	smul.u32 $0x5, s17  }
0x2b3: {  	s18 =	spop (v2sf)  }
0x2b4: {  	s0 =	ssub.s32 s0, s17;
	(v2sf) =	vpush v14, $0xA;
	s20 =	sand.u32 $0x7F, s18  }
0x2b5: {  	s31 =	sshra.s32 s18, $0x1F;
	p1 =	slt.s32 s18, $0x1;
	p0 =	sne.s32 s20, $0x0  }
0x2b6: {  	s0 =	sand.u32 $0xFF, s0;
	s20 =	sshrl.u32 s31, $0x19;
	p0 =	por !p1, !p0  }
0x2b7: {  	s18 =	sadd.s32 s20, s18;
	s20 =	simm.s32 $0x1;
	p0 =	por !p0, !p0  }
0x2b8: {  	s29 =	sshll.u32 s0, $0xE;
	s18 =	sshrl.u32 s18, $0x7;
	s20 =	simm.s32 @!p0 $0x0  }
0x2b9: {  	s30 =	sadd.s32 $0x4300, s29;
	s31 =	spop (v2sf);
	s20 =	ssub.s32 s18, s20  }
0x2ba: {  	p5 =	slt.s32 s31, $0x1;
	s18 =	sand.u32 $0x7F, s31;
	s17 =	sshll.u32 s20, $0x7  }
0x2bb: {  	(v2sf) =	vpush v14, $0xB;
	s20 =	sshra.s32 s31, $0x1F;
	p6 =	sne.s32 s18, $0x0;
	s21 =	sand.u32 $0x1FFFFF80, s17  }
0x2bc: {  	p0 =	por !p5, !p6;
	s0 =	sadd.s32 s1, s21;
	s21 =	sshrl.u32 s20, $0x19  }
0x2bd: {  	[tilespmem:s30], [sflag:$0x1] =	stream.strided.gather [hbm4b:s0+s14], $0x800, s15, s14, $0x38;
	[tilespmem:$0x1C400] =	vst v63  }
0x2be: {  	s17 =	simm.s32 $0x1;
	p0 =	por !p0, !p0;
	s0 =	sadd.s32 s21, s31  }
0x2bf: {  	s17 =	simm.s32 @!p0 $0x0;
	s0 =	sshrl.u32 s0, $0x7  }
0x2c0: {  	s0 =	ssub.s32 s0, s17  }
0x2c1: {  	s0 =	sshll.u32 s0, $0x7  }
0x2c2: {  	s0 =	sand.u32 $0x1FFFFF80, s0  }
0x2c3: {  	s30 =	sadd.s32 $0x4B00, s29;
	s0 =	sadd.s32 s1, s0;
	s31 =	spop (v2sf)  }
0x2c4: {  	[tilespmem:s30], [sflag:$0x1] =	stream.strided.gather [hbm4b:s0+s14], $0x800, s15, s14, $0x38;
	[tilespmem:$0x1C400] =	vst v63  }
0x2c5: {  	(v2sf) =	vpush v14, $0xC;
	s18 =	sand.u32 $0x7F, s31  }
0x2c6: {  	s20 =	sshra.s32 s31, $0x1F;
	p1 =	slt.s32 s31, $0x1;
	p2 =	sne.s32 s18, $0x0  }
0x2c7: {  	s21 =	sshrl.u32 s20, $0x19;
	p0 =	por !p1, !p2  }
0x2c8: {  	s17 =	simm.s32 $0x1;
	s0 =	sadd.s32 s21, s31;
	p0 =	por !p0, !p0  }
0x2c9: {  	s0 =	sshrl.u32 s0, $0x7;
	s17 =	simm.s32 @!p0 $0x0  }
0x2ca: {  	s30 =	sadd.s32 $0x5300, s29;
	s31 =	spop (v2sf);
	s0 =	ssub.s32 s0, s17  }
0x2cb: {  	s18 =	sand.u32 $0x7F, s31;
	s20 =	sshra.s32 s31, $0x1F;
	s0 =	sshll.u32 s0, $0x7  }
0x2cc: {  	(v2sf) =	vpush v14, $0xD;
	p3 =	slt.s32 s31, $0x1;
	p4 =	sne.s32 s18, $0x0;
	s0 =	sand.u32 $0x1FFFFF80, s0  }
0x2cd: {  	s21 =	sshrl.u32 s20, $0x19;
	p0 =	por !p3, !p4;
	s0 =	sadd.s32 s1, s0  }
0x2ce: {  	[tilespmem:s30], [sflag:$0x1] =	stream.strided.gather [hbm4b:s0+s14], $0x800, s15, s14, $0x38;
	[tilespmem:$0x1C400] =	vst v63  }
0x2cf: {  	s17 =	simm.s32 $0x1;
	p0 =	por !p0, !p0;
	s0 =	sadd.s32 s21, s31  }
0x2d0: {  	s17 =	simm.s32 @!p0 $0x0;
	s0 =	sshrl.u32 s0, $0x7  }
0x2d1: {  	s0 =	ssub.s32 s0, s17  }
0x2d2: {  	s0 =	sshll.u32 s0, $0x7  }
0x2d3: {  	s0 =	sand.u32 $0x1FFFFF80, s0  }
0x2d4: {  	s30 =	sadd.s32 $0x5B00, s29;
	s0 =	sadd.s32 s1, s0;
	s31 =	spop (v2sf)  }
0x2d5: {  	[tilespmem:s30], [sflag:$0x1] =	stream.strided.gather [hbm4b:s0+s14], $0x800, s15, s14, $0x38;
	[tilespmem:$0x1C400] =	vst v63  }
0x2d6: {  	(v2sf) =	vpush v14, $0xE;
	s18 =	sand.u32 $0x7F, s31  }
0x2d7: {  	s20 =	sshra.s32 s31, $0x1F;
	p5 =	slt.s32 s31, $0x1;
	p6 =	sne.s32 s18, $0x0  }
0x2d8: {  	s21 =	sshrl.u32 s20, $0x19;
	p0 =	por !p5, !p6  }
0x2d9: {  	s17 =	simm.s32 $0x1;
	s0 =	sadd.s32 s21, s31;
	p0 =	por !p0, !p0  }
0x2da: {  	s0 =	sshrl.u32 s0, $0x7;
	s17 =	simm.s32 @!p0 $0x0  }
0x2db: {  	s30 =	sadd.s32 $0x6300, s29;
	s31 =	spop (v2sf);
	s0 =	ssub.s32 s0, s17  }
0x2dc: {  	s18 =	sand.u32 $0x7F, s31;
	s20 =	sshra.s32 s31, $0x1F;
	s0 =	sshll.u32 s0, $0x7  }
0x2dd: {  	p1 =	slt.s32 s31, $0x1;
	p2 =	sne.s32 s18, $0x0;
	s0 =	sand.u32 $0x1FFFFF80, s0  }
0x2de: {  	(v2sf) =	vpush v14, $0xF;
	s21 =	sshrl.u32 s20, $0x19;
	p0 =	por !p1, !p2;
	s0 =	sadd.s32 s1, s0  }
0x2df: {  	[tilespmem:s30], [sflag:$0x1] =	stream.strided.gather [hbm4b:s0+s14], $0x800, s15, s14, $0x38;
	[tilespmem:$0x1C400] =	vst v63  }
0x2e0: {  	s17 =	simm.s32 $0x1;
	p0 =	por !p0, !p0;
	s0 =	sadd.s32 s21, s31  }
0x2e1: {  	s17 =	simm.s32 @!p0 $0x0;
	s0 =	sshrl.u32 s0, $0x7  }
0x2e2: {  	s0 =	ssub.s32 s0, s17  }
0x2e3: {  	s0 =	sshll.u32 s0, $0x7  }
0x2e4: {  	s0 =	sand.u32 $0x1FFFFF80, s0  }
0x2e5: {  	s31 =	sadd.s32 $0x6B00, s29;
	s30 =	spop (v2sf);
	s0 =	sadd.s32 s1, s0  }
0x2e6: {  	[tilespmem:s31], [sflag:$0x1] =	stream.strided.gather [hbm4b:s0+s14], $0x800, s15, s14, $0x38;
	[tilespmem:$0x1C400] =	vst v63  }
0x2e7: {  	s18 =	sand.u32 $0x7F, s30  }
0x2e8: {  	s20 =	sshra.s32 s30, $0x1F;
	p3 =	slt.s32 s30, $0x1;
	p4 =	sne.s32 s18, $0x0  }
0x2e9: {  	s21 =	sshrl.u32 s20, $0x19;
	p0 =	por !p3, !p4  }
0x2ea: {  	s17 =	simm.s32 $0x1;
	s0 =	sadd.s32 s21, s30;
	p0 =	por !p0, !p0  }
0x2eb: {  	s0 =	sshrl.u32 s0, $0x7;
	s17 =	simm.s32 @!p0 $0x0  }
0x2ec: {  	s0 =	ssub.s32 s0, s17  }
0x2ed: {  	s30 =	sadd.s32 $0x7300, s29;
	s31 =	spop (v2sf);
	s0 =	sshll.u32 s0, $0x7  }
0x2ee: {  	s20 =	sand.u32 $0x7F, s31;
	s21 =	sshra.s32 s31, $0x1F;
	s0 =	sand.u32 $0x1FFFFF80, s0  }
0x2ef: {  	p5 =	slt.s32 s31, $0x1;
	p6 =	sne.s32 s20, $0x0;
	s0 =	sadd.s32 s1, s0  }
0x2f0: {  	[tilespmem:s30], [sflag:$0x1] =	stream.strided.gather [hbm4b:s0+s14], $0x800, s15, s14, $0x38;
	[tilespmem:$0x1C400] =	vst v63  }
0x2f1: {  	p0 =	por !p5, !p6;
	s30 =	sshrl.u32 s21, $0x19  }
0x2f2: {  	s17 =	simm.s32 $0x1;
	p0 =	por !p0, !p0;
	s0 =	sadd.s32 s30, s31  }
0x2f3: {  	s17 =	simm.s32 @!p0 $0x0;
	s0 =	sshrl.u32 s0, $0x7  }
.Ltmp6:
0x2f4: {  	s0 =	ssub.s32 s0, s17;
	(pc) =	sbr.rel .LBB2_6-.Ltmp6, $4  }
0x2f5: {  	s0 =	sshll.u32 s0, $0x7  }
0x2f6: {  	s0 =	sand.u32 $0x1FFFFF80, s0  }
0x2f7: {  	s31 =	sadd.s32 $0x7B00, s29;
	s0 =	sadd.s32 s1, s0  }
0x2f8: {  	[tilespmem:s31], [sflag:$0x1] =	stream.strided.gather [hbm4b:s0+s14], $0x800, s15, s14, $0x38;
	[tilespmem:$0x1C400] =	vst v63  }
.LBB2_8:
0x2f9: {  	_ =	sfence.sel $0x180000  }
0x2fa: {  	[bflag:$0x0] =	sbarrier.arrive $0xFFFF  }
0x2fb: {  	_ =	strace $0x90000047  }
0x2fc: {  	s0 =	stileid.u32;
	[bflag:$0x2] =	sbarrier.arrive $0xFFFF  }
0x2fd: {  	p0 =	sne.s32 s0, $0x0;
	s0 =	rddreg [dreg:$0x5]  }
0x2fe: {  	s0 =	sadd.s32 @!p0 $0x100000, s0  }
0x2ff: {  	[sflag:s0] =	ssyncadd.tile.s32 @!p0 $0x1;
	_ =	shalt  }
.Lfunc_end2:
_tile_overlayer_lowered:
.L_overlay_start_2:
0x300: {  	(tag) =	ssettag $0x2  }
0x301: {  	s0 =	rddreg [dreg:$0x0];
	s2 =	stileid.u32  }
0x302: {  	s1 =	rddreg [dreg:$0x1];
	p0 =	sne.s32 s2, $0x0  }
0x303: {  	s3 =	rddreg [dreg:$0x2];
	[bflag:$0x3] =	sbarrier.arrive $0xFFFF;
	s2 =	simm.s32 @!p0 $0x1C02  }
0x304: {  	[timem:s3], [sflag:s2] =	dma.local @!p0 [hbm:s0], s1  }
0x305: {  	s0 =	simm.s32 @!p0 $0x2  }
0x306: {  	_ =	swait.ge @!p0 [sflag:s0], s1  }
0x307: {  	s1 =	ssub.s32 @!p0 $0x0, s1;
	[sflag:s0] =	ssyncset.done @!p0 $0x0  }
0x308: {  	[sflag:s0] =	ssyncadd.s32 @!p0 s1  }
0x309: {  	[bflag:$0x3] =	sbarrier.arrive $0xFFFF  }
0x30a: {  	_ =	shalt  }

</sc_bundles>
